<compile_context>
chip_gen: v7x
topology: tpu7x:2x2x1
jax: 0.10.2.dev20260603
libtpu: 0.0.44.dev20260713+nightly
codegen_flags: <defaults>
</compile_context>

<pallas_src>
import functools

import jax
import jax.numpy as jnp
from jax import lax
from jax.experimental import pallas as pl
from jax.experimental.pallas import tpu as pltpu
from jax.experimental.pallas import tpu_sc as plsc

ROWS = 128
VOCAB = 100000
L = 16
NC = 2
NS = 16
NW = NC * NS
RPW = ROWS // NW

SC_COLS = 99840
CHUNK = 32768
NFULL = SC_COLS // CHUNK
TAIL = SC_COLS - NFULL * CHUNK
NST = 4
GROUP = NST * L

INT_MAX = 2**31 - 1
NEG_INF = float("-inf")


def _fold_chunk(buf, base, n_groups, states):

    @plsc.parallel_loop(0, n_groups, step=1, unroll=4, carry=states)
    def body(g, states):
        out = []
        for q in range(NST):
            vmax, vpos = states[q]
            off = g * GROUP + q * L
            v = buf[pl.ds(off, L)]
            better = v > vmax
            p = base + off
            vpos = jnp.where(better, p, vpos)
            vmax = jnp.where(better, v, vmax)
            out.append((vmax, vpos))
        return tuple(out)

    return body


def _sc_argmax_kernel(x_hbm, out_val_hbm, out_idx_hbm, buf0, buf1,
                      val_buf, idx_buf, red_v_ref, red_g_ref, sem0, sem1):
    wid = lax.axis_index("s") * NC + lax.axis_index("c")
    bufs = (buf0, buf1)
    sems = (sem0, sem1)
    iota = lax.iota(jnp.int32, L)

    sizes = [CHUNK] * NFULL + [TAIL]
    offs = [c * CHUNK for c in range(NFULL + 1)]
    transfers = [(r, c) for r in range(RPW) for c in range(NFULL + 1)]
    ntr = len(transfers)

    def start(t):
        r, c = transfers[t]
        row = wid * RPW + r
        return pltpu.async_copy(
            x_hbm.at[row, pl.ds(offs[c], sizes[c])],
            bufs[t % 2].at[pl.ds(0, sizes[c])],
            sems[t % 2])

    copies = {0: start(0)}
    states = None
    for t in range(ntr):
        r, c = transfers[t]
        if t + 1 < ntr:
            copies[t + 1] = start(t + 1)
        copies[t].wait()
        buf = bufs[t % 2]
        if c == 0:
            states = tuple((jnp.full((L,), NEG_INF, jnp.float32),
                            jnp.full((L,), 0, jnp.int32))
                           for _ in range(NST))
        states = _fold_chunk(buf, c * CHUNK, sizes[c] // GROUP, states)
        if c == NFULL:
            mv, mg = states[0][0], states[0][1] + iota
            for q in range(1, NST):
                vq, gq = states[q][0], states[q][1] + iota
                better = (vq > mv) | ((vq == mv) & (gq < mg))
                mg = jnp.where(better, gq, mg)
                mv = jnp.where(better, vq, mv)
            for step in (8, 4, 2, 1):
                red_v_ref[...] = mv
                red_g_ref[...] = mg
                pidx = iota ^ step
                vv = plsc.load_gather(red_v_ref, [pidx])
                gg = plsc.load_gather(red_g_ref, [pidx])
                better = (vv > mv) | ((vv == mv) & (gg < mg))
                mg = jnp.where(better, gg, mg)
                mv = jnp.where(better, vv, mv)
            for j in range(8):
                val_buf[pl.ds(j * L, L)] = mv
                idx_buf[pl.ds(j * L, L)] = mg
            row = wid * RPW + r
            pltpu.sync_copy(val_buf, out_val_hbm.at[row])
            pltpu.sync_copy(idx_buf, out_idx_hbm.at[row])


def _argmax_sc(m_logits):
    mesh = plsc.VectorSubcoreMesh(core_axis_name="c", subcore_axis_name="s")
    k = functools.partial(
        pl.kernel,
        mesh=mesh,
        compiler_params=pltpu.CompilerParams(needs_layout_passes=False),
        out_type=(jax.ShapeDtypeStruct((ROWS, 128), jnp.float32),
                  jax.ShapeDtypeStruct((ROWS, 128), jnp.int32)),
        scratch_types=[
            pltpu.VMEM((CHUNK,), jnp.float32),
            pltpu.VMEM((CHUNK,), jnp.float32),
            pltpu.VMEM((128,), jnp.float32),
            pltpu.VMEM((128,), jnp.int32),
            pltpu.VMEM((L,), jnp.float32),
            pltpu.VMEM((L,), jnp.int32),
            pltpu.SemaphoreType.DMA,
            pltpu.SemaphoreType.DMA,
        ],
    )(_sc_argmax_kernel)
    return k(m_logits)



TC_BLK = 512
TC_BASE = SC_COLS


def _tc_merge_body(x_ref, scv_ref, sci_ref, out_ref):
    x = x_ref[...]
    gcol = jax.lax.broadcasted_iota(jnp.int32, x.shape, 1) + TC_BASE
    x = jnp.where(gcol < VOCAB, x, -jnp.inf)
    vtail = jnp.max(x, axis=1, keepdims=True)
    itail = jnp.min(jnp.where(x == vtail, gcol, INT_MAX), axis=1,
                    keepdims=True)
    sc_v = scv_ref[:, :1]
    sc_i = sci_ref[:, :1]
    out_ref[...] = jnp.where(sc_v >= vtail, sc_i, itail)


def _tc_merge(m_logits, sc_val, sc_idx):
    return pl.pallas_call(
        _tc_merge_body,
        grid=(1,),
        in_specs=[
            pl.BlockSpec((ROWS, TC_BLK), lambda i: (0, TC_BASE // TC_BLK)),
            pl.BlockSpec((ROWS, 128), lambda i: (0, 0)),
            pl.BlockSpec((ROWS, 128), lambda i: (0, 0)),
        ],
        out_specs=pl.BlockSpec((ROWS, 1), lambda i: (0, 0)),
        out_shape=jax.ShapeDtypeStruct((ROWS, 1), jnp.int32),
    )(m_logits, sc_val, sc_idx)


@jax.jit
def _greedy_head(x):
    sc_val, sc_idx = _argmax_sc(x)
    return _tc_merge(x, sc_val, sc_idx)


def kernel(m_logits):
    token = _greedy_head(m_logits.astype(jnp.float32))
    return token.astype(jnp.int64)

# --- scband reference (transcript-rebuilt; emitter-appended) ---
"""Pipeline reference for scband-greedy-head-7026566496664 (READ-ONLY COPY).

The authoritative reference and input builder live on the scoring server;
editing this copy changes nothing except your own understanding.
"""

import jax, jax.numpy as jnp
import numpy as np

def setup_inputs(seed: int = 0) -> dict:
    key = jax.random.key(seed)
    m_logits = jax.random.normal(key, (128, 100000), dtype=jnp.float32)
    return {"m_logits": m_logits}

def reference(m_logits):
    # torch: _, token = torch.topk(m_logits.float(), 1); return token
    _, token = jax.lax.top_k(m_logits.astype(jnp.float32), 1)
    return token.astype(jnp.int64)

if __name__ == "__main__":
    import jax
    _d = setup_inputs()
    print(jax.jit(kernel)(*tuple(_d.values())))

</pallas_src>

<mosaic_0001>
#map = affine_map<(d0, d1) -> (0, 0)>
module attributes {stable_mosaic.version = 14 : i64} {
  func.func @_sc_argmax_kernel(%arg0: i32, %arg1: i32, %arg2: memref<128x100000xf32, #tpu.memory_space<hbm>>, %arg3: memref<128x128xf32, #tpu.memory_space<hbm>>, %arg4: memref<128x128xi32, #tpu.memory_space<hbm>>, %arg5: memref<32768xf32, #tpu.memory_space<vmem>>, %arg6: memref<32768xf32, #tpu.memory_space<vmem>>, %arg7: memref<128xf32, #tpu.memory_space<vmem>>, %arg8: memref<128xi32, #tpu.memory_space<vmem>>, %arg9: memref<16xf32, #tpu.memory_space<vmem>>, %arg10: memref<16xi32, #tpu.memory_space<vmem>>, %arg11: memref<!tpu.dma_semaphore, #tpu.memory_space<semaphore_mem>>, %arg12: memref<!tpu.dma_semaphore, #tpu.memory_space<semaphore_mem>>) attributes {dimension_semantics = [#tpu.dimension_semantics<core_parallel>, #tpu.dimension_semantics<subcore_parallel>], iteration_bounds = array<i64: 2, 16>, scalar_prefetch = 0 : i64, scratch_operands = 8 : i64, tpu.core_type = #tpu.core_type<sc_vector_subcore>, window_params = [{transform_indices = #map}, {transform_indices = #map}, {transform_indices = #map}]} {
    %mul3A = arith.constant 2 : i32
    %mul3A_0 = arith.muli %arg1, %mul3A : i32
    %add3A = arith.addi %mul3A_0, %arg0 : i32
    %iota3A = tpu.iota {dimensions = array<i32: 0>} : vector<16xi32>
    %mul3A_1 = arith.constant 4 : i32
    %mul3A_2 = arith.muli %add3A, %mul3A_1 : i32
    %add3A_3 = arith.constant 0 : i32
    %add3A_4 = arith.addi %mul3A_2, %add3A_3 : i32
    %dma_start3A = arith.constant 0 : i32
    %dma_start3A_5 = tpu.memref_slice %arg5[%dma_start3A] : memref<32768xf32, #tpu.memory_space<vmem>> -> memref<32768xf32, #tpu.memory_space<vmem>>
    %dma_start3A_6 = arith.constant 0 : i32
    %dma_start3A_7 = tpu.memref_slice %arg2[%add3A_4, %dma_start3A_6] : memref<128x100000xf32, #tpu.memory_space<hbm>> -> memref<1x32768xf32, #tpu.memory_space<hbm>>
    %dma_start3A_8 = tpu.memref_squeeze %dma_start3A_7 : memref<1x32768xf32, #tpu.memory_space<hbm>> -> memref<32768xf32, #tpu.memory_space<hbm>>
    %dma_start3A_9 = arith.constant 0 : i32
    %dma_start3A_10 = tpu.memref_slice %arg5[%dma_start3A_9] : memref<32768xf32, #tpu.memory_space<vmem>> -> memref<32768xf32, #tpu.memory_space<vmem>>
    %dma_start3A_11 = arith.constant 0 : i32
    %dma_start3A_12 = tpu.memref_slice %arg2[%add3A_4, %dma_start3A_11] : memref<128x100000xf32, #tpu.memory_space<hbm>> -> memref<1x32768xf32, #tpu.memory_space<hbm>>
    %dma_start3A_13 = tpu.memref_squeeze %dma_start3A_12 : memref<1x32768xf32, #tpu.memory_space<hbm>> -> memref<32768xf32, #tpu.memory_space<hbm>>
    tpu.enqueue_dma source(%dma_start3A_13 : memref<32768xf32, #tpu.memory_space<hbm>>) target(%dma_start3A_10 : memref<32768xf32, #tpu.memory_space<vmem>>) target_semaphore(%arg11 : memref<!tpu.dma_semaphore, #tpu.memory_space<semaphore_mem>>)
    %mul3A_14 = arith.constant 4 : i32
    %mul3A_15 = arith.muli %add3A, %mul3A_14 : i32
    %add3A_16 = arith.constant 0 : i32
    %add3A_17 = arith.addi %mul3A_15, %add3A_16 : i32
    %dma_start3A_18 = arith.constant 0 : i32
    %dma_start3A_19 = tpu.memref_slice %arg6[%dma_start3A_18] : memref<32768xf32, #tpu.memory_space<vmem>> -> memref<32768xf32, #tpu.memory_space<vmem>>
    %dma_start3A_20 = arith.constant 32768 : i32
    %dma_start3A_21 = tpu.memref_slice %arg2[%add3A_17, %dma_start3A_20] : memref<128x100000xf32, #tpu.memory_space<hbm>> -> memref<1x32768xf32, #tpu.memory_space<hbm>>
    %dma_start3A_22 = tpu.memref_squeeze %dma_start3A_21 : memref<1x32768xf32, #tpu.memory_space<hbm>> -> memref<32768xf32, #tpu.memory_space<hbm>>
    %dma_start3A_23 = arith.constant 0 : i32
    %dma_start3A_24 = tpu.memref_slice %arg6[%dma_start3A_23] : memref<32768xf32, #tpu.memory_space<vmem>> -> memref<32768xf32, #tpu.memory_space<vmem>>
    %dma_start3A_25 = arith.constant 32768 : i32
    %dma_start3A_26 = tpu.memref_slice %arg2[%add3A_17, %dma_start3A_25] : memref<128x100000xf32, #tpu.memory_space<hbm>> -> memref<1x32768xf32, #tpu.memory_space<hbm>>
    %dma_start3A_27 = tpu.memref_squeeze %dma_start3A_26 : memref<1x32768xf32, #tpu.memory_space<hbm>> -> memref<32768xf32, #tpu.memory_space<hbm>>
    tpu.enqueue_dma source(%dma_start3A_27 : memref<32768xf32, #tpu.memory_space<hbm>>) target(%dma_start3A_24 : memref<32768xf32, #tpu.memory_space<vmem>>) target_semaphore(%arg12 : memref<!tpu.dma_semaphore, #tpu.memory_space<semaphore_mem>>)
    %dma_wait3A = arith.constant 0 : i32
    %dma_wait3A_28 = tpu.memref_slice %arg5[%dma_wait3A] : memref<32768xf32, #tpu.memory_space<vmem>> -> memref<32768xf32, #tpu.memory_space<vmem>>
    %dma_wait3A_29 = arith.constant 0 : i32
    %dma_wait3A_30 = tpu.memref_slice %arg2[%add3A_4, %dma_wait3A_29] : memref<128x100000xf32, #tpu.memory_space<hbm>> -> memref<1x32768xf32, #tpu.memory_space<hbm>>
    %dma_wait3A_31 = tpu.memref_squeeze %dma_wait3A_30 : memref<1x32768xf32, #tpu.memory_space<hbm>> -> memref<32768xf32, #tpu.memory_space<hbm>>
    %dma_wait3A_32 = arith.constant 0 : i32
    %dma_wait3A_33 = tpu.memref_slice %arg5[%dma_wait3A_32] : memref<32768xf32, #tpu.memory_space<vmem>> -> memref<32768xf32, #tpu.memory_space<vmem>>
    %dma_wait3A_34 = arith.constant 0 : i32
    %dma_wait3A_35 = tpu.memref_slice %arg2[%add3A_4, %dma_wait3A_34] : memref<128x100000xf32, #tpu.memory_space<hbm>> -> memref<1x32768xf32, #tpu.memory_space<hbm>>
    %dma_wait3A_36 = tpu.memref_squeeze %dma_wait3A_35 : memref<1x32768xf32, #tpu.memory_space<hbm>> -> memref<32768xf32, #tpu.memory_space<hbm>>
    tpu.wait_dma2 semaphore(%arg11 : memref<!tpu.dma_semaphore, #tpu.memory_space<semaphore_mem>>) src(%dma_wait3A_36 : memref<32768xf32, #tpu.memory_space<hbm>>) dst(%dma_wait3A_33 : memref<32768xf32, #tpu.memory_space<vmem>>)
    %broadcast_in_dim3A = arith.constant 0xFF800000 : f32
    %broadcast_in_dim3A_37 = vector.broadcast %broadcast_in_dim3A : f32 to vector<16xf32>
    %broadcast_in_dim3A_38 = arith.constant 0 : i32
    %broadcast_in_dim3A_39 = vector.broadcast %broadcast_in_dim3A_38 : i32 to vector<16xi32>
    %broadcast_in_dim3A_40 = arith.constant 0xFF800000 : f32
    %broadcast_in_dim3A_41 = vector.broadcast %broadcast_in_dim3A_40 : f32 to vector<16xf32>
    %broadcast_in_dim3A_42 = arith.constant 0 : i32
    %broadcast_in_dim3A_43 = vector.broadcast %broadcast_in_dim3A_42 : i32 to vector<16xi32>
    %broadcast_in_dim3A_44 = arith.constant 0xFF800000 : f32
    %broadcast_in_dim3A_45 = vector.broadcast %broadcast_in_dim3A_44 : f32 to vector<16xf32>
    %broadcast_in_dim3A_46 = arith.constant 0 : i32
    %broadcast_in_dim3A_47 = vector.broadcast %broadcast_in_dim3A_46 : i32 to vector<16xi32>
    %broadcast_in_dim3A_48 = arith.constant 0xFF800000 : f32
    %broadcast_in_dim3A_49 = vector.broadcast %broadcast_in_dim3A_48 : f32 to vector<16xf32>
    %broadcast_in_dim3A_50 = arith.constant 0 : i32
    %broadcast_in_dim3A_51 = vector.broadcast %broadcast_in_dim3A_50 : i32 to vector<16xi32>
    %parallel_loop3A = arith.constant 0 : i32
    %parallel_loop3A_52 = arith.constant 512 : i32
    %parallel_loop3A_53 = arith.constant 1 : i32
    %parallel_loop3A_54:8 = scf.for %parallel_loop3A_1000 = %parallel_loop3A to %parallel_loop3A_52 step %parallel_loop3A_53 iter_args(%parallel_loop3A_1001 = %broadcast_in_dim3A_37, %parallel_loop3A_1002 = %broadcast_in_dim3A_39, %parallel_loop3A_1003 = %broadcast_in_dim3A_41, %parallel_loop3A_1004 = %broadcast_in_dim3A_43, %parallel_loop3A_1005 = %broadcast_in_dim3A_45, %parallel_loop3A_1006 = %broadcast_in_dim3A_47, %parallel_loop3A_1007 = %broadcast_in_dim3A_49, %parallel_loop3A_1008 = %broadcast_in_dim3A_51) -> (vector<16xf32>, vector<16xi32>, vector<16xf32>, vector<16xi32>, vector<16xf32>, vector<16xi32>, vector<16xf32>, vector<16xi32>)  : i32 {
      %parallel_loop3A_1009 = arith.constant 64 : i32
      %parallel_loop3A_1010 = arith.muli %parallel_loop3A_1000, %parallel_loop3A_1009 : i32
      %parallel_loop3A_1011 = arith.constant 0 : i32
      %parallel_loop3A_1012 = arith.addi %parallel_loop3A_1010, %parallel_loop3A_1011 : i32
      %parallel_loop3A_1013 = arith.index_cast %parallel_loop3A_1012 : i32 to index
      %parallel_loop3A_1014 = tpu.vector_load %arg5[%parallel_loop3A_1013] {strides = array<i32>} : memref<32768xf32, #tpu.memory_space<vmem>>, vector<16xf32>,
      %parallel_loop3A_1015 = arith.cmpf ogt, %parallel_loop3A_1014, %parallel_loop3A_1001 : vector<16xf32>
      %parallel_loop3A_1016 = arith.constant 0 : i32
      %parallel_loop3A_1017 = arith.addi %parallel_loop3A_1016, %parallel_loop3A_1012 : i32
      %parallel_loop3A_1018 = vector.broadcast %parallel_loop3A_1017 : i32 to vector<16xi32>
      %parallel_loop3A_1019 = arith.select %parallel_loop3A_1015, %parallel_loop3A_1018, %parallel_loop3A_1002 : vector<16xi1>, vector<16xi32>
      %parallel_loop3A_1020 = arith.select %parallel_loop3A_1015, %parallel_loop3A_1014, %parallel_loop3A_1001 : vector<16xi1>, vector<16xf32>
      %parallel_loop3A_1021 = arith.constant 64 : i32
      %parallel_loop3A_1022 = arith.muli %parallel_loop3A_1000, %parallel_loop3A_1021 : i32
      %parallel_loop3A_1023 = arith.constant 16 : i32
      %parallel_loop3A_1024 = arith.addi %parallel_loop3A_1022, %parallel_loop3A_1023 : i32
      %parallel_loop3A_1025 = arith.index_cast %parallel_loop3A_1024 : i32 to index
      %parallel_loop3A_1026 = tpu.vector_load %arg5[%parallel_loop3A_1025] {strides = array<i32>} : memref<32768xf32, #tpu.memory_space<vmem>>, vector<16xf32>,
      %parallel_loop3A_1027 = arith.cmpf ogt, %parallel_loop3A_1026, %parallel_loop3A_1003 : vector<16xf32>
      %parallel_loop3A_1028 = arith.constant 0 : i32
      %parallel_loop3A_1029 = arith.addi %parallel_loop3A_1028, %parallel_loop3A_1024 : i32
      %parallel_loop3A_1030 = vector.broadcast %parallel_loop3A_1029 : i32 to vector<16xi32>
      %parallel_loop3A_1031 = arith.select %parallel_loop3A_1027, %parallel_loop3A_1030, %parallel_loop3A_1004 : vector<16xi1>, vector<16xi32>
      %parallel_loop3A_1032 = arith.select %parallel_loop3A_1027, %parallel_loop3A_1026, %parallel_loop3A_1003 : vector<16xi1>, vector<16xf32>
      %parallel_loop3A_1033 = arith.constant 64 : i32
      %parallel_loop3A_1034 = arith.muli %parallel_loop3A_1000, %parallel_loop3A_1033 : i32
      %parallel_loop3A_1035 = arith.constant 32 : i32
      %parallel_loop3A_1036 = arith.addi %parallel_loop3A_1034, %parallel_loop3A_1035 : i32
      %parallel_loop3A_1037 = arith.index_cast %parallel_loop3A_1036 : i32 to index
      %parallel_loop3A_1038 = tpu.vector_load %arg5[%parallel_loop3A_1037] {strides = array<i32>} : memref<32768xf32, #tpu.memory_space<vmem>>, vector<16xf32>,
      %parallel_loop3A_1039 = arith.cmpf ogt, %parallel_loop3A_1038, %parallel_loop3A_1005 : vector<16xf32>
      %parallel_loop3A_1040 = arith.constant 0 : i32
      %parallel_loop3A_1041 = arith.addi %parallel_loop3A_1040, %parallel_loop3A_1036 : i32
      %parallel_loop3A_1042 = vector.broadcast %parallel_loop3A_1041 : i32 to vector<16xi32>
      %parallel_loop3A_1043 = arith.select %parallel_loop3A_1039, %parallel_loop3A_1042, %parallel_loop3A_1006 : vector<16xi1>, vector<16xi32>
      %parallel_loop3A_1044 = arith.select %parallel_loop3A_1039, %parallel_loop3A_1038, %parallel_loop3A_1005 : vector<16xi1>, vector<16xf32>
      %parallel_loop3A_1045 = arith.constant 64 : i32
      %parallel_loop3A_1046 = arith.muli %parallel_loop3A_1000, %parallel_loop3A_1045 : i32
      %parallel_loop3A_1047 = arith.constant 48 : i32
      %parallel_loop3A_1048 = arith.addi %parallel_loop3A_1046, %parallel_loop3A_1047 : i32
      %parallel_loop3A_1049 = arith.index_cast %parallel_loop3A_1048 : i32 to index
      %parallel_loop3A_1050 = tpu.vector_load %arg5[%parallel_loop3A_1049] {strides = array<i32>} : memref<32768xf32, #tpu.memory_space<vmem>>, vector<16xf32>,
      %parallel_loop3A_1051 = arith.cmpf ogt, %parallel_loop3A_1050, %parallel_loop3A_1007 : vector<16xf32>
      %parallel_loop3A_1052 = arith.constant 0 : i32
      %parallel_loop3A_1053 = arith.addi %parallel_loop3A_1052, %parallel_loop3A_1048 : i32
      %parallel_loop3A_1054 = vector.broadcast %parallel_loop3A_1053 : i32 to vector<16xi32>
      %parallel_loop3A_1055 = arith.select %parallel_loop3A_1051, %parallel_loop3A_1054, %parallel_loop3A_1008 : vector<16xi1>, vector<16xi32>
      %parallel_loop3A_1056 = arith.select %parallel_loop3A_1051, %parallel_loop3A_1050, %parallel_loop3A_1007 : vector<16xi1>, vector<16xf32>
      scf.yield %parallel_loop3A_1020, %parallel_loop3A_1019, %parallel_loop3A_1032, %parallel_loop3A_1031, %parallel_loop3A_1044, %parallel_loop3A_1043, %parallel_loop3A_1056, %parallel_loop3A_1055 : vector<16xf32>, vector<16xi32>, vector<16xf32>, vector<16xi32>, vector<16xf32>, vector<16xi32>, vector<16xf32>, vector<16xi32>
    } {sc.loop_unroll_factor = 4 : i64, sc.parallel_access}
    %mul3A_55 = arith.constant 4 : i32
    %mul3A_56 = arith.muli %add3A, %mul3A_55 : i32
    %add3A_57 = arith.constant 0 : i32
    %add3A_58 = arith.addi %mul3A_56, %add3A_57 : i32
    %dma_start3A_59 = arith.constant 0 : i32
    %dma_start3A_60 = tpu.memref_slice %arg5[%dma_start3A_59] : memref<32768xf32, #tpu.memory_space<vmem>> -> memref<32768xf32, #tpu.memory_space<vmem>>
    %dma_start3A_61 = arith.constant 65536 : i32
    %dma_start3A_62 = tpu.memref_slice %arg2[%add3A_58, %dma_start3A_61] : memref<128x100000xf32, #tpu.memory_space<hbm>> -> memref<1x32768xf32, #tpu.memory_space<hbm>>
    %dma_start3A_63 = tpu.memref_squeeze %dma_start3A_62 : memref<1x32768xf32, #tpu.memory_space<hbm>> -> memref<32768xf32, #tpu.memory_space<hbm>>
    %dma_start3A_64 = arith.constant 0 : i32
    %dma_start3A_65 = tpu.memref_slice %arg5[%dma_start3A_64] : memref<32768xf32, #tpu.memory_space<vmem>> -> memref<32768xf32, #tpu.memory_space<vmem>>
    %dma_start3A_66 = arith.constant 65536 : i32
    %dma_start3A_67 = tpu.memref_slice %arg2[%add3A_58, %dma_start3A_66] : memref<128x100000xf32, #tpu.memory_space<hbm>> -> memref<1x32768xf32, #tpu.memory_space<hbm>>
    %dma_start3A_68 = tpu.memref_squeeze %dma_start3A_67 : memref<1x32768xf32, #tpu.memory_space<hbm>> -> memref<32768xf32, #tpu.memory_space<hbm>>
    tpu.enqueue_dma source(%dma_start3A_68 : memref<32768xf32, #tpu.memory_space<hbm>>) target(%dma_start3A_65 : memref<32768xf32, #tpu.memory_space<vmem>>) target_semaphore(%arg11 : memref<!tpu.dma_semaphore, #tpu.memory_space<semaphore_mem>>)
    %dma_wait3A_69 = arith.constant 0 : i32
    %dma_wait3A_70 = tpu.memref_slice %arg6[%dma_wait3A_69] : memref<32768xf32, #tpu.memory_space<vmem>> -> memref<32768xf32, #tpu.memory_space<vmem>>
    %dma_wait3A_71 = arith.constant 32768 : i32
    %dma_wait3A_72 = tpu.memref_slice %arg2[%add3A_17, %dma_wait3A_71] : memref<128x100000xf32, #tpu.memory_space<hbm>> -> memref<1x32768xf32, #tpu.memory_space<hbm>>
    %dma_wait3A_73 = tpu.memref_squeeze %dma_wait3A_72 : memref<1x32768xf32, #tpu.memory_space<hbm>> -> memref<32768xf32, #tpu.memory_space<hbm>>
    %dma_wait3A_74 = arith.constant 0 : i32
    %dma_wait3A_75 = tpu.memref_slice %arg6[%dma_wait3A_74] : memref<32768xf32, #tpu.memory_space<vmem>> -> memref<32768xf32, #tpu.memory_space<vmem>>
    %dma_wait3A_76 = arith.constant 32768 : i32
    %dma_wait3A_77 = tpu.memref_slice %arg2[%add3A_17, %dma_wait3A_76] : memref<128x100000xf32, #tpu.memory_space<hbm>> -> memref<1x32768xf32, #tpu.memory_space<hbm>>
    %dma_wait3A_78 = tpu.memref_squeeze %dma_wait3A_77 : memref<1x32768xf32, #tpu.memory_space<hbm>> -> memref<32768xf32, #tpu.memory_space<hbm>>
    tpu.wait_dma2 semaphore(%arg12 : memref<!tpu.dma_semaphore, #tpu.memory_space<semaphore_mem>>) src(%dma_wait3A_78 : memref<32768xf32, #tpu.memory_space<hbm>>) dst(%dma_wait3A_75 : memref<32768xf32, #tpu.memory_space<vmem>>)
    %parallel_loop3A_79 = arith.constant 0 : i32
    %parallel_loop3A_80 = arith.constant 512 : i32
    %parallel_loop3A_81 = arith.constant 1 : i32
    %parallel_loop3A_82:8 = scf.for %parallel_loop3A_1000 = %parallel_loop3A_79 to %parallel_loop3A_80 step %parallel_loop3A_81 iter_args(%parallel_loop3A_1001 = %parallel_loop3A_54#0, %parallel_loop3A_1002 = %parallel_loop3A_54#1, %parallel_loop3A_1003 = %parallel_loop3A_54#2, %parallel_loop3A_1004 = %parallel_loop3A_54#3, %parallel_loop3A_1005 = %parallel_loop3A_54#4, %parallel_loop3A_1006 = %parallel_loop3A_54#5, %parallel_loop3A_1007 = %parallel_loop3A_54#6, %parallel_loop3A_1008 = %parallel_loop3A_54#7) -> (vector<16xf32>, vector<16xi32>, vector<16xf32>, vector<16xi32>, vector<16xf32>, vector<16xi32>, vector<16xf32>, vector<16xi32>)  : i32 {
      %parallel_loop3A_1009 = arith.constant 64 : i32
      %parallel_loop3A_1010 = arith.muli %parallel_loop3A_1000, %parallel_loop3A_1009 : i32
      %parallel_loop3A_1011 = arith.constant 0 : i32
      %parallel_loop3A_1012 = arith.addi %parallel_loop3A_1010, %parallel_loop3A_1011 : i32
      %parallel_loop3A_1013 = arith.index_cast %parallel_loop3A_1012 : i32 to index
      %parallel_loop3A_1014 = tpu.vector_load %arg6[%parallel_loop3A_1013] {strides = array<i32>} : memref<32768xf32, #tpu.memory_space<vmem>>, vector<16xf32>,
      %parallel_loop3A_1015 = arith.cmpf ogt, %parallel_loop3A_1014, %parallel_loop3A_1001 : vector<16xf32>
      %parallel_loop3A_1016 = arith.constant 32768 : i32
      %parallel_loop3A_1017 = arith.addi %parallel_loop3A_1016, %parallel_loop3A_1012 : i32
      %parallel_loop3A_1018 = vector.broadcast %parallel_loop3A_1017 : i32 to vector<16xi32>
      %parallel_loop3A_1019 = arith.select %parallel_loop3A_1015, %parallel_loop3A_1018, %parallel_loop3A_1002 : vector<16xi1>, vector<16xi32>
      %parallel_loop3A_1020 = arith.select %parallel_loop3A_1015, %parallel_loop3A_1014, %parallel_loop3A_1001 : vector<16xi1>, vector<16xf32>
      %parallel_loop3A_1021 = arith.constant 64 : i32
      %parallel_loop3A_1022 = arith.muli %parallel_loop3A_1000, %parallel_loop3A_1021 : i32
      %parallel_loop3A_1023 = arith.constant 16 : i32
      %parallel_loop3A_1024 = arith.addi %parallel_loop3A_1022, %parallel_loop3A_1023 : i32
      %parallel_loop3A_1025 = arith.index_cast %parallel_loop3A_1024 : i32 to index
      %parallel_loop3A_1026 = tpu.vector_load %arg6[%parallel_loop3A_1025] {strides = array<i32>} : memref<32768xf32, #tpu.memory_space<vmem>>, vector<16xf32>,
      %parallel_loop3A_1027 = arith.cmpf ogt, %parallel_loop3A_1026, %parallel_loop3A_1003 : vector<16xf32>
      %parallel_loop3A_1028 = arith.constant 32768 : i32
      %parallel_loop3A_1029 = arith.addi %parallel_loop3A_1028, %parallel_loop3A_1024 : i32
      %parallel_loop3A_1030 = vector.broadcast %parallel_loop3A_1029 : i32 to vector<16xi32>
      %parallel_loop3A_1031 = arith.select %parallel_loop3A_1027, %parallel_loop3A_1030, %parallel_loop3A_1004 : vector<16xi1>, vector<16xi32>
      %parallel_loop3A_1032 = arith.select %parallel_loop3A_1027, %parallel_loop3A_1026, %parallel_loop3A_1003 : vector<16xi1>, vector<16xf32>
      %parallel_loop3A_1033 = arith.constant 64 : i32
      %parallel_loop3A_1034 = arith.muli %parallel_loop3A_1000, %parallel_loop3A_1033 : i32
      %parallel_loop3A_1035 = arith.constant 32 : i32
      %parallel_loop3A_1036 = arith.addi %parallel_loop3A_1034, %parallel_loop3A_1035 : i32
      %parallel_loop3A_1037 = arith.index_cast %parallel_loop3A_1036 : i32 to index
      %parallel_loop3A_1038 = tpu.vector_load %arg6[%parallel_loop3A_1037] {strides = array<i32>} : memref<32768xf32, #tpu.memory_space<vmem>>, vector<16xf32>,
      %parallel_loop3A_1039 = arith.cmpf ogt, %parallel_loop3A_1038, %parallel_loop3A_1005 : vector<16xf32>
      %parallel_loop3A_1040 = arith.constant 32768 : i32
      %parallel_loop3A_1041 = arith.addi %parallel_loop3A_1040, %parallel_loop3A_1036 : i32
      %parallel_loop3A_1042 = vector.broadcast %parallel_loop3A_1041 : i32 to vector<16xi32>
      %parallel_loop3A_1043 = arith.select %parallel_loop3A_1039, %parallel_loop3A_1042, %parallel_loop3A_1006 : vector<16xi1>, vector<16xi32>
      %parallel_loop3A_1044 = arith.select %parallel_loop3A_1039, %parallel_loop3A_1038, %parallel_loop3A_1005 : vector<16xi1>, vector<16xf32>
      %parallel_loop3A_1045 = arith.constant 64 : i32
      %parallel_loop3A_1046 = arith.muli %parallel_loop3A_1000, %parallel_loop3A_1045 : i32
      %parallel_loop3A_1047 = arith.constant 48 : i32
      %parallel_loop3A_1048 = arith.addi %parallel_loop3A_1046, %parallel_loop3A_1047 : i32
      %parallel_loop3A_1049 = arith.index_cast %parallel_loop3A_1048 : i32 to index
      %parallel_loop3A_1050 = tpu.vector_load %arg6[%parallel_loop3A_1049] {strides = array<i32>} : memref<32768xf32, #tpu.memory_space<vmem>>, vector<16xf32>,
      %parallel_loop3A_1051 = arith.cmpf ogt, %parallel_loop3A_1050, %parallel_loop3A_1007 : vector<16xf32>
      %parallel_loop3A_1052 = arith.constant 32768 : i32
      %parallel_loop3A_1053 = arith.addi %parallel_loop3A_1052, %parallel_loop3A_1048 : i32
      %parallel_loop3A_1054 = vector.broadcast %parallel_loop3A_1053 : i32 to vector<16xi32>
      %parallel_loop3A_1055 = arith.select %parallel_loop3A_1051, %parallel_loop3A_1054, %parallel_loop3A_1008 : vector<16xi1>, vector<16xi32>
      %parallel_loop3A_1056 = arith.select %parallel_loop3A_1051, %parallel_loop3A_1050, %parallel_loop3A_1007 : vector<16xi1>, vector<16xf32>
      scf.yield %parallel_loop3A_1020, %parallel_loop3A_1019, %parallel_loop3A_1032, %parallel_loop3A_1031, %parallel_loop3A_1044, %parallel_loop3A_1043, %parallel_loop3A_1056, %parallel_loop3A_1055 : vector<16xf32>, vector<16xi32>, vector<16xf32>, vector<16xi32>, vector<16xf32>, vector<16xi32>, vector<16xf32>, vector<16xi32>
    } {sc.loop_unroll_factor = 4 : i64, sc.parallel_access}
    %mul3A_83 = arith.constant 4 : i32
    %mul3A_84 = arith.muli %add3A, %mul3A_83 : i32
    %add3A_85 = arith.constant 0 : i32
    %add3A_86 = arith.addi %mul3A_84, %add3A_85 : i32
    %dma_start3A_87 = arith.constant 0 : i32
    %dma_start3A_88 = tpu.memref_slice %arg6[%dma_start3A_87] : memref<32768xf32, #tpu.memory_space<vmem>> -> memref<1536xf32, #tpu.memory_space<vmem>>
    %dma_start3A_89 = arith.constant 98304 : i32
    %dma_start3A_90 = tpu.memref_slice %arg2[%add3A_86, %dma_start3A_89] : memref<128x100000xf32, #tpu.memory_space<hbm>> -> memref<1x1536xf32, #tpu.memory_space<hbm>>
    %dma_start3A_91 = tpu.memref_squeeze %dma_start3A_90 : memref<1x1536xf32, #tpu.memory_space<hbm>> -> memref<1536xf32, #tpu.memory_space<hbm>>
    %dma_start3A_92 = arith.constant 0 : i32
    %dma_start3A_93 = tpu.memref_slice %arg6[%dma_start3A_92] : memref<32768xf32, #tpu.memory_space<vmem>> -> memref<1536xf32, #tpu.memory_space<vmem>>
    %dma_start3A_94 = arith.constant 98304 : i32
    %dma_start3A_95 = tpu.memref_slice %arg2[%add3A_86, %dma_start3A_94] : memref<128x100000xf32, #tpu.memory_space<hbm>> -> memref<1x1536xf32, #tpu.memory_space<hbm>>
    %dma_start3A_96 = tpu.memref_squeeze %dma_start3A_95 : memref<1x1536xf32, #tpu.memory_space<hbm>> -> memref<1536xf32, #tpu.memory_space<hbm>>
    tpu.enqueue_dma source(%dma_start3A_96 : memref<1536xf32, #tpu.memory_space<hbm>>) target(%dma_start3A_93 : memref<1536xf32, #tpu.memory_space<vmem>>) target_semaphore(%arg12 : memref<!tpu.dma_semaphore, #tpu.memory_space<semaphore_mem>>)
    %dma_wait3A_97 = arith.constant 0 : i32
    %dma_wait3A_98 = tpu.memref_slice %arg5[%dma_wait3A_97] : memref<32768xf32, #tpu.memory_space<vmem>> -> memref<32768xf32, #tpu.memory_space<vmem>>
    %dma_wait3A_99 = arith.constant 65536 : i32
    %dma_wait3A_100 = tpu.memref_slice %arg2[%add3A_58, %dma_wait3A_99] : memref<128x100000xf32, #tpu.memory_space<hbm>> -> memref<1x32768xf32, #tpu.memory_space<hbm>>
    %dma_wait3A_101 = tpu.memref_squeeze %dma_wait3A_100 : memref<1x32768xf32, #tpu.memory_space<hbm>> -> memref<32768xf32, #tpu.memory_space<hbm>>
    %dma_wait3A_102 = arith.constant 0 : i32
    %dma_wait3A_103 = tpu.memref_slice %arg5[%dma_wait3A_102] : memref<32768xf32, #tpu.memory_space<vmem>> -> memref<32768xf32, #tpu.memory_space<vmem>>
    %dma_wait3A_104 = arith.constant 65536 : i32
    %dma_wait3A_105 = tpu.memref_slice %arg2[%add3A_58, %dma_wait3A_104] : memref<128x100000xf32, #tpu.memory_space<hbm>> -> memref<1x32768xf32, #tpu.memory_space<hbm>>
    %dma_wait3A_106 = tpu.memref_squeeze %dma_wait3A_105 : memref<1x32768xf32, #tpu.memory_space<hbm>> -> memref<32768xf32, #tpu.memory_space<hbm>>
    tpu.wait_dma2 semaphore(%arg11 : memref<!tpu.dma_semaphore, #tpu.memory_space<semaphore_mem>>) src(%dma_wait3A_106 : memref<32768xf32, #tpu.memory_space<hbm>>) dst(%dma_wait3A_103 : memref<32768xf32, #tpu.memory_space<vmem>>)
    %parallel_loop3A_107 = arith.constant 0 : i32
    %parallel_loop3A_108 = arith.constant 512 : i32
    %parallel_loop3A_109 = arith.constant 1 : i32
    %parallel_loop3A_110:8 = scf.for %parallel_loop3A_1000 = %parallel_loop3A_107 to %parallel_loop3A_108 step %parallel_loop3A_109 iter_args(%parallel_loop3A_1001 = %parallel_loop3A_82#0, %parallel_loop3A_1002 = %parallel_loop3A_82#1, %parallel_loop3A_1003 = %parallel_loop3A_82#2, %parallel_loop3A_1004 = %parallel_loop3A_82#3, %parallel_loop3A_1005 = %parallel_loop3A_82#4, %parallel_loop3A_1006 = %parallel_loop3A_82#5, %parallel_loop3A_1007 = %parallel_loop3A_82#6, %parallel_loop3A_1008 = %parallel_loop3A_82#7) -> (vector<16xf32>, vector<16xi32>, vector<16xf32>, vector<16xi32>, vector<16xf32>, vector<16xi32>, vector<16xf32>, vector<16xi32>)  : i32 {
      %parallel_loop3A_1009 = arith.constant 64 : i32
      %parallel_loop3A_1010 = arith.muli %parallel_loop3A_1000, %parallel_loop3A_1009 : i32
      %parallel_loop3A_1011 = arith.constant 0 : i32
      %parallel_loop3A_1012 = arith.addi %parallel_loop3A_1010, %parallel_loop3A_1011 : i32
      %parallel_loop3A_1013 = arith.index_cast %parallel_loop3A_1012 : i32 to index
      %parallel_loop3A_1014 = tpu.vector_load %arg5[%parallel_loop3A_1013] {strides = array<i32>} : memref<32768xf32, #tpu.memory_space<vmem>>, vector<16xf32>,
      %parallel_loop3A_1015 = arith.cmpf ogt, %parallel_loop3A_1014, %parallel_loop3A_1001 : vector<16xf32>
      %parallel_loop3A_1016 = arith.constant 65536 : i32
      %parallel_loop3A_1017 = arith.addi %parallel_loop3A_1016, %parallel_loop3A_1012 : i32
      %parallel_loop3A_1018 = vector.broadcast %parallel_loop3A_1017 : i32 to vector<16xi32>
      %parallel_loop3A_1019 = arith.select %parallel_loop3A_1015, %parallel_loop3A_1018, %parallel_loop3A_1002 : vector<16xi1>, vector<16xi32>
      %parallel_loop3A_1020 = arith.select %parallel_loop3A_1015, %parallel_loop3A_1014, %parallel_loop3A_1001 : vector<16xi1>, vector<16xf32>
      %parallel_loop3A_1021 = arith.constant 64 : i32
      %parallel_loop3A_1022 = arith.muli %parallel_loop3A_1000, %parallel_loop3A_1021 : i32
      %parallel_loop3A_1023 = arith.constant 16 : i32
      %parallel_loop3A_1024 = arith.addi %parallel_loop3A_1022, %parallel_loop3A_1023 : i32
      %parallel_loop3A_1025 = arith.index_cast %parallel_loop3A_1024 : i32 to index
      %parallel_loop3A_1026 = tpu.vector_load %arg5[%parallel_loop3A_1025] {strides = array<i32>} : memref<32768xf32, #tpu.memory_space<vmem>>, vector<16xf32>,
      %parallel_loop3A_1027 = arith.cmpf ogt, %parallel_loop3A_1026, %parallel_loop3A_1003 : vector<16xf32>
      %parallel_loop3A_1028 = arith.constant 65536 : i32
      %parallel_loop3A_1029 = arith.addi %parallel_loop3A_1028, %parallel_loop3A_1024 : i32
      %parallel_loop3A_1030 = vector.broadcast %parallel_loop3A_1029 : i32 to vector<16xi32>
      %parallel_loop3A_1031 = arith.select %parallel_loop3A_1027, %parallel_loop3A_1030, %parallel_loop3A_1004 : vector<16xi1>, vector<16xi32>
      %parallel_loop3A_1032 = arith.select %parallel_loop3A_1027, %parallel_loop3A_1026, %parallel_loop3A_1003 : vector<16xi1>, vector<16xf32>
      %parallel_loop3A_1033 = arith.constant 64 : i32
      %parallel_loop3A_1034 = arith.muli %parallel_loop3A_1000, %parallel_loop3A_1033 : i32
      %parallel_loop3A_1035 = arith.constant 32 : i32
      %parallel_loop3A_1036 = arith.addi %parallel_loop3A_1034, %parallel_loop3A_1035 : i32
      %parallel_loop3A_1037 = arith.index_cast %parallel_loop3A_1036 : i32 to index
      %parallel_loop3A_1038 = tpu.vector_load %arg5[%parallel_loop3A_1037] {strides = array<i32>} : memref<32768xf32, #tpu.memory_space<vmem>>, vector<16xf32>,
      %parallel_loop3A_1039 = arith.cmpf ogt, %parallel_loop3A_1038, %parallel_loop3A_1005 : vector<16xf32>
      %parallel_loop3A_1040 = arith.constant 65536 : i32
      %parallel_loop3A_1041 = arith.addi %parallel_loop3A_1040, %parallel_loop3A_1036 : i32
      %parallel_loop3A_1042 = vector.broadcast %parallel_loop3A_1041 : i32 to vector<16xi32>
      %parallel_loop3A_1043 = arith.select %parallel_loop3A_1039, %parallel_loop3A_1042, %parallel_loop3A_1006 : vector<16xi1>, vector<16xi32>
      %parallel_loop3A_1044 = arith.select %parallel_loop3A_1039, %parallel_loop3A_1038, %parallel_loop3A_1005 : vector<16xi1>, vector<16xf32>
      %parallel_loop3A_1045 = arith.constant 64 : i32
      %parallel_loop3A_1046 = arith.muli %parallel_loop3A_1000, %parallel_loop3A_1045 : i32
      %parallel_loop3A_1047 = arith.constant 48 : i32
      %parallel_loop3A_1048 = arith.addi %parallel_loop3A_1046, %parallel_loop3A_1047 : i32
      %parallel_loop3A_1049 = arith.index_cast %parallel_loop3A_1048 : i32 to index
      %parallel_loop3A_1050 = tpu.vector_load %arg5[%parallel_loop3A_1049] {strides = array<i32>} : memref<32768xf32, #tpu.memory_space<vmem>>, vector<16xf32>,
      %parallel_loop3A_1051 = arith.cmpf ogt, %parallel_loop3A_1050, %parallel_loop3A_1007 : vector<16xf32>
      %parallel_loop3A_1052 = arith.constant 65536 : i32
      %parallel_loop3A_1053 = arith.addi %parallel_loop3A_1052, %parallel_loop3A_1048 : i32
      %parallel_loop3A_1054 = vector.broadcast %parallel_loop3A_1053 : i32 to vector<16xi32>
      %parallel_loop3A_1055 = arith.select %parallel_loop3A_1051, %parallel_loop3A_1054, %parallel_loop3A_1008 : vector<16xi1>, vector<16xi32>
      %parallel_loop3A_1056 = arith.select %parallel_loop3A_1051, %parallel_loop3A_1050, %parallel_loop3A_1007 : vector<16xi1>, vector<16xf32>
      scf.yield %parallel_loop3A_1020, %parallel_loop3A_1019, %parallel_loop3A_1032, %parallel_loop3A_1031, %parallel_loop3A_1044, %parallel_loop3A_1043, %parallel_loop3A_1056, %parallel_loop3A_1055 : vector<16xf32>, vector<16xi32>, vector<16xf32>, vector<16xi32>, vector<16xf32>, vector<16xi32>, vector<16xf32>, vector<16xi32>
    } {sc.loop_unroll_factor = 4 : i64, sc.parallel_access}
    %mul3A_111 = arith.constant 4 : i32
    %mul3A_112 = arith.muli %add3A, %mul3A_111 : i32
    %add3A_113 = arith.constant 1 : i32
    %add3A_114 = arith.addi %mul3A_112, %add3A_113 : i32
    %dma_start3A_115 = arith.constant 0 : i32
    %dma_start3A_116 = tpu.memref_slice %arg5[%dma_start3A_115] : memref<32768xf32, #tpu.memory_space<vmem>> -> memref<32768xf32, #tpu.memory_space<vmem>>
    %dma_start3A_117 = arith.constant 0 : i32
    %dma_start3A_118 = tpu.memref_slice %arg2[%add3A_114, %dma_start3A_117] : memref<128x100000xf32, #tpu.memory_space<hbm>> -> memref<1x32768xf32, #tpu.memory_space<hbm>>
    %dma_start3A_119 = tpu.memref_squeeze %dma_start3A_118 : memref<1x32768xf32, #tpu.memory_space<hbm>> -> memref<32768xf32, #tpu.memory_space<hbm>>
    %dma_start3A_120 = arith.constant 0 : i32
    %dma_start3A_121 = tpu.memref_slice %arg5[%dma_start3A_120] : memref<32768xf32, #tpu.memory_space<vmem>> -> memref<32768xf32, #tpu.memory_space<vmem>>
    %dma_start3A_122 = arith.constant 0 : i32
    %dma_start3A_123 = tpu.memref_slice %arg2[%add3A_114, %dma_start3A_122] : memref<128x100000xf32, #tpu.memory_space<hbm>> -> memref<1x32768xf32, #tpu.memory_space<hbm>>
    %dma_start3A_124 = tpu.memref_squeeze %dma_start3A_123 : memref<1x32768xf32, #tpu.memory_space<hbm>> -> memref<32768xf32, #tpu.memory_space<hbm>>
    tpu.enqueue_dma source(%dma_start3A_124 : memref<32768xf32, #tpu.memory_space<hbm>>) target(%dma_start3A_121 : memref<32768xf32, #tpu.memory_space<vmem>>) target_semaphore(%arg11 : memref<!tpu.dma_semaphore, #tpu.memory_space<semaphore_mem>>)
    %dma_wait3A_125 = arith.constant 0 : i32
    %dma_wait3A_126 = tpu.memref_slice %arg6[%dma_wait3A_125] : memref<32768xf32, #tpu.memory_space<vmem>> -> memref<1536xf32, #tpu.memory_space<vmem>>
    %dma_wait3A_127 = arith.constant 98304 : i32
    %dma_wait3A_128 = tpu.memref_slice %arg2[%add3A_86, %dma_wait3A_127] : memref<128x100000xf32, #tpu.memory_space<hbm>> -> memref<1x1536xf32, #tpu.memory_space<hbm>>
    %dma_wait3A_129 = tpu.memref_squeeze %dma_wait3A_128 : memref<1x1536xf32, #tpu.memory_space<hbm>> -> memref<1536xf32, #tpu.memory_space<hbm>>
    %dma_wait3A_130 = arith.constant 0 : i32
    %dma_wait3A_131 = tpu.memref_slice %arg6[%dma_wait3A_130] : memref<32768xf32, #tpu.memory_space<vmem>> -> memref<1536xf32, #tpu.memory_space<vmem>>
    %dma_wait3A_132 = arith.constant 98304 : i32
    %dma_wait3A_133 = tpu.memref_slice %arg2[%add3A_86, %dma_wait3A_132] : memref<128x100000xf32, #tpu.memory_space<hbm>> -> memref<1x1536xf32, #tpu.memory_space<hbm>>
    %dma_wait3A_134 = tpu.memref_squeeze %dma_wait3A_133 : memref<1x1536xf32, #tpu.memory_space<hbm>> -> memref<1536xf32, #tpu.memory_space<hbm>>
    tpu.wait_dma2 semaphore(%arg12 : memref<!tpu.dma_semaphore, #tpu.memory_space<semaphore_mem>>) src(%dma_wait3A_134 : memref<1536xf32, #tpu.memory_space<hbm>>) dst(%dma_wait3A_131 : memref<1536xf32, #tpu.memory_space<vmem>>)
    %parallel_loop3A_135 = arith.constant 0 : i32
    %parallel_loop3A_136 = arith.constant 24 : i32
    %parallel_loop3A_137 = arith.constant 1 : i32
    %parallel_loop3A_138:8 = scf.for %parallel_loop3A_1000 = %parallel_loop3A_135 to %parallel_loop3A_136 step %parallel_loop3A_137 iter_args(%parallel_loop3A_1001 = %parallel_loop3A_110#0, %parallel_loop3A_1002 = %parallel_loop3A_110#1, %parallel_loop3A_1003 = %parallel_loop3A_110#2, %parallel_loop3A_1004 = %parallel_loop3A_110#3, %parallel_loop3A_1005 = %parallel_loop3A_110#4, %parallel_loop3A_1006 = %parallel_loop3A_110#5, %parallel_loop3A_1007 = %parallel_loop3A_110#6, %parallel_loop3A_1008 = %parallel_loop3A_110#7) -> (vector<16xf32>, vector<16xi32>, vector<16xf32>, vector<16xi32>, vector<16xf32>, vector<16xi32>, vector<16xf32>, vector<16xi32>)  : i32 {
      %parallel_loop3A_1009 = arith.constant 64 : i32
      %parallel_loop3A_1010 = arith.muli %parallel_loop3A_1000, %parallel_loop3A_1009 : i32
      %parallel_loop3A_1011 = arith.constant 0 : i32
      %parallel_loop3A_1012 = arith.addi %parallel_loop3A_1010, %parallel_loop3A_1011 : i32
      %parallel_loop3A_1013 = arith.index_cast %parallel_loop3A_1012 : i32 to index
      %parallel_loop3A_1014 = tpu.vector_load %arg6[%parallel_loop3A_1013] {strides = array<i32>} : memref<32768xf32, #tpu.memory_space<vmem>>, vector<16xf32>,
      %parallel_loop3A_1015 = arith.cmpf ogt, %parallel_loop3A_1014, %parallel_loop3A_1001 : vector<16xf32>
      %parallel_loop3A_1016 = arith.constant 98304 : i32
      %parallel_loop3A_1017 = arith.addi %parallel_loop3A_1016, %parallel_loop3A_1012 : i32
      %parallel_loop3A_1018 = vector.broadcast %parallel_loop3A_1017 : i32 to vector<16xi32>
      %parallel_loop3A_1019 = arith.select %parallel_loop3A_1015, %parallel_loop3A_1018, %parallel_loop3A_1002 : vector<16xi1>, vector<16xi32>
      %parallel_loop3A_1020 = arith.select %parallel_loop3A_1015, %parallel_loop3A_1014, %parallel_loop3A_1001 : vector<16xi1>, vector<16xf32>
      %parallel_loop3A_1021 = arith.constant 64 : i32
      %parallel_loop3A_1022 = arith.muli %parallel_loop3A_1000, %parallel_loop3A_1021 : i32
      %parallel_loop3A_1023 = arith.constant 16 : i32
      %parallel_loop3A_1024 = arith.addi %parallel_loop3A_1022, %parallel_loop3A_1023 : i32
      %parallel_loop3A_1025 = arith.index_cast %parallel_loop3A_1024 : i32 to index
      %parallel_loop3A_1026 = tpu.vector_load %arg6[%parallel_loop3A_1025] {strides = array<i32>} : memref<32768xf32, #tpu.memory_space<vmem>>, vector<16xf32>,
      %parallel_loop3A_1027 = arith.cmpf ogt, %parallel_loop3A_1026, %parallel_loop3A_1003 : vector<16xf32>
      %parallel_loop3A_1028 = arith.constant 98304 : i32
      %parallel_loop3A_1029 = arith.addi %parallel_loop3A_1028, %parallel_loop3A_1024 : i32
      %parallel_loop3A_1030 = vector.broadcast %parallel_loop3A_1029 : i32 to vector<16xi32>
      %parallel_loop3A_1031 = arith.select %parallel_loop3A_1027, %parallel_loop3A_1030, %parallel_loop3A_1004 : vector<16xi1>, vector<16xi32>
      %parallel_loop3A_1032 = arith.select %parallel_loop3A_1027, %parallel_loop3A_1026, %parallel_loop3A_1003 : vector<16xi1>, vector<16xf32>
      %parallel_loop3A_1033 = arith.constant 64 : i32
      %parallel_loop3A_1034 = arith.muli %parallel_loop3A_1000, %parallel_loop3A_1033 : i32
      %parallel_loop3A_1035 = arith.constant 32 : i32
      %parallel_loop3A_1036 = arith.addi %parallel_loop3A_1034, %parallel_loop3A_1035 : i32
      %parallel_loop3A_1037 = arith.index_cast %parallel_loop3A_1036 : i32 to index
      %parallel_loop3A_1038 = tpu.vector_load %arg6[%parallel_loop3A_1037] {strides = array<i32>} : memref<32768xf32, #tpu.memory_space<vmem>>, vector<16xf32>,
      %parallel_loop3A_1039 = arith.cmpf ogt, %parallel_loop3A_1038, %parallel_loop3A_1005 : vector<16xf32>
      %parallel_loop3A_1040 = arith.constant 98304 : i32
      %parallel_loop3A_1041 = arith.addi %parallel_loop3A_1040, %parallel_loop3A_1036 : i32
      %parallel_loop3A_1042 = vector.broadcast %parallel_loop3A_1041 : i32 to vector<16xi32>
      %parallel_loop3A_1043 = arith.select %parallel_loop3A_1039, %parallel_loop3A_1042, %parallel_loop3A_1006 : vector<16xi1>, vector<16xi32>
      %parallel_loop3A_1044 = arith.select %parallel_loop3A_1039, %parallel_loop3A_1038, %parallel_loop3A_1005 : vector<16xi1>, vector<16xf32>
      %parallel_loop3A_1045 = arith.constant 64 : i32
      %parallel_loop3A_1046 = arith.muli %parallel_loop3A_1000, %parallel_loop3A_1045 : i32
      %parallel_loop3A_1047 = arith.constant 48 : i32
      %parallel_loop3A_1048 = arith.addi %parallel_loop3A_1046, %parallel_loop3A_1047 : i32
      %parallel_loop3A_1049 = arith.index_cast %parallel_loop3A_1048 : i32 to index
      %parallel_loop3A_1050 = tpu.vector_load %arg6[%parallel_loop3A_1049] {strides = array<i32>} : memref<32768xf32, #tpu.memory_space<vmem>>, vector<16xf32>,
      %parallel_loop3A_1051 = arith.cmpf ogt, %parallel_loop3A_1050, %parallel_loop3A_1007 : vector<16xf32>
      %parallel_loop3A_1052 = arith.constant 98304 : i32
      %parallel_loop3A_1053 = arith.addi %parallel_loop3A_1052, %parallel_loop3A_1048 : i32
      %parallel_loop3A_1054 = vector.broadcast %parallel_loop3A_1053 : i32 to vector<16xi32>
      %parallel_loop3A_1055 = arith.select %parallel_loop3A_1051, %parallel_loop3A_1054, %parallel_loop3A_1008 : vector<16xi1>, vector<16xi32>
      %parallel_loop3A_1056 = arith.select %parallel_loop3A_1051, %parallel_loop3A_1050, %parallel_loop3A_1007 : vector<16xi1>, vector<16xf32>
      scf.yield %parallel_loop3A_1020, %parallel_loop3A_1019, %parallel_loop3A_1032, %parallel_loop3A_1031, %parallel_loop3A_1044, %parallel_loop3A_1043, %parallel_loop3A_1056, %parallel_loop3A_1055 : vector<16xf32>, vector<16xi32>, vector<16xf32>, vector<16xi32>, vector<16xf32>, vector<16xi32>, vector<16xf32>, vector<16xi32>
    } {sc.loop_unroll_factor = 4 : i64, sc.parallel_access}
    %add3A_139 = arith.addi %parallel_loop3A_138#1, %iota3A : vector<16xi32>
    %add3A_140 = arith.addi %parallel_loop3A_138#3, %iota3A : vector<16xi32>
    %gt3A = arith.cmpf ogt, %parallel_loop3A_138#2, %parallel_loop3A_138#0 : vector<16xf32>
    %eq3A = arith.cmpf oeq, %parallel_loop3A_138#2, %parallel_loop3A_138#0 : vector<16xf32>
    %lt3A = arith.cmpi slt, %add3A_140, %add3A_139 : vector<16xi32>
    %and3A = arith.andi %eq3A, %lt3A : vector<16xi1>
    %or3A = arith.ori %gt3A, %and3A : vector<16xi1>
    %select_n3A = arith.select %or3A, %add3A_140, %add3A_139 : vector<16xi1>, vector<16xi32>
    %select_n3A_141 = arith.select %or3A, %parallel_loop3A_138#2, %parallel_loop3A_138#0 : vector<16xi1>, vector<16xf32>
    %add3A_142 = arith.addi %parallel_loop3A_138#5, %iota3A : vector<16xi32>
    %gt3A_143 = arith.cmpf ogt, %parallel_loop3A_138#4, %select_n3A_141 : vector<16xf32>
    %eq3A_144 = arith.cmpf oeq, %parallel_loop3A_138#4, %select_n3A_141 : vector<16xf32>
    %lt3A_145 = arith.cmpi slt, %add3A_142, %select_n3A : vector<16xi32>
    %and3A_146 = arith.andi %eq3A_144, %lt3A_145 : vector<16xi1>
    %or3A_147 = arith.ori %gt3A_143, %and3A_146 : vector<16xi1>
    %select_n3A_148 = arith.select %or3A_147, %add3A_142, %select_n3A : vector<16xi1>, vector<16xi32>
    %select_n3A_149 = arith.select %or3A_147, %parallel_loop3A_138#4, %select_n3A_141 : vector<16xi1>, vector<16xf32>
    %add3A_150 = arith.addi %parallel_loop3A_138#7, %iota3A : vector<16xi32>
    %gt3A_151 = arith.cmpf ogt, %parallel_loop3A_138#6, %select_n3A_149 : vector<16xf32>
    %eq3A_152 = arith.cmpf oeq, %parallel_loop3A_138#6, %select_n3A_149 : vector<16xf32>
    %lt3A_153 = arith.cmpi slt, %add3A_150, %select_n3A_148 : vector<16xi32>
    %and3A_154 = arith.andi %eq3A_152, %lt3A_153 : vector<16xi1>
    %or3A_155 = arith.ori %gt3A_151, %and3A_154 : vector<16xi1>
    %select_n3A_156 = arith.select %or3A_155, %add3A_150, %select_n3A_148 : vector<16xi1>, vector<16xi32>
    %select_n3A_157 = arith.select %or3A_155, %parallel_loop3A_138#6, %select_n3A_149 : vector<16xi1>, vector<16xf32>
    %swap3A = arith.constant 0 : index
    %swap3A_158 = tpu.vector_load %arg9[%swap3A] {strides = array<i32>} : memref<16xf32, #tpu.memory_space<vmem>>, vector<16xf32>,
    tpu.vector_store %arg9[%swap3A], %select_n3A_157 {strides = array<i32>} : memref<16xf32, #tpu.memory_space<vmem>>, vector<16xf32>,
    %swap3A_159 = arith.constant 0 : index
    %swap3A_160 = tpu.vector_load %arg10[%swap3A_159] {strides = array<i32>} : memref<16xi32, #tpu.memory_space<vmem>>, vector<16xi32>,
    tpu.vector_store %arg10[%swap3A_159], %select_n3A_156 {strides = array<i32>} : memref<16xi32, #tpu.memory_space<vmem>>, vector<16xi32>,
    %xor3A = arith.constant 8 : i32
    %xor3A_161 = vector.broadcast %xor3A : i32 to vector<16xi32>
    %xor3A_162 = arith.xori %iota3A, %xor3A_161 : vector<16xi32>
    %gather3A = tpu.vector_load_idx %arg9[%xor3A_162] : memref<16xf32, #tpu.memory_space<vmem>>[vector<16xi32>], vector<16xf32>,
    %gather3A_163 = tpu.vector_load_idx %arg10[%xor3A_162] : memref<16xi32, #tpu.memory_space<vmem>>[vector<16xi32>], vector<16xi32>,
    %gt3A_164 = arith.cmpf ogt, %gather3A, %select_n3A_157 : vector<16xf32>
    %eq3A_165 = arith.cmpf oeq, %gather3A, %select_n3A_157 : vector<16xf32>
    %lt3A_166 = arith.cmpi slt, %gather3A_163, %select_n3A_156 : vector<16xi32>
    %and3A_167 = arith.andi %eq3A_165, %lt3A_166 : vector<16xi1>
    %or3A_168 = arith.ori %gt3A_164, %and3A_167 : vector<16xi1>
    %select_n3A_169 = arith.select %or3A_168, %gather3A_163, %select_n3A_156 : vector<16xi1>, vector<16xi32>
    %select_n3A_170 = arith.select %or3A_168, %gather3A, %select_n3A_157 : vector<16xi1>, vector<16xf32>
    %swap3A_171 = arith.constant 0 : index
    %swap3A_172 = tpu.vector_load %arg9[%swap3A_171] {strides = array<i32>} : memref<16xf32, #tpu.memory_space<vmem>>, vector<16xf32>,
    tpu.vector_store %arg9[%swap3A_171], %select_n3A_170 {strides = array<i32>} : memref<16xf32, #tpu.memory_space<vmem>>, vector<16xf32>,
    %swap3A_173 = arith.constant 0 : index
    %swap3A_174 = tpu.vector_load %arg10[%swap3A_173] {strides = array<i32>} : memref<16xi32, #tpu.memory_space<vmem>>, vector<16xi32>,
    tpu.vector_store %arg10[%swap3A_173], %select_n3A_169 {strides = array<i32>} : memref<16xi32, #tpu.memory_space<vmem>>, vector<16xi32>,
    %xor3A_175 = arith.constant 4 : i32
    %xor3A_176 = vector.broadcast %xor3A_175 : i32 to vector<16xi32>
    %xor3A_177 = arith.xori %iota3A, %xor3A_176 : vector<16xi32>
    %gather3A_178 = tpu.vector_load_idx %arg9[%xor3A_177] : memref<16xf32, #tpu.memory_space<vmem>>[vector<16xi32>], vector<16xf32>,
    %gather3A_179 = tpu.vector_load_idx %arg10[%xor3A_177] : memref<16xi32, #tpu.memory_space<vmem>>[vector<16xi32>], vector<16xi32>,
    %gt3A_180 = arith.cmpf ogt, %gather3A_178, %select_n3A_170 : vector<16xf32>
    %eq3A_181 = arith.cmpf oeq, %gather3A_178, %select_n3A_170 : vector<16xf32>
    %lt3A_182 = arith.cmpi slt, %gather3A_179, %select_n3A_169 : vector<16xi32>
    %and3A_183 = arith.andi %eq3A_181, %lt3A_182 : vector<16xi1>
    %or3A_184 = arith.ori %gt3A_180, %and3A_183 : vector<16xi1>
    %select_n3A_185 = arith.select %or3A_184, %gather3A_179, %select_n3A_169 : vector<16xi1>, vector<16xi32>
    %select_n3A_186 = arith.select %or3A_184, %gather3A_178, %select_n3A_170 : vector<16xi1>, vector<16xf32>
    %swap3A_187 = arith.constant 0 : index
    %swap3A_188 = tpu.vector_load %arg9[%swap3A_187] {strides = array<i32>} : memref<16xf32, #tpu.memory_space<vmem>>, vector<16xf32>,
    tpu.vector_store %arg9[%swap3A_187], %select_n3A_186 {strides = array<i32>} : memref<16xf32, #tpu.memory_space<vmem>>, vector<16xf32>,
    %swap3A_189 = arith.constant 0 : index
    %swap3A_190 = tpu.vector_load %arg10[%swap3A_189] {strides = array<i32>} : memref<16xi32, #tpu.memory_space<vmem>>, vector<16xi32>,
    tpu.vector_store %arg10[%swap3A_189], %select_n3A_185 {strides = array<i32>} : memref<16xi32, #tpu.memory_space<vmem>>, vector<16xi32>,
    %xor3A_191 = arith.constant 2 : i32
    %xor3A_192 = vector.broadcast %xor3A_191 : i32 to vector<16xi32>
    %xor3A_193 = arith.xori %iota3A, %xor3A_192 : vector<16xi32>
    %gather3A_194 = tpu.vector_load_idx %arg9[%xor3A_193] : memref<16xf32, #tpu.memory_space<vmem>>[vector<16xi32>], vector<16xf32>,
    %gather3A_195 = tpu.vector_load_idx %arg10[%xor3A_193] : memref<16xi32, #tpu.memory_space<vmem>>[vector<16xi32>], vector<16xi32>,
    %gt3A_196 = arith.cmpf ogt, %gather3A_194, %select_n3A_186 : vector<16xf32>
    %eq3A_197 = arith.cmpf oeq, %gather3A_194, %select_n3A_186 : vector<16xf32>
    %lt3A_198 = arith.cmpi slt, %gather3A_195, %select_n3A_185 : vector<16xi32>
    %and3A_199 = arith.andi %eq3A_197, %lt3A_198 : vector<16xi1>
    %or3A_200 = arith.ori %gt3A_196, %and3A_199 : vector<16xi1>
    %select_n3A_201 = arith.select %or3A_200, %gather3A_195, %select_n3A_185 : vector<16xi1>, vector<16xi32>
    %select_n3A_202 = arith.select %or3A_200, %gather3A_194, %select_n3A_186 : vector<16xi1>, vector<16xf32>
    %swap3A_203 = arith.constant 0 : index
    %swap3A_204 = tpu.vector_load %arg9[%swap3A_203] {strides = array<i32>} : memref<16xf32, #tpu.memory_space<vmem>>, vector<16xf32>,
    tpu.vector_store %arg9[%swap3A_203], %select_n3A_202 {strides = array<i32>} : memref<16xf32, #tpu.memory_space<vmem>>, vector<16xf32>,
    %swap3A_205 = arith.constant 0 : index
    %swap3A_206 = tpu.vector_load %arg10[%swap3A_205] {strides = array<i32>} : memref<16xi32, #tpu.memory_space<vmem>>, vector<16xi32>,
    tpu.vector_store %arg10[%swap3A_205], %select_n3A_201 {strides = array<i32>} : memref<16xi32, #tpu.memory_space<vmem>>, vector<16xi32>,
    %xor3A_207 = arith.constant 1 : i32
    %xor3A_208 = vector.broadcast %xor3A_207 : i32 to vector<16xi32>
    %xor3A_209 = arith.xori %iota3A, %xor3A_208 : vector<16xi32>
    %gather3A_210 = tpu.vector_load_idx %arg9[%xor3A_209] : memref<16xf32, #tpu.memory_space<vmem>>[vector<16xi32>], vector<16xf32>,
    %gather3A_211 = tpu.vector_load_idx %arg10[%xor3A_209] : memref<16xi32, #tpu.memory_space<vmem>>[vector<16xi32>], vector<16xi32>,
    %gt3A_212 = arith.cmpf ogt, %gather3A_210, %select_n3A_202 : vector<16xf32>
    %eq3A_213 = arith.cmpf oeq, %gather3A_210, %select_n3A_202 : vector<16xf32>
    %lt3A_214 = arith.cmpi slt, %gather3A_211, %select_n3A_201 : vector<16xi32>
    %and3A_215 = arith.andi %eq3A_213, %lt3A_214 : vector<16xi1>
    %or3A_216 = arith.ori %gt3A_212, %and3A_215 : vector<16xi1>
    %select_n3A_217 = arith.select %or3A_216, %gather3A_211, %select_n3A_201 : vector<16xi1>, vector<16xi32>
    %select_n3A_218 = arith.select %or3A_216, %gather3A_210, %select_n3A_202 : vector<16xi1>, vector<16xf32>
    %swap3A_219 = arith.constant 0 : index
    %swap3A_220 = tpu.vector_load %arg7[%swap3A_219] {strides = array<i32>} : memref<128xf32, #tpu.memory_space<vmem>>, vector<16xf32>,
    tpu.vector_store %arg7[%swap3A_219], %select_n3A_218 {strides = array<i32>} : memref<128xf32, #tpu.memory_space<vmem>>, vector<16xf32>,
    %swap3A_221 = arith.constant 0 : index
    %swap3A_222 = tpu.vector_load %arg8[%swap3A_221] {strides = array<i32>} : memref<128xi32, #tpu.memory_space<vmem>>, vector<16xi32>,
    tpu.vector_store %arg8[%swap3A_221], %select_n3A_217 {strides = array<i32>} : memref<128xi32, #tpu.memory_space<vmem>>, vector<16xi32>,
    %swap3A_223 = arith.constant 16 : index
    %swap3A_224 = tpu.vector_load %arg7[%swap3A_223] {strides = array<i32>} : memref<128xf32, #tpu.memory_space<vmem>>, vector<16xf32>,
    tpu.vector_store %arg7[%swap3A_223], %select_n3A_218 {strides = array<i32>} : memref<128xf32, #tpu.memory_space<vmem>>, vector<16xf32>,
    %swap3A_225 = arith.constant 16 : index
    %swap3A_226 = tpu.vector_load %arg8[%swap3A_225] {strides = array<i32>} : memref<128xi32, #tpu.memory_space<vmem>>, vector<16xi32>,
    tpu.vector_store %arg8[%swap3A_225], %select_n3A_217 {strides = array<i32>} : memref<128xi32, #tpu.memory_space<vmem>>, vector<16xi32>,
    %swap3A_227 = arith.constant 32 : index
    %swap3A_228 = tpu.vector_load %arg7[%swap3A_227] {strides = array<i32>} : memref<128xf32, #tpu.memory_space<vmem>>, vector<16xf32>,
    tpu.vector_store %arg7[%swap3A_227], %select_n3A_218 {strides = array<i32>} : memref<128xf32, #tpu.memory_space<vmem>>, vector<16xf32>,
    %swap3A_229 = arith.constant 32 : index
    %swap3A_230 = tpu.vector_load %arg8[%swap3A_229] {strides = array<i32>} : memref<128xi32, #tpu.memory_space<vmem>>, vector<16xi32>,
    tpu.vector_store %arg8[%swap3A_229], %select_n3A_217 {strides = array<i32>} : memref<128xi32, #tpu.memory_space<vmem>>, vector<16xi32>,
    %swap3A_231 = arith.constant 48 : index
    %swap3A_232 = tpu.vector_load %arg7[%swap3A_231] {strides = array<i32>} : memref<128xf32, #tpu.memory_space<vmem>>, vector<16xf32>,
    tpu.vector_store %arg7[%swap3A_231], %select_n3A_218 {strides = array<i32>} : memref<128xf32, #tpu.memory_space<vmem>>, vector<16xf32>,
    %swap3A_233 = arith.constant 48 : index
    %swap3A_234 = tpu.vector_load %arg8[%swap3A_233] {strides = array<i32>} : memref<128xi32, #tpu.memory_space<vmem>>, vector<16xi32>,
    tpu.vector_store %arg8[%swap3A_233], %select_n3A_217 {strides = array<i32>} : memref<128xi32, #tpu.memory_space<vmem>>, vector<16xi32>,
    %swap3A_235 = arith.constant 64 : index
    %swap3A_236 = tpu.vector_load %arg7[%swap3A_235] {strides = array<i32>} : memref<128xf32, #tpu.memory_space<vmem>>, vector<16xf32>,
    tpu.vector_store %arg7[%swap3A_235], %select_n3A_218 {strides = array<i32>} : memref<128xf32, #tpu.memory_space<vmem>>, vector<16xf32>,
    %swap3A_237 = arith.constant 64 : index
    %swap3A_238 = tpu.vector_load %arg8[%swap3A_237] {strides = array<i32>} : memref<128xi32, #tpu.memory_space<vmem>>, vector<16xi32>,
    tpu.vector_store %arg8[%swap3A_237], %select_n3A_217 {strides = array<i32>} : memref<128xi32, #tpu.memory_space<vmem>>, vector<16xi32>,
    %swap3A_239 = arith.constant 80 : index
    %swap3A_240 = tpu.vector_load %arg7[%swap3A_239] {strides = array<i32>} : memref<128xf32, #tpu.memory_space<vmem>>, vector<16xf32>,
    tpu.vector_store %arg7[%swap3A_239], %select_n3A_218 {strides = array<i32>} : memref<128xf32, #tpu.memory_space<vmem>>, vector<16xf32>,
    %swap3A_241 = arith.constant 80 : index
    %swap3A_242 = tpu.vector_load %arg8[%swap3A_241] {strides = array<i32>} : memref<128xi32, #tpu.memory_space<vmem>>, vector<16xi32>,
    tpu.vector_store %arg8[%swap3A_241], %select_n3A_217 {strides = array<i32>} : memref<128xi32, #tpu.memory_space<vmem>>, vector<16xi32>,
    %swap3A_243 = arith.constant 96 : index
    %swap3A_244 = tpu.vector_load %arg7[%swap3A_243] {strides = array<i32>} : memref<128xf32, #tpu.memory_space<vmem>>, vector<16xf32>,
    tpu.vector_store %arg7[%swap3A_243], %select_n3A_218 {strides = array<i32>} : memref<128xf32, #tpu.memory_space<vmem>>, vector<16xf32>,
    %swap3A_245 = arith.constant 96 : index
    %swap3A_246 = tpu.vector_load %arg8[%swap3A_245] {strides = array<i32>} : memref<128xi32, #tpu.memory_space<vmem>>, vector<16xi32>,
    tpu.vector_store %arg8[%swap3A_245], %select_n3A_217 {strides = array<i32>} : memref<128xi32, #tpu.memory_space<vmem>>, vector<16xi32>,
    %swap3A_247 = arith.constant 112 : index
    %swap3A_248 = tpu.vector_load %arg7[%swap3A_247] {strides = array<i32>} : memref<128xf32, #tpu.memory_space<vmem>>, vector<16xf32>,
    tpu.vector_store %arg7[%swap3A_247], %select_n3A_218 {strides = array<i32>} : memref<128xf32, #tpu.memory_space<vmem>>, vector<16xf32>,
    %swap3A_249 = arith.constant 112 : index
    %swap3A_250 = tpu.vector_load %arg8[%swap3A_249] {strides = array<i32>} : memref<128xi32, #tpu.memory_space<vmem>>, vector<16xi32>,
    tpu.vector_store %arg8[%swap3A_249], %select_n3A_217 {strides = array<i32>} : memref<128xi32, #tpu.memory_space<vmem>>, vector<16xi32>,
    %mul3A_251 = arith.constant 4 : i32
    %mul3A_252 = arith.muli %add3A, %mul3A_251 : i32
    %add3A_253 = arith.constant 0 : i32
    %add3A_254 = arith.addi %mul3A_252, %add3A_253 : i32
    "tpu.region"() ({
      %run_scoped3A = tpu.sem_alloc : memref<!tpu.dma_semaphore, #tpu.memory_space<semaphore_mem>>
      %dma_start3A_1000 = arith.constant 0 : i32
      %dma_start3A_1001 = tpu.memref_slice %arg3[%add3A_254, %dma_start3A_1000] : memref<128x128xf32, #tpu.memory_space<hbm>> -> memref<1x128xf32, #tpu.memory_space<hbm>>
      %dma_start3A_1002 = tpu.memref_squeeze %dma_start3A_1001 : memref<1x128xf32, #tpu.memory_space<hbm>> -> memref<128xf32, #tpu.memory_space<hbm>>
      %dma_start3A_1003 = arith.constant 0 : i32
      %dma_start3A_1004 = tpu.memref_slice %arg3[%add3A_254, %dma_start3A_1003] : memref<128x128xf32, #tpu.memory_space<hbm>> -> memref<1x128xf32, #tpu.memory_space<hbm>>
      %dma_start3A_1005 = tpu.memref_squeeze %dma_start3A_1004 : memref<1x128xf32, #tpu.memory_space<hbm>> -> memref<128xf32, #tpu.memory_space<hbm>>
      tpu.enqueue_dma source(%arg7 : memref<128xf32, #tpu.memory_space<vmem>>) target(%dma_start3A_1005 : memref<128xf32, #tpu.memory_space<hbm>>) target_semaphore(%run_scoped3A : memref<!tpu.dma_semaphore, #tpu.memory_space<semaphore_mem>>)
      %dma_wait3A_1006 = arith.constant 0 : i32
      %dma_wait3A_1007 = tpu.memref_slice %arg3[%add3A_254, %dma_wait3A_1006] : memref<128x128xf32, #tpu.memory_space<hbm>> -> memref<1x128xf32, #tpu.memory_space<hbm>>
      %dma_wait3A_1008 = tpu.memref_squeeze %dma_wait3A_1007 : memref<1x128xf32, #tpu.memory_space<hbm>> -> memref<128xf32, #tpu.memory_space<hbm>>
      %dma_wait3A_1009 = arith.constant 0 : i32
      %dma_wait3A_1010 = tpu.memref_slice %arg3[%add3A_254, %dma_wait3A_1009] : memref<128x128xf32, #tpu.memory_space<hbm>> -> memref<1x128xf32, #tpu.memory_space<hbm>>
      %dma_wait3A_1011 = tpu.memref_squeeze %dma_wait3A_1010 : memref<1x128xf32, #tpu.memory_space<hbm>> -> memref<128xf32, #tpu.memory_space<hbm>>
      tpu.wait_dma2 semaphore(%run_scoped3A : memref<!tpu.dma_semaphore, #tpu.memory_space<semaphore_mem>>) src(%arg7 : memref<128xf32, #tpu.memory_space<vmem>>) dst(%dma_wait3A_1011 : memref<128xf32, #tpu.memory_space<hbm>>)
      tpu.yield
    }) : () -> ()
    "tpu.region"() ({
      %run_scoped3A = tpu.sem_alloc : memref<!tpu.dma_semaphore, #tpu.memory_space<semaphore_mem>>
      %dma_start3A_1000 = arith.constant 0 : i32
      %dma_start3A_1001 = tpu.memref_slice %arg4[%add3A_254, %dma_start3A_1000] : memref<128x128xi32, #tpu.memory_space<hbm>> -> memref<1x128xi32, #tpu.memory_space<hbm>>
      %dma_start3A_1002 = tpu.memref_squeeze %dma_start3A_1001 : memref<1x128xi32, #tpu.memory_space<hbm>> -> memref<128xi32, #tpu.memory_space<hbm>>
      %dma_start3A_1003 = arith.constant 0 : i32
      %dma_start3A_1004 = tpu.memref_slice %arg4[%add3A_254, %dma_start3A_1003] : memref<128x128xi32, #tpu.memory_space<hbm>> -> memref<1x128xi32, #tpu.memory_space<hbm>>
      %dma_start3A_1005 = tpu.memref_squeeze %dma_start3A_1004 : memref<1x128xi32, #tpu.memory_space<hbm>> -> memref<128xi32, #tpu.memory_space<hbm>>
      tpu.enqueue_dma source(%arg8 : memref<128xi32, #tpu.memory_space<vmem>>) target(%dma_start3A_1005 : memref<128xi32, #tpu.memory_space<hbm>>) target_semaphore(%run_scoped3A : memref<!tpu.dma_semaphore, #tpu.memory_space<semaphore_mem>>)
      %dma_wait3A_1006 = arith.constant 0 : i32
      %dma_wait3A_1007 = tpu.memref_slice %arg4[%add3A_254, %dma_wait3A_1006] : memref<128x128xi32, #tpu.memory_space<hbm>> -> memref<1x128xi32, #tpu.memory_space<hbm>>
      %dma_wait3A_1008 = tpu.memref_squeeze %dma_wait3A_1007 : memref<1x128xi32, #tpu.memory_space<hbm>> -> memref<128xi32, #tpu.memory_space<hbm>>
      %dma_wait3A_1009 = arith.constant 0 : i32
      %dma_wait3A_1010 = tpu.memref_slice %arg4[%add3A_254, %dma_wait3A_1009] : memref<128x128xi32, #tpu.memory_space<hbm>> -> memref<1x128xi32, #tpu.memory_space<hbm>>
      %dma_wait3A_1011 = tpu.memref_squeeze %dma_wait3A_1010 : memref<1x128xi32, #tpu.memory_space<hbm>> -> memref<128xi32, #tpu.memory_space<hbm>>
      tpu.wait_dma2 semaphore(%run_scoped3A : memref<!tpu.dma_semaphore, #tpu.memory_space<semaphore_mem>>) src(%arg8 : memref<128xi32, #tpu.memory_space<vmem>>) dst(%dma_wait3A_1011 : memref<128xi32, #tpu.memory_space<hbm>>)
      tpu.yield
    }) : () -> ()
    %mul3A_255 = arith.constant 4 : i32
    %mul3A_256 = arith.muli %add3A, %mul3A_255 : i32
    %add3A_257 = arith.constant 1 : i32
    %add3A_258 = arith.addi %mul3A_256, %add3A_257 : i32
    %dma_start3A_259 = arith.constant 0 : i32
    %dma_start3A_260 = tpu.memref_slice %arg6[%dma_start3A_259] : memref<32768xf32, #tpu.memory_space<vmem>> -> memref<32768xf32, #tpu.memory_space<vmem>>
    %dma_start3A_261 = arith.constant 32768 : i32
    %dma_start3A_262 = tpu.memref_slice %arg2[%add3A_258, %dma_start3A_261] : memref<128x100000xf32, #tpu.memory_space<hbm>> -> memref<1x32768xf32, #tpu.memory_space<hbm>>
    %dma_start3A_263 = tpu.memref_squeeze %dma_start3A_262 : memref<1x32768xf32, #tpu.memory_space<hbm>> -> memref<32768xf32, #tpu.memory_space<hbm>>
    %dma_start3A_264 = arith.constant 0 : i32
    %dma_start3A_265 = tpu.memref_slice %arg6[%dma_start3A_264] : memref<32768xf32, #tpu.memory_space<vmem>> -> memref<32768xf32, #tpu.memory_space<vmem>>
    %dma_start3A_266 = arith.constant 32768 : i32
    %dma_start3A_267 = tpu.memref_slice %arg2[%add3A_258, %dma_start3A_266] : memref<128x100000xf32, #tpu.memory_space<hbm>> -> memref<1x32768xf32, #tpu.memory_space<hbm>>
    %dma_start3A_268 = tpu.memref_squeeze %dma_start3A_267 : memref<1x32768xf32, #tpu.memory_space<hbm>> -> memref<32768xf32, #tpu.memory_space<hbm>>
    tpu.enqueue_dma source(%dma_start3A_268 : memref<32768xf32, #tpu.memory_space<hbm>>) target(%dma_start3A_265 : memref<32768xf32, #tpu.memory_space<vmem>>) target_semaphore(%arg12 : memref<!tpu.dma_semaphore, #tpu.memory_space<semaphore_mem>>)
    %dma_wait3A_269 = arith.constant 0 : i32
    %dma_wait3A_270 = tpu.memref_slice %arg5[%dma_wait3A_269] : memref<32768xf32, #tpu.memory_space<vmem>> -> memref<32768xf32, #tpu.memory_space<vmem>>
    %dma_wait3A_271 = arith.constant 0 : i32
    %dma_wait3A_272 = tpu.memref_slice %arg2[%add3A_114, %dma_wait3A_271] : memref<128x100000xf32, #tpu.memory_space<hbm>> -> memref<1x32768xf32, #tpu.memory_space<hbm>>
    %dma_wait3A_273 = tpu.memref_squeeze %dma_wait3A_272 : memref<1x32768xf32, #tpu.memory_space<hbm>> -> memref<32768xf32, #tpu.memory_space<hbm>>
    %dma_wait3A_274 = arith.constant 0 : i32
    %dma_wait3A_275 = tpu.memref_slice %arg5[%dma_wait3A_274] : memref<32768xf32, #tpu.memory_space<vmem>> -> memref<32768xf32, #tpu.memory_space<vmem>>
    %dma_wait3A_276 = arith.constant 0 : i32
    %dma_wait3A_277 = tpu.memref_slice %arg2[%add3A_114, %dma_wait3A_276] : memref<128x100000xf32, #tpu.memory_space<hbm>> -> memref<1x32768xf32, #tpu.memory_space<hbm>>
    %dma_wait3A_278 = tpu.memref_squeeze %dma_wait3A_277 : memref<1x32768xf32, #tpu.memory_space<hbm>> -> memref<32768xf32, #tpu.memory_space<hbm>>
    tpu.wait_dma2 semaphore(%arg11 : memref<!tpu.dma_semaphore, #tpu.memory_space<semaphore_mem>>) src(%dma_wait3A_278 : memref<32768xf32, #tpu.memory_space<hbm>>) dst(%dma_wait3A_275 : memref<32768xf32, #tpu.memory_space<vmem>>)
    %broadcast_in_dim3A_279 = arith.constant 0xFF800000 : f32
    %broadcast_in_dim3A_280 = vector.broadcast %broadcast_in_dim3A_279 : f32 to vector<16xf32>
    %broadcast_in_dim3A_281 = arith.constant 0 : i32
    %broadcast_in_dim3A_282 = vector.broadcast %broadcast_in_dim3A_281 : i32 to vector<16xi32>
    %broadcast_in_dim3A_283 = arith.constant 0xFF800000 : f32
    %broadcast_in_dim3A_284 = vector.broadcast %broadcast_in_dim3A_283 : f32 to vector<16xf32>
    %broadcast_in_dim3A_285 = arith.constant 0 : i32
    %broadcast_in_dim3A_286 = vector.broadcast %broadcast_in_dim3A_285 : i32 to vector<16xi32>
    %broadcast_in_dim3A_287 = arith.constant 0xFF800000 : f32
    %broadcast_in_dim3A_288 = vector.broadcast %broadcast_in_dim3A_287 : f32 to vector<16xf32>
    %broadcast_in_dim3A_289 = arith.constant 0 : i32
    %broadcast_in_dim3A_290 = vector.broadcast %broadcast_in_dim3A_289 : i32 to vector<16xi32>
    %broadcast_in_dim3A_291 = arith.constant 0xFF800000 : f32
    %broadcast_in_dim3A_292 = vector.broadcast %broadcast_in_dim3A_291 : f32 to vector<16xf32>
    %broadcast_in_dim3A_293 = arith.constant 0 : i32
    %broadcast_in_dim3A_294 = vector.broadcast %broadcast_in_dim3A_293 : i32 to vector<16xi32>
    %parallel_loop3A_295 = arith.constant 0 : i32
    %parallel_loop3A_296 = arith.constant 512 : i32
    %parallel_loop3A_297 = arith.constant 1 : i32
    %parallel_loop3A_298:8 = scf.for %parallel_loop3A_1000 = %parallel_loop3A_295 to %parallel_loop3A_296 step %parallel_loop3A_297 iter_args(%parallel_loop3A_1001 = %broadcast_in_dim3A_280, %parallel_loop3A_1002 = %broadcast_in_dim3A_282, %parallel_loop3A_1003 = %broadcast_in_dim3A_284, %parallel_loop3A_1004 = %broadcast_in_dim3A_286, %parallel_loop3A_1005 = %broadcast_in_dim3A_288, %parallel_loop3A_1006 = %broadcast_in_dim3A_290, %parallel_loop3A_1007 = %broadcast_in_dim3A_292, %parallel_loop3A_1008 = %broadcast_in_dim3A_294) -> (vector<16xf32>, vector<16xi32>, vector<16xf32>, vector<16xi32>, vector<16xf32>, vector<16xi32>, vector<16xf32>, vector<16xi32>)  : i32 {
      %parallel_loop3A_1009 = arith.constant 64 : i32
      %parallel_loop3A_1010 = arith.muli %parallel_loop3A_1000, %parallel_loop3A_1009 : i32
      %parallel_loop3A_1011 = arith.constant 0 : i32
      %parallel_loop3A_1012 = arith.addi %parallel_loop3A_1010, %parallel_loop3A_1011 : i32
      %parallel_loop3A_1013 = arith.index_cast %parallel_loop3A_1012 : i32 to index
      %parallel_loop3A_1014 = tpu.vector_load %arg5[%parallel_loop3A_1013] {strides = array<i32>} : memref<32768xf32, #tpu.memory_space<vmem>>, vector<16xf32>,
      %parallel_loop3A_1015 = arith.cmpf ogt, %parallel_loop3A_1014, %parallel_loop3A_1001 : vector<16xf32>
      %parallel_loop3A_1016 = arith.constant 0 : i32
      %parallel_loop3A_1017 = arith.addi %parallel_loop3A_1016, %parallel_loop3A_1012 : i32
      %parallel_loop3A_1018 = vector.broadcast %parallel_loop3A_1017 : i32 to vector<16xi32>
      %parallel_loop3A_1019 = arith.select %parallel_loop3A_1015, %parallel_loop3A_1018, %parallel_loop3A_1002 : vector<16xi1>, vector<16xi32>
      %parallel_loop3A_1020 = arith.select %parallel_loop3A_1015, %parallel_loop3A_1014, %parallel_loop3A_1001 : vector<16xi1>, vector<16xf32>
      %parallel_loop3A_1021 = arith.constant 64 : i32
      %parallel_loop3A_1022 = arith.muli %parallel_loop3A_1000, %parallel_loop3A_1021 : i32
      %parallel_loop3A_1023 = arith.constant 16 : i32
      %parallel_loop3A_1024 = arith.addi %parallel_loop3A_1022, %parallel_loop3A_1023 : i32
      %parallel_loop3A_1025 = arith.index_cast %parallel_loop3A_1024 : i32 to index
      %parallel_loop3A_1026 = tpu.vector_load %arg5[%parallel_loop3A_1025] {strides = array<i32>} : memref<32768xf32, #tpu.memory_space<vmem>>, vector<16xf32>,
      %parallel_loop3A_1027 = arith.cmpf ogt, %parallel_loop3A_1026, %parallel_loop3A_1003 : vector<16xf32>
      %parallel_loop3A_1028 = arith.constant 0 : i32
      %parallel_loop3A_1029 = arith.addi %parallel_loop3A_1028, %parallel_loop3A_1024 : i32
      %parallel_loop3A_1030 = vector.broadcast %parallel_loop3A_1029 : i32 to vector<16xi32>
      %parallel_loop3A_1031 = arith.select %parallel_loop3A_1027, %parallel_loop3A_1030, %parallel_loop3A_1004 : vector<16xi1>, vector<16xi32>
      %parallel_loop3A_1032 = arith.select %parallel_loop3A_1027, %parallel_loop3A_1026, %parallel_loop3A_1003 : vector<16xi1>, vector<16xf32>
      %parallel_loop3A_1033 = arith.constant 64 : i32
      %parallel_loop3A_1034 = arith.muli %parallel_loop3A_1000, %parallel_loop3A_1033 : i32
      %parallel_loop3A_1035 = arith.constant 32 : i32
      %parallel_loop3A_1036 = arith.addi %parallel_loop3A_1034, %parallel_loop3A_1035 : i32
      %parallel_loop3A_1037 = arith.index_cast %parallel_loop3A_1036 : i32 to index
      %parallel_loop3A_1038 = tpu.vector_load %arg5[%parallel_loop3A_1037] {strides = array<i32>} : memref<32768xf32, #tpu.memory_space<vmem>>, vector<16xf32>,
      %parallel_loop3A_1039 = arith.cmpf ogt, %parallel_loop3A_1038, %parallel_loop3A_1005 : vector<16xf32>
      %parallel_loop3A_1040 = arith.constant 0 : i32
      %parallel_loop3A_1041 = arith.addi %parallel_loop3A_1040, %parallel_loop3A_1036 : i32
      %parallel_loop3A_1042 = vector.broadcast %parallel_loop3A_1041 : i32 to vector<16xi32>
      %parallel_loop3A_1043 = arith.select %parallel_loop3A_1039, %parallel_loop3A_1042, %parallel_loop3A_1006 : vector<16xi1>, vector<16xi32>
      %parallel_loop3A_1044 = arith.select %parallel_loop3A_1039, %parallel_loop3A_1038, %parallel_loop3A_1005 : vector<16xi1>, vector<16xf32>
      %parallel_loop3A_1045 = arith.constant 64 : i32
      %parallel_loop3A_1046 = arith.muli %parallel_loop3A_1000, %parallel_loop3A_1045 : i32
      %parallel_loop3A_1047 = arith.constant 48 : i32
      %parallel_loop3A_1048 = arith.addi %parallel_loop3A_1046, %parallel_loop3A_1047 : i32
      %parallel_loop3A_1049 = arith.index_cast %parallel_loop3A_1048 : i32 to index
      %parallel_loop3A_1050 = tpu.vector_load %arg5[%parallel_loop3A_1049] {strides = array<i32>} : memref<32768xf32, #tpu.memory_space<vmem>>, vector<16xf32>,
      %parallel_loop3A_1051 = arith.cmpf ogt, %parallel_loop3A_1050, %parallel_loop3A_1007 : vector<16xf32>
      %parallel_loop3A_1052 = arith.constant 0 : i32
      %parallel_loop3A_1053 = arith.addi %parallel_loop3A_1052, %parallel_loop3A_1048 : i32
      %parallel_loop3A_1054 = vector.broadcast %parallel_loop3A_1053 : i32 to vector<16xi32>
      %parallel_loop3A_1055 = arith.select %parallel_loop3A_1051, %parallel_loop3A_1054, %parallel_loop3A_1008 : vector<16xi1>, vector<16xi32>
      %parallel_loop3A_1056 = arith.select %parallel_loop3A_1051, %parallel_loop3A_1050, %parallel_loop3A_1007 : vector<16xi1>, vector<16xf32>
      scf.yield %parallel_loop3A_1020, %parallel_loop3A_1019, %parallel_loop3A_1032, %parallel_loop3A_1031, %parallel_loop3A_1044, %parallel_loop3A_1043, %parallel_loop3A_1056, %parallel_loop3A_1055 : vector<16xf32>, vector<16xi32>, vector<16xf32>, vector<16xi32>, vector<16xf32>, vector<16xi32>, vector<16xf32>, vector<16xi32>
    } {sc.loop_unroll_factor = 4 : i64, sc.parallel_access}
    %mul3A_299 = arith.constant 4 : i32
    %mul3A_300 = arith.muli %add3A, %mul3A_299 : i32
    %add3A_301 = arith.constant 1 : i32
    %add3A_302 = arith.addi %mul3A_300, %add3A_301 : i32
    %dma_start3A_303 = arith.constant 0 : i32
    %dma_start3A_304 = tpu.memref_slice %arg5[%dma_start3A_303] : memref<32768xf32, #tpu.memory_space<vmem>> -> memref<32768xf32, #tpu.memory_space<vmem>>
    %dma_start3A_305 = arith.constant 65536 : i32
    %dma_start3A_306 = tpu.memref_slice %arg2[%add3A_302, %dma_start3A_305] : memref<128x100000xf32, #tpu.memory_space<hbm>> -> memref<1x32768xf32, #tpu.memory_space<hbm>>
    %dma_start3A_307 = tpu.memref_squeeze %dma_start3A_306 : memref<1x32768xf32, #tpu.memory_space<hbm>> -> memref<32768xf32, #tpu.memory_space<hbm>>
    %dma_start3A_308 = arith.constant 0 : i32
    %dma_start3A_309 = tpu.memref_slice %arg5[%dma_start3A_308] : memref<32768xf32, #tpu.memory_space<vmem>> -> memref<32768xf32, #tpu.memory_space<vmem>>
    %dma_start3A_310 = arith.constant 65536 : i32
    %dma_start3A_311 = tpu.memref_slice %arg2[%add3A_302, %dma_start3A_310] : memref<128x100000xf32, #tpu.memory_space<hbm>> -> memref<1x32768xf32, #tpu.memory_space<hbm>>
    %dma_start3A_312 = tpu.memref_squeeze %dma_start3A_311 : memref<1x32768xf32, #tpu.memory_space<hbm>> -> memref<32768xf32, #tpu.memory_space<hbm>>
    tpu.enqueue_dma source(%dma_start3A_312 : memref<32768xf32, #tpu.memory_space<hbm>>) target(%dma_start3A_309 : memref<32768xf32, #tpu.memory_space<vmem>>) target_semaphore(%arg11 : memref<!tpu.dma_semaphore, #tpu.memory_space<semaphore_mem>>)
    %dma_wait3A_313 = arith.constant 0 : i32
    %dma_wait3A_314 = tpu.memref_slice %arg6[%dma_wait3A_313] : memref<32768xf32, #tpu.memory_space<vmem>> -> memref<32768xf32, #tpu.memory_space<vmem>>
    %dma_wait3A_315 = arith.constant 32768 : i32
    %dma_wait3A_316 = tpu.memref_slice %arg2[%add3A_258, %dma_wait3A_315] : memref<128x100000xf32, #tpu.memory_space<hbm>> -> memref<1x32768xf32, #tpu.memory_space<hbm>>
    %dma_wait3A_317 = tpu.memref_squeeze %dma_wait3A_316 : memref<1x32768xf32, #tpu.memory_space<hbm>> -> memref<32768xf32, #tpu.memory_space<hbm>>
    %dma_wait3A_318 = arith.constant 0 : i32
    %dma_wait3A_319 = tpu.memref_slice %arg6[%dma_wait3A_318] : memref<32768xf32, #tpu.memory_space<vmem>> -> memref<32768xf32, #tpu.memory_space<vmem>>
    %dma_wait3A_320 = arith.constant 32768 : i32
    %dma_wait3A_321 = tpu.memref_slice %arg2[%add3A_258, %dma_wait3A_320] : memref<128x100000xf32, #tpu.memory_space<hbm>> -> memref<1x32768xf32, #tpu.memory_space<hbm>>
    %dma_wait3A_322 = tpu.memref_squeeze %dma_wait3A_321 : memref<1x32768xf32, #tpu.memory_space<hbm>> -> memref<32768xf32, #tpu.memory_space<hbm>>
    tpu.wait_dma2 semaphore(%arg12 : memref<!tpu.dma_semaphore, #tpu.memory_space<semaphore_mem>>) src(%dma_wait3A_322 : memref<32768xf32, #tpu.memory_space<hbm>>) dst(%dma_wait3A_319 : memref<32768xf32, #tpu.memory_space<vmem>>)
    %parallel_loop3A_323 = arith.constant 0 : i32
    %parallel_loop3A_324 = arith.constant 512 : i32
    %parallel_loop3A_325 = arith.constant 1 : i32
    %parallel_loop3A_326:8 = scf.for %parallel_loop3A_1000 = %parallel_loop3A_323 to %parallel_loop3A_324 step %parallel_loop3A_325 iter_args(%parallel_loop3A_1001 = %parallel_loop3A_298#0, %parallel_loop3A_1002 = %parallel_loop3A_298#1, %parallel_loop3A_1003 = %parallel_loop3A_298#2, %parallel_loop3A_1004 = %parallel_loop3A_298#3, %parallel_loop3A_1005 = %parallel_loop3A_298#4, %parallel_loop3A_1006 = %parallel_loop3A_298#5, %parallel_loop3A_1007 = %parallel_loop3A_298#6, %parallel_loop3A_1008 = %parallel_loop3A_298#7) -> (vector<16xf32>, vector<16xi32>, vector<16xf32>, vector<16xi32>, vector<16xf32>, vector<16xi32>, vector<16xf32>, vector<16xi32>)  : i32 {
      %parallel_loop3A_1009 = arith.constant 64 : i32
      %parallel_loop3A_1010 = arith.muli %parallel_loop3A_1000, %parallel_loop3A_1009 : i32
      %parallel_loop3A_1011 = arith.constant 0 : i32
      %parallel_loop3A_1012 = arith.addi %parallel_loop3A_1010, %parallel_loop3A_1011 : i32
      %parallel_loop3A_1013 = arith.index_cast %parallel_loop3A_1012 : i32 to index
      %parallel_loop3A_1014 = tpu.vector_load %arg6[%parallel_loop3A_1013] {strides = array<i32>} : memref<32768xf32, #tpu.memory_space<vmem>>, vector<16xf32>,
      %parallel_loop3A_1015 = arith.cmpf ogt, %parallel_loop3A_1014, %parallel_loop3A_1001 : vector<16xf32>
      %parallel_loop3A_1016 = arith.constant 32768 : i32
      %parallel_loop3A_1017 = arith.addi %parallel_loop3A_1016, %parallel_loop3A_1012 : i32
      %parallel_loop3A_1018 = vector.broadcast %parallel_loop3A_1017 : i32 to vector<16xi32>
      %parallel_loop3A_1019 = arith.select %parallel_loop3A_1015, %parallel_loop3A_1018, %parallel_loop3A_1002 : vector<16xi1>, vector<16xi32>
      %parallel_loop3A_1020 = arith.select %parallel_loop3A_1015, %parallel_loop3A_1014, %parallel_loop3A_1001 : vector<16xi1>, vector<16xf32>
      %parallel_loop3A_1021 = arith.constant 64 : i32
      %parallel_loop3A_1022 = arith.muli %parallel_loop3A_1000, %parallel_loop3A_1021 : i32
      %parallel_loop3A_1023 = arith.constant 16 : i32
      %parallel_loop3A_1024 = arith.addi %parallel_loop3A_1022, %parallel_loop3A_1023 : i32
      %parallel_loop3A_1025 = arith.index_cast %parallel_loop3A_1024 : i32 to index
      %parallel_loop3A_1026 = tpu.vector_load %arg6[%parallel_loop3A_1025] {strides = array<i32>} : memref<32768xf32, #tpu.memory_space<vmem>>, vector<16xf32>,
      %parallel_loop3A_1027 = arith.cmpf ogt, %parallel_loop3A_1026, %parallel_loop3A_1003 : vector<16xf32>
      %parallel_loop3A_1028 = arith.constant 32768 : i32
      %parallel_loop3A_1029 = arith.addi %parallel_loop3A_1028, %parallel_loop3A_1024 : i32
      %parallel_loop3A_1030 = vector.broadcast %parallel_loop3A_1029 : i32 to vector<16xi32>
      %parallel_loop3A_1031 = arith.select %parallel_loop3A_1027, %parallel_loop3A_1030, %parallel_loop3A_1004 : vector<16xi1>, vector<16xi32>
      %parallel_loop3A_1032 = arith.select %parallel_loop3A_1027, %parallel_loop3A_1026, %parallel_loop3A_1003 : vector<16xi1>, vector<16xf32>
      %parallel_loop3A_1033 = arith.constant 64 : i32
      %parallel_loop3A_1034 = arith.muli %parallel_loop3A_1000, %parallel_loop3A_1033 : i32
      %parallel_loop3A_1035 = arith.constant 32 : i32
      %parallel_loop3A_1036 = arith.addi %parallel_loop3A_1034, %parallel_loop3A_1035 : i32
      %parallel_loop3A_1037 = arith.index_cast %parallel_loop3A_1036 : i32 to index
      %parallel_loop3A_1038 = tpu.vector_load %arg6[%parallel_loop3A_1037] {strides = array<i32>} : memref<32768xf32, #tpu.memory_space<vmem>>, vector<16xf32>,
      %parallel_loop3A_1039 = arith.cmpf ogt, %parallel_loop3A_1038, %parallel_loop3A_1005 : vector<16xf32>
      %parallel_loop3A_1040 = arith.constant 32768 : i32
      %parallel_loop3A_1041 = arith.addi %parallel_loop3A_1040, %parallel_loop3A_1036 : i32
      %parallel_loop3A_1042 = vector.broadcast %parallel_loop3A_1041 : i32 to vector<16xi32>
      %parallel_loop3A_1043 = arith.select %parallel_loop3A_1039, %parallel_loop3A_1042, %parallel_loop3A_1006 : vector<16xi1>, vector<16xi32>
      %parallel_loop3A_1044 = arith.select %parallel_loop3A_1039, %parallel_loop3A_1038, %parallel_loop3A_1005 : vector<16xi1>, vector<16xf32>
      %parallel_loop3A_1045 = arith.constant 64 : i32
      %parallel_loop3A_1046 = arith.muli %parallel_loop3A_1000, %parallel_loop3A_1045 : i32
      %parallel_loop3A_1047 = arith.constant 48 : i32
      %parallel_loop3A_1048 = arith.addi %parallel_loop3A_1046, %parallel_loop3A_1047 : i32
      %parallel_loop3A_1049 = arith.index_cast %parallel_loop3A_1048 : i32 to index
      %parallel_loop3A_1050 = tpu.vector_load %arg6[%parallel_loop3A_1049] {strides = array<i32>} : memref<32768xf32, #tpu.memory_space<vmem>>, vector<16xf32>,
      %parallel_loop3A_1051 = arith.cmpf ogt, %parallel_loop3A_1050, %parallel_loop3A_1007 : vector<16xf32>
      %parallel_loop3A_1052 = arith.constant 32768 : i32
      %parallel_loop3A_1053 = arith.addi %parallel_loop3A_1052, %parallel_loop3A_1048 : i32
      %parallel_loop3A_1054 = vector.broadcast %parallel_loop3A_1053 : i32 to vector<16xi32>
      %parallel_loop3A_1055 = arith.select %parallel_loop3A_1051, %parallel_loop3A_1054, %parallel_loop3A_1008 : vector<16xi1>, vector<16xi32>
      %parallel_loop3A_1056 = arith.select %parallel_loop3A_1051, %parallel_loop3A_1050, %parallel_loop3A_1007 : vector<16xi1>, vector<16xf32>
      scf.yield %parallel_loop3A_1020, %parallel_loop3A_1019, %parallel_loop3A_1032, %parallel_loop3A_1031, %parallel_loop3A_1044, %parallel_loop3A_1043, %parallel_loop3A_1056, %parallel_loop3A_1055 : vector<16xf32>, vector<16xi32>, vector<16xf32>, vector<16xi32>, vector<16xf32>, vector<16xi32>, vector<16xf32>, vector<16xi32>
    } {sc.loop_unroll_factor = 4 : i64, sc.parallel_access}
    %mul3A_327 = arith.constant 4 : i32
    %mul3A_328 = arith.muli %add3A, %mul3A_327 : i32
    %add3A_329 = arith.constant 1 : i32
    %add3A_330 = arith.addi %mul3A_328, %add3A_329 : i32
    %dma_start3A_331 = arith.constant 0 : i32
    %dma_start3A_332 = tpu.memref_slice %arg6[%dma_start3A_331] : memref<32768xf32, #tpu.memory_space<vmem>> -> memref<1536xf32, #tpu.memory_space<vmem>>
    %dma_start3A_333 = arith.constant 98304 : i32
    %dma_start3A_334 = tpu.memref_slice %arg2[%add3A_330, %dma_start3A_333] : memref<128x100000xf32, #tpu.memory_space<hbm>> -> memref<1x1536xf32, #tpu.memory_space<hbm>>
    %dma_start3A_335 = tpu.memref_squeeze %dma_start3A_334 : memref<1x1536xf32, #tpu.memory_space<hbm>> -> memref<1536xf32, #tpu.memory_space<hbm>>
    %dma_start3A_336 = arith.constant 0 : i32
    %dma_start3A_337 = tpu.memref_slice %arg6[%dma_start3A_336] : memref<32768xf32, #tpu.memory_space<vmem>> -> memref<1536xf32, #tpu.memory_space<vmem>>
    %dma_start3A_338 = arith.constant 98304 : i32
    %dma_start3A_339 = tpu.memref_slice %arg2[%add3A_330, %dma_start3A_338] : memref<128x100000xf32, #tpu.memory_space<hbm>> -> memref<1x1536xf32, #tpu.memory_space<hbm>>
    %dma_start3A_340 = tpu.memref_squeeze %dma_start3A_339 : memref<1x1536xf32, #tpu.memory_space<hbm>> -> memref<1536xf32, #tpu.memory_space<hbm>>
    tpu.enqueue_dma source(%dma_start3A_340 : memref<1536xf32, #tpu.memory_space<hbm>>) target(%dma_start3A_337 : memref<1536xf32, #tpu.memory_space<vmem>>) target_semaphore(%arg12 : memref<!tpu.dma_semaphore, #tpu.memory_space<semaphore_mem>>)
    %dma_wait3A_341 = arith.constant 0 : i32
    %dma_wait3A_342 = tpu.memref_slice %arg5[%dma_wait3A_341] : memref<32768xf32, #tpu.memory_space<vmem>> -> memref<32768xf32, #tpu.memory_space<vmem>>
    %dma_wait3A_343 = arith.constant 65536 : i32
    %dma_wait3A_344 = tpu.memref_slice %arg2[%add3A_302, %dma_wait3A_343] : memref<128x100000xf32, #tpu.memory_space<hbm>> -> memref<1x32768xf32, #tpu.memory_space<hbm>>
    %dma_wait3A_345 = tpu.memref_squeeze %dma_wait3A_344 : memref<1x32768xf32, #tpu.memory_space<hbm>> -> memref<32768xf32, #tpu.memory_space<hbm>>
    %dma_wait3A_346 = arith.constant 0 : i32
    %dma_wait3A_347 = tpu.memref_slice %arg5[%dma_wait3A_346] : memref<32768xf32, #tpu.memory_space<vmem>> -> memref<32768xf32, #tpu.memory_space<vmem>>
    %dma_wait3A_348 = arith.constant 65536 : i32
    %dma_wait3A_349 = tpu.memref_slice %arg2[%add3A_302, %dma_wait3A_348] : memref<128x100000xf32, #tpu.memory_space<hbm>> -> memref<1x32768xf32, #tpu.memory_space<hbm>>
    %dma_wait3A_350 = tpu.memref_squeeze %dma_wait3A_349 : memref<1x32768xf32, #tpu.memory_space<hbm>> -> memref<32768xf32, #tpu.memory_space<hbm>>
    tpu.wait_dma2 semaphore(%arg11 : memref<!tpu.dma_semaphore, #tpu.memory_space<semaphore_mem>>) src(%dma_wait3A_350 : memref<32768xf32, #tpu.memory_space<hbm>>) dst(%dma_wait3A_347 : memref<32768xf32, #tpu.memory_space<vmem>>)
    %parallel_loop3A_351 = arith.constant 0 : i32
    %parallel_loop3A_352 = arith.constant 512 : i32
    %parallel_loop3A_353 = arith.constant 1 : i32
    %parallel_loop3A_354:8 = scf.for %parallel_loop3A_1000 = %parallel_loop3A_351 to %parallel_loop3A_352 step %parallel_loop3A_353 iter_args(%parallel_loop3A_1001 = %parallel_loop3A_326#0, %parallel_loop3A_1002 = %parallel_loop3A_326#1, %parallel_loop3A_1003 = %parallel_loop3A_326#2, %parallel_loop3A_1004 = %parallel_loop3A_326#3, %parallel_loop3A_1005 = %parallel_loop3A_326#4, %parallel_loop3A_1006 = %parallel_loop3A_326#5, %parallel_loop3A_1007 = %parallel_loop3A_326#6, %parallel_loop3A_1008 = %parallel_loop3A_326#7) -> (vector<16xf32>, vector<16xi32>, vector<16xf32>, vector<16xi32>, vector<16xf32>, vector<16xi32>, vector<16xf32>, vector<16xi32>)  : i32 {
      %parallel_loop3A_1009 = arith.constant 64 : i32
      %parallel_loop3A_1010 = arith.muli %parallel_loop3A_1000, %parallel_loop3A_1009 : i32
      %parallel_loop3A_1011 = arith.constant 0 : i32
      %parallel_loop3A_1012 = arith.addi %parallel_loop3A_1010, %parallel_loop3A_1011 : i32
      %parallel_loop3A_1013 = arith.index_cast %parallel_loop3A_1012 : i32 to index
      %parallel_loop3A_1014 = tpu.vector_load %arg5[%parallel_loop3A_1013] {strides = array<i32>} : memref<32768xf32, #tpu.memory_space<vmem>>, vector<16xf32>,
      %parallel_loop3A_1015 = arith.cmpf ogt, %parallel_loop3A_1014, %parallel_loop3A_1001 : vector<16xf32>
      %parallel_loop3A_1016 = arith.constant 65536 : i32
      %parallel_loop3A_1017 = arith.addi %parallel_loop3A_1016, %parallel_loop3A_1012 : i32
      %parallel_loop3A_1018 = vector.broadcast %parallel_loop3A_1017 : i32 to vector<16xi32>
      %parallel_loop3A_1019 = arith.select %parallel_loop3A_1015, %parallel_loop3A_1018, %parallel_loop3A_1002 : vector<16xi1>, vector<16xi32>
      %parallel_loop3A_1020 = arith.select %parallel_loop3A_1015, %parallel_loop3A_1014, %parallel_loop3A_1001 : vector<16xi1>, vector<16xf32>
      %parallel_loop3A_1021 = arith.constant 64 : i32
      %parallel_loop3A_1022 = arith.muli %parallel_loop3A_1000, %parallel_loop3A_1021 : i32
      %parallel_loop3A_1023 = arith.constant 16 : i32
      %parallel_loop3A_1024 = arith.addi %parallel_loop3A_1022, %parallel_loop3A_1023 : i32
      %parallel_loop3A_1025 = arith.index_cast %parallel_loop3A_1024 : i32 to index
      %parallel_loop3A_1026 = tpu.vector_load %arg5[%parallel_loop3A_1025] {strides = array<i32>} : memref<32768xf32, #tpu.memory_space<vmem>>, vector<16xf32>,
      %parallel_loop3A_1027 = arith.cmpf ogt, %parallel_loop3A_1026, %parallel_loop3A_1003 : vector<16xf32>
      %parallel_loop3A_1028 = arith.constant 65536 : i32
      %parallel_loop3A_1029 = arith.addi %parallel_loop3A_1028, %parallel_loop3A_1024 : i32
      %parallel_loop3A_1030 = vector.broadcast %parallel_loop3A_1029 : i32 to vector<16xi32>
      %parallel_loop3A_1031 = arith.select %parallel_loop3A_1027, %parallel_loop3A_1030, %parallel_loop3A_1004 : vector<16xi1>, vector<16xi32>
      %parallel_loop3A_1032 = arith.select %parallel_loop3A_1027, %parallel_loop3A_1026, %parallel_loop3A_1003 : vector<16xi1>, vector<16xf32>
      %parallel_loop3A_1033 = arith.constant 64 : i32
      %parallel_loop3A_1034 = arith.muli %parallel_loop3A_1000, %parallel_loop3A_1033 : i32
      %parallel_loop3A_1035 = arith.constant 32 : i32
      %parallel_loop3A_1036 = arith.addi %parallel_loop3A_1034, %parallel_loop3A_1035 : i32
      %parallel_loop3A_1037 = arith.index_cast %parallel_loop3A_1036 : i32 to index
      %parallel_loop3A_1038 = tpu.vector_load %arg5[%parallel_loop3A_1037] {strides = array<i32>} : memref<32768xf32, #tpu.memory_space<vmem>>, vector<16xf32>,
      %parallel_loop3A_1039 = arith.cmpf ogt, %parallel_loop3A_1038, %parallel_loop3A_1005 : vector<16xf32>
      %parallel_loop3A_1040 = arith.constant 65536 : i32
      %parallel_loop3A_1041 = arith.addi %parallel_loop3A_1040, %parallel_loop3A_1036 : i32
      %parallel_loop3A_1042 = vector.broadcast %parallel_loop3A_1041 : i32 to vector<16xi32>
      %parallel_loop3A_1043 = arith.select %parallel_loop3A_1039, %parallel_loop3A_1042, %parallel_loop3A_1006 : vector<16xi1>, vector<16xi32>
      %parallel_loop3A_1044 = arith.select %parallel_loop3A_1039, %parallel_loop3A_1038, %parallel_loop3A_1005 : vector<16xi1>, vector<16xf32>
      %parallel_loop3A_1045 = arith.constant 64 : i32
      %parallel_loop3A_1046 = arith.muli %parallel_loop3A_1000, %parallel_loop3A_1045 : i32
      %parallel_loop3A_1047 = arith.constant 48 : i32
      %parallel_loop3A_1048 = arith.addi %parallel_loop3A_1046, %parallel_loop3A_1047 : i32
      %parallel_loop3A_1049 = arith.index_cast %parallel_loop3A_1048 : i32 to index
      %parallel_loop3A_1050 = tpu.vector_load %arg5[%parallel_loop3A_1049] {strides = array<i32>} : memref<32768xf32, #tpu.memory_space<vmem>>, vector<16xf32>,
      %parallel_loop3A_1051 = arith.cmpf ogt, %parallel_loop3A_1050, %parallel_loop3A_1007 : vector<16xf32>
      %parallel_loop3A_1052 = arith.constant 65536 : i32
      %parallel_loop3A_1053 = arith.addi %parallel_loop3A_1052, %parallel_loop3A_1048 : i32
      %parallel_loop3A_1054 = vector.broadcast %parallel_loop3A_1053 : i32 to vector<16xi32>
      %parallel_loop3A_1055 = arith.select %parallel_loop3A_1051, %parallel_loop3A_1054, %parallel_loop3A_1008 : vector<16xi1>, vector<16xi32>
      %parallel_loop3A_1056 = arith.select %parallel_loop3A_1051, %parallel_loop3A_1050, %parallel_loop3A_1007 : vector<16xi1>, vector<16xf32>
      scf.yield %parallel_loop3A_1020, %parallel_loop3A_1019, %parallel_loop3A_1032, %parallel_loop3A_1031, %parallel_loop3A_1044, %parallel_loop3A_1043, %parallel_loop3A_1056, %parallel_loop3A_1055 : vector<16xf32>, vector<16xi32>, vector<16xf32>, vector<16xi32>, vector<16xf32>, vector<16xi32>, vector<16xf32>, vector<16xi32>
    } {sc.loop_unroll_factor = 4 : i64, sc.parallel_access}
    %mul3A_355 = arith.constant 4 : i32
    %mul3A_356 = arith.muli %add3A, %mul3A_355 : i32
    %add3A_357 = arith.constant 2 : i32
    %add3A_358 = arith.addi %mul3A_356, %add3A_357 : i32
    %dma_start3A_359 = arith.constant 0 : i32
    %dma_start3A_360 = tpu.memref_slice %arg5[%dma_start3A_359] : memref<32768xf32, #tpu.memory_space<vmem>> -> memref<32768xf32, #tpu.memory_space<vmem>>
    %dma_start3A_361 = arith.constant 0 : i32
    %dma_start3A_362 = tpu.memref_slice %arg2[%add3A_358, %dma_start3A_361] : memref<128x100000xf32, #tpu.memory_space<hbm>> -> memref<1x32768xf32, #tpu.memory_space<hbm>>
    %dma_start3A_363 = tpu.memref_squeeze %dma_start3A_362 : memref<1x32768xf32, #tpu.memory_space<hbm>> -> memref<32768xf32, #tpu.memory_space<hbm>>
    %dma_start3A_364 = arith.constant 0 : i32
    %dma_start3A_365 = tpu.memref_slice %arg5[%dma_start3A_364] : memref<32768xf32, #tpu.memory_space<vmem>> -> memref<32768xf32, #tpu.memory_space<vmem>>
    %dma_start3A_366 = arith.constant 0 : i32
    %dma_start3A_367 = tpu.memref_slice %arg2[%add3A_358, %dma_start3A_366] : memref<128x100000xf32, #tpu.memory_space<hbm>> -> memref<1x32768xf32, #tpu.memory_space<hbm>>
    %dma_start3A_368 = tpu.memref_squeeze %dma_start3A_367 : memref<1x32768xf32, #tpu.memory_space<hbm>> -> memref<32768xf32, #tpu.memory_space<hbm>>
    tpu.enqueue_dma source(%dma_start3A_368 : memref<32768xf32, #tpu.memory_space<hbm>>) target(%dma_start3A_365 : memref<32768xf32, #tpu.memory_space<vmem>>) target_semaphore(%arg11 : memref<!tpu.dma_semaphore, #tpu.memory_space<semaphore_mem>>)
    %dma_wait3A_369 = arith.constant 0 : i32
    %dma_wait3A_370 = tpu.memref_slice %arg6[%dma_wait3A_369] : memref<32768xf32, #tpu.memory_space<vmem>> -> memref<1536xf32, #tpu.memory_space<vmem>>
    %dma_wait3A_371 = arith.constant 98304 : i32
    %dma_wait3A_372 = tpu.memref_slice %arg2[%add3A_330, %dma_wait3A_371] : memref<128x100000xf32, #tpu.memory_space<hbm>> -> memref<1x1536xf32, #tpu.memory_space<hbm>>
    %dma_wait3A_373 = tpu.memref_squeeze %dma_wait3A_372 : memref<1x1536xf32, #tpu.memory_space<hbm>> -> memref<1536xf32, #tpu.memory_space<hbm>>
    %dma_wait3A_374 = arith.constant 0 : i32
    %dma_wait3A_375 = tpu.memref_slice %arg6[%dma_wait3A_374] : memref<32768xf32, #tpu.memory_space<vmem>> -> memref<1536xf32, #tpu.memory_space<vmem>>
    %dma_wait3A_376 = arith.constant 98304 : i32
    %dma_wait3A_377 = tpu.memref_slice %arg2[%add3A_330, %dma_wait3A_376] : memref<128x100000xf32, #tpu.memory_space<hbm>> -> memref<1x1536xf32, #tpu.memory_space<hbm>>
    %dma_wait3A_378 = tpu.memref_squeeze %dma_wait3A_377 : memref<1x1536xf32, #tpu.memory_space<hbm>> -> memref<1536xf32, #tpu.memory_space<hbm>>
    tpu.wait_dma2 semaphore(%arg12 : memref<!tpu.dma_semaphore, #tpu.memory_space<semaphore_mem>>) src(%dma_wait3A_378 : memref<1536xf32, #tpu.memory_space<hbm>>) dst(%dma_wait3A_375 : memref<1536xf32, #tpu.memory_space<vmem>>)
    %parallel_loop3A_379 = arith.constant 0 : i32
    %parallel_loop3A_380 = arith.constant 24 : i32
    %parallel_loop3A_381 = arith.constant 1 : i32
    %parallel_loop3A_382:8 = scf.for %parallel_loop3A_1000 = %parallel_loop3A_379 to %parallel_loop3A_380 step %parallel_loop3A_381 iter_args(%parallel_loop3A_1001 = %parallel_loop3A_354#0, %parallel_loop3A_1002 = %parallel_loop3A_354#1, %parallel_loop3A_1003 = %parallel_loop3A_354#2, %parallel_loop3A_1004 = %parallel_loop3A_354#3, %parallel_loop3A_1005 = %parallel_loop3A_354#4, %parallel_loop3A_1006 = %parallel_loop3A_354#5, %parallel_loop3A_1007 = %parallel_loop3A_354#6, %parallel_loop3A_1008 = %parallel_loop3A_354#7) -> (vector<16xf32>, vector<16xi32>, vector<16xf32>, vector<16xi32>, vector<16xf32>, vector<16xi32>, vector<16xf32>, vector<16xi32>)  : i32 {
      %parallel_loop3A_1009 = arith.constant 64 : i32
      %parallel_loop3A_1010 = arith.muli %parallel_loop3A_1000, %parallel_loop3A_1009 : i32
      %parallel_loop3A_1011 = arith.constant 0 : i32
      %parallel_loop3A_1012 = arith.addi %parallel_loop3A_1010, %parallel_loop3A_1011 : i32
      %parallel_loop3A_1013 = arith.index_cast %parallel_loop3A_1012 : i32 to index
      %parallel_loop3A_1014 = tpu.vector_load %arg6[%parallel_loop3A_1013] {strides = array<i32>} : memref<32768xf32, #tpu.memory_space<vmem>>, vector<16xf32>,
      %parallel_loop3A_1015 = arith.cmpf ogt, %parallel_loop3A_1014, %parallel_loop3A_1001 : vector<16xf32>
      %parallel_loop3A_1016 = arith.constant 98304 : i32
      %parallel_loop3A_1017 = arith.addi %parallel_loop3A_1016, %parallel_loop3A_1012 : i32
      %parallel_loop3A_1018 = vector.broadcast %parallel_loop3A_1017 : i32 to vector<16xi32>
      %parallel_loop3A_1019 = arith.select %parallel_loop3A_1015, %parallel_loop3A_1018, %parallel_loop3A_1002 : vector<16xi1>, vector<16xi32>
      %parallel_loop3A_1020 = arith.select %parallel_loop3A_1015, %parallel_loop3A_1014, %parallel_loop3A_1001 : vector<16xi1>, vector<16xf32>
      %parallel_loop3A_1021 = arith.constant 64 : i32
      %parallel_loop3A_1022 = arith.muli %parallel_loop3A_1000, %parallel_loop3A_1021 : i32
      %parallel_loop3A_1023 = arith.constant 16 : i32
      %parallel_loop3A_1024 = arith.addi %parallel_loop3A_1022, %parallel_loop3A_1023 : i32
      %parallel_loop3A_1025 = arith.index_cast %parallel_loop3A_1024 : i32 to index
      %parallel_loop3A_1026 = tpu.vector_load %arg6[%parallel_loop3A_1025] {strides = array<i32>} : memref<32768xf32, #tpu.memory_space<vmem>>, vector<16xf32>,
      %parallel_loop3A_1027 = arith.cmpf ogt, %parallel_loop3A_1026, %parallel_loop3A_1003 : vector<16xf32>
      %parallel_loop3A_1028 = arith.constant 98304 : i32
      %parallel_loop3A_1029 = arith.addi %parallel_loop3A_1028, %parallel_loop3A_1024 : i32
      %parallel_loop3A_1030 = vector.broadcast %parallel_loop3A_1029 : i32 to vector<16xi32>
      %parallel_loop3A_1031 = arith.select %parallel_loop3A_1027, %parallel_loop3A_1030, %parallel_loop3A_1004 : vector<16xi1>, vector<16xi32>
      %parallel_loop3A_1032 = arith.select %parallel_loop3A_1027, %parallel_loop3A_1026, %parallel_loop3A_1003 : vector<16xi1>, vector<16xf32>
      %parallel_loop3A_1033 = arith.constant 64 : i32
      %parallel_loop3A_1034 = arith.muli %parallel_loop3A_1000, %parallel_loop3A_1033 : i32
      %parallel_loop3A_1035 = arith.constant 32 : i32
      %parallel_loop3A_1036 = arith.addi %parallel_loop3A_1034, %parallel_loop3A_1035 : i32
      %parallel_loop3A_1037 = arith.index_cast %parallel_loop3A_1036 : i32 to index
      %parallel_loop3A_1038 = tpu.vector_load %arg6[%parallel_loop3A_1037] {strides = array<i32>} : memref<32768xf32, #tpu.memory_space<vmem>>, vector<16xf32>,
      %parallel_loop3A_1039 = arith.cmpf ogt, %parallel_loop3A_1038, %parallel_loop3A_1005 : vector<16xf32>
      %parallel_loop3A_1040 = arith.constant 98304 : i32
      %parallel_loop3A_1041 = arith.addi %parallel_loop3A_1040, %parallel_loop3A_1036 : i32
      %parallel_loop3A_1042 = vector.broadcast %parallel_loop3A_1041 : i32 to vector<16xi32>
      %parallel_loop3A_1043 = arith.select %parallel_loop3A_1039, %parallel_loop3A_1042, %parallel_loop3A_1006 : vector<16xi1>, vector<16xi32>
      %parallel_loop3A_1044 = arith.select %parallel_loop3A_1039, %parallel_loop3A_1038, %parallel_loop3A_1005 : vector<16xi1>, vector<16xf32>
      %parallel_loop3A_1045 = arith.constant 64 : i32
      %parallel_loop3A_1046 = arith.muli %parallel_loop3A_1000, %parallel_loop3A_1045 : i32
      %parallel_loop3A_1047 = arith.constant 48 : i32
      %parallel_loop3A_1048 = arith.addi %parallel_loop3A_1046, %parallel_loop3A_1047 : i32
      %parallel_loop3A_1049 = arith.index_cast %parallel_loop3A_1048 : i32 to index
      %parallel_loop3A_1050 = tpu.vector_load %arg6[%parallel_loop3A_1049] {strides = array<i32>} : memref<32768xf32, #tpu.memory_space<vmem>>, vector<16xf32>,
      %parallel_loop3A_1051 = arith.cmpf ogt, %parallel_loop3A_1050, %parallel_loop3A_1007 : vector<16xf32>
      %parallel_loop3A_1052 = arith.constant 98304 : i32
      %parallel_loop3A_1053 = arith.addi %parallel_loop3A_1052, %parallel_loop3A_1048 : i32
      %parallel_loop3A_1054 = vector.broadcast %parallel_loop3A_1053 : i32 to vector<16xi32>
      %parallel_loop3A_1055 = arith.select %parallel_loop3A_1051, %parallel_loop3A_1054, %parallel_loop3A_1008 : vector<16xi1>, vector<16xi32>
      %parallel_loop3A_1056 = arith.select %parallel_loop3A_1051, %parallel_loop3A_1050, %parallel_loop3A_1007 : vector<16xi1>, vector<16xf32>
      scf.yield %parallel_loop3A_1020, %parallel_loop3A_1019, %parallel_loop3A_1032, %parallel_loop3A_1031, %parallel_loop3A_1044, %parallel_loop3A_1043, %parallel_loop3A_1056, %parallel_loop3A_1055 : vector<16xf32>, vector<16xi32>, vector<16xf32>, vector<16xi32>, vector<16xf32>, vector<16xi32>, vector<16xf32>, vector<16xi32>
    } {sc.loop_unroll_factor = 4 : i64, sc.parallel_access}
    %add3A_383 = arith.addi %parallel_loop3A_382#1, %iota3A : vector<16xi32>
    %add3A_384 = arith.addi %parallel_loop3A_382#3, %iota3A : vector<16xi32>
    %gt3A_385 = arith.cmpf ogt, %parallel_loop3A_382#2, %parallel_loop3A_382#0 : vector<16xf32>
    %eq3A_386 = arith.cmpf oeq, %parallel_loop3A_382#2, %parallel_loop3A_382#0 : vector<16xf32>
    %lt3A_387 = arith.cmpi slt, %add3A_384, %add3A_383 : vector<16xi32>
    %and3A_388 = arith.andi %eq3A_386, %lt3A_387 : vector<16xi1>
    %or3A_389 = arith.ori %gt3A_385, %and3A_388 : vector<16xi1>
    %select_n3A_390 = arith.select %or3A_389, %add3A_384, %add3A_383 : vector<16xi1>, vector<16xi32>
    %select_n3A_391 = arith.select %or3A_389, %parallel_loop3A_382#2, %parallel_loop3A_382#0 : vector<16xi1>, vector<16xf32>
    %add3A_392 = arith.addi %parallel_loop3A_382#5, %iota3A : vector<16xi32>
    %gt3A_393 = arith.cmpf ogt, %parallel_loop3A_382#4, %select_n3A_391 : vector<16xf32>
    %eq3A_394 = arith.cmpf oeq, %parallel_loop3A_382#4, %select_n3A_391 : vector<16xf32>
    %lt3A_395 = arith.cmpi slt, %add3A_392, %select_n3A_390 : vector<16xi32>
    %and3A_396 = arith.andi %eq3A_394, %lt3A_395 : vector<16xi1>
    %or3A_397 = arith.ori %gt3A_393, %and3A_396 : vector<16xi1>
    %select_n3A_398 = arith.select %or3A_397, %add3A_392, %select_n3A_390 : vector<16xi1>, vector<16xi32>
    %select_n3A_399 = arith.select %or3A_397, %parallel_loop3A_382#4, %select_n3A_391 : vector<16xi1>, vector<16xf32>
    %add3A_400 = arith.addi %parallel_loop3A_382#7, %iota3A : vector<16xi32>
    %gt3A_401 = arith.cmpf ogt, %parallel_loop3A_382#6, %select_n3A_399 : vector<16xf32>
    %eq3A_402 = arith.cmpf oeq, %parallel_loop3A_382#6, %select_n3A_399 : vector<16xf32>
    %lt3A_403 = arith.cmpi slt, %add3A_400, %select_n3A_398 : vector<16xi32>
    %and3A_404 = arith.andi %eq3A_402, %lt3A_403 : vector<16xi1>
    %or3A_405 = arith.ori %gt3A_401, %and3A_404 : vector<16xi1>
    %select_n3A_406 = arith.select %or3A_405, %add3A_400, %select_n3A_398 : vector<16xi1>, vector<16xi32>
    %select_n3A_407 = arith.select %or3A_405, %parallel_loop3A_382#6, %select_n3A_399 : vector<16xi1>, vector<16xf32>
    %swap3A_408 = arith.constant 0 : index
    %swap3A_409 = tpu.vector_load %arg9[%swap3A_408] {strides = array<i32>} : memref<16xf32, #tpu.memory_space<vmem>>, vector<16xf32>,
    tpu.vector_store %arg9[%swap3A_408], %select_n3A_407 {strides = array<i32>} : memref<16xf32, #tpu.memory_space<vmem>>, vector<16xf32>,
    %swap3A_410 = arith.constant 0 : index
    %swap3A_411 = tpu.vector_load %arg10[%swap3A_410] {strides = array<i32>} : memref<16xi32, #tpu.memory_space<vmem>>, vector<16xi32>,
    tpu.vector_store %arg10[%swap3A_410], %select_n3A_406 {strides = array<i32>} : memref<16xi32, #tpu.memory_space<vmem>>, vector<16xi32>,
    %xor3A_412 = arith.constant 8 : i32
    %xor3A_413 = vector.broadcast %xor3A_412 : i32 to vector<16xi32>
    %xor3A_414 = arith.xori %iota3A, %xor3A_413 : vector<16xi32>
    %gather3A_415 = tpu.vector_load_idx %arg9[%xor3A_414] : memref<16xf32, #tpu.memory_space<vmem>>[vector<16xi32>], vector<16xf32>,
    %gather3A_416 = tpu.vector_load_idx %arg10[%xor3A_414] : memref<16xi32, #tpu.memory_space<vmem>>[vector<16xi32>], vector<16xi32>,
    %gt3A_417 = arith.cmpf ogt, %gather3A_415, %select_n3A_407 : vector<16xf32>
    %eq3A_418 = arith.cmpf oeq, %gather3A_415, %select_n3A_407 : vector<16xf32>
    %lt3A_419 = arith.cmpi slt, %gather3A_416, %select_n3A_406 : vector<16xi32>
    %and3A_420 = arith.andi %eq3A_418, %lt3A_419 : vector<16xi1>
    %or3A_421 = arith.ori %gt3A_417, %and3A_420 : vector<16xi1>
    %select_n3A_422 = arith.select %or3A_421, %gather3A_416, %select_n3A_406 : vector<16xi1>, vector<16xi32>
    %select_n3A_423 = arith.select %or3A_421, %gather3A_415, %select_n3A_407 : vector<16xi1>, vector<16xf32>
    %swap3A_424 = arith.constant 0 : index
    %swap3A_425 = tpu.vector_load %arg9[%swap3A_424] {strides = array<i32>} : memref<16xf32, #tpu.memory_space<vmem>>, vector<16xf32>,
    tpu.vector_store %arg9[%swap3A_424], %select_n3A_423 {strides = array<i32>} : memref<16xf32, #tpu.memory_space<vmem>>, vector<16xf32>,
    %swap3A_426 = arith.constant 0 : index
    %swap3A_427 = tpu.vector_load %arg10[%swap3A_426] {strides = array<i32>} : memref<16xi32, #tpu.memory_space<vmem>>, vector<16xi32>,
    tpu.vector_store %arg10[%swap3A_426], %select_n3A_422 {strides = array<i32>} : memref<16xi32, #tpu.memory_space<vmem>>, vector<16xi32>,
    %xor3A_428 = arith.constant 4 : i32
    %xor3A_429 = vector.broadcast %xor3A_428 : i32 to vector<16xi32>
    %xor3A_430 = arith.xori %iota3A, %xor3A_429 : vector<16xi32>
    %gather3A_431 = tpu.vector_load_idx %arg9[%xor3A_430] : memref<16xf32, #tpu.memory_space<vmem>>[vector<16xi32>], vector<16xf32>,
    %gather3A_432 = tpu.vector_load_idx %arg10[%xor3A_430] : memref<16xi32, #tpu.memory_space<vmem>>[vector<16xi32>], vector<16xi32>,
    %gt3A_433 = arith.cmpf ogt, %gather3A_431, %select_n3A_423 : vector<16xf32>
    %eq3A_434 = arith.cmpf oeq, %gather3A_431, %select_n3A_423 : vector<16xf32>
    %lt3A_435 = arith.cmpi slt, %gather3A_432, %select_n3A_422 : vector<16xi32>
    %and3A_436 = arith.andi %eq3A_434, %lt3A_435 : vector<16xi1>
    %or3A_437 = arith.ori %gt3A_433, %and3A_436 : vector<16xi1>
    %select_n3A_438 = arith.select %or3A_437, %gather3A_432, %select_n3A_422 : vector<16xi1>, vector<16xi32>
    %select_n3A_439 = arith.select %or3A_437, %gather3A_431, %select_n3A_423 : vector<16xi1>, vector<16xf32>
    %swap3A_440 = arith.constant 0 : index
    %swap3A_441 = tpu.vector_load %arg9[%swap3A_440] {strides = array<i32>} : memref<16xf32, #tpu.memory_space<vmem>>, vector<16xf32>,
    tpu.vector_store %arg9[%swap3A_440], %select_n3A_439 {strides = array<i32>} : memref<16xf32, #tpu.memory_space<vmem>>, vector<16xf32>,
    %swap3A_442 = arith.constant 0 : index
    %swap3A_443 = tpu.vector_load %arg10[%swap3A_442] {strides = array<i32>} : memref<16xi32, #tpu.memory_space<vmem>>, vector<16xi32>,
    tpu.vector_store %arg10[%swap3A_442], %select_n3A_438 {strides = array<i32>} : memref<16xi32, #tpu.memory_space<vmem>>, vector<16xi32>,
    %xor3A_444 = arith.constant 2 : i32
    %xor3A_445 = vector.broadcast %xor3A_444 : i32 to vector<16xi32>
    %xor3A_446 = arith.xori %iota3A, %xor3A_445 : vector<16xi32>
    %gather3A_447 = tpu.vector_load_idx %arg9[%xor3A_446] : memref<16xf32, #tpu.memory_space<vmem>>[vector<16xi32>], vector<16xf32>,
    %gather3A_448 = tpu.vector_load_idx %arg10[%xor3A_446] : memref<16xi32, #tpu.memory_space<vmem>>[vector<16xi32>], vector<16xi32>,
    %gt3A_449 = arith.cmpf ogt, %gather3A_447, %select_n3A_439 : vector<16xf32>
    %eq3A_450 = arith.cmpf oeq, %gather3A_447, %select_n3A_439 : vector<16xf32>
    %lt3A_451 = arith.cmpi slt, %gather3A_448, %select_n3A_438 : vector<16xi32>
    %and3A_452 = arith.andi %eq3A_450, %lt3A_451 : vector<16xi1>
    %or3A_453 = arith.ori %gt3A_449, %and3A_452 : vector<16xi1>
    %select_n3A_454 = arith.select %or3A_453, %gather3A_448, %select_n3A_438 : vector<16xi1>, vector<16xi32>
    %select_n3A_455 = arith.select %or3A_453, %gather3A_447, %select_n3A_439 : vector<16xi1>, vector<16xf32>
    %swap3A_456 = arith.constant 0 : index
    %swap3A_457 = tpu.vector_load %arg9[%swap3A_456] {strides = array<i32>} : memref<16xf32, #tpu.memory_space<vmem>>, vector<16xf32>,
    tpu.vector_store %arg9[%swap3A_456], %select_n3A_455 {strides = array<i32>} : memref<16xf32, #tpu.memory_space<vmem>>, vector<16xf32>,
    %swap3A_458 = arith.constant 0 : index
    %swap3A_459 = tpu.vector_load %arg10[%swap3A_458] {strides = array<i32>} : memref<16xi32, #tpu.memory_space<vmem>>, vector<16xi32>,
    tpu.vector_store %arg10[%swap3A_458], %select_n3A_454 {strides = array<i32>} : memref<16xi32, #tpu.memory_space<vmem>>, vector<16xi32>,
    %xor3A_460 = arith.constant 1 : i32
    %xor3A_461 = vector.broadcast %xor3A_460 : i32 to vector<16xi32>
    %xor3A_462 = arith.xori %iota3A, %xor3A_461 : vector<16xi32>
    %gather3A_463 = tpu.vector_load_idx %arg9[%xor3A_462] : memref<16xf32, #tpu.memory_space<vmem>>[vector<16xi32>], vector<16xf32>,
    %gather3A_464 = tpu.vector_load_idx %arg10[%xor3A_462] : memref<16xi32, #tpu.memory_space<vmem>>[vector<16xi32>], vector<16xi32>,
    %gt3A_465 = arith.cmpf ogt, %gather3A_463, %select_n3A_455 : vector<16xf32>
    %eq3A_466 = arith.cmpf oeq, %gather3A_463, %select_n3A_455 : vector<16xf32>
    %lt3A_467 = arith.cmpi slt, %gather3A_464, %select_n3A_454 : vector<16xi32>
    %and3A_468 = arith.andi %eq3A_466, %lt3A_467 : vector<16xi1>
    %or3A_469 = arith.ori %gt3A_465, %and3A_468 : vector<16xi1>
    %select_n3A_470 = arith.select %or3A_469, %gather3A_464, %select_n3A_454 : vector<16xi1>, vector<16xi32>
    %select_n3A_471 = arith.select %or3A_469, %gather3A_463, %select_n3A_455 : vector<16xi1>, vector<16xf32>
    %swap3A_472 = arith.constant 0 : index
    %swap3A_473 = tpu.vector_load %arg7[%swap3A_472] {strides = array<i32>} : memref<128xf32, #tpu.memory_space<vmem>>, vector<16xf32>,
    tpu.vector_store %arg7[%swap3A_472], %select_n3A_471 {strides = array<i32>} : memref<128xf32, #tpu.memory_space<vmem>>, vector<16xf32>,
    %swap3A_474 = arith.constant 0 : index
    %swap3A_475 = tpu.vector_load %arg8[%swap3A_474] {strides = array<i32>} : memref<128xi32, #tpu.memory_space<vmem>>, vector<16xi32>,
    tpu.vector_store %arg8[%swap3A_474], %select_n3A_470 {strides = array<i32>} : memref<128xi32, #tpu.memory_space<vmem>>, vector<16xi32>,
    %swap3A_476 = arith.constant 16 : index
    %swap3A_477 = tpu.vector_load %arg7[%swap3A_476] {strides = array<i32>} : memref<128xf32, #tpu.memory_space<vmem>>, vector<16xf32>,
    tpu.vector_store %arg7[%swap3A_476], %select_n3A_471 {strides = array<i32>} : memref<128xf32, #tpu.memory_space<vmem>>, vector<16xf32>,
    %swap3A_478 = arith.constant 16 : index
    %swap3A_479 = tpu.vector_load %arg8[%swap3A_478] {strides = array<i32>} : memref<128xi32, #tpu.memory_space<vmem>>, vector<16xi32>,
    tpu.vector_store %arg8[%swap3A_478], %select_n3A_470 {strides = array<i32>} : memref<128xi32, #tpu.memory_space<vmem>>, vector<16xi32>,
    %swap3A_480 = arith.constant 32 : index
    %swap3A_481 = tpu.vector_load %arg7[%swap3A_480] {strides = array<i32>} : memref<128xf32, #tpu.memory_space<vmem>>, vector<16xf32>,
    tpu.vector_store %arg7[%swap3A_480], %select_n3A_471 {strides = array<i32>} : memref<128xf32, #tpu.memory_space<vmem>>, vector<16xf32>,
    %swap3A_482 = arith.constant 32 : index
    %swap3A_483 = tpu.vector_load %arg8[%swap3A_482] {strides = array<i32>} : memref<128xi32, #tpu.memory_space<vmem>>, vector<16xi32>,
    tpu.vector_store %arg8[%swap3A_482], %select_n3A_470 {strides = array<i32>} : memref<128xi32, #tpu.memory_space<vmem>>, vector<16xi32>,
    %swap3A_484 = arith.constant 48 : index
    %swap3A_485 = tpu.vector_load %arg7[%swap3A_484] {strides = array<i32>} : memref<128xf32, #tpu.memory_space<vmem>>, vector<16xf32>,
    tpu.vector_store %arg7[%swap3A_484], %select_n3A_471 {strides = array<i32>} : memref<128xf32, #tpu.memory_space<vmem>>, vector<16xf32>,
    %swap3A_486 = arith.constant 48 : index
    %swap3A_487 = tpu.vector_load %arg8[%swap3A_486] {strides = array<i32>} : memref<128xi32, #tpu.memory_space<vmem>>, vector<16xi32>,
    tpu.vector_store %arg8[%swap3A_486], %select_n3A_470 {strides = array<i32>} : memref<128xi32, #tpu.memory_space<vmem>>, vector<16xi32>,
    %swap3A_488 = arith.constant 64 : index
    %swap3A_489 = tpu.vector_load %arg7[%swap3A_488] {strides = array<i32>} : memref<128xf32, #tpu.memory_space<vmem>>, vector<16xf32>,
    tpu.vector_store %arg7[%swap3A_488], %select_n3A_471 {strides = array<i32>} : memref<128xf32, #tpu.memory_space<vmem>>, vector<16xf32>,
    %swap3A_490 = arith.constant 64 : index
    %swap3A_491 = tpu.vector_load %arg8[%swap3A_490] {strides = array<i32>} : memref<128xi32, #tpu.memory_space<vmem>>, vector<16xi32>,
    tpu.vector_store %arg8[%swap3A_490], %select_n3A_470 {strides = array<i32>} : memref<128xi32, #tpu.memory_space<vmem>>, vector<16xi32>,
    %swap3A_492 = arith.constant 80 : index
    %swap3A_493 = tpu.vector_load %arg7[%swap3A_492] {strides = array<i32>} : memref<128xf32, #tpu.memory_space<vmem>>, vector<16xf32>,
    tpu.vector_store %arg7[%swap3A_492], %select_n3A_471 {strides = array<i32>} : memref<128xf32, #tpu.memory_space<vmem>>, vector<16xf32>,
    %swap3A_494 = arith.constant 80 : index
    %swap3A_495 = tpu.vector_load %arg8[%swap3A_494] {strides = array<i32>} : memref<128xi32, #tpu.memory_space<vmem>>, vector<16xi32>,
    tpu.vector_store %arg8[%swap3A_494], %select_n3A_470 {strides = array<i32>} : memref<128xi32, #tpu.memory_space<vmem>>, vector<16xi32>,
    %swap3A_496 = arith.constant 96 : index
    %swap3A_497 = tpu.vector_load %arg7[%swap3A_496] {strides = array<i32>} : memref<128xf32, #tpu.memory_space<vmem>>, vector<16xf32>,
    tpu.vector_store %arg7[%swap3A_496], %select_n3A_471 {strides = array<i32>} : memref<128xf32, #tpu.memory_space<vmem>>, vector<16xf32>,
    %swap3A_498 = arith.constant 96 : index
    %swap3A_499 = tpu.vector_load %arg8[%swap3A_498] {strides = array<i32>} : memref<128xi32, #tpu.memory_space<vmem>>, vector<16xi32>,
    tpu.vector_store %arg8[%swap3A_498], %select_n3A_470 {strides = array<i32>} : memref<128xi32, #tpu.memory_space<vmem>>, vector<16xi32>,
    %swap3A_500 = arith.constant 112 : index
    %swap3A_501 = tpu.vector_load %arg7[%swap3A_500] {strides = array<i32>} : memref<128xf32, #tpu.memory_space<vmem>>, vector<16xf32>,
    tpu.vector_store %arg7[%swap3A_500], %select_n3A_471 {strides = array<i32>} : memref<128xf32, #tpu.memory_space<vmem>>, vector<16xf32>,
    %swap3A_502 = arith.constant 112 : index
    %swap3A_503 = tpu.vector_load %arg8[%swap3A_502] {strides = array<i32>} : memref<128xi32, #tpu.memory_space<vmem>>, vector<16xi32>,
    tpu.vector_store %arg8[%swap3A_502], %select_n3A_470 {strides = array<i32>} : memref<128xi32, #tpu.memory_space<vmem>>, vector<16xi32>,
    %mul3A_504 = arith.constant 4 : i32
    %mul3A_505 = arith.muli %add3A, %mul3A_504 : i32
    %add3A_506 = arith.constant 1 : i32
    %add3A_507 = arith.addi %mul3A_505, %add3A_506 : i32
    "tpu.region"() ({
      %run_scoped3A = tpu.sem_alloc : memref<!tpu.dma_semaphore, #tpu.memory_space<semaphore_mem>>
      %dma_start3A_1000 = arith.constant 0 : i32
      %dma_start3A_1001 = tpu.memref_slice %arg3[%add3A_507, %dma_start3A_1000] : memref<128x128xf32, #tpu.memory_space<hbm>> -> memref<1x128xf32, #tpu.memory_space<hbm>>
      %dma_start3A_1002 = tpu.memref_squeeze %dma_start3A_1001 : memref<1x128xf32, #tpu.memory_space<hbm>> -> memref<128xf32, #tpu.memory_space<hbm>>
      %dma_start3A_1003 = arith.constant 0 : i32
      %dma_start3A_1004 = tpu.memref_slice %arg3[%add3A_507, %dma_start3A_1003] : memref<128x128xf32, #tpu.memory_space<hbm>> -> memref<1x128xf32, #tpu.memory_space<hbm>>
      %dma_start3A_1005 = tpu.memref_squeeze %dma_start3A_1004 : memref<1x128xf32, #tpu.memory_space<hbm>> -> memref<128xf32, #tpu.memory_space<hbm>>
      tpu.enqueue_dma source(%arg7 : memref<128xf32, #tpu.memory_space<vmem>>) target(%dma_start3A_1005 : memref<128xf32, #tpu.memory_space<hbm>>) target_semaphore(%run_scoped3A : memref<!tpu.dma_semaphore, #tpu.memory_space<semaphore_mem>>)
      %dma_wait3A_1006 = arith.constant 0 : i32
      %dma_wait3A_1007 = tpu.memref_slice %arg3[%add3A_507, %dma_wait3A_1006] : memref<128x128xf32, #tpu.memory_space<hbm>> -> memref<1x128xf32, #tpu.memory_space<hbm>>
      %dma_wait3A_1008 = tpu.memref_squeeze %dma_wait3A_1007 : memref<1x128xf32, #tpu.memory_space<hbm>> -> memref<128xf32, #tpu.memory_space<hbm>>
      %dma_wait3A_1009 = arith.constant 0 : i32
      %dma_wait3A_1010 = tpu.memref_slice %arg3[%add3A_507, %dma_wait3A_1009] : memref<128x128xf32, #tpu.memory_space<hbm>> -> memref<1x128xf32, #tpu.memory_space<hbm>>
      %dma_wait3A_1011 = tpu.memref_squeeze %dma_wait3A_1010 : memref<1x128xf32, #tpu.memory_space<hbm>> -> memref<128xf32, #tpu.memory_space<hbm>>
      tpu.wait_dma2 semaphore(%run_scoped3A : memref<!tpu.dma_semaphore, #tpu.memory_space<semaphore_mem>>) src(%arg7 : memref<128xf32, #tpu.memory_space<vmem>>) dst(%dma_wait3A_1011 : memref<128xf32, #tpu.memory_space<hbm>>)
      tpu.yield
    }) : () -> ()
    "tpu.region"() ({
      %run_scoped3A = tpu.sem_alloc : memref<!tpu.dma_semaphore, #tpu.memory_space<semaphore_mem>>
      %dma_start3A_1000 = arith.constant 0 : i32
      %dma_start3A_1001 = tpu.memref_slice %arg4[%add3A_507, %dma_start3A_1000] : memref<128x128xi32, #tpu.memory_space<hbm>> -> memref<1x128xi32, #tpu.memory_space<hbm>>
      %dma_start3A_1002 = tpu.memref_squeeze %dma_start3A_1001 : memref<1x128xi32, #tpu.memory_space<hbm>> -> memref<128xi32, #tpu.memory_space<hbm>>
      %dma_start3A_1003 = arith.constant 0 : i32
      %dma_start3A_1004 = tpu.memref_slice %arg4[%add3A_507, %dma_start3A_1003] : memref<128x128xi32, #tpu.memory_space<hbm>> -> memref<1x128xi32, #tpu.memory_space<hbm>>
      %dma_start3A_1005 = tpu.memref_squeeze %dma_start3A_1004 : memref<1x128xi32, #tpu.memory_space<hbm>> -> memref<128xi32, #tpu.memory_space<hbm>>
      tpu.enqueue_dma source(%arg8 : memref<128xi32, #tpu.memory_space<vmem>>) target(%dma_start3A_1005 : memref<128xi32, #tpu.memory_space<hbm>>) target_semaphore(%run_scoped3A : memref<!tpu.dma_semaphore, #tpu.memory_space<semaphore_mem>>)
      %dma_wait3A_1006 = arith.constant 0 : i32
      %dma_wait3A_1007 = tpu.memref_slice %arg4[%add3A_507, %dma_wait3A_1006] : memref<128x128xi32, #tpu.memory_space<hbm>> -> memref<1x128xi32, #tpu.memory_space<hbm>>
      %dma_wait3A_1008 = tpu.memref_squeeze %dma_wait3A_1007 : memref<1x128xi32, #tpu.memory_space<hbm>> -> memref<128xi32, #tpu.memory_space<hbm>>
      %dma_wait3A_1009 = arith.constant 0 : i32
      %dma_wait3A_1010 = tpu.memref_slice %arg4[%add3A_507, %dma_wait3A_1009] : memref<128x128xi32, #tpu.memory_space<hbm>> -> memref<1x128xi32, #tpu.memory_space<hbm>>
      %dma_wait3A_1011 = tpu.memref_squeeze %dma_wait3A_1010 : memref<1x128xi32, #tpu.memory_space<hbm>> -> memref<128xi32, #tpu.memory_space<hbm>>
      tpu.wait_dma2 semaphore(%run_scoped3A : memref<!tpu.dma_semaphore, #tpu.memory_space<semaphore_mem>>) src(%arg8 : memref<128xi32, #tpu.memory_space<vmem>>) dst(%dma_wait3A_1011 : memref<128xi32, #tpu.memory_space<hbm>>)
      tpu.yield
    }) : () -> ()
    %mul3A_508 = arith.constant 4 : i32
    %mul3A_509 = arith.muli %add3A, %mul3A_508 : i32
    %add3A_510 = arith.constant 2 : i32
    %add3A_511 = arith.addi %mul3A_509, %add3A_510 : i32
    %dma_start3A_512 = arith.constant 0 : i32
    %dma_start3A_513 = tpu.memref_slice %arg6[%dma_start3A_512] : memref<32768xf32, #tpu.memory_space<vmem>> -> memref<32768xf32, #tpu.memory_space<vmem>>
    %dma_start3A_514 = arith.constant 32768 : i32
    %dma_start3A_515 = tpu.memref_slice %arg2[%add3A_511, %dma_start3A_514] : memref<128x100000xf32, #tpu.memory_space<hbm>> -> memref<1x32768xf32, #tpu.memory_space<hbm>>
    %dma_start3A_516 = tpu.memref_squeeze %dma_start3A_515 : memref<1x32768xf32, #tpu.memory_space<hbm>> -> memref<32768xf32, #tpu.memory_space<hbm>>
    %dma_start3A_517 = arith.constant 0 : i32
    %dma_start3A_518 = tpu.memref_slice %arg6[%dma_start3A_517] : memref<32768xf32, #tpu.memory_space<vmem>> -> memref<32768xf32, #tpu.memory_space<vmem>>
    %dma_start3A_519 = arith.constant 32768 : i32
    %dma_start3A_520 = tpu.memref_slice %arg2[%add3A_511, %dma_start3A_519] : memref<128x100000xf32, #tpu.memory_space<hbm>> -> memref<1x32768xf32, #tpu.memory_space<hbm>>
    %dma_start3A_521 = tpu.memref_squeeze %dma_start3A_520 : memref<1x32768xf32, #tpu.memory_space<hbm>> -> memref<32768xf32, #tpu.memory_space<hbm>>
    tpu.enqueue_dma source(%dma_start3A_521 : memref<32768xf32, #tpu.memory_space<hbm>>) target(%dma_start3A_518 : memref<32768xf32, #tpu.memory_space<vmem>>) target_semaphore(%arg12 : memref<!tpu.dma_semaphore, #tpu.memory_space<semaphore_mem>>)
    %dma_wait3A_522 = arith.constant 0 : i32
    %dma_wait3A_523 = tpu.memref_slice %arg5[%dma_wait3A_522] : memref<32768xf32, #tpu.memory_space<vmem>> -> memref<32768xf32, #tpu.memory_space<vmem>>
    %dma_wait3A_524 = arith.constant 0 : i32
    %dma_wait3A_525 = tpu.memref_slice %arg2[%add3A_358, %dma_wait3A_524] : memref<128x100000xf32, #tpu.memory_space<hbm>> -> memref<1x32768xf32, #tpu.memory_space<hbm>>
    %dma_wait3A_526 = tpu.memref_squeeze %dma_wait3A_525 : memref<1x32768xf32, #tpu.memory_space<hbm>> -> memref<32768xf32, #tpu.memory_space<hbm>>
    %dma_wait3A_527 = arith.constant 0 : i32
    %dma_wait3A_528 = tpu.memref_slice %arg5[%dma_wait3A_527] : memref<32768xf32, #tpu.memory_space<vmem>> -> memref<32768xf32, #tpu.memory_space<vmem>>
    %dma_wait3A_529 = arith.constant 0 : i32
    %dma_wait3A_530 = tpu.memref_slice %arg2[%add3A_358, %dma_wait3A_529] : memref<128x100000xf32, #tpu.memory_space<hbm>> -> memref<1x32768xf32, #tpu.memory_space<hbm>>
    %dma_wait3A_531 = tpu.memref_squeeze %dma_wait3A_530 : memref<1x32768xf32, #tpu.memory_space<hbm>> -> memref<32768xf32, #tpu.memory_space<hbm>>
    tpu.wait_dma2 semaphore(%arg11 : memref<!tpu.dma_semaphore, #tpu.memory_space<semaphore_mem>>) src(%dma_wait3A_531 : memref<32768xf32, #tpu.memory_space<hbm>>) dst(%dma_wait3A_528 : memref<32768xf32, #tpu.memory_space<vmem>>)
    %broadcast_in_dim3A_532 = arith.constant 0xFF800000 : f32
    %broadcast_in_dim3A_533 = vector.broadcast %broadcast_in_dim3A_532 : f32 to vector<16xf32>
    %broadcast_in_dim3A_534 = arith.constant 0 : i32
    %broadcast_in_dim3A_535 = vector.broadcast %broadcast_in_dim3A_534 : i32 to vector<16xi32>
    %broadcast_in_dim3A_536 = arith.constant 0xFF800000 : f32
    %broadcast_in_dim3A_537 = vector.broadcast %broadcast_in_dim3A_536 : f32 to vector<16xf32>
    %broadcast_in_dim3A_538 = arith.constant 0 : i32
    %broadcast_in_dim3A_539 = vector.broadcast %broadcast_in_dim3A_538 : i32 to vector<16xi32>
    %broadcast_in_dim3A_540 = arith.constant 0xFF800000 : f32
    %broadcast_in_dim3A_541 = vector.broadcast %broadcast_in_dim3A_540 : f32 to vector<16xf32>
    %broadcast_in_dim3A_542 = arith.constant 0 : i32
    %broadcast_in_dim3A_543 = vector.broadcast %broadcast_in_dim3A_542 : i32 to vector<16xi32>
    %broadcast_in_dim3A_544 = arith.constant 0xFF800000 : f32
    %broadcast_in_dim3A_545 = vector.broadcast %broadcast_in_dim3A_544 : f32 to vector<16xf32>
    %broadcast_in_dim3A_546 = arith.constant 0 : i32
    %broadcast_in_dim3A_547 = vector.broadcast %broadcast_in_dim3A_546 : i32 to vector<16xi32>
    %parallel_loop3A_548 = arith.constant 0 : i32
    %parallel_loop3A_549 = arith.constant 512 : i32
    %parallel_loop3A_550 = arith.constant 1 : i32
    %parallel_loop3A_551:8 = scf.for %parallel_loop3A_1000 = %parallel_loop3A_548 to %parallel_loop3A_549 step %parallel_loop3A_550 iter_args(%parallel_loop3A_1001 = %broadcast_in_dim3A_533, %parallel_loop3A_1002 = %broadcast_in_dim3A_535, %parallel_loop3A_1003 = %broadcast_in_dim3A_537, %parallel_loop3A_1004 = %broadcast_in_dim3A_539, %parallel_loop3A_1005 = %broadcast_in_dim3A_541, %parallel_loop3A_1006 = %broadcast_in_dim3A_543, %parallel_loop3A_1007 = %broadcast_in_dim3A_545, %parallel_loop3A_1008 = %broadcast_in_dim3A_547) -> (vector<16xf32>, vector<16xi32>, vector<16xf32>, vector<16xi32>, vector<16xf32>, vector<16xi32>, vector<16xf32>, vector<16xi32>)  : i32 {
      %parallel_loop3A_1009 = arith.constant 64 : i32
      %parallel_loop3A_1010 = arith.muli %parallel_loop3A_1000, %parallel_loop3A_1009 : i32
      %parallel_loop3A_1011 = arith.constant 0 : i32
      %parallel_loop3A_1012 = arith.addi %parallel_loop3A_1010, %parallel_loop3A_1011 : i32
      %parallel_loop3A_1013 = arith.index_cast %parallel_loop3A_1012 : i32 to index
      %parallel_loop3A_1014 = tpu.vector_load %arg5[%parallel_loop3A_1013] {strides = array<i32>} : memref<32768xf32, #tpu.memory_space<vmem>>, vector<16xf32>,
      %parallel_loop3A_1015 = arith.cmpf ogt, %parallel_loop3A_1014, %parallel_loop3A_1001 : vector<16xf32>
      %parallel_loop3A_1016 = arith.constant 0 : i32
      %parallel_loop3A_1017 = arith.addi %parallel_loop3A_1016, %parallel_loop3A_1012 : i32
      %parallel_loop3A_1018 = vector.broadcast %parallel_loop3A_1017 : i32 to vector<16xi32>
      %parallel_loop3A_1019 = arith.select %parallel_loop3A_1015, %parallel_loop3A_1018, %parallel_loop3A_1002 : vector<16xi1>, vector<16xi32>
      %parallel_loop3A_1020 = arith.select %parallel_loop3A_1015, %parallel_loop3A_1014, %parallel_loop3A_1001 : vector<16xi1>, vector<16xf32>
      %parallel_loop3A_1021 = arith.constant 64 : i32
      %parallel_loop3A_1022 = arith.muli %parallel_loop3A_1000, %parallel_loop3A_1021 : i32
      %parallel_loop3A_1023 = arith.constant 16 : i32
      %parallel_loop3A_1024 = arith.addi %parallel_loop3A_1022, %parallel_loop3A_1023 : i32
      %parallel_loop3A_1025 = arith.index_cast %parallel_loop3A_1024 : i32 to index
      %parallel_loop3A_1026 = tpu.vector_load %arg5[%parallel_loop3A_1025] {strides = array<i32>} : memref<32768xf32, #tpu.memory_space<vmem>>, vector<16xf32>,
      %parallel_loop3A_1027 = arith.cmpf ogt, %parallel_loop3A_1026, %parallel_loop3A_1003 : vector<16xf32>
      %parallel_loop3A_1028 = arith.constant 0 : i32
      %parallel_loop3A_1029 = arith.addi %parallel_loop3A_1028, %parallel_loop3A_1024 : i32
      %parallel_loop3A_1030 = vector.broadcast %parallel_loop3A_1029 : i32 to vector<16xi32>
      %parallel_loop3A_1031 = arith.select %parallel_loop3A_1027, %parallel_loop3A_1030, %parallel_loop3A_1004 : vector<16xi1>, vector<16xi32>
      %parallel_loop3A_1032 = arith.select %parallel_loop3A_1027, %parallel_loop3A_1026, %parallel_loop3A_1003 : vector<16xi1>, vector<16xf32>
      %parallel_loop3A_1033 = arith.constant 64 : i32
      %parallel_loop3A_1034 = arith.muli %parallel_loop3A_1000, %parallel_loop3A_1033 : i32
      %parallel_loop3A_1035 = arith.constant 32 : i32
      %parallel_loop3A_1036 = arith.addi %parallel_loop3A_1034, %parallel_loop3A_1035 : i32
      %parallel_loop3A_1037 = arith.index_cast %parallel_loop3A_1036 : i32 to index
      %parallel_loop3A_1038 = tpu.vector_load %arg5[%parallel_loop3A_1037] {strides = array<i32>} : memref<32768xf32, #tpu.memory_space<vmem>>, vector<16xf32>,
      %parallel_loop3A_1039 = arith.cmpf ogt, %parallel_loop3A_1038, %parallel_loop3A_1005 : vector<16xf32>
      %parallel_loop3A_1040 = arith.constant 0 : i32
      %parallel_loop3A_1041 = arith.addi %parallel_loop3A_1040, %parallel_loop3A_1036 : i32
      %parallel_loop3A_1042 = vector.broadcast %parallel_loop3A_1041 : i32 to vector<16xi32>
      %parallel_loop3A_1043 = arith.select %parallel_loop3A_1039, %parallel_loop3A_1042, %parallel_loop3A_1006 : vector<16xi1>, vector<16xi32>
      %parallel_loop3A_1044 = arith.select %parallel_loop3A_1039, %parallel_loop3A_1038, %parallel_loop3A_1005 : vector<16xi1>, vector<16xf32>
      %parallel_loop3A_1045 = arith.constant 64 : i32
      %parallel_loop3A_1046 = arith.muli %parallel_loop3A_1000, %parallel_loop3A_1045 : i32
      %parallel_loop3A_1047 = arith.constant 48 : i32
      %parallel_loop3A_1048 = arith.addi %parallel_loop3A_1046, %parallel_loop3A_1047 : i32
      %parallel_loop3A_1049 = arith.index_cast %parallel_loop3A_1048 : i32 to index
      %parallel_loop3A_1050 = tpu.vector_load %arg5[%parallel_loop3A_1049] {strides = array<i32>} : memref<32768xf32, #tpu.memory_space<vmem>>, vector<16xf32>,
      %parallel_loop3A_1051 = arith.cmpf ogt, %parallel_loop3A_1050, %parallel_loop3A_1007 : vector<16xf32>
      %parallel_loop3A_1052 = arith.constant 0 : i32
      %parallel_loop3A_1053 = arith.addi %parallel_loop3A_1052, %parallel_loop3A_1048 : i32
      %parallel_loop3A_1054 = vector.broadcast %parallel_loop3A_1053 : i32 to vector<16xi32>
      %parallel_loop3A_1055 = arith.select %parallel_loop3A_1051, %parallel_loop3A_1054, %parallel_loop3A_1008 : vector<16xi1>, vector<16xi32>
      %parallel_loop3A_1056 = arith.select %parallel_loop3A_1051, %parallel_loop3A_1050, %parallel_loop3A_1007 : vector<16xi1>, vector<16xf32>
      scf.yield %parallel_loop3A_1020, %parallel_loop3A_1019, %parallel_loop3A_1032, %parallel_loop3A_1031, %parallel_loop3A_1044, %parallel_loop3A_1043, %parallel_loop3A_1056, %parallel_loop3A_1055 : vector<16xf32>, vector<16xi32>, vector<16xf32>, vector<16xi32>, vector<16xf32>, vector<16xi32>, vector<16xf32>, vector<16xi32>
    } {sc.loop_unroll_factor = 4 : i64, sc.parallel_access}
    %mul3A_552 = arith.constant 4 : i32
    %mul3A_553 = arith.muli %add3A, %mul3A_552 : i32
    %add3A_554 = arith.constant 2 : i32
    %add3A_555 = arith.addi %mul3A_553, %add3A_554 : i32
    %dma_start3A_556 = arith.constant 0 : i32
    %dma_start3A_557 = tpu.memref_slice %arg5[%dma_start3A_556] : memref<32768xf32, #tpu.memory_space<vmem>> -> memref<32768xf32, #tpu.memory_space<vmem>>
    %dma_start3A_558 = arith.constant 65536 : i32
    %dma_start3A_559 = tpu.memref_slice %arg2[%add3A_555, %dma_start3A_558] : memref<128x100000xf32, #tpu.memory_space<hbm>> -> memref<1x32768xf32, #tpu.memory_space<hbm>>
    %dma_start3A_560 = tpu.memref_squeeze %dma_start3A_559 : memref<1x32768xf32, #tpu.memory_space<hbm>> -> memref<32768xf32, #tpu.memory_space<hbm>>
    %dma_start3A_561 = arith.constant 0 : i32
    %dma_start3A_562 = tpu.memref_slice %arg5[%dma_start3A_561] : memref<32768xf32, #tpu.memory_space<vmem>> -> memref<32768xf32, #tpu.memory_space<vmem>>
    %dma_start3A_563 = arith.constant 65536 : i32
    %dma_start3A_564 = tpu.memref_slice %arg2[%add3A_555, %dma_start3A_563] : memref<128x100000xf32, #tpu.memory_space<hbm>> -> memref<1x32768xf32, #tpu.memory_space<hbm>>
    %dma_start3A_565 = tpu.memref_squeeze %dma_start3A_564 : memref<1x32768xf32, #tpu.memory_space<hbm>> -> memref<32768xf32, #tpu.memory_space<hbm>>
    tpu.enqueue_dma source(%dma_start3A_565 : memref<32768xf32, #tpu.memory_space<hbm>>) target(%dma_start3A_562 : memref<32768xf32, #tpu.memory_space<vmem>>) target_semaphore(%arg11 : memref<!tpu.dma_semaphore, #tpu.memory_space<semaphore_mem>>)
    %dma_wait3A_566 = arith.constant 0 : i32
    %dma_wait3A_567 = tpu.memref_slice %arg6[%dma_wait3A_566] : memref<32768xf32, #tpu.memory_space<vmem>> -> memref<32768xf32, #tpu.memory_space<vmem>>
    %dma_wait3A_568 = arith.constant 32768 : i32
    %dma_wait3A_569 = tpu.memref_slice %arg2[%add3A_511, %dma_wait3A_568] : memref<128x100000xf32, #tpu.memory_space<hbm>> -> memref<1x32768xf32, #tpu.memory_space<hbm>>
    %dma_wait3A_570 = tpu.memref_squeeze %dma_wait3A_569 : memref<1x32768xf32, #tpu.memory_space<hbm>> -> memref<32768xf32, #tpu.memory_space<hbm>>
    %dma_wait3A_571 = arith.constant 0 : i32
    %dma_wait3A_572 = tpu.memref_slice %arg6[%dma_wait3A_571] : memref<32768xf32, #tpu.memory_space<vmem>> -> memref<32768xf32, #tpu.memory_space<vmem>>
    %dma_wait3A_573 = arith.constant 32768 : i32
    %dma_wait3A_574 = tpu.memref_slice %arg2[%add3A_511, %dma_wait3A_573] : memref<128x100000xf32, #tpu.memory_space<hbm>> -> memref<1x32768xf32, #tpu.memory_space<hbm>>
    %dma_wait3A_575 = tpu.memref_squeeze %dma_wait3A_574 : memref<1x32768xf32, #tpu.memory_space<hbm>> -> memref<32768xf32, #tpu.memory_space<hbm>>
    tpu.wait_dma2 semaphore(%arg12 : memref<!tpu.dma_semaphore, #tpu.memory_space<semaphore_mem>>) src(%dma_wait3A_575 : memref<32768xf32, #tpu.memory_space<hbm>>) dst(%dma_wait3A_572 : memref<32768xf32, #tpu.memory_space<vmem>>)
    %parallel_loop3A_576 = arith.constant 0 : i32
    %parallel_loop3A_577 = arith.constant 512 : i32
    %parallel_loop3A_578 = arith.constant 1 : i32
    %parallel_loop3A_579:8 = scf.for %parallel_loop3A_1000 = %parallel_loop3A_576 to %parallel_loop3A_577 step %parallel_loop3A_578 iter_args(%parallel_loop3A_1001 = %parallel_loop3A_551#0, %parallel_loop3A_1002 = %parallel_loop3A_551#1, %parallel_loop3A_1003 = %parallel_loop3A_551#2, %parallel_loop3A_1004 = %parallel_loop3A_551#3, %parallel_loop3A_1005 = %parallel_loop3A_551#4, %parallel_loop3A_1006 = %parallel_loop3A_551#5, %parallel_loop3A_1007 = %parallel_loop3A_551#6, %parallel_loop3A_1008 = %parallel_loop3A_551#7) -> (vector<16xf32>, vector<16xi32>, vector<16xf32>, vector<16xi32>, vector<16xf32>, vector<16xi32>, vector<16xf32>, vector<16xi32>)  : i32 {
      %parallel_loop3A_1009 = arith.constant 64 : i32
      %parallel_loop3A_1010 = arith.muli %parallel_loop3A_1000, %parallel_loop3A_1009 : i32
      %parallel_loop3A_1011 = arith.constant 0 : i32
      %parallel_loop3A_1012 = arith.addi %parallel_loop3A_1010, %parallel_loop3A_1011 : i32
      %parallel_loop3A_1013 = arith.index_cast %parallel_loop3A_1012 : i32 to index
      %parallel_loop3A_1014 = tpu.vector_load %arg6[%parallel_loop3A_1013] {strides = array<i32>} : memref<32768xf32, #tpu.memory_space<vmem>>, vector<16xf32>,
      %parallel_loop3A_1015 = arith.cmpf ogt, %parallel_loop3A_1014, %parallel_loop3A_1001 : vector<16xf32>
      %parallel_loop3A_1016 = arith.constant 32768 : i32
      %parallel_loop3A_1017 = arith.addi %parallel_loop3A_1016, %parallel_loop3A_1012 : i32
      %parallel_loop3A_1018 = vector.broadcast %parallel_loop3A_1017 : i32 to vector<16xi32>
      %parallel_loop3A_1019 = arith.select %parallel_loop3A_1015, %parallel_loop3A_1018, %parallel_loop3A_1002 : vector<16xi1>, vector<16xi32>
      %parallel_loop3A_1020 = arith.select %parallel_loop3A_1015, %parallel_loop3A_1014, %parallel_loop3A_1001 : vector<16xi1>, vector<16xf32>
      %parallel_loop3A_1021 = arith.constant 64 : i32
      %parallel_loop3A_1022 = arith.muli %parallel_loop3A_1000, %parallel_loop3A_1021 : i32
      %parallel_loop3A_1023 = arith.constant 16 : i32
      %parallel_loop3A_1024 = arith.addi %parallel_loop3A_1022, %parallel_loop3A_1023 : i32
      %parallel_loop3A_1025 = arith.index_cast %parallel_loop3A_1024 : i32 to index
      %parallel_loop3A_1026 = tpu.vector_load %arg6[%parallel_loop3A_1025] {strides = array<i32>} : memref<32768xf32, #tpu.memory_space<vmem>>, vector<16xf32>,
      %parallel_loop3A_1027 = arith.cmpf ogt, %parallel_loop3A_1026, %parallel_loop3A_1003 : vector<16xf32>
      %parallel_loop3A_1028 = arith.constant 32768 : i32
      %parallel_loop3A_1029 = arith.addi %parallel_loop3A_1028, %parallel_loop3A_1024 : i32
      %parallel_loop3A_1030 = vector.broadcast %parallel_loop3A_1029 : i32 to vector<16xi32>
      %parallel_loop3A_1031 = arith.select %parallel_loop3A_1027, %parallel_loop3A_1030, %parallel_loop3A_1004 : vector<16xi1>, vector<16xi32>
      %parallel_loop3A_1032 = arith.select %parallel_loop3A_1027, %parallel_loop3A_1026, %parallel_loop3A_1003 : vector<16xi1>, vector<16xf32>
      %parallel_loop3A_1033 = arith.constant 64 : i32
      %parallel_loop3A_1034 = arith.muli %parallel_loop3A_1000, %parallel_loop3A_1033 : i32
      %parallel_loop3A_1035 = arith.constant 32 : i32
      %parallel_loop3A_1036 = arith.addi %parallel_loop3A_1034, %parallel_loop3A_1035 : i32
      %parallel_loop3A_1037 = arith.index_cast %parallel_loop3A_1036 : i32 to index
      %parallel_loop3A_1038 = tpu.vector_load %arg6[%parallel_loop3A_1037] {strides = array<i32>} : memref<32768xf32, #tpu.memory_space<vmem>>, vector<16xf32>,
      %parallel_loop3A_1039 = arith.cmpf ogt, %parallel_loop3A_1038, %parallel_loop3A_1005 : vector<16xf32>
      %parallel_loop3A_1040 = arith.constant 32768 : i32
      %parallel_loop3A_1041 = arith.addi %parallel_loop3A_1040, %parallel_loop3A_1036 : i32
      %parallel_loop3A_1042 = vector.broadcast %parallel_loop3A_1041 : i32 to vector<16xi32>
      %parallel_loop3A_1043 = arith.select %parallel_loop3A_1039, %parallel_loop3A_1042, %parallel_loop3A_1006 : vector<16xi1>, vector<16xi32>
      %parallel_loop3A_1044 = arith.select %parallel_loop3A_1039, %parallel_loop3A_1038, %parallel_loop3A_1005 : vector<16xi1>, vector<16xf32>
      %parallel_loop3A_1045 = arith.constant 64 : i32
      %parallel_loop3A_1046 = arith.muli %parallel_loop3A_1000, %parallel_loop3A_1045 : i32
      %parallel_loop3A_1047 = arith.constant 48 : i32
      %parallel_loop3A_1048 = arith.addi %parallel_loop3A_1046, %parallel_loop3A_1047 : i32
      %parallel_loop3A_1049 = arith.index_cast %parallel_loop3A_1048 : i32 to index
      %parallel_loop3A_1050 = tpu.vector_load %arg6[%parallel_loop3A_1049] {strides = array<i32>} : memref<32768xf32, #tpu.memory_space<vmem>>, vector<16xf32>,
      %parallel_loop3A_1051 = arith.cmpf ogt, %parallel_loop3A_1050, %parallel_loop3A_1007 : vector<16xf32>
      %parallel_loop3A_1052 = arith.constant 32768 : i32
      %parallel_loop3A_1053 = arith.addi %parallel_loop3A_1052, %parallel_loop3A_1048 : i32
      %parallel_loop3A_1054 = vector.broadcast %parallel_loop3A_1053 : i32 to vector<16xi32>
      %parallel_loop3A_1055 = arith.select %parallel_loop3A_1051, %parallel_loop3A_1054, %parallel_loop3A_1008 : vector<16xi1>, vector<16xi32>
      %parallel_loop3A_1056 = arith.select %parallel_loop3A_1051, %parallel_loop3A_1050, %parallel_loop3A_1007 : vector<16xi1>, vector<16xf32>
      scf.yield %parallel_loop3A_1020, %parallel_loop3A_1019, %parallel_loop3A_1032, %parallel_loop3A_1031, %parallel_loop3A_1044, %parallel_loop3A_1043, %parallel_loop3A_1056, %parallel_loop3A_1055 : vector<16xf32>, vector<16xi32>, vector<16xf32>, vector<16xi32>, vector<16xf32>, vector<16xi32>, vector<16xf32>, vector<16xi32>
    } {sc.loop_unroll_factor = 4 : i64, sc.parallel_access}
    %mul3A_580 = arith.constant 4 : i32
    %mul3A_581 = arith.muli %add3A, %mul3A_580 : i32
    %add3A_582 = arith.constant 2 : i32
    %add3A_583 = arith.addi %mul3A_581, %add3A_582 : i32
    %dma_start3A_584 = arith.constant 0 : i32
    %dma_start3A_585 = tpu.memref_slice %arg6[%dma_start3A_584] : memref<32768xf32, #tpu.memory_space<vmem>> -> memref<1536xf32, #tpu.memory_space<vmem>>
    %dma_start3A_586 = arith.constant 98304 : i32
    %dma_start3A_587 = tpu.memref_slice %arg2[%add3A_583, %dma_start3A_586] : memref<128x100000xf32, #tpu.memory_space<hbm>> -> memref<1x1536xf32, #tpu.memory_space<hbm>>
    %dma_start3A_588 = tpu.memref_squeeze %dma_start3A_587 : memref<1x1536xf32, #tpu.memory_space<hbm>> -> memref<1536xf32, #tpu.memory_space<hbm>>
    %dma_start3A_589 = arith.constant 0 : i32
    %dma_start3A_590 = tpu.memref_slice %arg6[%dma_start3A_589] : memref<32768xf32, #tpu.memory_space<vmem>> -> memref<1536xf32, #tpu.memory_space<vmem>>
    %dma_start3A_591 = arith.constant 98304 : i32
    %dma_start3A_592 = tpu.memref_slice %arg2[%add3A_583, %dma_start3A_591] : memref<128x100000xf32, #tpu.memory_space<hbm>> -> memref<1x1536xf32, #tpu.memory_space<hbm>>
    %dma_start3A_593 = tpu.memref_squeeze %dma_start3A_592 : memref<1x1536xf32, #tpu.memory_space<hbm>> -> memref<1536xf32, #tpu.memory_space<hbm>>
    tpu.enqueue_dma source(%dma_start3A_593 : memref<1536xf32, #tpu.memory_space<hbm>>) target(%dma_start3A_590 : memref<1536xf32, #tpu.memory_space<vmem>>) target_semaphore(%arg12 : memref<!tpu.dma_semaphore, #tpu.memory_space<semaphore_mem>>)
    %dma_wait3A_594 = arith.constant 0 : i32
    %dma_wait3A_595 = tpu.memref_slice %arg5[%dma_wait3A_594] : memref<32768xf32, #tpu.memory_space<vmem>> -> memref<32768xf32, #tpu.memory_space<vmem>>
    %dma_wait3A_596 = arith.constant 65536 : i32
    %dma_wait3A_597 = tpu.memref_slice %arg2[%add3A_555, %dma_wait3A_596] : memref<128x100000xf32, #tpu.memory_space<hbm>> -> memref<1x32768xf32, #tpu.memory_space<hbm>>
    %dma_wait3A_598 = tpu.memref_squeeze %dma_wait3A_597 : memref<1x32768xf32, #tpu.memory_space<hbm>> -> memref<32768xf32, #tpu.memory_space<hbm>>
    %dma_wait3A_599 = arith.constant 0 : i32
    %dma_wait3A_600 = tpu.memref_slice %arg5[%dma_wait3A_599] : memref<32768xf32, #tpu.memory_space<vmem>> -> memref<32768xf32, #tpu.memory_space<vmem>>
    %dma_wait3A_601 = arith.constant 65536 : i32
    %dma_wait3A_602 = tpu.memref_slice %arg2[%add3A_555, %dma_wait3A_601] : memref<128x100000xf32, #tpu.memory_space<hbm>> -> memref<1x32768xf32, #tpu.memory_space<hbm>>
    %dma_wait3A_603 = tpu.memref_squeeze %dma_wait3A_602 : memref<1x32768xf32, #tpu.memory_space<hbm>> -> memref<32768xf32, #tpu.memory_space<hbm>>
    tpu.wait_dma2 semaphore(%arg11 : memref<!tpu.dma_semaphore, #tpu.memory_space<semaphore_mem>>) src(%dma_wait3A_603 : memref<32768xf32, #tpu.memory_space<hbm>>) dst(%dma_wait3A_600 : memref<32768xf32, #tpu.memory_space<vmem>>)
    %parallel_loop3A_604 = arith.constant 0 : i32
    %parallel_loop3A_605 = arith.constant 512 : i32
    %parallel_loop3A_606 = arith.constant 1 : i32
    %parallel_loop3A_607:8 = scf.for %parallel_loop3A_1000 = %parallel_loop3A_604 to %parallel_loop3A_605 step %parallel_loop3A_606 iter_args(%parallel_loop3A_1001 = %parallel_loop3A_579#0, %parallel_loop3A_1002 = %parallel_loop3A_579#1, %parallel_loop3A_1003 = %parallel_loop3A_579#2, %parallel_loop3A_1004 = %parallel_loop3A_579#3, %parallel_loop3A_1005 = %parallel_loop3A_579#4, %parallel_loop3A_1006 = %parallel_loop3A_579#5, %parallel_loop3A_1007 = %parallel_loop3A_579#6, %parallel_loop3A_1008 = %parallel_loop3A_579#7) -> (vector<16xf32>, vector<16xi32>, vector<16xf32>, vector<16xi32>, vector<16xf32>, vector<16xi32>, vector<16xf32>, vector<16xi32>)  : i32 {
      %parallel_loop3A_1009 = arith.constant 64 : i32
      %parallel_loop3A_1010 = arith.muli %parallel_loop3A_1000, %parallel_loop3A_1009 : i32
      %parallel_loop3A_1011 = arith.constant 0 : i32
      %parallel_loop3A_1012 = arith.addi %parallel_loop3A_1010, %parallel_loop3A_1011 : i32
      %parallel_loop3A_1013 = arith.index_cast %parallel_loop3A_1012 : i32 to index
      %parallel_loop3A_1014 = tpu.vector_load %arg5[%parallel_loop3A_1013] {strides = array<i32>} : memref<32768xf32, #tpu.memory_space<vmem>>, vector<16xf32>,
      %parallel_loop3A_1015 = arith.cmpf ogt, %parallel_loop3A_1014, %parallel_loop3A_1001 : vector<16xf32>
      %parallel_loop3A_1016 = arith.constant 65536 : i32
      %parallel_loop3A_1017 = arith.addi %parallel_loop3A_1016, %parallel_loop3A_1012 : i32
      %parallel_loop3A_1018 = vector.broadcast %parallel_loop3A_1017 : i32 to vector<16xi32>
      %parallel_loop3A_1019 = arith.select %parallel_loop3A_1015, %parallel_loop3A_1018, %parallel_loop3A_1002 : vector<16xi1>, vector<16xi32>
      %parallel_loop3A_1020 = arith.select %parallel_loop3A_1015, %parallel_loop3A_1014, %parallel_loop3A_1001 : vector<16xi1>, vector<16xf32>
      %parallel_loop3A_1021 = arith.constant 64 : i32
      %parallel_loop3A_1022 = arith.muli %parallel_loop3A_1000, %parallel_loop3A_1021 : i32
      %parallel_loop3A_1023 = arith.constant 16 : i32
      %parallel_loop3A_1024 = arith.addi %parallel_loop3A_1022, %parallel_loop3A_1023 : i32
      %parallel_loop3A_1025 = arith.index_cast %parallel_loop3A_1024 : i32 to index
      %parallel_loop3A_1026 = tpu.vector_load %arg5[%parallel_loop3A_1025] {strides = array<i32>} : memref<32768xf32, #tpu.memory_space<vmem>>, vector<16xf32>,
      %parallel_loop3A_1027 = arith.cmpf ogt, %parallel_loop3A_1026, %parallel_loop3A_1003 : vector<16xf32>
      %parallel_loop3A_1028 = arith.constant 65536 : i32
      %parallel_loop3A_1029 = arith.addi %parallel_loop3A_1028, %parallel_loop3A_1024 : i32
      %parallel_loop3A_1030 = vector.broadcast %parallel_loop3A_1029 : i32 to vector<16xi32>
      %parallel_loop3A_1031 = arith.select %parallel_loop3A_1027, %parallel_loop3A_1030, %parallel_loop3A_1004 : vector<16xi1>, vector<16xi32>
      %parallel_loop3A_1032 = arith.select %parallel_loop3A_1027, %parallel_loop3A_1026, %parallel_loop3A_1003 : vector<16xi1>, vector<16xf32>
      %parallel_loop3A_1033 = arith.constant 64 : i32
      %parallel_loop3A_1034 = arith.muli %parallel_loop3A_1000, %parallel_loop3A_1033 : i32
      %parallel_loop3A_1035 = arith.constant 32 : i32
      %parallel_loop3A_1036 = arith.addi %parallel_loop3A_1034, %parallel_loop3A_1035 : i32
      %parallel_loop3A_1037 = arith.index_cast %parallel_loop3A_1036 : i32 to index
      %parallel_loop3A_1038 = tpu.vector_load %arg5[%parallel_loop3A_1037] {strides = array<i32>} : memref<32768xf32, #tpu.memory_space<vmem>>, vector<16xf32>,
      %parallel_loop3A_1039 = arith.cmpf ogt, %parallel_loop3A_1038, %parallel_loop3A_1005 : vector<16xf32>
      %parallel_loop3A_1040 = arith.constant 65536 : i32
      %parallel_loop3A_1041 = arith.addi %parallel_loop3A_1040, %parallel_loop3A_1036 : i32
      %parallel_loop3A_1042 = vector.broadcast %parallel_loop3A_1041 : i32 to vector<16xi32>
      %parallel_loop3A_1043 = arith.select %parallel_loop3A_1039, %parallel_loop3A_1042, %parallel_loop3A_1006 : vector<16xi1>, vector<16xi32>
      %parallel_loop3A_1044 = arith.select %parallel_loop3A_1039, %parallel_loop3A_1038, %parallel_loop3A_1005 : vector<16xi1>, vector<16xf32>
      %parallel_loop3A_1045 = arith.constant 64 : i32
      %parallel_loop3A_1046 = arith.muli %parallel_loop3A_1000, %parallel_loop3A_1045 : i32
      %parallel_loop3A_1047 = arith.constant 48 : i32
      %parallel_loop3A_1048 = arith.addi %parallel_loop3A_1046, %parallel_loop3A_1047 : i32
      %parallel_loop3A_1049 = arith.index_cast %parallel_loop3A_1048 : i32 to index
      %parallel_loop3A_1050 = tpu.vector_load %arg5[%parallel_loop3A_1049] {strides = array<i32>} : memref<32768xf32, #tpu.memory_space<vmem>>, vector<16xf32>,
      %parallel_loop3A_1051 = arith.cmpf ogt, %parallel_loop3A_1050, %parallel_loop3A_1007 : vector<16xf32>
      %parallel_loop3A_1052 = arith.constant 65536 : i32
      %parallel_loop3A_1053 = arith.addi %parallel_loop3A_1052, %parallel_loop3A_1048 : i32
      %parallel_loop3A_1054 = vector.broadcast %parallel_loop3A_1053 : i32 to vector<16xi32>
      %parallel_loop3A_1055 = arith.select %parallel_loop3A_1051, %parallel_loop3A_1054, %parallel_loop3A_1008 : vector<16xi1>, vector<16xi32>
      %parallel_loop3A_1056 = arith.select %parallel_loop3A_1051, %parallel_loop3A_1050, %parallel_loop3A_1007 : vector<16xi1>, vector<16xf32>
      scf.yield %parallel_loop3A_1020, %parallel_loop3A_1019, %parallel_loop3A_1032, %parallel_loop3A_1031, %parallel_loop3A_1044, %parallel_loop3A_1043, %parallel_loop3A_1056, %parallel_loop3A_1055 : vector<16xf32>, vector<16xi32>, vector<16xf32>, vector<16xi32>, vector<16xf32>, vector<16xi32>, vector<16xf32>, vector<16xi32>
    } {sc.loop_unroll_factor = 4 : i64, sc.parallel_access}
    %mul3A_608 = arith.constant 4 : i32
    %mul3A_609 = arith.muli %add3A, %mul3A_608 : i32
    %add3A_610 = arith.constant 3 : i32
    %add3A_611 = arith.addi %mul3A_609, %add3A_610 : i32
    %dma_start3A_612 = arith.constant 0 : i32
    %dma_start3A_613 = tpu.memref_slice %arg5[%dma_start3A_612] : memref<32768xf32, #tpu.memory_space<vmem>> -> memref<32768xf32, #tpu.memory_space<vmem>>
    %dma_start3A_614 = arith.constant 0 : i32
    %dma_start3A_615 = tpu.memref_slice %arg2[%add3A_611, %dma_start3A_614] : memref<128x100000xf32, #tpu.memory_space<hbm>> -> memref<1x32768xf32, #tpu.memory_space<hbm>>
    %dma_start3A_616 = tpu.memref_squeeze %dma_start3A_615 : memref<1x32768xf32, #tpu.memory_space<hbm>> -> memref<32768xf32, #tpu.memory_space<hbm>>
    %dma_start3A_617 = arith.constant 0 : i32
    %dma_start3A_618 = tpu.memref_slice %arg5[%dma_start3A_617] : memref<32768xf32, #tpu.memory_space<vmem>> -> memref<32768xf32, #tpu.memory_space<vmem>>
    %dma_start3A_619 = arith.constant 0 : i32
    %dma_start3A_620 = tpu.memref_slice %arg2[%add3A_611, %dma_start3A_619] : memref<128x100000xf32, #tpu.memory_space<hbm>> -> memref<1x32768xf32, #tpu.memory_space<hbm>>
    %dma_start3A_621 = tpu.memref_squeeze %dma_start3A_620 : memref<1x32768xf32, #tpu.memory_space<hbm>> -> memref<32768xf32, #tpu.memory_space<hbm>>
    tpu.enqueue_dma source(%dma_start3A_621 : memref<32768xf32, #tpu.memory_space<hbm>>) target(%dma_start3A_618 : memref<32768xf32, #tpu.memory_space<vmem>>) target_semaphore(%arg11 : memref<!tpu.dma_semaphore, #tpu.memory_space<semaphore_mem>>)
    %dma_wait3A_622 = arith.constant 0 : i32
    %dma_wait3A_623 = tpu.memref_slice %arg6[%dma_wait3A_622] : memref<32768xf32, #tpu.memory_space<vmem>> -> memref<1536xf32, #tpu.memory_space<vmem>>
    %dma_wait3A_624 = arith.constant 98304 : i32
    %dma_wait3A_625 = tpu.memref_slice %arg2[%add3A_583, %dma_wait3A_624] : memref<128x100000xf32, #tpu.memory_space<hbm>> -> memref<1x1536xf32, #tpu.memory_space<hbm>>
    %dma_wait3A_626 = tpu.memref_squeeze %dma_wait3A_625 : memref<1x1536xf32, #tpu.memory_space<hbm>> -> memref<1536xf32, #tpu.memory_space<hbm>>
    %dma_wait3A_627 = arith.constant 0 : i32
    %dma_wait3A_628 = tpu.memref_slice %arg6[%dma_wait3A_627] : memref<32768xf32, #tpu.memory_space<vmem>> -> memref<1536xf32, #tpu.memory_space<vmem>>
    %dma_wait3A_629 = arith.constant 98304 : i32
    %dma_wait3A_630 = tpu.memref_slice %arg2[%add3A_583, %dma_wait3A_629] : memref<128x100000xf32, #tpu.memory_space<hbm>> -> memref<1x1536xf32, #tpu.memory_space<hbm>>
    %dma_wait3A_631 = tpu.memref_squeeze %dma_wait3A_630 : memref<1x1536xf32, #tpu.memory_space<hbm>> -> memref<1536xf32, #tpu.memory_space<hbm>>
    tpu.wait_dma2 semaphore(%arg12 : memref<!tpu.dma_semaphore, #tpu.memory_space<semaphore_mem>>) src(%dma_wait3A_631 : memref<1536xf32, #tpu.memory_space<hbm>>) dst(%dma_wait3A_628 : memref<1536xf32, #tpu.memory_space<vmem>>)
    %parallel_loop3A_632 = arith.constant 0 : i32
    %parallel_loop3A_633 = arith.constant 24 : i32
    %parallel_loop3A_634 = arith.constant 1 : i32
    %parallel_loop3A_635:8 = scf.for %parallel_loop3A_1000 = %parallel_loop3A_632 to %parallel_loop3A_633 step %parallel_loop3A_634 iter_args(%parallel_loop3A_1001 = %parallel_loop3A_607#0, %parallel_loop3A_1002 = %parallel_loop3A_607#1, %parallel_loop3A_1003 = %parallel_loop3A_607#2, %parallel_loop3A_1004 = %parallel_loop3A_607#3, %parallel_loop3A_1005 = %parallel_loop3A_607#4, %parallel_loop3A_1006 = %parallel_loop3A_607#5, %parallel_loop3A_1007 = %parallel_loop3A_607#6, %parallel_loop3A_1008 = %parallel_loop3A_607#7) -> (vector<16xf32>, vector<16xi32>, vector<16xf32>, vector<16xi32>, vector<16xf32>, vector<16xi32>, vector<16xf32>, vector<16xi32>)  : i32 {
      %parallel_loop3A_1009 = arith.constant 64 : i32
      %parallel_loop3A_1010 = arith.muli %parallel_loop3A_1000, %parallel_loop3A_1009 : i32
      %parallel_loop3A_1011 = arith.constant 0 : i32
      %parallel_loop3A_1012 = arith.addi %parallel_loop3A_1010, %parallel_loop3A_1011 : i32
      %parallel_loop3A_1013 = arith.index_cast %parallel_loop3A_1012 : i32 to index
      %parallel_loop3A_1014 = tpu.vector_load %arg6[%parallel_loop3A_1013] {strides = array<i32>} : memref<32768xf32, #tpu.memory_space<vmem>>, vector<16xf32>,
      %parallel_loop3A_1015 = arith.cmpf ogt, %parallel_loop3A_1014, %parallel_loop3A_1001 : vector<16xf32>
      %parallel_loop3A_1016 = arith.constant 98304 : i32
      %parallel_loop3A_1017 = arith.addi %parallel_loop3A_1016, %parallel_loop3A_1012 : i32
      %parallel_loop3A_1018 = vector.broadcast %parallel_loop3A_1017 : i32 to vector<16xi32>
      %parallel_loop3A_1019 = arith.select %parallel_loop3A_1015, %parallel_loop3A_1018, %parallel_loop3A_1002 : vector<16xi1>, vector<16xi32>
      %parallel_loop3A_1020 = arith.select %parallel_loop3A_1015, %parallel_loop3A_1014, %parallel_loop3A_1001 : vector<16xi1>, vector<16xf32>
      %parallel_loop3A_1021 = arith.constant 64 : i32
      %parallel_loop3A_1022 = arith.muli %parallel_loop3A_1000, %parallel_loop3A_1021 : i32
      %parallel_loop3A_1023 = arith.constant 16 : i32
      %parallel_loop3A_1024 = arith.addi %parallel_loop3A_1022, %parallel_loop3A_1023 : i32
      %parallel_loop3A_1025 = arith.index_cast %parallel_loop3A_1024 : i32 to index
      %parallel_loop3A_1026 = tpu.vector_load %arg6[%parallel_loop3A_1025] {strides = array<i32>} : memref<32768xf32, #tpu.memory_space<vmem>>, vector<16xf32>,
      %parallel_loop3A_1027 = arith.cmpf ogt, %parallel_loop3A_1026, %parallel_loop3A_1003 : vector<16xf32>
      %parallel_loop3A_1028 = arith.constant 98304 : i32
      %parallel_loop3A_1029 = arith.addi %parallel_loop3A_1028, %parallel_loop3A_1024 : i32
      %parallel_loop3A_1030 = vector.broadcast %parallel_loop3A_1029 : i32 to vector<16xi32>
      %parallel_loop3A_1031 = arith.select %parallel_loop3A_1027, %parallel_loop3A_1030, %parallel_loop3A_1004 : vector<16xi1>, vector<16xi32>
      %parallel_loop3A_1032 = arith.select %parallel_loop3A_1027, %parallel_loop3A_1026, %parallel_loop3A_1003 : vector<16xi1>, vector<16xf32>
      %parallel_loop3A_1033 = arith.constant 64 : i32
      %parallel_loop3A_1034 = arith.muli %parallel_loop3A_1000, %parallel_loop3A_1033 : i32
      %parallel_loop3A_1035 = arith.constant 32 : i32
      %parallel_loop3A_1036 = arith.addi %parallel_loop3A_1034, %parallel_loop3A_1035 : i32
      %parallel_loop3A_1037 = arith.index_cast %parallel_loop3A_1036 : i32 to index
      %parallel_loop3A_1038 = tpu.vector_load %arg6[%parallel_loop3A_1037] {strides = array<i32>} : memref<32768xf32, #tpu.memory_space<vmem>>, vector<16xf32>,
      %parallel_loop3A_1039 = arith.cmpf ogt, %parallel_loop3A_1038, %parallel_loop3A_1005 : vector<16xf32>
      %parallel_loop3A_1040 = arith.constant 98304 : i32
      %parallel_loop3A_1041 = arith.addi %parallel_loop3A_1040, %parallel_loop3A_1036 : i32
      %parallel_loop3A_1042 = vector.broadcast %parallel_loop3A_1041 : i32 to vector<16xi32>
      %parallel_loop3A_1043 = arith.select %parallel_loop3A_1039, %parallel_loop3A_1042, %parallel_loop3A_1006 : vector<16xi1>, vector<16xi32>
      %parallel_loop3A_1044 = arith.select %parallel_loop3A_1039, %parallel_loop3A_1038, %parallel_loop3A_1005 : vector<16xi1>, vector<16xf32>
      %parallel_loop3A_1045 = arith.constant 64 : i32
      %parallel_loop3A_1046 = arith.muli %parallel_loop3A_1000, %parallel_loop3A_1045 : i32
      %parallel_loop3A_1047 = arith.constant 48 : i32
      %parallel_loop3A_1048 = arith.addi %parallel_loop3A_1046, %parallel_loop3A_1047 : i32
      %parallel_loop3A_1049 = arith.index_cast %parallel_loop3A_1048 : i32 to index
      %parallel_loop3A_1050 = tpu.vector_load %arg6[%parallel_loop3A_1049] {strides = array<i32>} : memref<32768xf32, #tpu.memory_space<vmem>>, vector<16xf32>,
      %parallel_loop3A_1051 = arith.cmpf ogt, %parallel_loop3A_1050, %parallel_loop3A_1007 : vector<16xf32>
      %parallel_loop3A_1052 = arith.constant 98304 : i32
      %parallel_loop3A_1053 = arith.addi %parallel_loop3A_1052, %parallel_loop3A_1048 : i32
      %parallel_loop3A_1054 = vector.broadcast %parallel_loop3A_1053 : i32 to vector<16xi32>
      %parallel_loop3A_1055 = arith.select %parallel_loop3A_1051, %parallel_loop3A_1054, %parallel_loop3A_1008 : vector<16xi1>, vector<16xi32>
      %parallel_loop3A_1056 = arith.select %parallel_loop3A_1051, %parallel_loop3A_1050, %parallel_loop3A_1007 : vector<16xi1>, vector<16xf32>
      scf.yield %parallel_loop3A_1020, %parallel_loop3A_1019, %parallel_loop3A_1032, %parallel_loop3A_1031, %parallel_loop3A_1044, %parallel_loop3A_1043, %parallel_loop3A_1056, %parallel_loop3A_1055 : vector<16xf32>, vector<16xi32>, vector<16xf32>, vector<16xi32>, vector<16xf32>, vector<16xi32>, vector<16xf32>, vector<16xi32>
    } {sc.loop_unroll_factor = 4 : i64, sc.parallel_access}
    %add3A_636 = arith.addi %parallel_loop3A_635#1, %iota3A : vector<16xi32>
    %add3A_637 = arith.addi %parallel_loop3A_635#3, %iota3A : vector<16xi32>
    %gt3A_638 = arith.cmpf ogt, %parallel_loop3A_635#2, %parallel_loop3A_635#0 : vector<16xf32>
    %eq3A_639 = arith.cmpf oeq, %parallel_loop3A_635#2, %parallel_loop3A_635#0 : vector<16xf32>
    %lt3A_640 = arith.cmpi slt, %add3A_637, %add3A_636 : vector<16xi32>
    %and3A_641 = arith.andi %eq3A_639, %lt3A_640 : vector<16xi1>
    %or3A_642 = arith.ori %gt3A_638, %and3A_641 : vector<16xi1>
    %select_n3A_643 = arith.select %or3A_642, %add3A_637, %add3A_636 : vector<16xi1>, vector<16xi32>
    %select_n3A_644 = arith.select %or3A_642, %parallel_loop3A_635#2, %parallel_loop3A_635#0 : vector<16xi1>, vector<16xf32>
    %add3A_645 = arith.addi %parallel_loop3A_635#5, %iota3A : vector<16xi32>
    %gt3A_646 = arith.cmpf ogt, %parallel_loop3A_635#4, %select_n3A_644 : vector<16xf32>
    %eq3A_647 = arith.cmpf oeq, %parallel_loop3A_635#4, %select_n3A_644 : vector<16xf32>
    %lt3A_648 = arith.cmpi slt, %add3A_645, %select_n3A_643 : vector<16xi32>
    %and3A_649 = arith.andi %eq3A_647, %lt3A_648 : vector<16xi1>
    %or3A_650 = arith.ori %gt3A_646, %and3A_649 : vector<16xi1>
    %select_n3A_651 = arith.select %or3A_650, %add3A_645, %select_n3A_643 : vector<16xi1>, vector<16xi32>
    %select_n3A_652 = arith.select %or3A_650, %parallel_loop3A_635#4, %select_n3A_644 : vector<16xi1>, vector<16xf32>
    %add3A_653 = arith.addi %parallel_loop3A_635#7, %iota3A : vector<16xi32>
    %gt3A_654 = arith.cmpf ogt, %parallel_loop3A_635#6, %select_n3A_652 : vector<16xf32>
    %eq3A_655 = arith.cmpf oeq, %parallel_loop3A_635#6, %select_n3A_652 : vector<16xf32>
    %lt3A_656 = arith.cmpi slt, %add3A_653, %select_n3A_651 : vector<16xi32>
    %and3A_657 = arith.andi %eq3A_655, %lt3A_656 : vector<16xi1>
    %or3A_658 = arith.ori %gt3A_654, %and3A_657 : vector<16xi1>
    %select_n3A_659 = arith.select %or3A_658, %add3A_653, %select_n3A_651 : vector<16xi1>, vector<16xi32>
    %select_n3A_660 = arith.select %or3A_658, %parallel_loop3A_635#6, %select_n3A_652 : vector<16xi1>, vector<16xf32>
    %swap3A_661 = arith.constant 0 : index
    %swap3A_662 = tpu.vector_load %arg9[%swap3A_661] {strides = array<i32>} : memref<16xf32, #tpu.memory_space<vmem>>, vector<16xf32>,
    tpu.vector_store %arg9[%swap3A_661], %select_n3A_660 {strides = array<i32>} : memref<16xf32, #tpu.memory_space<vmem>>, vector<16xf32>,
    %swap3A_663 = arith.constant 0 : index
    %swap3A_664 = tpu.vector_load %arg10[%swap3A_663] {strides = array<i32>} : memref<16xi32, #tpu.memory_space<vmem>>, vector<16xi32>,
    tpu.vector_store %arg10[%swap3A_663], %select_n3A_659 {strides = array<i32>} : memref<16xi32, #tpu.memory_space<vmem>>, vector<16xi32>,
    %xor3A_665 = arith.constant 8 : i32
    %xor3A_666 = vector.broadcast %xor3A_665 : i32 to vector<16xi32>
    %xor3A_667 = arith.xori %iota3A, %xor3A_666 : vector<16xi32>
    %gather3A_668 = tpu.vector_load_idx %arg9[%xor3A_667] : memref<16xf32, #tpu.memory_space<vmem>>[vector<16xi32>], vector<16xf32>,
    %gather3A_669 = tpu.vector_load_idx %arg10[%xor3A_667] : memref<16xi32, #tpu.memory_space<vmem>>[vector<16xi32>], vector<16xi32>,
    %gt3A_670 = arith.cmpf ogt, %gather3A_668, %select_n3A_660 : vector<16xf32>
    %eq3A_671 = arith.cmpf oeq, %gather3A_668, %select_n3A_660 : vector<16xf32>
    %lt3A_672 = arith.cmpi slt, %gather3A_669, %select_n3A_659 : vector<16xi32>
    %and3A_673 = arith.andi %eq3A_671, %lt3A_672 : vector<16xi1>
    %or3A_674 = arith.ori %gt3A_670, %and3A_673 : vector<16xi1>
    %select_n3A_675 = arith.select %or3A_674, %gather3A_669, %select_n3A_659 : vector<16xi1>, vector<16xi32>
    %select_n3A_676 = arith.select %or3A_674, %gather3A_668, %select_n3A_660 : vector<16xi1>, vector<16xf32>
    %swap3A_677 = arith.constant 0 : index
    %swap3A_678 = tpu.vector_load %arg9[%swap3A_677] {strides = array<i32>} : memref<16xf32, #tpu.memory_space<vmem>>, vector<16xf32>,
    tpu.vector_store %arg9[%swap3A_677], %select_n3A_676 {strides = array<i32>} : memref<16xf32, #tpu.memory_space<vmem>>, vector<16xf32>,
    %swap3A_679 = arith.constant 0 : index
    %swap3A_680 = tpu.vector_load %arg10[%swap3A_679] {strides = array<i32>} : memref<16xi32, #tpu.memory_space<vmem>>, vector<16xi32>,
    tpu.vector_store %arg10[%swap3A_679], %select_n3A_675 {strides = array<i32>} : memref<16xi32, #tpu.memory_space<vmem>>, vector<16xi32>,
    %xor3A_681 = arith.constant 4 : i32
    %xor3A_682 = vector.broadcast %xor3A_681 : i32 to vector<16xi32>
    %xor3A_683 = arith.xori %iota3A, %xor3A_682 : vector<16xi32>
    %gather3A_684 = tpu.vector_load_idx %arg9[%xor3A_683] : memref<16xf32, #tpu.memory_space<vmem>>[vector<16xi32>], vector<16xf32>,
    %gather3A_685 = tpu.vector_load_idx %arg10[%xor3A_683] : memref<16xi32, #tpu.memory_space<vmem>>[vector<16xi32>], vector<16xi32>,
    %gt3A_686 = arith.cmpf ogt, %gather3A_684, %select_n3A_676 : vector<16xf32>
    %eq3A_687 = arith.cmpf oeq, %gather3A_684, %select_n3A_676 : vector<16xf32>
    %lt3A_688 = arith.cmpi slt, %gather3A_685, %select_n3A_675 : vector<16xi32>
    %and3A_689 = arith.andi %eq3A_687, %lt3A_688 : vector<16xi1>
    %or3A_690 = arith.ori %gt3A_686, %and3A_689 : vector<16xi1>
    %select_n3A_691 = arith.select %or3A_690, %gather3A_685, %select_n3A_675 : vector<16xi1>, vector<16xi32>
    %select_n3A_692 = arith.select %or3A_690, %gather3A_684, %select_n3A_676 : vector<16xi1>, vector<16xf32>
    %swap3A_693 = arith.constant 0 : index
    %swap3A_694 = tpu.vector_load %arg9[%swap3A_693] {strides = array<i32>} : memref<16xf32, #tpu.memory_space<vmem>>, vector<16xf32>,
    tpu.vector_store %arg9[%swap3A_693], %select_n3A_692 {strides = array<i32>} : memref<16xf32, #tpu.memory_space<vmem>>, vector<16xf32>,
    %swap3A_695 = arith.constant 0 : index
    %swap3A_696 = tpu.vector_load %arg10[%swap3A_695] {strides = array<i32>} : memref<16xi32, #tpu.memory_space<vmem>>, vector<16xi32>,
    tpu.vector_store %arg10[%swap3A_695], %select_n3A_691 {strides = array<i32>} : memref<16xi32, #tpu.memory_space<vmem>>, vector<16xi32>,
    %xor3A_697 = arith.constant 2 : i32
    %xor3A_698 = vector.broadcast %xor3A_697 : i32 to vector<16xi32>
    %xor3A_699 = arith.xori %iota3A, %xor3A_698 : vector<16xi32>
    %gather3A_700 = tpu.vector_load_idx %arg9[%xor3A_699] : memref<16xf32, #tpu.memory_space<vmem>>[vector<16xi32>], vector<16xf32>,
    %gather3A_701 = tpu.vector_load_idx %arg10[%xor3A_699] : memref<16xi32, #tpu.memory_space<vmem>>[vector<16xi32>], vector<16xi32>,
    %gt3A_702 = arith.cmpf ogt, %gather3A_700, %select_n3A_692 : vector<16xf32>
    %eq3A_703 = arith.cmpf oeq, %gather3A_700, %select_n3A_692 : vector<16xf32>
    %lt3A_704 = arith.cmpi slt, %gather3A_701, %select_n3A_691 : vector<16xi32>
    %and3A_705 = arith.andi %eq3A_703, %lt3A_704 : vector<16xi1>
    %or3A_706 = arith.ori %gt3A_702, %and3A_705 : vector<16xi1>
    %select_n3A_707 = arith.select %or3A_706, %gather3A_701, %select_n3A_691 : vector<16xi1>, vector<16xi32>
    %select_n3A_708 = arith.select %or3A_706, %gather3A_700, %select_n3A_692 : vector<16xi1>, vector<16xf32>
    %swap3A_709 = arith.constant 0 : index
    %swap3A_710 = tpu.vector_load %arg9[%swap3A_709] {strides = array<i32>} : memref<16xf32, #tpu.memory_space<vmem>>, vector<16xf32>,
    tpu.vector_store %arg9[%swap3A_709], %select_n3A_708 {strides = array<i32>} : memref<16xf32, #tpu.memory_space<vmem>>, vector<16xf32>,
    %swap3A_711 = arith.constant 0 : index
    %swap3A_712 = tpu.vector_load %arg10[%swap3A_711] {strides = array<i32>} : memref<16xi32, #tpu.memory_space<vmem>>, vector<16xi32>,
    tpu.vector_store %arg10[%swap3A_711], %select_n3A_707 {strides = array<i32>} : memref<16xi32, #tpu.memory_space<vmem>>, vector<16xi32>,
    %xor3A_713 = arith.constant 1 : i32
    %xor3A_714 = vector.broadcast %xor3A_713 : i32 to vector<16xi32>
    %xor3A_715 = arith.xori %iota3A, %xor3A_714 : vector<16xi32>
    %gather3A_716 = tpu.vector_load_idx %arg9[%xor3A_715] : memref<16xf32, #tpu.memory_space<vmem>>[vector<16xi32>], vector<16xf32>,
    %gather3A_717 = tpu.vector_load_idx %arg10[%xor3A_715] : memref<16xi32, #tpu.memory_space<vmem>>[vector<16xi32>], vector<16xi32>,
    %gt3A_718 = arith.cmpf ogt, %gather3A_716, %select_n3A_708 : vector<16xf32>
    %eq3A_719 = arith.cmpf oeq, %gather3A_716, %select_n3A_708 : vector<16xf32>
    %lt3A_720 = arith.cmpi slt, %gather3A_717, %select_n3A_707 : vector<16xi32>
    %and3A_721 = arith.andi %eq3A_719, %lt3A_720 : vector<16xi1>
    %or3A_722 = arith.ori %gt3A_718, %and3A_721 : vector<16xi1>
    %select_n3A_723 = arith.select %or3A_722, %gather3A_717, %select_n3A_707 : vector<16xi1>, vector<16xi32>
    %select_n3A_724 = arith.select %or3A_722, %gather3A_716, %select_n3A_708 : vector<16xi1>, vector<16xf32>
    %swap3A_725 = arith.constant 0 : index
    %swap3A_726 = tpu.vector_load %arg7[%swap3A_725] {strides = array<i32>} : memref<128xf32, #tpu.memory_space<vmem>>, vector<16xf32>,
    tpu.vector_store %arg7[%swap3A_725], %select_n3A_724 {strides = array<i32>} : memref<128xf32, #tpu.memory_space<vmem>>, vector<16xf32>,
    %swap3A_727 = arith.constant 0 : index
    %swap3A_728 = tpu.vector_load %arg8[%swap3A_727] {strides = array<i32>} : memref<128xi32, #tpu.memory_space<vmem>>, vector<16xi32>,
    tpu.vector_store %arg8[%swap3A_727], %select_n3A_723 {strides = array<i32>} : memref<128xi32, #tpu.memory_space<vmem>>, vector<16xi32>,
    %swap3A_729 = arith.constant 16 : index
    %swap3A_730 = tpu.vector_load %arg7[%swap3A_729] {strides = array<i32>} : memref<128xf32, #tpu.memory_space<vmem>>, vector<16xf32>,
    tpu.vector_store %arg7[%swap3A_729], %select_n3A_724 {strides = array<i32>} : memref<128xf32, #tpu.memory_space<vmem>>, vector<16xf32>,
    %swap3A_731 = arith.constant 16 : index
    %swap3A_732 = tpu.vector_load %arg8[%swap3A_731] {strides = array<i32>} : memref<128xi32, #tpu.memory_space<vmem>>, vector<16xi32>,
    tpu.vector_store %arg8[%swap3A_731], %select_n3A_723 {strides = array<i32>} : memref<128xi32, #tpu.memory_space<vmem>>, vector<16xi32>,
    %swap3A_733 = arith.constant 32 : index
    %swap3A_734 = tpu.vector_load %arg7[%swap3A_733] {strides = array<i32>} : memref<128xf32, #tpu.memory_space<vmem>>, vector<16xf32>,
    tpu.vector_store %arg7[%swap3A_733], %select_n3A_724 {strides = array<i32>} : memref<128xf32, #tpu.memory_space<vmem>>, vector<16xf32>,
    %swap3A_735 = arith.constant 32 : index
    %swap3A_736 = tpu.vector_load %arg8[%swap3A_735] {strides = array<i32>} : memref<128xi32, #tpu.memory_space<vmem>>, vector<16xi32>,
    tpu.vector_store %arg8[%swap3A_735], %select_n3A_723 {strides = array<i32>} : memref<128xi32, #tpu.memory_space<vmem>>, vector<16xi32>,
    %swap3A_737 = arith.constant 48 : index
    %swap3A_738 = tpu.vector_load %arg7[%swap3A_737] {strides = array<i32>} : memref<128xf32, #tpu.memory_space<vmem>>, vector<16xf32>,
    tpu.vector_store %arg7[%swap3A_737], %select_n3A_724 {strides = array<i32>} : memref<128xf32, #tpu.memory_space<vmem>>, vector<16xf32>,
    %swap3A_739 = arith.constant 48 : index
    %swap3A_740 = tpu.vector_load %arg8[%swap3A_739] {strides = array<i32>} : memref<128xi32, #tpu.memory_space<vmem>>, vector<16xi32>,
    tpu.vector_store %arg8[%swap3A_739], %select_n3A_723 {strides = array<i32>} : memref<128xi32, #tpu.memory_space<vmem>>, vector<16xi32>,
    %swap3A_741 = arith.constant 64 : index
    %swap3A_742 = tpu.vector_load %arg7[%swap3A_741] {strides = array<i32>} : memref<128xf32, #tpu.memory_space<vmem>>, vector<16xf32>,
    tpu.vector_store %arg7[%swap3A_741], %select_n3A_724 {strides = array<i32>} : memref<128xf32, #tpu.memory_space<vmem>>, vector<16xf32>,
    %swap3A_743 = arith.constant 64 : index
    %swap3A_744 = tpu.vector_load %arg8[%swap3A_743] {strides = array<i32>} : memref<128xi32, #tpu.memory_space<vmem>>, vector<16xi32>,
    tpu.vector_store %arg8[%swap3A_743], %select_n3A_723 {strides = array<i32>} : memref<128xi32, #tpu.memory_space<vmem>>, vector<16xi32>,
    %swap3A_745 = arith.constant 80 : index
    %swap3A_746 = tpu.vector_load %arg7[%swap3A_745] {strides = array<i32>} : memref<128xf32, #tpu.memory_space<vmem>>, vector<16xf32>,
    tpu.vector_store %arg7[%swap3A_745], %select_n3A_724 {strides = array<i32>} : memref<128xf32, #tpu.memory_space<vmem>>, vector<16xf32>,
    %swap3A_747 = arith.constant 80 : index
    %swap3A_748 = tpu.vector_load %arg8[%swap3A_747] {strides = array<i32>} : memref<128xi32, #tpu.memory_space<vmem>>, vector<16xi32>,
    tpu.vector_store %arg8[%swap3A_747], %select_n3A_723 {strides = array<i32>} : memref<128xi32, #tpu.memory_space<vmem>>, vector<16xi32>,
    %swap3A_749 = arith.constant 96 : index
    %swap3A_750 = tpu.vector_load %arg7[%swap3A_749] {strides = array<i32>} : memref<128xf32, #tpu.memory_space<vmem>>, vector<16xf32>,
    tpu.vector_store %arg7[%swap3A_749], %select_n3A_724 {strides = array<i32>} : memref<128xf32, #tpu.memory_space<vmem>>, vector<16xf32>,
    %swap3A_751 = arith.constant 96 : index
    %swap3A_752 = tpu.vector_load %arg8[%swap3A_751] {strides = array<i32>} : memref<128xi32, #tpu.memory_space<vmem>>, vector<16xi32>,
    tpu.vector_store %arg8[%swap3A_751], %select_n3A_723 {strides = array<i32>} : memref<128xi32, #tpu.memory_space<vmem>>, vector<16xi32>,
    %swap3A_753 = arith.constant 112 : index
    %swap3A_754 = tpu.vector_load %arg7[%swap3A_753] {strides = array<i32>} : memref<128xf32, #tpu.memory_space<vmem>>, vector<16xf32>,
    tpu.vector_store %arg7[%swap3A_753], %select_n3A_724 {strides = array<i32>} : memref<128xf32, #tpu.memory_space<vmem>>, vector<16xf32>,
    %swap3A_755 = arith.constant 112 : index
    %swap3A_756 = tpu.vector_load %arg8[%swap3A_755] {strides = array<i32>} : memref<128xi32, #tpu.memory_space<vmem>>, vector<16xi32>,
    tpu.vector_store %arg8[%swap3A_755], %select_n3A_723 {strides = array<i32>} : memref<128xi32, #tpu.memory_space<vmem>>, vector<16xi32>,
    %mul3A_757 = arith.constant 4 : i32
    %mul3A_758 = arith.muli %add3A, %mul3A_757 : i32
    %add3A_759 = arith.constant 2 : i32
    %add3A_760 = arith.addi %mul3A_758, %add3A_759 : i32
    "tpu.region"() ({
      %run_scoped3A = tpu.sem_alloc : memref<!tpu.dma_semaphore, #tpu.memory_space<semaphore_mem>>
      %dma_start3A_1000 = arith.constant 0 : i32
      %dma_start3A_1001 = tpu.memref_slice %arg3[%add3A_760, %dma_start3A_1000] : memref<128x128xf32, #tpu.memory_space<hbm>> -> memref<1x128xf32, #tpu.memory_space<hbm>>
      %dma_start3A_1002 = tpu.memref_squeeze %dma_start3A_1001 : memref<1x128xf32, #tpu.memory_space<hbm>> -> memref<128xf32, #tpu.memory_space<hbm>>
      %dma_start3A_1003 = arith.constant 0 : i32
      %dma_start3A_1004 = tpu.memref_slice %arg3[%add3A_760, %dma_start3A_1003] : memref<128x128xf32, #tpu.memory_space<hbm>> -> memref<1x128xf32, #tpu.memory_space<hbm>>
      %dma_start3A_1005 = tpu.memref_squeeze %dma_start3A_1004 : memref<1x128xf32, #tpu.memory_space<hbm>> -> memref<128xf32, #tpu.memory_space<hbm>>
      tpu.enqueue_dma source(%arg7 : memref<128xf32, #tpu.memory_space<vmem>>) target(%dma_start3A_1005 : memref<128xf32, #tpu.memory_space<hbm>>) target_semaphore(%run_scoped3A : memref<!tpu.dma_semaphore, #tpu.memory_space<semaphore_mem>>)
      %dma_wait3A_1006 = arith.constant 0 : i32
      %dma_wait3A_1007 = tpu.memref_slice %arg3[%add3A_760, %dma_wait3A_1006] : memref<128x128xf32, #tpu.memory_space<hbm>> -> memref<1x128xf32, #tpu.memory_space<hbm>>
      %dma_wait3A_1008 = tpu.memref_squeeze %dma_wait3A_1007 : memref<1x128xf32, #tpu.memory_space<hbm>> -> memref<128xf32, #tpu.memory_space<hbm>>
      %dma_wait3A_1009 = arith.constant 0 : i32
      %dma_wait3A_1010 = tpu.memref_slice %arg3[%add3A_760, %dma_wait3A_1009] : memref<128x128xf32, #tpu.memory_space<hbm>> -> memref<1x128xf32, #tpu.memory_space<hbm>>
      %dma_wait3A_1011 = tpu.memref_squeeze %dma_wait3A_1010 : memref<1x128xf32, #tpu.memory_space<hbm>> -> memref<128xf32, #tpu.memory_space<hbm>>
      tpu.wait_dma2 semaphore(%run_scoped3A : memref<!tpu.dma_semaphore, #tpu.memory_space<semaphore_mem>>) src(%arg7 : memref<128xf32, #tpu.memory_space<vmem>>) dst(%dma_wait3A_1011 : memref<128xf32, #tpu.memory_space<hbm>>)
      tpu.yield
    }) : () -> ()
    "tpu.region"() ({
      %run_scoped3A = tpu.sem_alloc : memref<!tpu.dma_semaphore, #tpu.memory_space<semaphore_mem>>
      %dma_start3A_1000 = arith.constant 0 : i32
      %dma_start3A_1001 = tpu.memref_slice %arg4[%add3A_760, %dma_start3A_1000] : memref<128x128xi32, #tpu.memory_space<hbm>> -> memref<1x128xi32, #tpu.memory_space<hbm>>
      %dma_start3A_1002 = tpu.memref_squeeze %dma_start3A_1001 : memref<1x128xi32, #tpu.memory_space<hbm>> -> memref<128xi32, #tpu.memory_space<hbm>>
      %dma_start3A_1003 = arith.constant 0 : i32
      %dma_start3A_1004 = tpu.memref_slice %arg4[%add3A_760, %dma_start3A_1003] : memref<128x128xi32, #tpu.memory_space<hbm>> -> memref<1x128xi32, #tpu.memory_space<hbm>>
      %dma_start3A_1005 = tpu.memref_squeeze %dma_start3A_1004 : memref<1x128xi32, #tpu.memory_space<hbm>> -> memref<128xi32, #tpu.memory_space<hbm>>
      tpu.enqueue_dma source(%arg8 : memref<128xi32, #tpu.memory_space<vmem>>) target(%dma_start3A_1005 : memref<128xi32, #tpu.memory_space<hbm>>) target_semaphore(%run_scoped3A : memref<!tpu.dma_semaphore, #tpu.memory_space<semaphore_mem>>)
      %dma_wait3A_1006 = arith.constant 0 : i32
      %dma_wait3A_1007 = tpu.memref_slice %arg4[%add3A_760, %dma_wait3A_1006] : memref<128x128xi32, #tpu.memory_space<hbm>> -> memref<1x128xi32, #tpu.memory_space<hbm>>
      %dma_wait3A_1008 = tpu.memref_squeeze %dma_wait3A_1007 : memref<1x128xi32, #tpu.memory_space<hbm>> -> memref<128xi32, #tpu.memory_space<hbm>>
      %dma_wait3A_1009 = arith.constant 0 : i32
      %dma_wait3A_1010 = tpu.memref_slice %arg4[%add3A_760, %dma_wait3A_1009] : memref<128x128xi32, #tpu.memory_space<hbm>> -> memref<1x128xi32, #tpu.memory_space<hbm>>
      %dma_wait3A_1011 = tpu.memref_squeeze %dma_wait3A_1010 : memref<1x128xi32, #tpu.memory_space<hbm>> -> memref<128xi32, #tpu.memory_space<hbm>>
      tpu.wait_dma2 semaphore(%run_scoped3A : memref<!tpu.dma_semaphore, #tpu.memory_space<semaphore_mem>>) src(%arg8 : memref<128xi32, #tpu.memory_space<vmem>>) dst(%dma_wait3A_1011 : memref<128xi32, #tpu.memory_space<hbm>>)
      tpu.yield
    }) : () -> ()
    %mul3A_761 = arith.constant 4 : i32
    %mul3A_762 = arith.muli %add3A, %mul3A_761 : i32
    %add3A_763 = arith.constant 3 : i32
    %add3A_764 = arith.addi %mul3A_762, %add3A_763 : i32
    %dma_start3A_765 = arith.constant 0 : i32
    %dma_start3A_766 = tpu.memref_slice %arg6[%dma_start3A_765] : memref<32768xf32, #tpu.memory_space<vmem>> -> memref<32768xf32, #tpu.memory_space<vmem>>
    %dma_start3A_767 = arith.constant 32768 : i32
    %dma_start3A_768 = tpu.memref_slice %arg2[%add3A_764, %dma_start3A_767] : memref<128x100000xf32, #tpu.memory_space<hbm>> -> memref<1x32768xf32, #tpu.memory_space<hbm>>
    %dma_start3A_769 = tpu.memref_squeeze %dma_start3A_768 : memref<1x32768xf32, #tpu.memory_space<hbm>> -> memref<32768xf32, #tpu.memory_space<hbm>>
    %dma_start3A_770 = arith.constant 0 : i32
    %dma_start3A_771 = tpu.memref_slice %arg6[%dma_start3A_770] : memref<32768xf32, #tpu.memory_space<vmem>> -> memref<32768xf32, #tpu.memory_space<vmem>>
    %dma_start3A_772 = arith.constant 32768 : i32
    %dma_start3A_773 = tpu.memref_slice %arg2[%add3A_764, %dma_start3A_772] : memref<128x100000xf32, #tpu.memory_space<hbm>> -> memref<1x32768xf32, #tpu.memory_space<hbm>>
    %dma_start3A_774 = tpu.memref_squeeze %dma_start3A_773 : memref<1x32768xf32, #tpu.memory_space<hbm>> -> memref<32768xf32, #tpu.memory_space<hbm>>
    tpu.enqueue_dma source(%dma_start3A_774 : memref<32768xf32, #tpu.memory_space<hbm>>) target(%dma_start3A_771 : memref<32768xf32, #tpu.memory_space<vmem>>) target_semaphore(%arg12 : memref<!tpu.dma_semaphore, #tpu.memory_space<semaphore_mem>>)
    %dma_wait3A_775 = arith.constant 0 : i32
    %dma_wait3A_776 = tpu.memref_slice %arg5[%dma_wait3A_775] : memref<32768xf32, #tpu.memory_space<vmem>> -> memref<32768xf32, #tpu.memory_space<vmem>>
    %dma_wait3A_777 = arith.constant 0 : i32
    %dma_wait3A_778 = tpu.memref_slice %arg2[%add3A_611, %dma_wait3A_777] : memref<128x100000xf32, #tpu.memory_space<hbm>> -> memref<1x32768xf32, #tpu.memory_space<hbm>>
    %dma_wait3A_779 = tpu.memref_squeeze %dma_wait3A_778 : memref<1x32768xf32, #tpu.memory_space<hbm>> -> memref<32768xf32, #tpu.memory_space<hbm>>
    %dma_wait3A_780 = arith.constant 0 : i32
    %dma_wait3A_781 = tpu.memref_slice %arg5[%dma_wait3A_780] : memref<32768xf32, #tpu.memory_space<vmem>> -> memref<32768xf32, #tpu.memory_space<vmem>>
    %dma_wait3A_782 = arith.constant 0 : i32
    %dma_wait3A_783 = tpu.memref_slice %arg2[%add3A_611, %dma_wait3A_782] : memref<128x100000xf32, #tpu.memory_space<hbm>> -> memref<1x32768xf32, #tpu.memory_space<hbm>>
    %dma_wait3A_784 = tpu.memref_squeeze %dma_wait3A_783 : memref<1x32768xf32, #tpu.memory_space<hbm>> -> memref<32768xf32, #tpu.memory_space<hbm>>
    tpu.wait_dma2 semaphore(%arg11 : memref<!tpu.dma_semaphore, #tpu.memory_space<semaphore_mem>>) src(%dma_wait3A_784 : memref<32768xf32, #tpu.memory_space<hbm>>) dst(%dma_wait3A_781 : memref<32768xf32, #tpu.memory_space<vmem>>)
    %broadcast_in_dim3A_785 = arith.constant 0xFF800000 : f32
    %broadcast_in_dim3A_786 = vector.broadcast %broadcast_in_dim3A_785 : f32 to vector<16xf32>
    %broadcast_in_dim3A_787 = arith.constant 0 : i32
    %broadcast_in_dim3A_788 = vector.broadcast %broadcast_in_dim3A_787 : i32 to vector<16xi32>
    %broadcast_in_dim3A_789 = arith.constant 0xFF800000 : f32
    %broadcast_in_dim3A_790 = vector.broadcast %broadcast_in_dim3A_789 : f32 to vector<16xf32>
    %broadcast_in_dim3A_791 = arith.constant 0 : i32
    %broadcast_in_dim3A_792 = vector.broadcast %broadcast_in_dim3A_791 : i32 to vector<16xi32>
    %broadcast_in_dim3A_793 = arith.constant 0xFF800000 : f32
    %broadcast_in_dim3A_794 = vector.broadcast %broadcast_in_dim3A_793 : f32 to vector<16xf32>
    %broadcast_in_dim3A_795 = arith.constant 0 : i32
    %broadcast_in_dim3A_796 = vector.broadcast %broadcast_in_dim3A_795 : i32 to vector<16xi32>
    %broadcast_in_dim3A_797 = arith.constant 0xFF800000 : f32
    %broadcast_in_dim3A_798 = vector.broadcast %broadcast_in_dim3A_797 : f32 to vector<16xf32>
    %broadcast_in_dim3A_799 = arith.constant 0 : i32
    %broadcast_in_dim3A_800 = vector.broadcast %broadcast_in_dim3A_799 : i32 to vector<16xi32>
    %parallel_loop3A_801 = arith.constant 0 : i32
    %parallel_loop3A_802 = arith.constant 512 : i32
    %parallel_loop3A_803 = arith.constant 1 : i32
    %parallel_loop3A_804:8 = scf.for %parallel_loop3A_1000 = %parallel_loop3A_801 to %parallel_loop3A_802 step %parallel_loop3A_803 iter_args(%parallel_loop3A_1001 = %broadcast_in_dim3A_786, %parallel_loop3A_1002 = %broadcast_in_dim3A_788, %parallel_loop3A_1003 = %broadcast_in_dim3A_790, %parallel_loop3A_1004 = %broadcast_in_dim3A_792, %parallel_loop3A_1005 = %broadcast_in_dim3A_794, %parallel_loop3A_1006 = %broadcast_in_dim3A_796, %parallel_loop3A_1007 = %broadcast_in_dim3A_798, %parallel_loop3A_1008 = %broadcast_in_dim3A_800) -> (vector<16xf32>, vector<16xi32>, vector<16xf32>, vector<16xi32>, vector<16xf32>, vector<16xi32>, vector<16xf32>, vector<16xi32>)  : i32 {
      %parallel_loop3A_1009 = arith.constant 64 : i32
      %parallel_loop3A_1010 = arith.muli %parallel_loop3A_1000, %parallel_loop3A_1009 : i32
      %parallel_loop3A_1011 = arith.constant 0 : i32
      %parallel_loop3A_1012 = arith.addi %parallel_loop3A_1010, %parallel_loop3A_1011 : i32
      %parallel_loop3A_1013 = arith.index_cast %parallel_loop3A_1012 : i32 to index
      %parallel_loop3A_1014 = tpu.vector_load %arg5[%parallel_loop3A_1013] {strides = array<i32>} : memref<32768xf32, #tpu.memory_space<vmem>>, vector<16xf32>,
      %parallel_loop3A_1015 = arith.cmpf ogt, %parallel_loop3A_1014, %parallel_loop3A_1001 : vector<16xf32>
      %parallel_loop3A_1016 = arith.constant 0 : i32
      %parallel_loop3A_1017 = arith.addi %parallel_loop3A_1016, %parallel_loop3A_1012 : i32
      %parallel_loop3A_1018 = vector.broadcast %parallel_loop3A_1017 : i32 to vector<16xi32>
      %parallel_loop3A_1019 = arith.select %parallel_loop3A_1015, %parallel_loop3A_1018, %parallel_loop3A_1002 : vector<16xi1>, vector<16xi32>
      %parallel_loop3A_1020 = arith.select %parallel_loop3A_1015, %parallel_loop3A_1014, %parallel_loop3A_1001 : vector<16xi1>, vector<16xf32>
      %parallel_loop3A_1021 = arith.constant 64 : i32
      %parallel_loop3A_1022 = arith.muli %parallel_loop3A_1000, %parallel_loop3A_1021 : i32
      %parallel_loop3A_1023 = arith.constant 16 : i32
      %parallel_loop3A_1024 = arith.addi %parallel_loop3A_1022, %parallel_loop3A_1023 : i32
      %parallel_loop3A_1025 = arith.index_cast %parallel_loop3A_1024 : i32 to index
      %parallel_loop3A_1026 = tpu.vector_load %arg5[%parallel_loop3A_1025] {strides = array<i32>} : memref<32768xf32, #tpu.memory_space<vmem>>, vector<16xf32>,
      %parallel_loop3A_1027 = arith.cmpf ogt, %parallel_loop3A_1026, %parallel_loop3A_1003 : vector<16xf32>
      %parallel_loop3A_1028 = arith.constant 0 : i32
      %parallel_loop3A_1029 = arith.addi %parallel_loop3A_1028, %parallel_loop3A_1024 : i32
      %parallel_loop3A_1030 = vector.broadcast %parallel_loop3A_1029 : i32 to vector<16xi32>
      %parallel_loop3A_1031 = arith.select %parallel_loop3A_1027, %parallel_loop3A_1030, %parallel_loop3A_1004 : vector<16xi1>, vector<16xi32>
      %parallel_loop3A_1032 = arith.select %parallel_loop3A_1027, %parallel_loop3A_1026, %parallel_loop3A_1003 : vector<16xi1>, vector<16xf32>
      %parallel_loop3A_1033 = arith.constant 64 : i32
      %parallel_loop3A_1034 = arith.muli %parallel_loop3A_1000, %parallel_loop3A_1033 : i32
      %parallel_loop3A_1035 = arith.constant 32 : i32
      %parallel_loop3A_1036 = arith.addi %parallel_loop3A_1034, %parallel_loop3A_1035 : i32
      %parallel_loop3A_1037 = arith.index_cast %parallel_loop3A_1036 : i32 to index
      %parallel_loop3A_1038 = tpu.vector_load %arg5[%parallel_loop3A_1037] {strides = array<i32>} : memref<32768xf32, #tpu.memory_space<vmem>>, vector<16xf32>,
      %parallel_loop3A_1039 = arith.cmpf ogt, %parallel_loop3A_1038, %parallel_loop3A_1005 : vector<16xf32>
      %parallel_loop3A_1040 = arith.constant 0 : i32
      %parallel_loop3A_1041 = arith.addi %parallel_loop3A_1040, %parallel_loop3A_1036 : i32
      %parallel_loop3A_1042 = vector.broadcast %parallel_loop3A_1041 : i32 to vector<16xi32>
      %parallel_loop3A_1043 = arith.select %parallel_loop3A_1039, %parallel_loop3A_1042, %parallel_loop3A_1006 : vector<16xi1>, vector<16xi32>
      %parallel_loop3A_1044 = arith.select %parallel_loop3A_1039, %parallel_loop3A_1038, %parallel_loop3A_1005 : vector<16xi1>, vector<16xf32>
      %parallel_loop3A_1045 = arith.constant 64 : i32
      %parallel_loop3A_1046 = arith.muli %parallel_loop3A_1000, %parallel_loop3A_1045 : i32
      %parallel_loop3A_1047 = arith.constant 48 : i32
      %parallel_loop3A_1048 = arith.addi %parallel_loop3A_1046, %parallel_loop3A_1047 : i32
      %parallel_loop3A_1049 = arith.index_cast %parallel_loop3A_1048 : i32 to index
      %parallel_loop3A_1050 = tpu.vector_load %arg5[%parallel_loop3A_1049] {strides = array<i32>} : memref<32768xf32, #tpu.memory_space<vmem>>, vector<16xf32>,
      %parallel_loop3A_1051 = arith.cmpf ogt, %parallel_loop3A_1050, %parallel_loop3A_1007 : vector<16xf32>
      %parallel_loop3A_1052 = arith.constant 0 : i32
      %parallel_loop3A_1053 = arith.addi %parallel_loop3A_1052, %parallel_loop3A_1048 : i32
      %parallel_loop3A_1054 = vector.broadcast %parallel_loop3A_1053 : i32 to vector<16xi32>
      %parallel_loop3A_1055 = arith.select %parallel_loop3A_1051, %parallel_loop3A_1054, %parallel_loop3A_1008 : vector<16xi1>, vector<16xi32>
      %parallel_loop3A_1056 = arith.select %parallel_loop3A_1051, %parallel_loop3A_1050, %parallel_loop3A_1007 : vector<16xi1>, vector<16xf32>
      scf.yield %parallel_loop3A_1020, %parallel_loop3A_1019, %parallel_loop3A_1032, %parallel_loop3A_1031, %parallel_loop3A_1044, %parallel_loop3A_1043, %parallel_loop3A_1056, %parallel_loop3A_1055 : vector<16xf32>, vector<16xi32>, vector<16xf32>, vector<16xi32>, vector<16xf32>, vector<16xi32>, vector<16xf32>, vector<16xi32>
    } {sc.loop_unroll_factor = 4 : i64, sc.parallel_access}
    %mul3A_805 = arith.constant 4 : i32
    %mul3A_806 = arith.muli %add3A, %mul3A_805 : i32
    %add3A_807 = arith.constant 3 : i32
    %add3A_808 = arith.addi %mul3A_806, %add3A_807 : i32
    %dma_start3A_809 = arith.constant 0 : i32
    %dma_start3A_810 = tpu.memref_slice %arg5[%dma_start3A_809] : memref<32768xf32, #tpu.memory_space<vmem>> -> memref<32768xf32, #tpu.memory_space<vmem>>
    %dma_start3A_811 = arith.constant 65536 : i32
    %dma_start3A_812 = tpu.memref_slice %arg2[%add3A_808, %dma_start3A_811] : memref<128x100000xf32, #tpu.memory_space<hbm>> -> memref<1x32768xf32, #tpu.memory_space<hbm>>
    %dma_start3A_813 = tpu.memref_squeeze %dma_start3A_812 : memref<1x32768xf32, #tpu.memory_space<hbm>> -> memref<32768xf32, #tpu.memory_space<hbm>>
    %dma_start3A_814 = arith.constant 0 : i32
    %dma_start3A_815 = tpu.memref_slice %arg5[%dma_start3A_814] : memref<32768xf32, #tpu.memory_space<vmem>> -> memref<32768xf32, #tpu.memory_space<vmem>>
    %dma_start3A_816 = arith.constant 65536 : i32
    %dma_start3A_817 = tpu.memref_slice %arg2[%add3A_808, %dma_start3A_816] : memref<128x100000xf32, #tpu.memory_space<hbm>> -> memref<1x32768xf32, #tpu.memory_space<hbm>>
    %dma_start3A_818 = tpu.memref_squeeze %dma_start3A_817 : memref<1x32768xf32, #tpu.memory_space<hbm>> -> memref<32768xf32, #tpu.memory_space<hbm>>
    tpu.enqueue_dma source(%dma_start3A_818 : memref<32768xf32, #tpu.memory_space<hbm>>) target(%dma_start3A_815 : memref<32768xf32, #tpu.memory_space<vmem>>) target_semaphore(%arg11 : memref<!tpu.dma_semaphore, #tpu.memory_space<semaphore_mem>>)
    %dma_wait3A_819 = arith.constant 0 : i32
    %dma_wait3A_820 = tpu.memref_slice %arg6[%dma_wait3A_819] : memref<32768xf32, #tpu.memory_space<vmem>> -> memref<32768xf32, #tpu.memory_space<vmem>>
    %dma_wait3A_821 = arith.constant 32768 : i32
    %dma_wait3A_822 = tpu.memref_slice %arg2[%add3A_764, %dma_wait3A_821] : memref<128x100000xf32, #tpu.memory_space<hbm>> -> memref<1x32768xf32, #tpu.memory_space<hbm>>
    %dma_wait3A_823 = tpu.memref_squeeze %dma_wait3A_822 : memref<1x32768xf32, #tpu.memory_space<hbm>> -> memref<32768xf32, #tpu.memory_space<hbm>>
    %dma_wait3A_824 = arith.constant 0 : i32
    %dma_wait3A_825 = tpu.memref_slice %arg6[%dma_wait3A_824] : memref<32768xf32, #tpu.memory_space<vmem>> -> memref<32768xf32, #tpu.memory_space<vmem>>
    %dma_wait3A_826 = arith.constant 32768 : i32
    %dma_wait3A_827 = tpu.memref_slice %arg2[%add3A_764, %dma_wait3A_826] : memref<128x100000xf32, #tpu.memory_space<hbm>> -> memref<1x32768xf32, #tpu.memory_space<hbm>>
    %dma_wait3A_828 = tpu.memref_squeeze %dma_wait3A_827 : memref<1x32768xf32, #tpu.memory_space<hbm>> -> memref<32768xf32, #tpu.memory_space<hbm>>
    tpu.wait_dma2 semaphore(%arg12 : memref<!tpu.dma_semaphore, #tpu.memory_space<semaphore_mem>>) src(%dma_wait3A_828 : memref<32768xf32, #tpu.memory_space<hbm>>) dst(%dma_wait3A_825 : memref<32768xf32, #tpu.memory_space<vmem>>)
    %parallel_loop3A_829 = arith.constant 0 : i32
    %parallel_loop3A_830 = arith.constant 512 : i32
    %parallel_loop3A_831 = arith.constant 1 : i32
    %parallel_loop3A_832:8 = scf.for %parallel_loop3A_1000 = %parallel_loop3A_829 to %parallel_loop3A_830 step %parallel_loop3A_831 iter_args(%parallel_loop3A_1001 = %parallel_loop3A_804#0, %parallel_loop3A_1002 = %parallel_loop3A_804#1, %parallel_loop3A_1003 = %parallel_loop3A_804#2, %parallel_loop3A_1004 = %parallel_loop3A_804#3, %parallel_loop3A_1005 = %parallel_loop3A_804#4, %parallel_loop3A_1006 = %parallel_loop3A_804#5, %parallel_loop3A_1007 = %parallel_loop3A_804#6, %parallel_loop3A_1008 = %parallel_loop3A_804#7) -> (vector<16xf32>, vector<16xi32>, vector<16xf32>, vector<16xi32>, vector<16xf32>, vector<16xi32>, vector<16xf32>, vector<16xi32>)  : i32 {
      %parallel_loop3A_1009 = arith.constant 64 : i32
      %parallel_loop3A_1010 = arith.muli %parallel_loop3A_1000, %parallel_loop3A_1009 : i32
      %parallel_loop3A_1011 = arith.constant 0 : i32
      %parallel_loop3A_1012 = arith.addi %parallel_loop3A_1010, %parallel_loop3A_1011 : i32
      %parallel_loop3A_1013 = arith.index_cast %parallel_loop3A_1012 : i32 to index
      %parallel_loop3A_1014 = tpu.vector_load %arg6[%parallel_loop3A_1013] {strides = array<i32>} : memref<32768xf32, #tpu.memory_space<vmem>>, vector<16xf32>,
      %parallel_loop3A_1015 = arith.cmpf ogt, %parallel_loop3A_1014, %parallel_loop3A_1001 : vector<16xf32>
      %parallel_loop3A_1016 = arith.constant 32768 : i32
      %parallel_loop3A_1017 = arith.addi %parallel_loop3A_1016, %parallel_loop3A_1012 : i32
      %parallel_loop3A_1018 = vector.broadcast %parallel_loop3A_1017 : i32 to vector<16xi32>
      %parallel_loop3A_1019 = arith.select %parallel_loop3A_1015, %parallel_loop3A_1018, %parallel_loop3A_1002 : vector<16xi1>, vector<16xi32>
      %parallel_loop3A_1020 = arith.select %parallel_loop3A_1015, %parallel_loop3A_1014, %parallel_loop3A_1001 : vector<16xi1>, vector<16xf32>
      %parallel_loop3A_1021 = arith.constant 64 : i32
      %parallel_loop3A_1022 = arith.muli %parallel_loop3A_1000, %parallel_loop3A_1021 : i32
      %parallel_loop3A_1023 = arith.constant 16 : i32
      %parallel_loop3A_1024 = arith.addi %parallel_loop3A_1022, %parallel_loop3A_1023 : i32
      %parallel_loop3A_1025 = arith.index_cast %parallel_loop3A_1024 : i32 to index
      %parallel_loop3A_1026 = tpu.vector_load %arg6[%parallel_loop3A_1025] {strides = array<i32>} : memref<32768xf32, #tpu.memory_space<vmem>>, vector<16xf32>,
      %parallel_loop3A_1027 = arith.cmpf ogt, %parallel_loop3A_1026, %parallel_loop3A_1003 : vector<16xf32>
      %parallel_loop3A_1028 = arith.constant 32768 : i32
      %parallel_loop3A_1029 = arith.addi %parallel_loop3A_1028, %parallel_loop3A_1024 : i32
      %parallel_loop3A_1030 = vector.broadcast %parallel_loop3A_1029 : i32 to vector<16xi32>
      %parallel_loop3A_1031 = arith.select %parallel_loop3A_1027, %parallel_loop3A_1030, %parallel_loop3A_1004 : vector<16xi1>, vector<16xi32>
      %parallel_loop3A_1032 = arith.select %parallel_loop3A_1027, %parallel_loop3A_1026, %parallel_loop3A_1003 : vector<16xi1>, vector<16xf32>
      %parallel_loop3A_1033 = arith.constant 64 : i32
      %parallel_loop3A_1034 = arith.muli %parallel_loop3A_1000, %parallel_loop3A_1033 : i32
      %parallel_loop3A_1035 = arith.constant 32 : i32
      %parallel_loop3A_1036 = arith.addi %parallel_loop3A_1034, %parallel_loop3A_1035 : i32
      %parallel_loop3A_1037 = arith.index_cast %parallel_loop3A_1036 : i32 to index
      %parallel_loop3A_1038 = tpu.vector_load %arg6[%parallel_loop3A_1037] {strides = array<i32>} : memref<32768xf32, #tpu.memory_space<vmem>>, vector<16xf32>,
      %parallel_loop3A_1039 = arith.cmpf ogt, %parallel_loop3A_1038, %parallel_loop3A_1005 : vector<16xf32>
      %parallel_loop3A_1040 = arith.constant 32768 : i32
      %parallel_loop3A_1041 = arith.addi %parallel_loop3A_1040, %parallel_loop3A_1036 : i32
      %parallel_loop3A_1042 = vector.broadcast %parallel_loop3A_1041 : i32 to vector<16xi32>
      %parallel_loop3A_1043 = arith.select %parallel_loop3A_1039, %parallel_loop3A_1042, %parallel_loop3A_1006 : vector<16xi1>, vector<16xi32>
      %parallel_loop3A_1044 = arith.select %parallel_loop3A_1039, %parallel_loop3A_1038, %parallel_loop3A_1005 : vector<16xi1>, vector<16xf32>
      %parallel_loop3A_1045 = arith.constant 64 : i32
      %parallel_loop3A_1046 = arith.muli %parallel_loop3A_1000, %parallel_loop3A_1045 : i32
      %parallel_loop3A_1047 = arith.constant 48 : i32
      %parallel_loop3A_1048 = arith.addi %parallel_loop3A_1046, %parallel_loop3A_1047 : i32
      %parallel_loop3A_1049 = arith.index_cast %parallel_loop3A_1048 : i32 to index
      %parallel_loop3A_1050 = tpu.vector_load %arg6[%parallel_loop3A_1049] {strides = array<i32>} : memref<32768xf32, #tpu.memory_space<vmem>>, vector<16xf32>,
      %parallel_loop3A_1051 = arith.cmpf ogt, %parallel_loop3A_1050, %parallel_loop3A_1007 : vector<16xf32>
      %parallel_loop3A_1052 = arith.constant 32768 : i32
      %parallel_loop3A_1053 = arith.addi %parallel_loop3A_1052, %parallel_loop3A_1048 : i32
      %parallel_loop3A_1054 = vector.broadcast %parallel_loop3A_1053 : i32 to vector<16xi32>
      %parallel_loop3A_1055 = arith.select %parallel_loop3A_1051, %parallel_loop3A_1054, %parallel_loop3A_1008 : vector<16xi1>, vector<16xi32>
      %parallel_loop3A_1056 = arith.select %parallel_loop3A_1051, %parallel_loop3A_1050, %parallel_loop3A_1007 : vector<16xi1>, vector<16xf32>
      scf.yield %parallel_loop3A_1020, %parallel_loop3A_1019, %parallel_loop3A_1032, %parallel_loop3A_1031, %parallel_loop3A_1044, %parallel_loop3A_1043, %parallel_loop3A_1056, %parallel_loop3A_1055 : vector<16xf32>, vector<16xi32>, vector<16xf32>, vector<16xi32>, vector<16xf32>, vector<16xi32>, vector<16xf32>, vector<16xi32>
    } {sc.loop_unroll_factor = 4 : i64, sc.parallel_access}
    %mul3A_833 = arith.constant 4 : i32
    %mul3A_834 = arith.muli %add3A, %mul3A_833 : i32
    %add3A_835 = arith.constant 3 : i32
    %add3A_836 = arith.addi %mul3A_834, %add3A_835 : i32
    %dma_start3A_837 = arith.constant 0 : i32
    %dma_start3A_838 = tpu.memref_slice %arg6[%dma_start3A_837] : memref<32768xf32, #tpu.memory_space<vmem>> -> memref<1536xf32, #tpu.memory_space<vmem>>
    %dma_start3A_839 = arith.constant 98304 : i32
    %dma_start3A_840 = tpu.memref_slice %arg2[%add3A_836, %dma_start3A_839] : memref<128x100000xf32, #tpu.memory_space<hbm>> -> memref<1x1536xf32, #tpu.memory_space<hbm>>
    %dma_start3A_841 = tpu.memref_squeeze %dma_start3A_840 : memref<1x1536xf32, #tpu.memory_space<hbm>> -> memref<1536xf32, #tpu.memory_space<hbm>>
    %dma_start3A_842 = arith.constant 0 : i32
    %dma_start3A_843 = tpu.memref_slice %arg6[%dma_start3A_842] : memref<32768xf32, #tpu.memory_space<vmem>> -> memref<1536xf32, #tpu.memory_space<vmem>>
    %dma_start3A_844 = arith.constant 98304 : i32
    %dma_start3A_845 = tpu.memref_slice %arg2[%add3A_836, %dma_start3A_844] : memref<128x100000xf32, #tpu.memory_space<hbm>> -> memref<1x1536xf32, #tpu.memory_space<hbm>>
    %dma_start3A_846 = tpu.memref_squeeze %dma_start3A_845 : memref<1x1536xf32, #tpu.memory_space<hbm>> -> memref<1536xf32, #tpu.memory_space<hbm>>
    tpu.enqueue_dma source(%dma_start3A_846 : memref<1536xf32, #tpu.memory_space<hbm>>) target(%dma_start3A_843 : memref<1536xf32, #tpu.memory_space<vmem>>) target_semaphore(%arg12 : memref<!tpu.dma_semaphore, #tpu.memory_space<semaphore_mem>>)
    %dma_wait3A_847 = arith.constant 0 : i32
    %dma_wait3A_848 = tpu.memref_slice %arg5[%dma_wait3A_847] : memref<32768xf32, #tpu.memory_space<vmem>> -> memref<32768xf32, #tpu.memory_space<vmem>>
    %dma_wait3A_849 = arith.constant 65536 : i32
    %dma_wait3A_850 = tpu.memref_slice %arg2[%add3A_808, %dma_wait3A_849] : memref<128x100000xf32, #tpu.memory_space<hbm>> -> memref<1x32768xf32, #tpu.memory_space<hbm>>
    %dma_wait3A_851 = tpu.memref_squeeze %dma_wait3A_850 : memref<1x32768xf32, #tpu.memory_space<hbm>> -> memref<32768xf32, #tpu.memory_space<hbm>>
    %dma_wait3A_852 = arith.constant 0 : i32
    %dma_wait3A_853 = tpu.memref_slice %arg5[%dma_wait3A_852] : memref<32768xf32, #tpu.memory_space<vmem>> -> memref<32768xf32, #tpu.memory_space<vmem>>
    %dma_wait3A_854 = arith.constant 65536 : i32
    %dma_wait3A_855 = tpu.memref_slice %arg2[%add3A_808, %dma_wait3A_854] : memref<128x100000xf32, #tpu.memory_space<hbm>> -> memref<1x32768xf32, #tpu.memory_space<hbm>>
    %dma_wait3A_856 = tpu.memref_squeeze %dma_wait3A_855 : memref<1x32768xf32, #tpu.memory_space<hbm>> -> memref<32768xf32, #tpu.memory_space<hbm>>
    tpu.wait_dma2 semaphore(%arg11 : memref<!tpu.dma_semaphore, #tpu.memory_space<semaphore_mem>>) src(%dma_wait3A_856 : memref<32768xf32, #tpu.memory_space<hbm>>) dst(%dma_wait3A_853 : memref<32768xf32, #tpu.memory_space<vmem>>)
    %parallel_loop3A_857 = arith.constant 0 : i32
    %parallel_loop3A_858 = arith.constant 512 : i32
    %parallel_loop3A_859 = arith.constant 1 : i32
    %parallel_loop3A_860:8 = scf.for %parallel_loop3A_1000 = %parallel_loop3A_857 to %parallel_loop3A_858 step %parallel_loop3A_859 iter_args(%parallel_loop3A_1001 = %parallel_loop3A_832#0, %parallel_loop3A_1002 = %parallel_loop3A_832#1, %parallel_loop3A_1003 = %parallel_loop3A_832#2, %parallel_loop3A_1004 = %parallel_loop3A_832#3, %parallel_loop3A_1005 = %parallel_loop3A_832#4, %parallel_loop3A_1006 = %parallel_loop3A_832#5, %parallel_loop3A_1007 = %parallel_loop3A_832#6, %parallel_loop3A_1008 = %parallel_loop3A_832#7) -> (vector<16xf32>, vector<16xi32>, vector<16xf32>, vector<16xi32>, vector<16xf32>, vector<16xi32>, vector<16xf32>, vector<16xi32>)  : i32 {
      %parallel_loop3A_1009 = arith.constant 64 : i32
      %parallel_loop3A_1010 = arith.muli %parallel_loop3A_1000, %parallel_loop3A_1009 : i32
      %parallel_loop3A_1011 = arith.constant 0 : i32
      %parallel_loop3A_1012 = arith.addi %parallel_loop3A_1010, %parallel_loop3A_1011 : i32
      %parallel_loop3A_1013 = arith.index_cast %parallel_loop3A_1012 : i32 to index
      %parallel_loop3A_1014 = tpu.vector_load %arg5[%parallel_loop3A_1013] {strides = array<i32>} : memref<32768xf32, #tpu.memory_space<vmem>>, vector<16xf32>,
      %parallel_loop3A_1015 = arith.cmpf ogt, %parallel_loop3A_1014, %parallel_loop3A_1001 : vector<16xf32>
      %parallel_loop3A_1016 = arith.constant 65536 : i32
      %parallel_loop3A_1017 = arith.addi %parallel_loop3A_1016, %parallel_loop3A_1012 : i32
      %parallel_loop3A_1018 = vector.broadcast %parallel_loop3A_1017 : i32 to vector<16xi32>
      %parallel_loop3A_1019 = arith.select %parallel_loop3A_1015, %parallel_loop3A_1018, %parallel_loop3A_1002 : vector<16xi1>, vector<16xi32>
      %parallel_loop3A_1020 = arith.select %parallel_loop3A_1015, %parallel_loop3A_1014, %parallel_loop3A_1001 : vector<16xi1>, vector<16xf32>
      %parallel_loop3A_1021 = arith.constant 64 : i32
      %parallel_loop3A_1022 = arith.muli %parallel_loop3A_1000, %parallel_loop3A_1021 : i32
      %parallel_loop3A_1023 = arith.constant 16 : i32
      %parallel_loop3A_1024 = arith.addi %parallel_loop3A_1022, %parallel_loop3A_1023 : i32
      %parallel_loop3A_1025 = arith.index_cast %parallel_loop3A_1024 : i32 to index
      %parallel_loop3A_1026 = tpu.vector_load %arg5[%parallel_loop3A_1025] {strides = array<i32>} : memref<32768xf32, #tpu.memory_space<vmem>>, vector<16xf32>,
      %parallel_loop3A_1027 = arith.cmpf ogt, %parallel_loop3A_1026, %parallel_loop3A_1003 : vector<16xf32>
      %parallel_loop3A_1028 = arith.constant 65536 : i32
      %parallel_loop3A_1029 = arith.addi %parallel_loop3A_1028, %parallel_loop3A_1024 : i32
      %parallel_loop3A_1030 = vector.broadcast %parallel_loop3A_1029 : i32 to vector<16xi32>
      %parallel_loop3A_1031 = arith.select %parallel_loop3A_1027, %parallel_loop3A_1030, %parallel_loop3A_1004 : vector<16xi1>, vector<16xi32>
      %parallel_loop3A_1032 = arith.select %parallel_loop3A_1027, %parallel_loop3A_1026, %parallel_loop3A_1003 : vector<16xi1>, vector<16xf32>
      %parallel_loop3A_1033 = arith.constant 64 : i32
      %parallel_loop3A_1034 = arith.muli %parallel_loop3A_1000, %parallel_loop3A_1033 : i32
      %parallel_loop3A_1035 = arith.constant 32 : i32
      %parallel_loop3A_1036 = arith.addi %parallel_loop3A_1034, %parallel_loop3A_1035 : i32
      %parallel_loop3A_1037 = arith.index_cast %parallel_loop3A_1036 : i32 to index
      %parallel_loop3A_1038 = tpu.vector_load %arg5[%parallel_loop3A_1037] {strides = array<i32>} : memref<32768xf32, #tpu.memory_space<vmem>>, vector<16xf32>,
      %parallel_loop3A_1039 = arith.cmpf ogt, %parallel_loop3A_1038, %parallel_loop3A_1005 : vector<16xf32>
      %parallel_loop3A_1040 = arith.constant 65536 : i32
      %parallel_loop3A_1041 = arith.addi %parallel_loop3A_1040, %parallel_loop3A_1036 : i32
      %parallel_loop3A_1042 = vector.broadcast %parallel_loop3A_1041 : i32 to vector<16xi32>
      %parallel_loop3A_1043 = arith.select %parallel_loop3A_1039, %parallel_loop3A_1042, %parallel_loop3A_1006 : vector<16xi1>, vector<16xi32>
      %parallel_loop3A_1044 = arith.select %parallel_loop3A_1039, %parallel_loop3A_1038, %parallel_loop3A_1005 : vector<16xi1>, vector<16xf32>
      %parallel_loop3A_1045 = arith.constant 64 : i32
      %parallel_loop3A_1046 = arith.muli %parallel_loop3A_1000, %parallel_loop3A_1045 : i32
      %parallel_loop3A_1047 = arith.constant 48 : i32
      %parallel_loop3A_1048 = arith.addi %parallel_loop3A_1046, %parallel_loop3A_1047 : i32
      %parallel_loop3A_1049 = arith.index_cast %parallel_loop3A_1048 : i32 to index
      %parallel_loop3A_1050 = tpu.vector_load %arg5[%parallel_loop3A_1049] {strides = array<i32>} : memref<32768xf32, #tpu.memory_space<vmem>>, vector<16xf32>,
      %parallel_loop3A_1051 = arith.cmpf ogt, %parallel_loop3A_1050, %parallel_loop3A_1007 : vector<16xf32>
      %parallel_loop3A_1052 = arith.constant 65536 : i32
      %parallel_loop3A_1053 = arith.addi %parallel_loop3A_1052, %parallel_loop3A_1048 : i32
      %parallel_loop3A_1054 = vector.broadcast %parallel_loop3A_1053 : i32 to vector<16xi32>
      %parallel_loop3A_1055 = arith.select %parallel_loop3A_1051, %parallel_loop3A_1054, %parallel_loop3A_1008 : vector<16xi1>, vector<16xi32>
      %parallel_loop3A_1056 = arith.select %parallel_loop3A_1051, %parallel_loop3A_1050, %parallel_loop3A_1007 : vector<16xi1>, vector<16xf32>
      scf.yield %parallel_loop3A_1020, %parallel_loop3A_1019, %parallel_loop3A_1032, %parallel_loop3A_1031, %parallel_loop3A_1044, %parallel_loop3A_1043, %parallel_loop3A_1056, %parallel_loop3A_1055 : vector<16xf32>, vector<16xi32>, vector<16xf32>, vector<16xi32>, vector<16xf32>, vector<16xi32>, vector<16xf32>, vector<16xi32>
    } {sc.loop_unroll_factor = 4 : i64, sc.parallel_access}
    %dma_wait3A_861 = arith.constant 0 : i32
    %dma_wait3A_862 = tpu.memref_slice %arg6[%dma_wait3A_861] : memref<32768xf32, #tpu.memory_space<vmem>> -> memref<1536xf32, #tpu.memory_space<vmem>>
    %dma_wait3A_863 = arith.constant 98304 : i32
    %dma_wait3A_864 = tpu.memref_slice %arg2[%add3A_836, %dma_wait3A_863] : memref<128x100000xf32, #tpu.memory_space<hbm>> -> memref<1x1536xf32, #tpu.memory_space<hbm>>
    %dma_wait3A_865 = tpu.memref_squeeze %dma_wait3A_864 : memref<1x1536xf32, #tpu.memory_space<hbm>> -> memref<1536xf32, #tpu.memory_space<hbm>>
    %dma_wait3A_866 = arith.constant 0 : i32
    %dma_wait3A_867 = tpu.memref_slice %arg6[%dma_wait3A_866] : memref<32768xf32, #tpu.memory_space<vmem>> -> memref<1536xf32, #tpu.memory_space<vmem>>
    %dma_wait3A_868 = arith.constant 98304 : i32
    %dma_wait3A_869 = tpu.memref_slice %arg2[%add3A_836, %dma_wait3A_868] : memref<128x100000xf32, #tpu.memory_space<hbm>> -> memref<1x1536xf32, #tpu.memory_space<hbm>>
    %dma_wait3A_870 = tpu.memref_squeeze %dma_wait3A_869 : memref<1x1536xf32, #tpu.memory_space<hbm>> -> memref<1536xf32, #tpu.memory_space<hbm>>
    tpu.wait_dma2 semaphore(%arg12 : memref<!tpu.dma_semaphore, #tpu.memory_space<semaphore_mem>>) src(%dma_wait3A_870 : memref<1536xf32, #tpu.memory_space<hbm>>) dst(%dma_wait3A_867 : memref<1536xf32, #tpu.memory_space<vmem>>)
    %parallel_loop3A_871 = arith.constant 0 : i32
    %parallel_loop3A_872 = arith.constant 24 : i32
    %parallel_loop3A_873 = arith.constant 1 : i32
    %parallel_loop3A_874:8 = scf.for %parallel_loop3A_1000 = %parallel_loop3A_871 to %parallel_loop3A_872 step %parallel_loop3A_873 iter_args(%parallel_loop3A_1001 = %parallel_loop3A_860#0, %parallel_loop3A_1002 = %parallel_loop3A_860#1, %parallel_loop3A_1003 = %parallel_loop3A_860#2, %parallel_loop3A_1004 = %parallel_loop3A_860#3, %parallel_loop3A_1005 = %parallel_loop3A_860#4, %parallel_loop3A_1006 = %parallel_loop3A_860#5, %parallel_loop3A_1007 = %parallel_loop3A_860#6, %parallel_loop3A_1008 = %parallel_loop3A_860#7) -> (vector<16xf32>, vector<16xi32>, vector<16xf32>, vector<16xi32>, vector<16xf32>, vector<16xi32>, vector<16xf32>, vector<16xi32>)  : i32 {
      %parallel_loop3A_1009 = arith.constant 64 : i32
      %parallel_loop3A_1010 = arith.muli %parallel_loop3A_1000, %parallel_loop3A_1009 : i32
      %parallel_loop3A_1011 = arith.constant 0 : i32
      %parallel_loop3A_1012 = arith.addi %parallel_loop3A_1010, %parallel_loop3A_1011 : i32
      %parallel_loop3A_1013 = arith.index_cast %parallel_loop3A_1012 : i32 to index
      %parallel_loop3A_1014 = tpu.vector_load %arg6[%parallel_loop3A_1013] {strides = array<i32>} : memref<32768xf32, #tpu.memory_space<vmem>>, vector<16xf32>,
      %parallel_loop3A_1015 = arith.cmpf ogt, %parallel_loop3A_1014, %parallel_loop3A_1001 : vector<16xf32>
      %parallel_loop3A_1016 = arith.constant 98304 : i32
      %parallel_loop3A_1017 = arith.addi %parallel_loop3A_1016, %parallel_loop3A_1012 : i32
      %parallel_loop3A_1018 = vector.broadcast %parallel_loop3A_1017 : i32 to vector<16xi32>
      %parallel_loop3A_1019 = arith.select %parallel_loop3A_1015, %parallel_loop3A_1018, %parallel_loop3A_1002 : vector<16xi1>, vector<16xi32>
      %parallel_loop3A_1020 = arith.select %parallel_loop3A_1015, %parallel_loop3A_1014, %parallel_loop3A_1001 : vector<16xi1>, vector<16xf32>
      %parallel_loop3A_1021 = arith.constant 64 : i32
      %parallel_loop3A_1022 = arith.muli %parallel_loop3A_1000, %parallel_loop3A_1021 : i32
      %parallel_loop3A_1023 = arith.constant 16 : i32
      %parallel_loop3A_1024 = arith.addi %parallel_loop3A_1022, %parallel_loop3A_1023 : i32
      %parallel_loop3A_1025 = arith.index_cast %parallel_loop3A_1024 : i32 to index
      %parallel_loop3A_1026 = tpu.vector_load %arg6[%parallel_loop3A_1025] {strides = array<i32>} : memref<32768xf32, #tpu.memory_space<vmem>>, vector<16xf32>,
      %parallel_loop3A_1027 = arith.cmpf ogt, %parallel_loop3A_1026, %parallel_loop3A_1003 : vector<16xf32>
      %parallel_loop3A_1028 = arith.constant 98304 : i32
      %parallel_loop3A_1029 = arith.addi %parallel_loop3A_1028, %parallel_loop3A_1024 : i32
      %parallel_loop3A_1030 = vector.broadcast %parallel_loop3A_1029 : i32 to vector<16xi32>
      %parallel_loop3A_1031 = arith.select %parallel_loop3A_1027, %parallel_loop3A_1030, %parallel_loop3A_1004 : vector<16xi1>, vector<16xi32>
      %parallel_loop3A_1032 = arith.select %parallel_loop3A_1027, %parallel_loop3A_1026, %parallel_loop3A_1003 : vector<16xi1>, vector<16xf32>
      %parallel_loop3A_1033 = arith.constant 64 : i32
      %parallel_loop3A_1034 = arith.muli %parallel_loop3A_1000, %parallel_loop3A_1033 : i32
      %parallel_loop3A_1035 = arith.constant 32 : i32
      %parallel_loop3A_1036 = arith.addi %parallel_loop3A_1034, %parallel_loop3A_1035 : i32
      %parallel_loop3A_1037 = arith.index_cast %parallel_loop3A_1036 : i32 to index
      %parallel_loop3A_1038 = tpu.vector_load %arg6[%parallel_loop3A_1037] {strides = array<i32>} : memref<32768xf32, #tpu.memory_space<vmem>>, vector<16xf32>,
      %parallel_loop3A_1039 = arith.cmpf ogt, %parallel_loop3A_1038, %parallel_loop3A_1005 : vector<16xf32>
      %parallel_loop3A_1040 = arith.constant 98304 : i32
      %parallel_loop3A_1041 = arith.addi %parallel_loop3A_1040, %parallel_loop3A_1036 : i32
      %parallel_loop3A_1042 = vector.broadcast %parallel_loop3A_1041 : i32 to vector<16xi32>
      %parallel_loop3A_1043 = arith.select %parallel_loop3A_1039, %parallel_loop3A_1042, %parallel_loop3A_1006 : vector<16xi1>, vector<16xi32>
      %parallel_loop3A_1044 = arith.select %parallel_loop3A_1039, %parallel_loop3A_1038, %parallel_loop3A_1005 : vector<16xi1>, vector<16xf32>
      %parallel_loop3A_1045 = arith.constant 64 : i32
      %parallel_loop3A_1046 = arith.muli %parallel_loop3A_1000, %parallel_loop3A_1045 : i32
      %parallel_loop3A_1047 = arith.constant 48 : i32
      %parallel_loop3A_1048 = arith.addi %parallel_loop3A_1046, %parallel_loop3A_1047 : i32
      %parallel_loop3A_1049 = arith.index_cast %parallel_loop3A_1048 : i32 to index
      %parallel_loop3A_1050 = tpu.vector_load %arg6[%parallel_loop3A_1049] {strides = array<i32>} : memref<32768xf32, #tpu.memory_space<vmem>>, vector<16xf32>,
      %parallel_loop3A_1051 = arith.cmpf ogt, %parallel_loop3A_1050, %parallel_loop3A_1007 : vector<16xf32>
      %parallel_loop3A_1052 = arith.constant 98304 : i32
      %parallel_loop3A_1053 = arith.addi %parallel_loop3A_1052, %parallel_loop3A_1048 : i32
      %parallel_loop3A_1054 = vector.broadcast %parallel_loop3A_1053 : i32 to vector<16xi32>
      %parallel_loop3A_1055 = arith.select %parallel_loop3A_1051, %parallel_loop3A_1054, %parallel_loop3A_1008 : vector<16xi1>, vector<16xi32>
      %parallel_loop3A_1056 = arith.select %parallel_loop3A_1051, %parallel_loop3A_1050, %parallel_loop3A_1007 : vector<16xi1>, vector<16xf32>
      scf.yield %parallel_loop3A_1020, %parallel_loop3A_1019, %parallel_loop3A_1032, %parallel_loop3A_1031, %parallel_loop3A_1044, %parallel_loop3A_1043, %parallel_loop3A_1056, %parallel_loop3A_1055 : vector<16xf32>, vector<16xi32>, vector<16xf32>, vector<16xi32>, vector<16xf32>, vector<16xi32>, vector<16xf32>, vector<16xi32>
    } {sc.loop_unroll_factor = 4 : i64, sc.parallel_access}
    %add3A_875 = arith.addi %parallel_loop3A_874#1, %iota3A : vector<16xi32>
    %add3A_876 = arith.addi %parallel_loop3A_874#3, %iota3A : vector<16xi32>
    %gt3A_877 = arith.cmpf ogt, %parallel_loop3A_874#2, %parallel_loop3A_874#0 : vector<16xf32>
    %eq3A_878 = arith.cmpf oeq, %parallel_loop3A_874#2, %parallel_loop3A_874#0 : vector<16xf32>
    %lt3A_879 = arith.cmpi slt, %add3A_876, %add3A_875 : vector<16xi32>
    %and3A_880 = arith.andi %eq3A_878, %lt3A_879 : vector<16xi1>
    %or3A_881 = arith.ori %gt3A_877, %and3A_880 : vector<16xi1>
    %select_n3A_882 = arith.select %or3A_881, %add3A_876, %add3A_875 : vector<16xi1>, vector<16xi32>
    %select_n3A_883 = arith.select %or3A_881, %parallel_loop3A_874#2, %parallel_loop3A_874#0 : vector<16xi1>, vector<16xf32>
    %add3A_884 = arith.addi %parallel_loop3A_874#5, %iota3A : vector<16xi32>
    %gt3A_885 = arith.cmpf ogt, %parallel_loop3A_874#4, %select_n3A_883 : vector<16xf32>
    %eq3A_886 = arith.cmpf oeq, %parallel_loop3A_874#4, %select_n3A_883 : vector<16xf32>
    %lt3A_887 = arith.cmpi slt, %add3A_884, %select_n3A_882 : vector<16xi32>
    %and3A_888 = arith.andi %eq3A_886, %lt3A_887 : vector<16xi1>
    %or3A_889 = arith.ori %gt3A_885, %and3A_888 : vector<16xi1>
    %select_n3A_890 = arith.select %or3A_889, %add3A_884, %select_n3A_882 : vector<16xi1>, vector<16xi32>
    %select_n3A_891 = arith.select %or3A_889, %parallel_loop3A_874#4, %select_n3A_883 : vector<16xi1>, vector<16xf32>
    %add3A_892 = arith.addi %parallel_loop3A_874#7, %iota3A : vector<16xi32>
    %gt3A_893 = arith.cmpf ogt, %parallel_loop3A_874#6, %select_n3A_891 : vector<16xf32>
    %eq3A_894 = arith.cmpf oeq, %parallel_loop3A_874#6, %select_n3A_891 : vector<16xf32>
    %lt3A_895 = arith.cmpi slt, %add3A_892, %select_n3A_890 : vector<16xi32>
    %and3A_896 = arith.andi %eq3A_894, %lt3A_895 : vector<16xi1>
    %or3A_897 = arith.ori %gt3A_893, %and3A_896 : vector<16xi1>
    %select_n3A_898 = arith.select %or3A_897, %add3A_892, %select_n3A_890 : vector<16xi1>, vector<16xi32>
    %select_n3A_899 = arith.select %or3A_897, %parallel_loop3A_874#6, %select_n3A_891 : vector<16xi1>, vector<16xf32>
    %swap3A_900 = arith.constant 0 : index
    %swap3A_901 = tpu.vector_load %arg9[%swap3A_900] {strides = array<i32>} : memref<16xf32, #tpu.memory_space<vmem>>, vector<16xf32>,
    tpu.vector_store %arg9[%swap3A_900], %select_n3A_899 {strides = array<i32>} : memref<16xf32, #tpu.memory_space<vmem>>, vector<16xf32>,
    %swap3A_902 = arith.constant 0 : index
    %swap3A_903 = tpu.vector_load %arg10[%swap3A_902] {strides = array<i32>} : memref<16xi32, #tpu.memory_space<vmem>>, vector<16xi32>,
    tpu.vector_store %arg10[%swap3A_902], %select_n3A_898 {strides = array<i32>} : memref<16xi32, #tpu.memory_space<vmem>>, vector<16xi32>,
    %xor3A_904 = arith.constant 8 : i32
    %xor3A_905 = vector.broadcast %xor3A_904 : i32 to vector<16xi32>
    %xor3A_906 = arith.xori %iota3A, %xor3A_905 : vector<16xi32>
    %gather3A_907 = tpu.vector_load_idx %arg9[%xor3A_906] : memref<16xf32, #tpu.memory_space<vmem>>[vector<16xi32>], vector<16xf32>,
    %gather3A_908 = tpu.vector_load_idx %arg10[%xor3A_906] : memref<16xi32, #tpu.memory_space<vmem>>[vector<16xi32>], vector<16xi32>,
    %gt3A_909 = arith.cmpf ogt, %gather3A_907, %select_n3A_899 : vector<16xf32>
    %eq3A_910 = arith.cmpf oeq, %gather3A_907, %select_n3A_899 : vector<16xf32>
    %lt3A_911 = arith.cmpi slt, %gather3A_908, %select_n3A_898 : vector<16xi32>
    %and3A_912 = arith.andi %eq3A_910, %lt3A_911 : vector<16xi1>
    %or3A_913 = arith.ori %gt3A_909, %and3A_912 : vector<16xi1>
    %select_n3A_914 = arith.select %or3A_913, %gather3A_908, %select_n3A_898 : vector<16xi1>, vector<16xi32>
    %select_n3A_915 = arith.select %or3A_913, %gather3A_907, %select_n3A_899 : vector<16xi1>, vector<16xf32>
    %swap3A_916 = arith.constant 0 : index
    %swap3A_917 = tpu.vector_load %arg9[%swap3A_916] {strides = array<i32>} : memref<16xf32, #tpu.memory_space<vmem>>, vector<16xf32>,
    tpu.vector_store %arg9[%swap3A_916], %select_n3A_915 {strides = array<i32>} : memref<16xf32, #tpu.memory_space<vmem>>, vector<16xf32>,
    %swap3A_918 = arith.constant 0 : index
    %swap3A_919 = tpu.vector_load %arg10[%swap3A_918] {strides = array<i32>} : memref<16xi32, #tpu.memory_space<vmem>>, vector<16xi32>,
    tpu.vector_store %arg10[%swap3A_918], %select_n3A_914 {strides = array<i32>} : memref<16xi32, #tpu.memory_space<vmem>>, vector<16xi32>,
    %xor3A_920 = arith.constant 4 : i32
    %xor3A_921 = vector.broadcast %xor3A_920 : i32 to vector<16xi32>
    %xor3A_922 = arith.xori %iota3A, %xor3A_921 : vector<16xi32>
    %gather3A_923 = tpu.vector_load_idx %arg9[%xor3A_922] : memref<16xf32, #tpu.memory_space<vmem>>[vector<16xi32>], vector<16xf32>,
    %gather3A_924 = tpu.vector_load_idx %arg10[%xor3A_922] : memref<16xi32, #tpu.memory_space<vmem>>[vector<16xi32>], vector<16xi32>,
    %gt3A_925 = arith.cmpf ogt, %gather3A_923, %select_n3A_915 : vector<16xf32>
    %eq3A_926 = arith.cmpf oeq, %gather3A_923, %select_n3A_915 : vector<16xf32>
    %lt3A_927 = arith.cmpi slt, %gather3A_924, %select_n3A_914 : vector<16xi32>
    %and3A_928 = arith.andi %eq3A_926, %lt3A_927 : vector<16xi1>
    %or3A_929 = arith.ori %gt3A_925, %and3A_928 : vector<16xi1>
    %select_n3A_930 = arith.select %or3A_929, %gather3A_924, %select_n3A_914 : vector<16xi1>, vector<16xi32>
    %select_n3A_931 = arith.select %or3A_929, %gather3A_923, %select_n3A_915 : vector<16xi1>, vector<16xf32>
    %swap3A_932 = arith.constant 0 : index
    %swap3A_933 = tpu.vector_load %arg9[%swap3A_932] {strides = array<i32>} : memref<16xf32, #tpu.memory_space<vmem>>, vector<16xf32>,
    tpu.vector_store %arg9[%swap3A_932], %select_n3A_931 {strides = array<i32>} : memref<16xf32, #tpu.memory_space<vmem>>, vector<16xf32>,
    %swap3A_934 = arith.constant 0 : index
    %swap3A_935 = tpu.vector_load %arg10[%swap3A_934] {strides = array<i32>} : memref<16xi32, #tpu.memory_space<vmem>>, vector<16xi32>,
    tpu.vector_store %arg10[%swap3A_934], %select_n3A_930 {strides = array<i32>} : memref<16xi32, #tpu.memory_space<vmem>>, vector<16xi32>,
    %xor3A_936 = arith.constant 2 : i32
    %xor3A_937 = vector.broadcast %xor3A_936 : i32 to vector<16xi32>
    %xor3A_938 = arith.xori %iota3A, %xor3A_937 : vector<16xi32>
    %gather3A_939 = tpu.vector_load_idx %arg9[%xor3A_938] : memref<16xf32, #tpu.memory_space<vmem>>[vector<16xi32>], vector<16xf32>,
    %gather3A_940 = tpu.vector_load_idx %arg10[%xor3A_938] : memref<16xi32, #tpu.memory_space<vmem>>[vector<16xi32>], vector<16xi32>,
    %gt3A_941 = arith.cmpf ogt, %gather3A_939, %select_n3A_931 : vector<16xf32>
    %eq3A_942 = arith.cmpf oeq, %gather3A_939, %select_n3A_931 : vector<16xf32>
    %lt3A_943 = arith.cmpi slt, %gather3A_940, %select_n3A_930 : vector<16xi32>
    %and3A_944 = arith.andi %eq3A_942, %lt3A_943 : vector<16xi1>
    %or3A_945 = arith.ori %gt3A_941, %and3A_944 : vector<16xi1>
    %select_n3A_946 = arith.select %or3A_945, %gather3A_940, %select_n3A_930 : vector<16xi1>, vector<16xi32>
    %select_n3A_947 = arith.select %or3A_945, %gather3A_939, %select_n3A_931 : vector<16xi1>, vector<16xf32>
    %swap3A_948 = arith.constant 0 : index
    %swap3A_949 = tpu.vector_load %arg9[%swap3A_948] {strides = array<i32>} : memref<16xf32, #tpu.memory_space<vmem>>, vector<16xf32>,
    tpu.vector_store %arg9[%swap3A_948], %select_n3A_947 {strides = array<i32>} : memref<16xf32, #tpu.memory_space<vmem>>, vector<16xf32>,
    %swap3A_950 = arith.constant 0 : index
    %swap3A_951 = tpu.vector_load %arg10[%swap3A_950] {strides = array<i32>} : memref<16xi32, #tpu.memory_space<vmem>>, vector<16xi32>,
    tpu.vector_store %arg10[%swap3A_950], %select_n3A_946 {strides = array<i32>} : memref<16xi32, #tpu.memory_space<vmem>>, vector<16xi32>,
    %xor3A_952 = arith.constant 1 : i32
    %xor3A_953 = vector.broadcast %xor3A_952 : i32 to vector<16xi32>
    %xor3A_954 = arith.xori %iota3A, %xor3A_953 : vector<16xi32>
    %gather3A_955 = tpu.vector_load_idx %arg9[%xor3A_954] : memref<16xf32, #tpu.memory_space<vmem>>[vector<16xi32>], vector<16xf32>,
    %gather3A_956 = tpu.vector_load_idx %arg10[%xor3A_954] : memref<16xi32, #tpu.memory_space<vmem>>[vector<16xi32>], vector<16xi32>,
    %gt3A_957 = arith.cmpf ogt, %gather3A_955, %select_n3A_947 : vector<16xf32>
    %eq3A_958 = arith.cmpf oeq, %gather3A_955, %select_n3A_947 : vector<16xf32>
    %lt3A_959 = arith.cmpi slt, %gather3A_956, %select_n3A_946 : vector<16xi32>
    %and3A_960 = arith.andi %eq3A_958, %lt3A_959 : vector<16xi1>
    %or3A_961 = arith.ori %gt3A_957, %and3A_960 : vector<16xi1>
    %select_n3A_962 = arith.select %or3A_961, %gather3A_956, %select_n3A_946 : vector<16xi1>, vector<16xi32>
    %select_n3A_963 = arith.select %or3A_961, %gather3A_955, %select_n3A_947 : vector<16xi1>, vector<16xf32>
    %swap3A_964 = arith.constant 0 : index
    %swap3A_965 = tpu.vector_load %arg7[%swap3A_964] {strides = array<i32>} : memref<128xf32, #tpu.memory_space<vmem>>, vector<16xf32>,
    tpu.vector_store %arg7[%swap3A_964], %select_n3A_963 {strides = array<i32>} : memref<128xf32, #tpu.memory_space<vmem>>, vector<16xf32>,
    %swap3A_966 = arith.constant 0 : index
    %swap3A_967 = tpu.vector_load %arg8[%swap3A_966] {strides = array<i32>} : memref<128xi32, #tpu.memory_space<vmem>>, vector<16xi32>,
    tpu.vector_store %arg8[%swap3A_966], %select_n3A_962 {strides = array<i32>} : memref<128xi32, #tpu.memory_space<vmem>>, vector<16xi32>,
    %swap3A_968 = arith.constant 16 : index
    %swap3A_969 = tpu.vector_load %arg7[%swap3A_968] {strides = array<i32>} : memref<128xf32, #tpu.memory_space<vmem>>, vector<16xf32>,
    tpu.vector_store %arg7[%swap3A_968], %select_n3A_963 {strides = array<i32>} : memref<128xf32, #tpu.memory_space<vmem>>, vector<16xf32>,
    %swap3A_970 = arith.constant 16 : index
    %swap3A_971 = tpu.vector_load %arg8[%swap3A_970] {strides = array<i32>} : memref<128xi32, #tpu.memory_space<vmem>>, vector<16xi32>,
    tpu.vector_store %arg8[%swap3A_970], %select_n3A_962 {strides = array<i32>} : memref<128xi32, #tpu.memory_space<vmem>>, vector<16xi32>,
    %swap3A_972 = arith.constant 32 : index
    %swap3A_973 = tpu.vector_load %arg7[%swap3A_972] {strides = array<i32>} : memref<128xf32, #tpu.memory_space<vmem>>, vector<16xf32>,
    tpu.vector_store %arg7[%swap3A_972], %select_n3A_963 {strides = array<i32>} : memref<128xf32, #tpu.memory_space<vmem>>, vector<16xf32>,
    %swap3A_974 = arith.constant 32 : index
    %swap3A_975 = tpu.vector_load %arg8[%swap3A_974] {strides = array<i32>} : memref<128xi32, #tpu.memory_space<vmem>>, vector<16xi32>,
    tpu.vector_store %arg8[%swap3A_974], %select_n3A_962 {strides = array<i32>} : memref<128xi32, #tpu.memory_space<vmem>>, vector<16xi32>,
    %swap3A_976 = arith.constant 48 : index
    %swap3A_977 = tpu.vector_load %arg7[%swap3A_976] {strides = array<i32>} : memref<128xf32, #tpu.memory_space<vmem>>, vector<16xf32>,
    tpu.vector_store %arg7[%swap3A_976], %select_n3A_963 {strides = array<i32>} : memref<128xf32, #tpu.memory_space<vmem>>, vector<16xf32>,
    %swap3A_978 = arith.constant 48 : index
    %swap3A_979 = tpu.vector_load %arg8[%swap3A_978] {strides = array<i32>} : memref<128xi32, #tpu.memory_space<vmem>>, vector<16xi32>,
    tpu.vector_store %arg8[%swap3A_978], %select_n3A_962 {strides = array<i32>} : memref<128xi32, #tpu.memory_space<vmem>>, vector<16xi32>,
    %swap3A_980 = arith.constant 64 : index
    %swap3A_981 = tpu.vector_load %arg7[%swap3A_980] {strides = array<i32>} : memref<128xf32, #tpu.memory_space<vmem>>, vector<16xf32>,
    tpu.vector_store %arg7[%swap3A_980], %select_n3A_963 {strides = array<i32>} : memref<128xf32, #tpu.memory_space<vmem>>, vector<16xf32>,
    %swap3A_982 = arith.constant 64 : index
    %swap3A_983 = tpu.vector_load %arg8[%swap3A_982] {strides = array<i32>} : memref<128xi32, #tpu.memory_space<vmem>>, vector<16xi32>,
    tpu.vector_store %arg8[%swap3A_982], %select_n3A_962 {strides = array<i32>} : memref<128xi32, #tpu.memory_space<vmem>>, vector<16xi32>,
    %swap3A_984 = arith.constant 80 : index
    %swap3A_985 = tpu.vector_load %arg7[%swap3A_984] {strides = array<i32>} : memref<128xf32, #tpu.memory_space<vmem>>, vector<16xf32>,
    tpu.vector_store %arg7[%swap3A_984], %select_n3A_963 {strides = array<i32>} : memref<128xf32, #tpu.memory_space<vmem>>, vector<16xf32>,
    %swap3A_986 = arith.constant 80 : index
    %swap3A_987 = tpu.vector_load %arg8[%swap3A_986] {strides = array<i32>} : memref<128xi32, #tpu.memory_space<vmem>>, vector<16xi32>,
    tpu.vector_store %arg8[%swap3A_986], %select_n3A_962 {strides = array<i32>} : memref<128xi32, #tpu.memory_space<vmem>>, vector<16xi32>,
    %swap3A_988 = arith.constant 96 : index
    %swap3A_989 = tpu.vector_load %arg7[%swap3A_988] {strides = array<i32>} : memref<128xf32, #tpu.memory_space<vmem>>, vector<16xf32>,
    tpu.vector_store %arg7[%swap3A_988], %select_n3A_963 {strides = array<i32>} : memref<128xf32, #tpu.memory_space<vmem>>, vector<16xf32>,
    %swap3A_990 = arith.constant 96 : index
    %swap3A_991 = tpu.vector_load %arg8[%swap3A_990] {strides = array<i32>} : memref<128xi32, #tpu.memory_space<vmem>>, vector<16xi32>,
    tpu.vector_store %arg8[%swap3A_990], %select_n3A_962 {strides = array<i32>} : memref<128xi32, #tpu.memory_space<vmem>>, vector<16xi32>,
    %swap3A_992 = arith.constant 112 : index
    %swap3A_993 = tpu.vector_load %arg7[%swap3A_992] {strides = array<i32>} : memref<128xf32, #tpu.memory_space<vmem>>, vector<16xf32>,
    tpu.vector_store %arg7[%swap3A_992], %select_n3A_963 {strides = array<i32>} : memref<128xf32, #tpu.memory_space<vmem>>, vector<16xf32>,
    %swap3A_994 = arith.constant 112 : index
    %swap3A_995 = tpu.vector_load %arg8[%swap3A_994] {strides = array<i32>} : memref<128xi32, #tpu.memory_space<vmem>>, vector<16xi32>,
    tpu.vector_store %arg8[%swap3A_994], %select_n3A_962 {strides = array<i32>} : memref<128xi32, #tpu.memory_space<vmem>>, vector<16xi32>,
    %mul3A_996 = arith.constant 4 : i32
    %mul3A_997 = arith.muli %add3A, %mul3A_996 : i32
    %add3A_998 = arith.constant 3 : i32
    %add3A_999 = arith.addi %mul3A_997, %add3A_998 : i32
    "tpu.region"() ({
      %run_scoped3A = tpu.sem_alloc : memref<!tpu.dma_semaphore, #tpu.memory_space<semaphore_mem>>
      %dma_start3A_1000 = arith.constant 0 : i32
      %dma_start3A_1001 = tpu.memref_slice %arg3[%add3A_999, %dma_start3A_1000] : memref<128x128xf32, #tpu.memory_space<hbm>> -> memref<1x128xf32, #tpu.memory_space<hbm>>
      %dma_start3A_1002 = tpu.memref_squeeze %dma_start3A_1001 : memref<1x128xf32, #tpu.memory_space<hbm>> -> memref<128xf32, #tpu.memory_space<hbm>>
      %dma_start3A_1003 = arith.constant 0 : i32
      %dma_start3A_1004 = tpu.memref_slice %arg3[%add3A_999, %dma_start3A_1003] : memref<128x128xf32, #tpu.memory_space<hbm>> -> memref<1x128xf32, #tpu.memory_space<hbm>>
      %dma_start3A_1005 = tpu.memref_squeeze %dma_start3A_1004 : memref<1x128xf32, #tpu.memory_space<hbm>> -> memref<128xf32, #tpu.memory_space<hbm>>
      tpu.enqueue_dma source(%arg7 : memref<128xf32, #tpu.memory_space<vmem>>) target(%dma_start3A_1005 : memref<128xf32, #tpu.memory_space<hbm>>) target_semaphore(%run_scoped3A : memref<!tpu.dma_semaphore, #tpu.memory_space<semaphore_mem>>)
      %dma_wait3A_1006 = arith.constant 0 : i32
      %dma_wait3A_1007 = tpu.memref_slice %arg3[%add3A_999, %dma_wait3A_1006] : memref<128x128xf32, #tpu.memory_space<hbm>> -> memref<1x128xf32, #tpu.memory_space<hbm>>
      %dma_wait3A_1008 = tpu.memref_squeeze %dma_wait3A_1007 : memref<1x128xf32, #tpu.memory_space<hbm>> -> memref<128xf32, #tpu.memory_space<hbm>>
      %dma_wait3A_1009 = arith.constant 0 : i32
      %dma_wait3A_1010 = tpu.memref_slice %arg3[%add3A_999, %dma_wait3A_1009] : memref<128x128xf32, #tpu.memory_space<hbm>> -> memref<1x128xf32, #tpu.memory_space<hbm>>
      %dma_wait3A_1011 = tpu.memref_squeeze %dma_wait3A_1010 : memref<1x128xf32, #tpu.memory_space<hbm>> -> memref<128xf32, #tpu.memory_space<hbm>>
      tpu.wait_dma2 semaphore(%run_scoped3A : memref<!tpu.dma_semaphore, #tpu.memory_space<semaphore_mem>>) src(%arg7 : memref<128xf32, #tpu.memory_space<vmem>>) dst(%dma_wait3A_1011 : memref<128xf32, #tpu.memory_space<hbm>>)
      tpu.yield
    }) : () -> ()
    "tpu.region"() ({
      %run_scoped3A = tpu.sem_alloc : memref<!tpu.dma_semaphore, #tpu.memory_space<semaphore_mem>>
      %dma_start3A_1000 = arith.constant 0 : i32
      %dma_start3A_1001 = tpu.memref_slice %arg4[%add3A_999, %dma_start3A_1000] : memref<128x128xi32, #tpu.memory_space<hbm>> -> memref<1x128xi32, #tpu.memory_space<hbm>>
      %dma_start3A_1002 = tpu.memref_squeeze %dma_start3A_1001 : memref<1x128xi32, #tpu.memory_space<hbm>> -> memref<128xi32, #tpu.memory_space<hbm>>
      %dma_start3A_1003 = arith.constant 0 : i32
      %dma_start3A_1004 = tpu.memref_slice %arg4[%add3A_999, %dma_start3A_1003] : memref<128x128xi32, #tpu.memory_space<hbm>> -> memref<1x128xi32, #tpu.memory_space<hbm>>
      %dma_start3A_1005 = tpu.memref_squeeze %dma_start3A_1004 : memref<1x128xi32, #tpu.memory_space<hbm>> -> memref<128xi32, #tpu.memory_space<hbm>>
      tpu.enqueue_dma source(%arg8 : memref<128xi32, #tpu.memory_space<vmem>>) target(%dma_start3A_1005 : memref<128xi32, #tpu.memory_space<hbm>>) target_semaphore(%run_scoped3A : memref<!tpu.dma_semaphore, #tpu.memory_space<semaphore_mem>>)
      %dma_wait3A_1006 = arith.constant 0 : i32
      %dma_wait3A_1007 = tpu.memref_slice %arg4[%add3A_999, %dma_wait3A_1006] : memref<128x128xi32, #tpu.memory_space<hbm>> -> memref<1x128xi32, #tpu.memory_space<hbm>>
      %dma_wait3A_1008 = tpu.memref_squeeze %dma_wait3A_1007 : memref<1x128xi32, #tpu.memory_space<hbm>> -> memref<128xi32, #tpu.memory_space<hbm>>
      %dma_wait3A_1009 = arith.constant 0 : i32
      %dma_wait3A_1010 = tpu.memref_slice %arg4[%add3A_999, %dma_wait3A_1009] : memref<128x128xi32, #tpu.memory_space<hbm>> -> memref<1x128xi32, #tpu.memory_space<hbm>>
      %dma_wait3A_1011 = tpu.memref_squeeze %dma_wait3A_1010 : memref<1x128xi32, #tpu.memory_space<hbm>> -> memref<128xi32, #tpu.memory_space<hbm>>
      tpu.wait_dma2 semaphore(%run_scoped3A : memref<!tpu.dma_semaphore, #tpu.memory_space<semaphore_mem>>) src(%arg8 : memref<128xi32, #tpu.memory_space<vmem>>) dst(%dma_wait3A_1011 : memref<128xi32, #tpu.memory_space<hbm>>)
      tpu.yield
    }) : () -> ()
    return
  }
}

module attributes {stable_mosaic.version = 14 : i64} {
  func.func @_tc_merge_body(%arg0: i32, %arg1: memref<128x512xf32, #tpu.memory_space<vmem>>, %arg2: memref<128x128xf32, #tpu.memory_space<vmem>>, %arg3: memref<128x128xi32, #tpu.memory_space<vmem>>, %arg4: memref<128x1xi32, #tpu.memory_space<vmem>>) attributes {dimension_semantics = [#tpu.dimension_semantics<arbitrary>], iteration_bounds = array<i64: 1>, scalar_prefetch = 0 : i64, scratch_operands = 0 : i64, tpu.core_type = #tpu.core_type<tc>, window_params = [{transform_indices = @transform_0, window_bounds = array<i64: 128, 512>}, {pipeline_mode = #tpu.pipeline_mode<synchronous>, transform_indices = @transform_1, window_bounds = array<i64: 128, 128>}, {pipeline_mode = #tpu.pipeline_mode<synchronous>, transform_indices = @transform_2, window_bounds = array<i64: 128, 128>}, {pipeline_mode = #tpu.pipeline_mode<synchronous>, transform_indices = @transform_3, window_bounds = array<i64: 128, 1>}]} {
    %get3A = arith.constant 0 : index
    %get3A_0 = arith.constant 0 : index
    %get3A_1 = vector.load %arg1[%get3A, %get3A_0] : memref<128x512xf32, #tpu.memory_space<vmem>>, vector<128x512xf32>
    %iota3A = tpu.iota {dimensions = array<i32: 1>} : vector<128x512xi32>
    %add3A = arith.constant 99840 : i32
    %add3A_2 = vector.broadcast %add3A : i32 to vector<128x512xi32>
    %add3A_3 = arith.addi %iota3A, %add3A_2 : vector<128x512xi32>
    %lt3A = arith.constant 100000 : i32
    %lt3A_4 = vector.broadcast %lt3A : i32 to vector<128x512xi32>
    %lt3A_5 = arith.cmpi slt, %add3A_3, %lt3A_4 : vector<128x512xi32>
    %jit3A = arith.constant 0xFF800000 : f32
    %broadcast_in_dim3A = vector.broadcast %jit3A : f32 to vector<128x512xf32>
    %select_n3A = arith.select %lt3A_5, %get3A_1, %broadcast_in_dim3A : vector<128x512xi1>, vector<128x512xf32>
    %reduce_max3A = arith.constant dense<0xFF800000> : vector<128xf32>
    %reduce_max3A_6 = vector.multi_reduction <maximumf>, %select_n3A, %reduce_max3A [1] : vector<128x512xf32> to vector<128xf32>
    %broadcast_in_dim3A_7 = vector.shape_cast %reduce_max3A_6 : vector<128xf32> to vector<128x1xf32>
    %eq3A = vector.broadcast %broadcast_in_dim3A_7 : vector<128x1xf32> to vector<128x512xf32>
    %eq3A_8 = arith.cmpf oeq, %select_n3A, %eq3A : vector<128x512xf32>
    %jit3A_9 = arith.constant 2147483647 : i32
    %broadcast_in_dim3A_10 = vector.broadcast %jit3A_9 : i32 to vector<128x512xi32>
    %select_n3A_11 = arith.select %eq3A_8, %add3A_3, %broadcast_in_dim3A_10 : vector<128x512xi1>, vector<128x512xi32>
    %reduce_min3A = arith.constant dense<2147483647> : vector<128xi32>
    %reduce_min3A_12 = vector.multi_reduction <minsi>, %select_n3A_11, %reduce_min3A [1] : vector<128x512xi32> to vector<128xi32>
    %broadcast_in_dim3A_13 = vector.shape_cast %reduce_min3A_12 : vector<128xi32> to vector<128x1xi32>
    %get3A_14 = arith.constant 0 : index
    %get3A_15 = arith.constant 0 : index
    %get3A_16 = vector.load %arg2[%get3A_14, %get3A_15] : memref<128x128xf32, #tpu.memory_space<vmem>>, vector<128x1xf32>
    %get3A_17 = arith.constant 0 : index
    %get3A_18 = arith.constant 0 : index
    %get3A_19 = vector.load %arg3[%get3A_17, %get3A_18] : memref<128x128xi32, #tpu.memory_space<vmem>>, vector<128x1xi32>
    %ge3A = arith.cmpf oge, %get3A_16, %broadcast_in_dim3A_7 : vector<128x1xf32>
    %select_n3A_20 = arith.select %ge3A, %get3A_19, %broadcast_in_dim3A_13 : vector<128x1xi1>, vector<128x1xi32>
    %swap3A = arith.constant 0 : index
    %swap3A_21 = arith.constant 0 : index
    %swap3A_22 = vector.load %arg4[%swap3A, %swap3A_21] : memref<128x1xi32, #tpu.memory_space<vmem>>, vector<128x1xi32>
    tpu.vector_store %arg4[%swap3A, %swap3A_21], %select_n3A_20 {strides = array<i32>} : memref<128x1xi32, #tpu.memory_space<vmem>>, vector<128x1xi32>,
    return
  }
  func.func @transform_0(%arg0: i32) -> (i32, i32) {
    %c0_i32 = arith.constant 0 : i32
    %c195_i32 = arith.constant 195 : i32
    %c0_i32_0 = arith.constant 0 : i32
    return %c0_i32, %c195_i32 : i32, i32
  }
  func.func @transform_1(%arg0: i32) -> (i32, i32) {
    %c0_i32 = arith.constant 0 : i32
    %c0_i32_0 = arith.constant 0 : i32
    %c0_i32_1 = arith.constant 0 : i32
    return %c0_i32, %c0_i32_0 : i32, i32
  }
  func.func @transform_2(%arg0: i32) -> (i32, i32) {
    %c0_i32 = arith.constant 0 : i32
    %c0_i32_0 = arith.constant 0 : i32
    %c0_i32_1 = arith.constant 0 : i32
    return %c0_i32, %c0_i32_0 : i32, i32
  }
  func.func @transform_3(%arg0: i32) -> (i32, i32) {
    %c0_i32 = arith.constant 0 : i32
    %c0_i32_0 = arith.constant 0 : i32
    %c0_i32_1 = arith.constant 0 : i32
    return %c0_i32, %c0_i32_0 : i32, i32
  }
}

</mosaic_0001>

<sc_bundles>
// kernel: _greedy_head.4.cloned.1.call-start
scs
__scs_entry_jumppad:
0x0: {  	(pc) =	sbr.rel $0x88, $3  }
0x1: {  	(tag) =	ssettag $0x0;
	lr =	simm.s32 $0x1  }
0x2: {  	[smem:$0x3FA0] =	sst lr;
	_ =	strace $0xD0000000  }
0x3: {  	_ = 	snop  }
0x4: {  	_ = 	snop  }
0x5: {  	_ = 	snop  }
0x6: {  	_ = 	snop  }
0x7: {  	_ = 	snop  }
__scs_overlays_trampoline_lowered:
0x8: {  	[smem:$0x3FAF] =	sst s0  }
0x9: {  	[smem:$0x3FB0] =	sst s1  }
0xa: {  	[smem:$0x3FB1] =	sst s2  }
0xb: {  	[smem:$0x3FB2] =	sst s3  }
0xc: {  	[smem:$0x3FB3] =	sst s4  }
0xd: {  	[smem:$0x3FB4] =	sst s5  }
0xe: {  	[smem:$0x3FB5] =	sst s6  }
0xf: {  	[smem:$0x3FB6] =	sst s7  }
0x10: {  	[smem:$0x3FB7] =	sst s8  }
0x11: {  	[smem:$0x3FB8] =	sst s9;
	s0 =	simm.s32 @!p0 $0x0  }
0x12: {  	s1 =	sld [smem:$0x3F9E];
	s0 =	simm.s32 @p0 $0x1  }
0x13: {  	[smem:$0x3FB9] =	sst s0;
	s0 =	simm.s32 @!p1 $0x0  }
0x14: {  	s2 =	sld [smem:$0x3F9D];
	s0 =	simm.s32 @p1 $0x1  }
0x15: {  	[smem:$0x3FBA] =	sst s0;
	s0 =	simm.s32 @!p2 $0x0  }
0x16: {  	s3 =	sld [smem:$0x3FDB];
	s0 =	simm.s32 @p2 $0x1  }
0x17: {  	s4 =	simm.s32 $0x1BF5;
	[smem:$0x3FBC] =	sst s0  }
0x18: {  	s0 =	sld [smem:$0x3F9F];
	_ =	swait.ge [sflag:s4], $0x0  }
0x19: {  	s7 =	sld [smem:$0x3FA0]  }
0x1a: {  	s8 =	sadd.s32 $0xFFFFE003, lr  }
0x1b: {  	s9 =	sadd.s32 $0xFFFFFEF7, lr;
	s5 =	simm.s32 $0xFFFFFFFF;
	p2 =	slt.u32 s8, $0xFFFFF086  }
0x1c: {  	p1 =	slt.u32 s9, $0xF7A;
	s5 =	simm.s32 @!p2 $0x0  }
0x1d: {  	s5 =	simm.s32 @p1 $0x1;
	p0 =	seq.s32 s7, s2  }
0x1e: {  	s7 =	smul.u32 @!p0 $0xF7A, s2;
	p2 =	seq.s32 @!p0 s5, $0x0  }
0x1f: {  	s9 =	smul.u32 $0xF7A, s1;
	s8 =	simm.s32 @!p0 $0x1BF5;
	p2 =	por !p2, p0  }
0x20: {  	[sflag:s8] =	ssyncset.s32 @!p0 $0xFFFFF086;
	s6 =	sadd.s32 @!p0 s3, s7;
	s7 =	simm.s32 @!p0 $0x108  }
0x21: {  	s3 =	sadd.s32 s3, s9;
	s6 =	sadd.s32 @!p0 $0x88, s6;
	s7 =	simm.s32 @p2 $0x1082  }
0x22: {  	[simem:s7], [sflag:s8] =	dma.local @!p0 [hbm:s6], $0xF7A  }
0x23: {  	s9 =	sor.u32 $0xD0000000, s2;
	s6 =	simm.s32 $0x108;
	_ =	swait.ge @!p0 [sflag:s8], $0x0  }
0x24: {  	s3 =	sadd.s32 $0x88, s3;
	s6 =	simm.s32 @!p1 $0x1082;
	[sflag:s4] =	ssyncset.s32 $0xFFFFF086  }
0x25: {  	[simem:s6], [sflag:s4] =	dma.local [hbm:s3], $0xF7A  }
0x26: {  	[smem:$0x3FA0] =	sst s1;
	(tag) =	ssettag s2;
	_ =	strace s9  }
0x27: {  	s1 =	sld [smem:$0x3FB0]  }
0x28: {  	s2 =	sld [smem:$0x3FB1]  }
0x29: {  	s4 =	sld [smem:$0x3FB3]  }
0x2a: {  	p0 =	seq.s32 s5, $0x0;
	s5 =	sld [smem:$0x3FB4]  }
0x2b: {  	s6 =	sld [smem:$0x3FB5]  }
0x2c: {  	s7 =	sld [smem:$0x3FB6]  }
0x2d: {  	s3 =	simm.s32 $0x108;
	s8 =	sld [smem:$0x3FB7]  }
0x2e: {  	s3 =	simm.s32 @!p0 $0x1082;
	s9 =	sld [smem:$0x3FB8]  }
0x2f: {  	lr =	sadd.s32 s0, s3;
	s0 =	sld [smem:$0x3FAF]  }
0x30: {  	s3 =	sld [smem:$0x3FB2]  }
0x31: {  	[smem:$0x3FBB] =	sst s10  }
0x32: {  	s10 =	sld [smem:$0x3FB9];
	_ =	sdelay $0x3  }
0x33: {  	p0 =	seq.s32 s10, $0x1;
	s10 =	sld [smem:$0x3FBB];
	_ =	sdelay $0x3  }
0x34: {  	[smem:$0x3FBB] =	sst s10  }
0x35: {  	s10 =	sld [smem:$0x3FBA];
	_ =	sdelay $0x3  }
0x36: {  	p1 =	seq.s32 s10, $0x1;
	s10 =	sld [smem:$0x3FBB];
	_ =	sdelay $0x3  }
0x37: {  	[smem:$0x3FBB] =	sst s10  }
0x38: {  	s10 =	sld [smem:$0x3FBC]  }
0x39: {  	_ = 	snop;
	(pc) =	sbr.ind lr, $3  }
0x3a: {  	_ = 	snop  }
0x3b: {  	_ = 	snop  }
0x3c: {  	p2 =	seq.s32 s10, $0x1;
	s10 =	sld [smem:$0x3FBB]  }
0x3d: {  	_ =	shalt  }
0x3e: {  	_ =	shalt  }
0x3f: {  	_ =	shalt  }
0x40: {  	_ =	shalt  }
0x41: {  	_ =	shalt  }
0x42: {  	_ =	shalt  }
0x43: {  	_ =	shalt  }
0x44: {  	_ =	shalt  }
0x45: {  	_ =	shalt  }
0x46: {  	_ =	shalt  }
0x47: {  	_ =	shalt  }
0x48: {  	_ =	shalt  }
0x49: {  	_ =	shalt  }
0x4a: {  	_ =	shalt  }
0x4b: {  	_ =	shalt  }
0x4c: {  	_ =	shalt  }
0x4d: {  	_ =	shalt  }
0x4e: {  	_ =	shalt  }
0x4f: {  	_ =	shalt  }
0x50: {  	_ =	shalt  }
0x51: {  	_ =	shalt  }
0x52: {  	_ =	shalt  }
0x53: {  	_ =	shalt  }
0x54: {  	_ =	shalt  }
0x55: {  	_ =	shalt  }
0x56: {  	_ =	shalt  }
0x57: {  	_ =	shalt  }
0x58: {  	_ =	shalt  }
0x59: {  	_ =	shalt  }
0x5a: {  	_ =	shalt  }
0x5b: {  	_ =	shalt  }
0x5c: {  	_ =	shalt  }
0x5d: {  	_ =	shalt  }
0x5e: {  	_ =	shalt  }
0x5f: {  	_ =	shalt  }
0x60: {  	_ =	shalt  }
0x61: {  	_ =	shalt  }
0x62: {  	_ =	shalt  }
0x63: {  	_ =	shalt  }
0x64: {  	_ =	shalt  }
0x65: {  	_ =	shalt  }
0x66: {  	_ =	shalt  }
0x67: {  	_ =	shalt  }
0x68: {  	_ =	shalt  }
0x69: {  	_ =	shalt  }
0x6a: {  	_ =	shalt  }
0x6b: {  	_ =	shalt  }
0x6c: {  	_ =	shalt  }
0x6d: {  	_ =	shalt  }
0x6e: {  	_ =	shalt  }
0x6f: {  	_ =	shalt  }
0x70: {  	_ =	shalt  }
0x71: {  	_ =	shalt  }
0x72: {  	_ =	shalt  }
0x73: {  	_ =	shalt  }
0x74: {  	_ =	shalt  }
0x75: {  	_ =	shalt  }
0x76: {  	_ =	shalt  }
0x77: {  	_ =	shalt  }
0x78: {  	_ =	shalt  }
0x79: {  	_ =	shalt  }
0x7a: {  	_ =	shalt  }
0x7b: {  	_ =	shalt  }
0x7c: {  	_ =	shalt  }
0x7d: {  	_ =	shalt  }
0x7e: {  	_ =	shalt  }
0x7f: {  	_ =	shalt  }
0x80: {  	_ =	shalt  }
0x81: {  	_ =	shalt  }
0x82: {  	_ =	shalt  }
0x83: {  	_ =	shalt  }
0x84: {  	_ =	shalt  }
0x85: {  	_ =	shalt  }
0x86: {  	_ =	shalt  }
0x87: {  	_ =	shalt  }
.Lfunc_end0:
.L_simem_size_0:
called_computation_lowered:
.L_overlay_start_0:
0x88: {  	s2 =	sld [smem:$0x3FD9]  }
0x89: {  	s3 =	sld [smem:$0x3FFE];
	_ =	sdelay $0x1  }
0x8a: {  	s1 =	srdreg.scid  }
0x8b: {  	s0 =	sand.u32 $0x1, s1  }
0x8c: {  	s16 =	sshll.u32 s0, $0xA;
	s2 =	sadd.s32 s3, s2  }
0x8d: {  	s2 =	sadd.s32 s2, s16  }
0x8e: {  	[smem:$0x3FC7] =	sst s2  }
0x8f: {  	_ = 	snop  }
0x90: {  	(tm) =	ssettm $0x1  }
0x91: {  	s17 =	sld [smem:$0x3FFB];
	_ =	sdelay $0x3  }
0x92: {  	_ =	strace s17  }
0x93: {  	s2 =	sld [smem:$0x3FFC];
	_ =	sdelay $0x3  }
0x94: {  	_ =	strace s2  }
0x95: {  	s2 =	sld [smem:$0x3FFD];
	_ =	sdelay $0x3  }
0x96: {  	_ =	strace s2  }
0x97: {  	_ =	strace $0x8FFFFFFF  }
0x98: {  	s18 =	sld [smem:$0x3FDB];
	_ =	sdelay $0x1  }
0x99: {  	s19 =	simm.s32 $_scs_section_size  }
0x9a: {  	s4 =	simm.s32 $_size__tile_overlayer_lowered;
	s5 =	simm.s32 $_tile_overlayer_lowered  }
0x9b: {  	s22 =	simm.s32 $0x1BFF;
	s21 =	sshll.u32 s5, $0x1;
	s2 =	sadd.s32 s19, s18  }
0x9c: {  	s6 =	simm.s32 $0x0;
	s20 =	sshll.u32 s4, $0x1;
	s4 =	sadd.s32 s21, s2  }
0x9d: {  	[timem:s6], [sflag:s22] =	dma.local [hbm:s4], s20  }
0x9e: {  	_ =	swait.ge [sflag:s22], s20  }
0x9f: {  	s3 =	ssub.s32 $0x0, s20;
	[sflag:s22] =	ssyncset.done $0x0  }
0xa0: {  	[sflag:s22] =	ssyncadd.s32 s3;
	_ =	sdelay $0x1  }
0xa1: {  	s23 =	simm.s32 $0x1B8B  }
0xa2: {  	_ =	swait.ge [sflag:s23], $0x1  }
0xa3: {  	[sflag:s23] =	ssyncset.done $0x0  }
0xa4: {  	s25 =	simm.s32 $0x1B8E;
	s24 =	sld [smem:$0x3FFE];
	[sflag:s23] =	ssyncadd.s32 $0xFFFFFFFF  }
0xa5: {  	s26 =	simm.s32 $execute0_lowered;
	[smem:$0x3FD2] =	sst s25  }
0xa6: {  	s4 =	sshll.u32 s26, $0x1;
	_ =	strace $0x80000046;
	[dreg:$0x1] =	wrdreg $0xFFFFFFFF  }
0xa7: {  	s28 =	simm.s32 $_size_execute0_lowered;
	s2 =	sadd.s32 s2, s4;
	[dreg:$0x0] =	wrdreg $0x0  }
0xa8: {  	s4 =	sshll.u32 s28, $0x1;
	[dreg:$0x2] =	wrdreg s2  }
0xa9: {  	[dreg:$0x3] =	wrdreg s4  }
0xaa: {  	[dreg:$0x4] =	wrdreg $0xC0  }
0xab: {  	_ =	task [dreg:s6], $0x5FFFF  }
0xac: {  	[dreg:$0x1] =	wrdreg $0xFFFFFFFF  }
0xad: {  	[dreg:$0x0] =	wrdreg $0x60  }
0xae: {  	[dreg:$0x2] =	wrdreg s24  }
0xaf: {  	[dreg:$0x3] =	wrdreg $0x9  }
0xb0: {  	_ =	task.clear_ibuf [dreg:s6], $0x4FFFF;
	_ =	strace $0x90000046  }
0xb1: {  	s29 =	simm.s32 $0x9;
	_ =	strace $0x80000048  }
0xb2: {  	_ =	swait.ge [sflag:s29], $0x1  }
0xb3: {  	[sflag:s29] =	ssyncadd.s32 $0xFFFFFFFF  }
0xb4: {  	_ =	strace $0x90000048  }
0xb5: {  	_ =	sfence  }
0xb6: {  	s30 =	sld [smem:$0x0];
	_ =	sdelay $0x2  }
0xb7: {  	s31 =	sshll.u32 s1, $0xD;
	s1 =	sshrl.u32 s1, $0x2  }
0xb8: {  	s3 =	sand.u32 $0x4000, s31;
	s1 =	sadd.s32 s1, s30  }
0xb9: {  	s0 =	sor.u32 s3, s0;
	s1 =	sshll.u32 s1, $0x11  }
0xba: {  	s0 =	sor.u32 s1, s0  }
0xbb: {  	s0 =	sadd.s32 $0x8F2B, s0  }
0xbc: {  	[sflag:s0] =	ssyncadd.remote.s32 $0x1  }
0xbd: {  	_ =	sfence.sel $0xFFFF  }
0xbe: {  	[dreg:$0x0] =	wrdreg $0xFFFFFFFF;
	(pc) =	sbr.abs _section_cstart, $3  }
0xbf: {  	[dreg:$0x1] =	wrdreg $0xFFFFFFFF  }
0xc0: {  	_ =	task.clear_ibuf [dreg:s6], $0x2FFFF;
	_ =	strace $0x9FFFFFFF  }
0xc1: {  	(tm) =	ssettm $0x7FFFFFFF  }
tec
execute0_lowered:
.L_overlay_start_1:
0x0: {  	(tag) =	ssettag $0x1  }
0x1: {  	s2 =	rddreg [dreg:$0x0];
	s1 =	simm.s32 $0x0;
	s14 =	stileid.u32  }
0x2: {  	s3 =	srdreg.scid;
	s29 =	simm.s32 $0x400;
	s30 =	simm.s32 $0x8000  }
0x3: {  	s31 =	simm.s32 $0x1;
	[smem:$0x7FF] =	sst s1;
	s5 =	smul.u32 $0xC3800, s14  }
0x4: {  	s4 =	sadd.s32 $0xC00, s2;
	s0 =	sadd.s32 $0x187C00, s2;
	s3 =	sand.u32 $0x1, s3  }
0x5: {  	s2 =	sadd.s32 $0x188400, s2;
	s6 =	sshll.u32 s3, $0x9;
	s3 =	ssub.s32 $0x2, s3  }
0x6: {  	s7 =	sadd.s32 $0x40000, s5;
	s8 =	sor.u32 s6, s5;
	s10 =	sshrl.u32 s3, $0x1  }
0x7: {  	s9 =	sor.u32 s6, s7;
	s8 =	sshrl.u32 s8, $0x3;
	s3 =	ssub.s32 s3, s10  }
0x8: {  	s10 =	sor.u32 $0x80, s6;
	s9 =	sshrl.u32 s9, $0x3;
	s8 =	sadd.s32 s4, s8  }
0x9: {  	s13 =	sor.u32 s5, s10;
	s16 =	sor.u32 s10, s7;
	s28 =	smax.u32 s3, $0x1  }
0xa: {  	s3 =	simm.s32 $0x10180;
	[dreg:$0x2] =	wrdreg s8;
	s11 =	sadd.s32 s4, s9  }
0xb: {  	s8 =	sadd.s32 $0x80000, s5;
	s9 =	sadd.s32 $0xC0000, s5;
	s13 =	sshrl.u32 s13, $0x3  }
0xc: {  	[dreg:$0x3] =	wrdreg s11;
	s11 =	sor.u32 s6, s8;
	s12 =	sor.u32 s6, s9  }
0xd: {  	s15 =	sadd.s32 s4, s13;
	s17 =	sor.u32 s10, s8;
	s11 =	sshrl.u32 s11, $0x3  }
0xe: {  	s12 =	sshrl.u32 s12, $0x3;
	[dreg:$0x6] =	wrdreg s15;
	s11 =	sadd.s32 s4, s11  }
0xf: {  	s13 =	sshrl.u32 s17, $0x3;
	s12 =	sadd.s32 s4, s12;
	[dreg:$0x4] =	wrdreg s11  }
0x10: {  	s20 =	sor.u32 s10, s9;
	s19 =	sadd.s32 s4, s13;
	[dreg:$0x5] =	wrdreg s12  }
0x11: {  	s11 =	sshll.u32 s14, $0xA;
	s12 =	sshrl.u32 s16, $0x3;
	[dreg:$0x8] =	wrdreg s19  }
0x12: {  	s19 =	sor.u32 $0x100, s6;
	s18 =	sor.u32 s6, s11;
	s12 =	sadd.s32 s4, s12  }
0x13: {  	s21 =	sor.u32 s5, s19;
	s22 =	sor.u32 s19, s7;
	s25 =	sor.u32 s19, s8  }
0x14: {  	s6 =	sor.u32 $0x180, s6;
	s26 =	sor.u32 s19, s9;
	[dreg:$0x7] =	wrdreg s12  }
0x15: {  	s12 =	sshrl.u32 s20, $0x3;
	s13 =	sshrl.u32 s21, $0x3;
	s14 =	sshrl.u32 s22, $0x3  }
0x16: {  	s5 =	sor.u32 s5, s6;
	s15 =	sor.u32 s6, s7;
	s16 =	sor.u32 s6, s8  }
0x17: {  	s17 =	sor.u32 s6, s9;
	s21 =	sshrl.u32 s18, $0x3;
	s22 =	sor.u32 s11, s10  }
0x18: {  	s6 =	sor.u32 s11, s6;
	s12 =	sadd.s32 s4, s12;
	s23 =	sadd.s32 s4, s13  }
0x19: {  	s24 =	sadd.s32 s4, s14;
	s13 =	sshrl.u32 s26, $0x3;
	s5 =	sshrl.u32 s5, $0x3  }
0x1a: {  	v0 =	vimm.s32 $0xFEDCBA98;
	v1 =	vimm.s32 $0x76543210;
	v2 =	vimm.s32 $0xBA98FEDC;
	s7 =	sshrl.u32 s16, $0x3;
	s20 =	sshrl.u32 s17, $0x3;
	[dreg:$0x9] =	wrdreg s12  }
0x1b: {  	v3 =	vimm.s32 $0x32107654;
	v4 =	vimm.s32 $0xDCFE98BA;
	v5 =	vimm.s32 $0x54761032;
	s18 =	sadd.s32 s0, s21;
	s26 =	sshrl.u32 s6, $0x3;
	[dreg:$0xa] =	wrdreg s23  }
0x1c: {  	v6 =	vimm.s32 $0xEFCDAB89;
	v7 =	vimm.s32 $0x67452301;
	s6 =	simm.s32 $0x10080;
	[dreg:$0xb] =	wrdreg s24;
	s12 =	sshrl.u32 s25, $0x3  }
0x1d: {  	v0 =	vunpack.c.l.s4.s8 v0;
	v1 =	vunpack.c.l.s4.s8 v1;
	v2 =	vunpack.c.l.s4.s8 v2;
	s14 =	sadd.s32 s4, s13;
	s5 =	sadd.s32 s4, s5;
	s16 =	sadd.s32 s4, s7  }
0x1e: {  	v3 =	vunpack.c.l.s4.s8 v3;
	v4 =	vunpack.c.l.s4.s8 v4;
	v5 =	vunpack.c.l.s4.s8 v5;
	s17 =	sadd.s32 s4, s20;
	s23 =	sor.u32 s11, s19;
	s19 =	sadd.s32 s2, s21  }
0x1f: {  	v6 =	vunpack.c.l.s4.s8 v6;
	v7 =	vunpack.c.l.s4.s8 v7;
	v0 =	vunpack.c.0.s8.s32 v0;
	s24 =	sshrl.u32 s22, $0x3;
	s22 =	simm.s32 $0x80;
	[dreg:$0xd] =	wrdreg s14  }
0x20: {  	v2 =	vunpack.c.0.s8.s32 v2;
	v3 =	vunpack.c.0.s8.s32 v3;
	v4 =	vunpack.c.0.s8.s32 v4;
	s7 =	simm.s32 $0x0;
	s12 =	sadd.s32 s4, s12;
	[dreg:$0xe] =	wrdreg s5  }
0x21: {  	v5 =	vunpack.c.0.s8.s32 v5;
	v6 =	vunpack.c.0.s8.s32 v6;
	v7 =	vunpack.c.0.s8.s32 v7;
	s5 =	sshrl.u32 s15, $0x3;
	s25 =	sshrl.u32 s23, $0x3;
	s20 =	sadd.s32 s0, s24  }
0x22: {  	v1 =	vunpack.c.0.s8.s32 v1;
	v2 =	vcombine.low v3, v2;
	s21 =	sadd.s32 s2, s24;
	[dreg:$0xc] =	wrdreg s12;
	s15 =	sadd.s32 s4, s5  }
0x23: {  	v3 =	vcombine.low v5, v4;
	v4 =	vand.u32 $0xF, v0;
	v5 =	vcombine.low v7, v6;
	s23 =	sadd.s32 s0, s25;
	s24 =	sadd.s32 s2, s25;
	s25 =	sadd.s32 s0, s26  }
0x24: {  	v0 =	vlaneseq.u32;
	v1 =	vcombine.low v4, v1;
	s26 =	sadd.s32 s2, s26;
	s0 =	simm.s32 $0x2;
	s2 =	simm.s32 $0x10100  }
0x25: {  	v2 =	vand.u32 $0xF, v2;
	v3 =	vand.u32 $0xF, v3;
	v4 =	vand.u32 $0xF, v5;
	s4 =	simm.s32 $0x10000;
	s5 =	simm.s32 $0x3;
	_ =	strace $0x80000047  }
.LBB2_1:
0x26: {  	s8 =	rddreg [dreg:$0x2]  }
0x27: {  	[tilespmem:s1], [sflag:$0x1] =	stream.strided.gather [hbm4b:s8+s22], $0x8000, s29, s22, $0x38;
	[tilespmem:$0x10200] =	vst v63  }
0x28: {  	s10 =	rddreg [dreg:$0x3]  }
0x29: {  	[tilespmem:s30], [sflag:$0x2] =	stream.strided.gather [hbm4b:s10+s22], $0x8000, s29, s22, $0x38;
	[tilespmem:$0x10200] =	vst v63  }
0x2a: {  	_ =	swait.ge [sflag:s31], $0x8000  }
0x2b: {  	[sflag:s31] =	ssyncset.done $0x0  }
0x2c: {  	[sflag:s31] =	ssyncadd.s32 $0xFFFF8000  }
0x2d: {  	v8 =	vld [tilespmem:s22+$0xFFFFFF80]  }
0x2e: {  	v9 =	vld [tilespmem:s22+$0x40]  }
0x2f: {  	v11 =	vld [tilespmem:s22+$0xFFFFFFC0]  }
0x30: {  	v6 =	vld [tilespmem:s22+$0x50]  }
0x31: {  	v14 =	vld [tilespmem:s22+$0x0]  }
0x32: {  	v20 =	vld [tilespmem:s22+$0xFFFFFFA0]  }
0x33: {  	v12 =	vimm.f32 $-Inf;
	v7 =	vld [tilespmem:s22+$0x10]  }
0x34: {  	v21 =	vld [tilespmem:s22+$0xFFFFFFB0];
	vm0 =	vgt.f32 v8, v12  }
0x35: {  	v5 =	vld [tilespmem:s22+$0xFFFFFFD0];
	v8 =	vsel vm0, v8, v12  }
0x36: {  	v16 =	vld [tilespmem:s22+$0xFFFFFF90];
	vm1 =	vgt.f32 v11, v8  }
0x37: {  	v10 =	vimm.s32 $0x0;
	s11 =	simm.s32 $0x0;
	v13 =	vld [tilespmem:s22+$0xFFFFFFE0];
	vm2 =	vgt.f32 v20, v12;
	v8 =	vsel vm1, v11, v8  }
0x38: {  	s12 =	simm.s32 $0x40;
	v17 =	vld [tilespmem:s22+$0xFFFFFFF0];
	v20 =	vsel vm2, v20, v12;
	v11 =	vsel vm0, s11, v10;
	vm0 =	vgt.f32 v14, v8  }
0x39: {  	s13 =	simm.s32 $0x80;
	v15 =	vld [tilespmem:s22+$0x20];
	v11 =	vsel vm1, s12, v11;
	vm1 =	vgt.f32 v21, v12;
	v14 =	vsel vm0, v14, v8  }
0x3a: {  	s14 =	simm.s32 $0xC0;
	v18 =	vld [tilespmem:s22+$0x30];
	v8 =	vsel vm0, s13, v11;
	v21 =	vsel vm1, v21, v12;
	vm0 =	vgt.f32 v9, v14  }
0x3b: {  	s9 =	simm.s32 $0xF0;
	v8 =	vsel vm0, s14, v8;
	v11 =	vsel vm0, v9, v14;
	vm0 =	vgt.f32 v16, v12;
	v14 =	vld [tilespmem:s22+$0x60]  }
0x3c: {  	s8 =	simm.s32 $0xF0;
	s10 =	simm.s32 $0x0;
	s11 =	simm.s32 $0x180;
	v9 =	vimm.s32 $0x0;
	v19 =	vsel vm0, v16, v12;
	v16 =	vld [tilespmem:s22+$0x70];
	v12 =	vimm.s32 $0x0  }
.LBB2_2:
0x3d: {  	v22 =	vld [tilespmem:s11+$0x40];
	vm3 =	vgt.f32 v5, v19;
	vm6 =	vgt.f32 v13, v20;
	vm7 =	vgt.f32 v17, v21  }
0x3e: {  	v23 =	vld [tilespmem:s11+$0xFFFFFF80];
	v5 =	vsel vm3, v5, v19;
	v13 =	vsel vm6, v13, v20;
	v17 =	vsel vm7, v17, v21  }
0x3f: {  	v19 =	vld [tilespmem:s11+$0x50];
	vm4 =	vgt.f32 v7, v5;
	vm8 =	vgt.f32 v15, v13;
	vm9 =	vgt.f32 v18, v17  }
0x40: {  	v20 =	vld [tilespmem:s11+$0xFFFFFFC0];
	v5 =	vsel vm4, v7, v5;
	v13 =	vsel vm8, v15, v13;
	v15 =	vsel vm9, v18, v17  }
0x41: {  	v18 =	vld [tilespmem:s11+$0x0];
	vm5 =	vgt.f32 v6, v5;
	vm10 =	vgt.f32 v14, v13;
	vm11 =	vgt.f32 v16, v15  }
0x42: {  	s12 =	sadd.s32 $0xFFFFFF30, s9;
	s13 =	sadd.s32 $0xFFFFFF40, s9;
	v7 =	vld [tilespmem:s11+$0x10];
	v21 =	vsel vm5, v6, v5;
	v24 =	vsel vm10, v14, v13;
	v16 =	vsel vm11, v16, v15  }
0x43: {  	v13 =	vsel vm2, s12, v10;
	v10 =	vsel vm1, s13, v12;
	s12 =	sadd.s32 $0xFFFFFF70, s9;
	s13 =	sadd.s32 $0xFFFFFF80, s9;
	vm12 =	vgt.f32 v23, v11;
	v5 =	vld [tilespmem:s11+$0xFFFFFFD0]  }
0x44: {  	v12 =	vsel vm6, s12, v13;
	v10 =	vsel vm7, s13, v10;
	s12 =	sadd.s32 $0xFFFFFFB0, s9;
	s13 =	sadd.s32 $0xFFFFFFC0, s9;
	v11 =	vsel vm12, v23, v11;
	v23 =	vld [tilespmem:s11+$0xFFFFFF90];
	v6 =	vmovc v19  }
0x45: {  	s9 =	sadd.s32 $0x100, s9;
	v12 =	vsel vm8, s12, v12;
	v13 =	vsel vm9, s13, v10;
	s12 =	sadd.s32 $0xFFFFFFF0, s8;
	v25 =	vld [tilespmem:s11+$0xFFFFFFA0];
	vm1 =	vgt.f32 v20, v11  }
0x46: {  	s10 =	sadd.s32 $0x4, s10;
	s14 =	sadd.s32 $0xFFFFFF20, s8;
	s13 =	sadd.s32 $0xFFFFFF10, s9;
	v10 =	vsel vm10, s12, v12;
	v12 =	vsel vm11, s8, v13;
	v26 =	vld [tilespmem:s11+$0xFFFFFFB0];
	v11 =	vsel vm1, v20, v11  }
0x47: {  	p0 =	slt.u32 s10, $0x1FC;
	v9 =	vsel vm0, s14, v9;
	v8 =	vsel vm12, s13, v8;
	s12 =	sadd.s32 $0xFFFFFF50, s9;
	s13 =	sadd.s32 $0xFFFFFF60, s8;
	v13 =	vld [tilespmem:s11+$0xFFFFFFE0];
	vm2 =	vgt.f32 v18, v11  }
.Ltmp0:
0x48: {  	v8 =	vsel vm1, s12, v8;
	s12 =	sadd.s32 $0xFFFFFF90, s9;
	v9 =	vsel vm3, s13, v9;
	s13 =	sadd.s32 $0xFFFFFFA0, s8;
	v17 =	vld [tilespmem:s11+$0xFFFFFFF0];
	v11 =	vsel vm2, v18, v11;
	(pc) =	sbr.rel @p0 .LBB2_2-.Ltmp0, $4  }
0x49: {  	v9 =	vsel vm4, s13, v9;
	s13 =	sadd.s32 $0xFFFFFFE0, s8;
	s8 =	smov.u32 s9;
	v8 =	vsel vm2, s12, v8;
	s12 =	sadd.s32 $0xFFFFFFD0, s9;
	v15 =	vld [tilespmem:s11+$0x20];
	vm0 =	vgt.f32 v22, v11  }
0x4a: {  	v9 =	vsel vm5, s13, v9;
	v18 =	vld [tilespmem:s11+$0x30];
	v8 =	vsel vm0, s12, v8;
	v11 =	vsel vm0, v22, v11  }
0x4b: {  	vm0 =	vgt.f32 v23, v21;
	vm2 =	vgt.f32 v25, v24;
	vm1 =	vgt.f32 v26, v16;
	v14 =	vld [tilespmem:s11+$0x60]  }
0x4c: {  	v19 =	vsel vm0, v23, v21;
	v20 =	vsel vm2, v25, v24;
	v21 =	vsel vm1, v26, v16;
	v16 =	vld [tilespmem:s11+$0x70];
	s11 =	sadd.s32 $0x100, s11  }
0x4d: {  	s10 =	rddreg [dreg:$0x4]  }
0x4e: {  	[tilespmem:s1], [sflag:$0x1] =	stream.strided.gather [hbm4b:s10+s22], $0x8000, s29, s22, $0x38;
	[tilespmem:$0x10200] =	vst v63  }
0x4f: {  	_ =	swait.ge [sflag:s0], $0x8000  }
0x50: {  	[sflag:s0] =	ssyncset.done $0x0  }
0x51: {  	s11 =	simm.s32 $0x8080;
	[sflag:s0] =	ssyncadd.s32 $0xFFFF8000  }
0x52: {  	vm3 =	vgt.f32 v5, v19;
	vm6 =	vgt.f32 v13, v20;
	vm7 =	vgt.f32 v17, v21;
	v22 =	vld [tilespmem:s11+$0x40]  }
0x53: {  	s12 =	sadd.s32 $0xFFFFFF30, s9;
	v19 =	vsel vm3, v5, v19;
	v13 =	vsel vm6, v13, v20;
	v17 =	vsel vm7, v17, v21;
	v20 =	vld [tilespmem:s11+$0xFFFFFF80]  }
0x54: {  	s13 =	sadd.s32 $0xFFFFFF40, s9;
	v10 =	vsel vm2, s12, v10;
	vm8 =	vgt.f32 v15, v13;
	vm9 =	vgt.f32 v18, v17;
	v5 =	vld [tilespmem:s11+$0x50]  }
0x55: {  	s14 =	sadd.s32 $0xFFFFFF70, s9;
	v12 =	vsel vm1, s13, v12;
	s12 =	sadd.s32 $0xFFFFFF80, s9;
	v13 =	vsel vm8, v15, v13;
	v15 =	vsel vm9, v18, v17;
	v17 =	vld [tilespmem:s11+$0xFFFFFFC0]  }
0x56: {  	s13 =	sadd.s32 $0xFFFFFFB0, s9;
	vm4 =	vgt.f32 v7, v19;
	v10 =	vsel vm6, s14, v10;
	v12 =	vsel vm7, s12, v12;
	s14 =	sadd.s32 $0xFFFFFFC0, s9;
	v18 =	vld [tilespmem:s11+$0x0]  }
0x57: {  	v7 =	vsel vm4, v7, v19;
	v10 =	vsel vm8, s13, v10;
	v12 =	vsel vm9, s14, v12;
	v24 =	vld [tilespmem:s11+$0xFFFFFFA0]  }
0x58: {  	s13 =	sadd.s32 $0xFFFFFF20, s8;
	vm5 =	vgt.f32 v6, v7;
	vm10 =	vgt.f32 v14, v13;
	vm2 =	vgt.f32 v16, v15;
	v25 =	vld [tilespmem:s11+$0xFFFFFFB0]  }
0x59: {  	v9 =	vsel vm0, s13, v9;
	v19 =	vsel vm5, v6, v7;
	v7 =	vld [tilespmem:s11+$0x10];
	vm1 =	vgt.f32 v20, v11  }
0x5a: {  	s12 =	sadd.s32 $0xFFFFFFF0, s8;
	v21 =	vsel vm10, v14, v13;
	v6 =	vld [tilespmem:s11+$0xFFFFFFD0];
	v23 =	vsel vm2, v16, v15;
	v13 =	vsel vm1, v20, v11  }
0x5b: {  	s14 =	simm.s32 $0x8000;
	v20 =	vld [tilespmem:s11+$0xFFFFFF90];
	v11 =	vsel vm10, s12, v10;
	v10 =	vsel vm2, s8, v12;
	vm15 =	vgt.f32 v17, v13  }
0x5c: {  	v16 =	vld [tilespmem:s11+$0xFFFFFFF0];
	s12 =	sadd.s32 $0xFFFFFF60, s8;
	v8 =	vsel vm1, s14, v8;
	vm2 =	vgt.f32 v24, v21;
	v12 =	vsel vm15, v17, v13  }
0x5d: {  	s13 =	simm.s32 $0x8040;
	s14 =	sadd.s32 $0xFFFFFFA0, s8;
	vm1 =	vgt.f32 v25, v23;
	v9 =	vsel vm3, s12, v9;
	v13 =	vld [tilespmem:s11+$0xFFFFFFE0];
	vm0 =	vgt.f32 v18, v12  }
0x5e: {  	v14 =	vld [tilespmem:s11+$0x20];
	s12 =	simm.s32 $0x8080;
	v8 =	vsel vm15, s13, v8;
	v9 =	vsel vm4, s14, v9;
	s13 =	sadd.s32 $0xFFFFFFE0, s8;
	v12 =	vsel vm0, v18, v12  }
0x5f: {  	s14 =	simm.s32 $0x80C0;
	v15 =	vsel vm0, s12, v8;
	v8 =	vsel vm5, s13, v9;
	v18 =	vld [tilespmem:s11+$0x30];
	vm0 =	vgt.f32 v22, v12  }
0x60: {  	s10 =	simm.s32 $0x0;
	v17 =	vld [tilespmem:s11+$0x70];
	v9 =	vsel vm0, s14, v15;
	v12 =	vsel vm0, v22, v12;
	vm0 =	vgt.f32 v20, v19  }
0x61: {  	s9 =	simm.s32 $0x80F0;
	s8 =	simm.s32 $0x80F0;
	v15 =	vld [tilespmem:s11+$0x60];
	s11 =	simm.s32 $0x8180;
	v19 =	vsel vm0, v20, v19;
	v20 =	vsel vm2, v24, v21;
	v21 =	vsel vm1, v25, v23  }
.LBB2_4:
0x62: {  	v22 =	vld [tilespmem:s11+$0x40];
	vm3 =	vgt.f32 v6, v19;
	vm6 =	vgt.f32 v13, v20;
	vm7 =	vgt.f32 v16, v21  }
0x63: {  	v23 =	vld [tilespmem:s11+$0xFFFFFF80];
	v6 =	vsel vm3, v6, v19;
	v13 =	vsel vm6, v13, v20;
	v16 =	vsel vm7, v16, v21  }
0x64: {  	v19 =	vld [tilespmem:s11+$0x50];
	vm4 =	vgt.f32 v7, v6;
	vm8 =	vgt.f32 v14, v13;
	vm9 =	vgt.f32 v18, v16  }
0x65: {  	v20 =	vld [tilespmem:s11+$0xFFFFFFC0];
	v6 =	vsel vm4, v7, v6;
	v13 =	vsel vm8, v14, v13;
	v14 =	vsel vm9, v18, v16  }
0x66: {  	v18 =	vld [tilespmem:s11+$0x0];
	vm5 =	vgt.f32 v5, v6;
	vm10 =	vgt.f32 v15, v13;
	vm11 =	vgt.f32 v17, v14  }
0x67: {  	s12 =	sadd.s32 $0xFFFFFF30, s9;
	s13 =	sadd.s32 $0xFFFFFF40, s9;
	v7 =	vld [tilespmem:s11+$0x10];
	v21 =	vsel vm5, v5, v6;
	v24 =	vsel vm10, v15, v13;
	v17 =	vsel vm11, v17, v14  }
0x68: {  	v10 =	vsel vm1, s13, v10;
	s13 =	sadd.s32 $0xFFFFFF80, s9;
	v13 =	vsel vm2, s12, v11;
	s12 =	sadd.s32 $0xFFFFFF70, s9;
	vm12 =	vgt.f32 v23, v12;
	v6 =	vld [tilespmem:s11+$0xFFFFFFD0]  }
0x69: {  	v10 =	vsel vm7, s13, v10;
	s13 =	sadd.s32 $0xFFFFFFC0, s9;
	v11 =	vsel vm12, v23, v12;
	v23 =	vld [tilespmem:s11+$0xFFFFFF90];
	v12 =	vsel vm6, s12, v13;
	s12 =	sadd.s32 $0xFFFFFFB0, s9;
	v5 =	vmovc v19  }
0x6a: {  	v10 =	vsel vm9, s13, v10;
	s9 =	sadd.s32 $0x100, s9;
	v25 =	vld [tilespmem:s11+$0xFFFFFFA0];
	vm1 =	vgt.f32 v20, v11;
	v12 =	vsel vm8, s12, v12;
	s12 =	sadd.s32 $0xFFFFFFF0, s8  }
0x6b: {  	s10 =	sadd.s32 $0x4, s10;
	s14 =	sadd.s32 $0xFFFFFF20, s8;
	v10 =	vsel vm11, s8, v10;
	s13 =	sadd.s32 $0xFFFFFF10, s9;
	v26 =	vld [tilespmem:s11+$0xFFFFFFB0];
	v14 =	vsel vm1, v20, v11;
	v11 =	vsel vm10, s12, v12  }
0x6c: {  	p0 =	slt.u32 s10, $0x1FC;
	v8 =	vsel vm0, s14, v8;
	v9 =	vsel vm12, s13, v9;
	s12 =	sadd.s32 $0xFFFFFF50, s9;
	s13 =	sadd.s32 $0xFFFFFF60, s8;
	v13 =	vld [tilespmem:s11+$0xFFFFFFE0];
	vm2 =	vgt.f32 v18, v14  }
.Ltmp1:
0x6d: {  	v9 =	vsel vm1, s12, v9;
	s12 =	sadd.s32 $0xFFFFFF90, s9;
	v8 =	vsel vm3, s13, v8;
	s13 =	sadd.s32 $0xFFFFFFA0, s8;
	v16 =	vld [tilespmem:s11+$0xFFFFFFF0];
	v12 =	vsel vm2, v18, v14;
	(pc) =	sbr.rel @p0 .LBB2_4-.Ltmp1, $4  }
0x6e: {  	v9 =	vsel vm2, s12, v9;
	s12 =	sadd.s32 $0xFFFFFFD0, s9;
	v8 =	vsel vm4, s13, v8;
	s13 =	sadd.s32 $0xFFFFFFE0, s8;
	s8 =	smov.u32 s9;
	v14 =	vld [tilespmem:s11+$0x20];
	vm0 =	vgt.f32 v22, v12  }
0x6f: {  	v8 =	vsel vm5, s13, v8;
	v18 =	vld [tilespmem:s11+$0x30];
	v9 =	vsel vm0, s12, v9;
	v12 =	vsel vm0, v22, v12  }
0x70: {  	vm0 =	vgt.f32 v23, v21;
	vm2 =	vgt.f32 v25, v24;
	vm1 =	vgt.f32 v26, v17;
	v15 =	vld [tilespmem:s11+$0x60]  }
0x71: {  	v19 =	vsel vm0, v23, v21;
	v20 =	vsel vm2, v25, v24;
	v21 =	vsel vm1, v26, v17;
	v17 =	vld [tilespmem:s11+$0x70];
	s11 =	sadd.s32 $0x100, s11  }
0x72: {  	s11 =	simm.s32 $0x80;
	s10 =	rddreg [dreg:$0x5]  }
0x73: {  	[tilespmem:s30], [sflag:$0x2] =	stream.strided.gather [hbm4b:s10+s11], $0x600, s29, s11, $0x38;
	[tilespmem:$0x10200] =	vst v63  }
0x74: {  	_ =	swait.ge [sflag:s31], $0x8000  }
0x75: {  	[sflag:s31] =	ssyncset.done $0x0  }
0x76: {  	[sflag:s31] =	ssyncadd.s32 $0xFFFF8000  }
0x77: {  	vm3 =	vgt.f32 v6, v19;
	vm6 =	vgt.f32 v13, v20;
	vm7 =	vgt.f32 v16, v21;
	v22 =	vld [tilespmem:s11+$0x40]  }
0x78: {  	s12 =	sadd.s32 $0xFFFFFF30, s9;
	v19 =	vsel vm3, v6, v19;
	v13 =	vsel vm6, v13, v20;
	v16 =	vsel vm7, v16, v21;
	v20 =	vld [tilespmem:s11+$0xFFFFFF80]  }
0x79: {  	s13 =	sadd.s32 $0xFFFFFF40, s9;
	v11 =	vsel vm2, s12, v11;
	vm8 =	vgt.f32 v14, v13;
	vm9 =	vgt.f32 v18, v16;
	v6 =	vld [tilespmem:s11+$0x50]  }
0x7a: {  	s14 =	sadd.s32 $0xFFFFFF70, s9;
	v10 =	vsel vm1, s13, v10;
	s12 =	sadd.s32 $0xFFFFFF80, s9;
	v13 =	vsel vm8, v14, v13;
	v14 =	vsel vm9, v18, v16;
	v16 =	vld [tilespmem:s11+$0xFFFFFFC0]  }
0x7b: {  	s13 =	sadd.s32 $0xFFFFFFB0, s9;
	vm4 =	vgt.f32 v7, v19;
	v11 =	vsel vm6, s14, v11;
	v10 =	vsel vm7, s12, v10;
	s14 =	sadd.s32 $0xFFFFFFC0, s9;
	v18 =	vld [tilespmem:s11+$0x0]  }
0x7c: {  	v7 =	vsel vm4, v7, v19;
	v11 =	vsel vm8, s13, v11;
	v10 =	vsel vm9, s14, v10;
	v23 =	vld [tilespmem:s11+$0xFFFFFFA0]  }
0x7d: {  	s13 =	sadd.s32 $0xFFFFFF20, s8;
	vm5 =	vgt.f32 v5, v7;
	vm10 =	vgt.f32 v15, v13;
	vm2 =	vgt.f32 v17, v14;
	v24 =	vld [tilespmem:s11+$0xFFFFFFB0]  }
0x7e: {  	v8 =	vsel vm0, s13, v8;
	v19 =	vsel vm5, v5, v7;
	v7 =	vld [tilespmem:s11+$0x10];
	vm1 =	vgt.f32 v20, v12  }
0x7f: {  	s12 =	sadd.s32 $0xFFFFFFF0, s8;
	v21 =	vsel vm10, v15, v13;
	v5 =	vld [tilespmem:s11+$0xFFFFFFD0];
	v17 =	vsel vm2, v17, v14;
	v12 =	vsel vm1, v20, v12  }
0x80: {  	v11 =	vsel vm10, s12, v11;
	v10 =	vsel vm2, s8, v10;
	s12 =	sadd.s32 $0xFFFFFF60, s8;
	v20 =	vld [tilespmem:s11+$0xFFFFFF90];
	vm15 =	vgt.f32 v16, v12  }
0x81: {  	s14 =	simm.s32 $0x10000;
	v13 =	vld [tilespmem:s11+$0xFFFFFFE0];
	v8 =	vsel vm3, s12, v8;
	vm2 =	vgt.f32 v23, v21;
	v12 =	vsel vm15, v16, v12  }
0x82: {  	s13 =	simm.s32 $0x10040;
	v9 =	vsel vm1, s14, v9;
	s14 =	sadd.s32 $0xFFFFFFA0, s8;
	vm1 =	vgt.f32 v24, v17;
	v16 =	vld [tilespmem:s11+$0xFFFFFFF0];
	vm0 =	vgt.f32 v18, v12  }
0x83: {  	v14 =	vld [tilespmem:s11+$0x20];
	s12 =	simm.s32 $0x10080;
	v8 =	vsel vm4, s14, v8;
	v9 =	vsel vm15, s13, v9;
	s13 =	sadd.s32 $0xFFFFFFE0, s8;
	v12 =	vsel vm0, v18, v12  }
0x84: {  	s14 =	simm.s32 $0x100C0;
	v8 =	vsel vm5, s13, v8;
	v9 =	vsel vm0, s12, v9;
	v18 =	vld [tilespmem:s11+$0x30];
	vm0 =	vgt.f32 v22, v12  }
0x85: {  	s10 =	simm.s32 $0x0;
	v15 =	vld [tilespmem:s11+$0x60];
	v9 =	vsel vm0, s14, v9;
	v12 =	vsel vm0, v22, v12;
	vm0 =	vgt.f32 v20, v19  }
0x86: {  	s9 =	simm.s32 $0x100F0;
	s8 =	simm.s32 $0x100F0;
	v19 =	vsel vm0, v20, v19;
	v20 =	vsel vm2, v23, v21;
	v21 =	vsel vm1, v24, v17;
	v17 =	vld [tilespmem:s11+$0x70];
	s11 =	simm.s32 $0x180  }
.LBB2_6:
0x87: {  	v22 =	vld [tilespmem:s11+$0x40];
	vm3 =	vgt.f32 v5, v19;
	vm6 =	vgt.f32 v13, v20;
	vm7 =	vgt.f32 v16, v21  }
0x88: {  	v23 =	vld [tilespmem:s11+$0xFFFFFF80];
	v5 =	vsel vm3, v5, v19;
	v13 =	vsel vm6, v13, v20;
	v16 =	vsel vm7, v16, v21  }
0x89: {  	v19 =	vld [tilespmem:s11+$0x50];
	vm4 =	vgt.f32 v7, v5;
	vm8 =	vgt.f32 v14, v13;
	vm9 =	vgt.f32 v18, v16  }
0x8a: {  	v20 =	vld [tilespmem:s11+$0xFFFFFFC0];
	v5 =	vsel vm4, v7, v5;
	v13 =	vsel vm8, v14, v13;
	v14 =	vsel vm9, v18, v16  }
0x8b: {  	v18 =	vld [tilespmem:s11+$0x0];
	vm5 =	vgt.f32 v6, v5;
	vm10 =	vgt.f32 v15, v13;
	vm11 =	vgt.f32 v17, v14  }
0x8c: {  	s12 =	sadd.s32 $0xFFFFFF30, s9;
	s13 =	sadd.s32 $0xFFFFFF40, s9;
	v7 =	vld [tilespmem:s11+$0x10];
	v21 =	vsel vm5, v6, v5;
	v24 =	vsel vm10, v15, v13;
	v17 =	vsel vm11, v17, v14  }
0x8d: {  	v10 =	vsel vm1, s13, v10;
	s13 =	sadd.s32 $0xFFFFFF80, s9;
	v13 =	vsel vm2, s12, v11;
	s12 =	sadd.s32 $0xFFFFFF70, s9;
	vm12 =	vgt.f32 v23, v12;
	v5 =	vld [tilespmem:s11+$0xFFFFFFD0]  }
0x8e: {  	v10 =	vsel vm7, s13, v10;
	s13 =	sadd.s32 $0xFFFFFFC0, s9;
	v11 =	vsel vm12, v23, v12;
	v23 =	vld [tilespmem:s11+$0xFFFFFF90];
	v12 =	vsel vm6, s12, v13;
	s12 =	sadd.s32 $0xFFFFFFB0, s9;
	v6 =	vmovc v19  }
0x8f: {  	v10 =	vsel vm9, s13, v10;
	s9 =	sadd.s32 $0x100, s9;
	v25 =	vld [tilespmem:s11+$0xFFFFFFA0];
	vm1 =	vgt.f32 v20, v11;
	v12 =	vsel vm8, s12, v12;
	s12 =	sadd.s32 $0xFFFFFFF0, s8  }
0x90: {  	s10 =	sadd.s32 $0x4, s10;
	s14 =	sadd.s32 $0xFFFFFF20, s8;
	v10 =	vsel vm11, s8, v10;
	s13 =	sadd.s32 $0xFFFFFF10, s9;
	v26 =	vld [tilespmem:s11+$0xFFFFFFB0];
	v14 =	vsel vm1, v20, v11;
	v11 =	vsel vm10, s12, v12  }
0x91: {  	p0 =	slt.u32 s10, $0x1FC;
	v8 =	vsel vm0, s14, v8;
	v9 =	vsel vm12, s13, v9;
	s12 =	sadd.s32 $0xFFFFFF50, s9;
	s13 =	sadd.s32 $0xFFFFFF60, s8;
	v13 =	vld [tilespmem:s11+$0xFFFFFFE0];
	vm2 =	vgt.f32 v18, v14  }
.Ltmp2:
0x92: {  	v9 =	vsel vm1, s12, v9;
	s12 =	sadd.s32 $0xFFFFFF90, s9;
	v8 =	vsel vm3, s13, v8;
	s13 =	sadd.s32 $0xFFFFFFA0, s8;
	v16 =	vld [tilespmem:s11+$0xFFFFFFF0];
	v12 =	vsel vm2, v18, v14;
	(pc) =	sbr.rel @p0 .LBB2_6-.Ltmp2, $4  }
0x93: {  	v9 =	vsel vm2, s12, v9;
	s12 =	sadd.s32 $0xFFFFFFD0, s9;
	v8 =	vsel vm4, s13, v8;
	s13 =	sadd.s32 $0xFFFFFFE0, s8;
	s8 =	smov.u32 s9;
	v14 =	vld [tilespmem:s11+$0x20];
	vm0 =	vgt.f32 v22, v12  }
0x94: {  	v8 =	vsel vm5, s13, v8;
	v18 =	vld [tilespmem:s11+$0x30];
	v9 =	vsel vm0, s12, v9;
	v12 =	vsel vm0, v22, v12  }
0x95: {  	vm0 =	vgt.f32 v23, v21;
	vm2 =	vgt.f32 v25, v24;
	vm1 =	vgt.f32 v26, v17;
	v15 =	vld [tilespmem:s11+$0x60]  }
0x96: {  	v19 =	vsel vm0, v23, v21;
	v20 =	vsel vm2, v25, v24;
	v21 =	vsel vm1, v26, v17;
	v17 =	vld [tilespmem:s11+$0x70];
	s11 =	sadd.s32 $0x100, s11  }
0x97: {  	s10 =	rddreg [dreg:$0x6]  }
0x98: {  	[tilespmem:s1], [sflag:$0x1] =	stream.strided.gather [hbm4b:s10+s22], $0x8000, s29, s22, $0x38;
	[tilespmem:$0x10200] =	vst v63  }
0x99: {  	_ =	swait.ge [sflag:s0], $0x600  }
0x9a: {  	[sflag:s0] =	ssyncset.done $0x0  }
0x9b: {  	s11 =	simm.s32 $0x8080;
	[sflag:s0] =	ssyncadd.s32 $0xFFFFFA00  }
0x9c: {  	vm3 =	vgt.f32 v5, v19;
	vm6 =	vgt.f32 v13, v20;
	vm7 =	vgt.f32 v16, v21;
	v22 =	vld [tilespmem:s11+$0x40]  }
0x9d: {  	v19 =	vsel vm3, v5, v19;
	v13 =	vsel vm6, v13, v20;
	v16 =	vsel vm7, v16, v21;
	v20 =	vld [tilespmem:s11+$0xFFFFFF80]  }
0x9e: {  	vm4 =	vgt.f32 v7, v19;
	vm8 =	vgt.f32 v14, v13;
	vm9 =	vgt.f32 v18, v16;
	v5 =	vld [tilespmem:s11+$0x50]  }
0x9f: {  	s12 =	sadd.s32 $0xFFFFFF30, s9;
	v7 =	vsel vm4, v7, v19;
	v13 =	vsel vm8, v14, v13;
	v14 =	vsel vm9, v18, v16;
	v16 =	vld [tilespmem:s11+$0xFFFFFFC0]  }
0xa0: {  	s13 =	sadd.s32 $0xFFFFFF40, s9;
	v11 =	vsel vm2, s12, v11;
	vm5 =	vgt.f32 v6, v7;
	vm10 =	vgt.f32 v15, v13;
	v18 =	vld [tilespmem:s11+$0x0]  }
0xa1: {  	s14 =	sadd.s32 $0xFFFFFF70, s9;
	vm2 =	vgt.f32 v17, v14;
	v19 =	vsel vm5, v6, v7;
	v7 =	vsel vm1, s13, v10;
	v23 =	vld [tilespmem:s11+$0xFFFFFFA0]  }
0xa2: {  	s12 =	sadd.s32 $0xFFFFFF80, s9;
	v13 =	vsel vm10, v15, v13;
	v10 =	vsel vm6, s14, v11;
	v21 =	vsel vm2, v17, v14;
	s13 =	sadd.s32 $0xFFFFFFB0, s9;
	v24 =	vld [tilespmem:s11+$0xFFFFFFB0]  }
0xa3: {  	v6 =	vld [tilespmem:s11+$0x10];
	s14 =	sadd.s32 $0xFFFFFFC0, s9;
	v7 =	vsel vm7, s12, v7;
	v10 =	vsel vm8, s13, v10;
	s12 =	sadd.s32 $0xFFFFFFF0, s8;
	vm1 =	vgt.f32 v20, v12  }
0xa4: {  	v11 =	vld [tilespmem:s11+$0xFFFFFFD0];
	s13 =	sadd.s32 $0xFFFFFF20, s8;
	v7 =	vsel vm9, s14, v7;
	v10 =	vsel vm10, s12, v10;
	v12 =	vsel vm1, v20, v12  }
0xa5: {  	v8 =	vsel vm0, s13, v8;
	s12 =	sadd.s32 $0xFFFFFF60, s8;
	v7 =	vsel vm2, s8, v7;
	v20 =	vld [tilespmem:s11+$0xFFFFFF90];
	vm15 =	vgt.f32 v16, v12  }
0xa6: {  	v14 =	vld [tilespmem:s11+$0xFFFFFFE0];
	s14 =	simm.s32 $0x18000;
	v8 =	vsel vm3, s12, v8;
	vm2 =	vgt.f32 v23, v13;
	v12 =	vsel vm15, v16, v12  }
0xa7: {  	v17 =	vld [tilespmem:s11+$0xFFFFFFF0];
	s13 =	simm.s32 $0x18040;
	v9 =	vsel vm1, s14, v9;
	s14 =	sadd.s32 $0xFFFFFFA0, s8;
	vm1 =	vgt.f32 v24, v21;
	vm0 =	vgt.f32 v18, v12  }
0xa8: {  	v15 =	vld [tilespmem:s11+$0x20];
	s12 =	simm.s32 $0x18080;
	v8 =	vsel vm4, s14, v8;
	v9 =	vsel vm15, s13, v9;
	s13 =	sadd.s32 $0xFFFFFFE0, s8;
	v16 =	vsel vm0, v18, v12  }
0xa9: {  	s14 =	simm.s32 $0x180C0;
	v9 =	vsel vm0, s12, v9;
	v12 =	vsel vm5, s13, v8;
	v18 =	vld [tilespmem:s11+$0x30];
	vm0 =	vgt.f32 v22, v16  }
0xaa: {  	s10 =	simm.s32 $0x0;
	v8 =	vsel vm0, s14, v9;
	v9 =	vsel vm0, v22, v16;
	vm0 =	vgt.f32 v20, v19;
	v16 =	vld [tilespmem:s11+$0x60]  }
0xab: {  	s9 =	simm.s32 $0x180F0;
	v21 =	vsel vm1, v24, v21;
	s8 =	simm.s32 $0x180F0;
	v19 =	vsel vm0, v20, v19;
	v20 =	vsel vm2, v23, v13;
	v13 =	vld [tilespmem:s11+$0x70];
	s11 =	simm.s32 $0x8180  }
.LBB2_8:
0xac: {  	v22 =	vld [tilespmem:s11+$0x40];
	vm3 =	vgt.f32 v11, v19;
	vm6 =	vgt.f32 v14, v20;
	vm7 =	vgt.f32 v17, v21  }
0xad: {  	v23 =	vld [tilespmem:s11+$0xFFFFFF80];
	v11 =	vsel vm3, v11, v19;
	v14 =	vsel vm6, v14, v20;
	v17 =	vsel vm7, v17, v21  }
0xae: {  	v19 =	vld [tilespmem:s11+$0x50];
	vm4 =	vgt.f32 v6, v11;
	vm8 =	vgt.f32 v15, v14;
	vm9 =	vgt.f32 v18, v17  }
0xaf: {  	v20 =	vld [tilespmem:s11+$0xFFFFFFC0];
	v11 =	vsel vm4, v6, v11;
	v14 =	vsel vm8, v15, v14;
	v15 =	vsel vm9, v18, v17  }
0xb0: {  	v18 =	vld [tilespmem:s11+$0x0];
	vm5 =	vgt.f32 v5, v11;
	vm10 =	vgt.f32 v16, v14;
	vm11 =	vgt.f32 v13, v15  }
0xb1: {  	s12 =	sadd.s32 $0xFFFFFF30, s8;
	s13 =	sadd.s32 $0xFFFFFF40, s8;
	v6 =	vld [tilespmem:s11+$0x10];
	v21 =	vsel vm5, v5, v11;
	v24 =	vsel vm10, v16, v14;
	v13 =	vsel vm11, v13, v15  }
0xb2: {  	v7 =	vsel vm1, s13, v7;
	s13 =	sadd.s32 $0xFFFFFF80, s8;
	v14 =	vsel vm2, s12, v10;
	s12 =	sadd.s32 $0xFFFFFF70, s8;
	vm12 =	vgt.f32 v23, v9;
	v11 =	vld [tilespmem:s11+$0xFFFFFFD0]  }
0xb3: {  	v7 =	vsel vm7, s13, v7;
	s13 =	sadd.s32 $0xFFFFFFC0, s8;
	v10 =	vsel vm6, s12, v14;
	s12 =	sadd.s32 $0xFFFFFFB0, s8;
	v9 =	vsel vm12, v23, v9;
	v23 =	vld [tilespmem:s11+$0xFFFFFF90];
	v5 =	vmovc v19  }
0xb4: {  	v7 =	vsel vm9, s13, v7;
	s8 =	sadd.s32 $0x100, s8;
	v10 =	vsel vm8, s12, v10;
	s12 =	sadd.s32 $0xFFFFFFF0, s9;
	v25 =	vld [tilespmem:s11+$0xFFFFFFA0];
	vm1 =	vgt.f32 v20, v9  }
0xb5: {  	s10 =	sadd.s32 $0x4, s10;
	s14 =	sadd.s32 $0xFFFFFF20, s9;
	v7 =	vsel vm11, s9, v7;
	s13 =	sadd.s32 $0xFFFFFF10, s8;
	v10 =	vsel vm10, s12, v10;
	v26 =	vld [tilespmem:s11+$0xFFFFFFB0];
	v9 =	vsel vm1, v20, v9  }
0xb6: {  	p0 =	slt.u32 s10, $0x14;
	v12 =	vsel vm0, s14, v12;
	v8 =	vsel vm12, s13, v8;
	s12 =	sadd.s32 $0xFFFFFF50, s8;
	s13 =	sadd.s32 $0xFFFFFF60, s9;
	v14 =	vld [tilespmem:s11+$0xFFFFFFE0];
	vm2 =	vgt.f32 v18, v9  }
.Ltmp3:
0xb7: {  	v8 =	vsel vm1, s12, v8;
	s12 =	sadd.s32 $0xFFFFFF90, s8;
	v12 =	vsel vm3, s13, v12;
	s13 =	sadd.s32 $0xFFFFFFA0, s9;
	v17 =	vld [tilespmem:s11+$0xFFFFFFF0];
	v9 =	vsel vm2, v18, v9;
	(pc) =	sbr.rel @p0 .LBB2_8-.Ltmp3, $4  }
0xb8: {  	v12 =	vsel vm4, s13, v12;
	s13 =	sadd.s32 $0xFFFFFFE0, s9;
	s9 =	smov.u32 s8;
	v8 =	vsel vm2, s12, v8;
	s12 =	sadd.s32 $0xFFFFFFD0, s8;
	v15 =	vld [tilespmem:s11+$0x20];
	vm0 =	vgt.f32 v22, v9  }
0xb9: {  	v12 =	vsel vm5, s13, v12;
	v18 =	vld [tilespmem:s11+$0x30];
	v8 =	vsel vm0, s12, v8;
	v9 =	vsel vm0, v22, v9  }
0xba: {  	vm0 =	vgt.f32 v23, v21;
	vm2 =	vgt.f32 v25, v24;
	vm1 =	vgt.f32 v26, v13;
	v16 =	vld [tilespmem:s11+$0x60]  }
0xbb: {  	v19 =	vsel vm0, v23, v21;
	v20 =	vsel vm2, v25, v24;
	v21 =	vsel vm1, v26, v13;
	v13 =	vld [tilespmem:s11+$0x70];
	s11 =	sadd.s32 $0x100, s11  }
0xbc: {  	vm5 =	vgt.f32 v11, v19;
	vm6 =	vgt.f32 v14, v20;
	vm3 =	vgt.f32 v17, v21  }
0xbd: {  	s10 =	sadd.s32 $0xFFFFFF20, s9;
	s11 =	sadd.s32 $0xFFFFFF30, s8;
	v8 =	vadd.s32 v0, v8;
	v11 =	vsel vm5, v11, v19;
	v14 =	vsel vm6, v14, v20  }
0xbe: {  	v17 =	vsel vm3, v17, v21;
	v12 =	vsel vm0, s10, v12;
	v10 =	vsel vm2, s11, v10  }
0xbf: {  	s12 =	sadd.s32 $0xFFFFFF60, s9;
	vm7 =	vgt.f32 v6, v11;
	vm8 =	vgt.f32 v15, v14;
	vm4 =	vgt.f32 v18, v17  }
0xc0: {  	s13 =	sadd.s32 $0xFFFFFFA0, s9;
	v12 =	vsel vm5, s12, v12;
	v6 =	vsel vm7, v6, v11;
	v11 =	vsel vm8, v15, v14  }
0xc1: {  	s14 =	sadd.s32 $0xFFFFFFE0, s9;
	v12 =	vsel vm7, s13, v12;
	vm9 =	vgt.f32 v5, v6;
	vm13 =	vgt.f32 v16, v11  }
0xc2: {  	s12 =	sadd.s32 $0xFFFFFF70, s8;
	v5 =	vsel vm9, v5, v6;
	v6 =	vsel vm13, v16, v11;
	v11 =	vsel vm9, s14, v12  }
0xc3: {  	v14 =	vsel vm4, v18, v17;
	v10 =	vsel vm6, s12, v10;
	v11 =	vadd.s32 v0, v11  }
0xc4: {  	s13 =	sadd.s32 $0xFFFFFFB0, s8;
	vm0 =	vgt.f32 v13, v14;
	vm2 =	veq.f32 v5, v9;
	vm14 =	vlt.s32 v11, v8  }
0xc5: {  	s12 =	sadd.s32 $0xFFFFFFF0, s9;
	v10 =	vsel vm8, s13, v10;
	s14 =	sadd.s32 $0xFFFFFF40, s8;
	vm15 =	vgt.f32 v5, v9;
	vm2 =	vmand vm2, vm14  }
0xc6: {  	v10 =	vsel vm13, s12, v10;
	v7 =	vsel vm1, s14, v7;
	vm1 =	vmor vm15, vm2  }
0xc7: {  	s13 =	sadd.s32 $0xFFFFFF80, s8;
	v8 =	vsel vm1, v11, v8;
	v5 =	vsel vm1, v5, v9;
	v9 =	vadd.s32 v0, v10  }
0xc8: {  	s14 =	sadd.s32 $0xFFFFFFC0, s8;
	v7 =	vsel vm3, s13, v7;
	vm1 =	veq.f32 v6, v5;
	vm2 =	vlt.s32 v9, v8  }
0xc9: {  	v7 =	vsel vm4, s14, v7;
	vm3 =	vgt.f32 v6, v5;
	vm1 =	vmand vm1, vm2  }
0xca: {  	v7 =	vsel vm0, s9, v7;
	v10 =	vsel vm0, v13, v14;
	vm0 =	vmor vm3, vm1  }
0xcb: {  	v8 =	vsel vm0, v9, v8;
	v5 =	vsel vm0, v6, v5;
	v6 =	vadd.s32 v0, v7  }
0xcc: {  	vm0 =	veq.f32 v10, v5;
	vm1 =	vlt.s32 v6, v8  }
0xcd: {  	vm2 =	vgt.f32 v10, v5;
	vm0 =	vmand vm0, vm1  }
0xce: {  	vm0 =	vmor vm2, vm0  }
0xcf: {  	v5 =	vsel vm0, v10, v5  }
0xd0: {  	v6 =	vsel vm0, v6, v8;
	[tilespmem:$0x10100] =	vst v5  }
0xd1: {  	[tilespmem:$0x10180] =	vst v6  }
0xd2: {  	v7 =	vld.idx.msk [tilespmem:v1+s2+$0x0], $0xffff  }
0xd3: {  	v8 =	vld.idx.msk [tilespmem:v1+s3+$0x0], $0xffff;
	_ =	sdelay $0x4  }
0xd4: {  	vm0 =	veq.f32 v7, v5;
	vm1 =	vlt.s32 v8, v6  }
0xd5: {  	vm2 =	vgt.f32 v7, v5;
	vm0 =	vmand vm0, vm1  }
0xd6: {  	vm0 =	vmor vm2, vm0  }
0xd7: {  	v5 =	vsel vm0, v7, v5  }
0xd8: {  	v6 =	vsel vm0, v8, v6;
	[tilespmem:$0x10100] =	vst v5  }
0xd9: {  	[tilespmem:$0x10180] =	vst v6  }
0xda: {  	v7 =	vld.idx.msk [tilespmem:v2+s2+$0x0], $0xffff  }
0xdb: {  	v8 =	vld.idx.msk [tilespmem:v2+s3+$0x0], $0xffff;
	_ =	sdelay $0x4  }
0xdc: {  	vm0 =	veq.f32 v7, v5;
	vm1 =	vlt.s32 v8, v6  }
0xdd: {  	vm2 =	vgt.f32 v7, v5;
	vm0 =	vmand vm0, vm1  }
0xde: {  	vm0 =	vmor vm2, vm0  }
0xdf: {  	v5 =	vsel vm0, v7, v5  }
0xe0: {  	v6 =	vsel vm0, v8, v6;
	[tilespmem:$0x10100] =	vst v5  }
0xe1: {  	[tilespmem:$0x10180] =	vst v6  }
0xe2: {  	v7 =	vld.idx.msk [tilespmem:v3+s2+$0x0], $0xffff  }
0xe3: {  	v8 =	vld.idx.msk [tilespmem:v3+s3+$0x0], $0xffff;
	_ =	sdelay $0x4  }
0xe4: {  	vm0 =	veq.f32 v7, v5;
	vm1 =	vlt.s32 v8, v6  }
0xe5: {  	vm2 =	vgt.f32 v7, v5;
	vm0 =	vmand vm0, vm1  }
0xe6: {  	vm0 =	vmor vm2, vm0  }
0xe7: {  	v5 =	vsel vm0, v7, v5  }
0xe8: {  	v6 =	vsel vm0, v8, v6;
	[tilespmem:$0x10100] =	vst v5  }
0xe9: {  	[tilespmem:$0x10180] =	vst v6  }
0xea: {  	v7 =	vld.idx.msk [tilespmem:v4+s2+$0x0], $0xffff  }
0xeb: {  	v8 =	vld.idx.msk [tilespmem:v4+s3+$0x0], $0xffff;
	_ =	sdelay $0x4  }
0xec: {  	vm0 =	veq.f32 v7, v5;
	vm1 =	vlt.s32 v8, v6  }
0xed: {  	vm2 =	vgt.f32 v7, v5;
	vm0 =	vmand vm0, vm1  }
0xee: {  	vm0 =	vmor vm2, vm0  }
0xef: {  	v5 =	vsel vm0, v7, v5  }
0xf0: {  	v6 =	vsel vm0, v8, v6;
	[tilespmem:$0x10000] =	vst v5  }
0xf1: {  	[tilespmem:$0x10080] =	vst v6  }
0xf2: {  	[tilespmem:$0x10010] =	vst v5  }
0xf3: {  	[tilespmem:$0x10090] =	vst v6  }
0xf4: {  	[tilespmem:$0x10020] =	vst v5  }
0xf5: {  	[tilespmem:$0x100A0] =	vst v6  }
0xf6: {  	[tilespmem:$0x10030] =	vst v5  }
0xf7: {  	[tilespmem:$0x100B0] =	vst v6  }
0xf8: {  	[tilespmem:$0x10040] =	vst v5  }
0xf9: {  	[tilespmem:$0x100C0] =	vst v6  }
0xfa: {  	[tilespmem:$0x10050] =	vst v5  }
0xfb: {  	[tilespmem:$0x100D0] =	vst v6  }
0xfc: {  	[tilespmem:$0x10060] =	vst v5  }
0xfd: {  	[tilespmem:$0x100E0] =	vst v6  }
0xfe: {  	[tilespmem:$0x10070] =	vst v5  }
0xff: {  	[tilespmem:$0x100F0] =	vst v6  }
0x100: {  	[hbm4b:s18+s1] =	stream.linear.scatter [tilespmem:s4], [sflag:$0x3], $0x80, $0x38;
	[tilespmem:$0x10200] =	vst v63  }
0x101: {  	_ =	swait.ge [sflag:s5], $0x80  }
0x102: {  	[sflag:s5] =	ssyncset.done $0x0  }
0x103: {  	[sflag:s5] =	ssyncadd.s32 $0xFFFFFF80  }
0x104: {  	[hbm4b:s19+s1] =	stream.linear.scatter [tilespmem:s6], [sflag:$0x3], $0x80, $0x38;
	[tilespmem:$0x10200] =	vst v63  }
0x105: {  	_ =	swait.ge [sflag:s5], $0x80  }
0x106: {  	[sflag:s5] =	ssyncset.done $0x0  }
0x107: {  	s8 =	simm.s32 $0x80;
	s10 =	rddreg [dreg:$0x7];
	[sflag:s5] =	ssyncadd.s32 $0xFFFFFF80  }
0x108: {  	[tilespmem:s30], [sflag:$0x2] =	stream.strided.gather [hbm4b:s10+s8], $0x8000, s29, s8, $0x38;
	[tilespmem:$0x10200] =	vst v63  }
0x109: {  	_ =	swait.ge [sflag:s31], $0x8000  }
0x10a: {  	[sflag:s31] =	ssyncset.done $0x0  }
0x10b: {  	[sflag:s31] =	ssyncadd.s32 $0xFFFF8000  }
0x10c: {  	v8 =	vld [tilespmem:s8+$0xFFFFFF80]  }
0x10d: {  	v9 =	vld [tilespmem:s8+$0x40]  }
0x10e: {  	v11 =	vld [tilespmem:s8+$0xFFFFFFC0]  }
0x10f: {  	v6 =	vld [tilespmem:s8+$0x50]  }
0x110: {  	v14 =	vld [tilespmem:s8+$0x0]  }
0x111: {  	v20 =	vld [tilespmem:s8+$0xFFFFFFA0]  }
0x112: {  	v12 =	vimm.f32 $-Inf;
	v7 =	vld [tilespmem:s8+$0x10]  }
0x113: {  	v21 =	vld [tilespmem:s8+$0xFFFFFFB0];
	vm0 =	vgt.f32 v8, v12  }
0x114: {  	v5 =	vld [tilespmem:s8+$0xFFFFFFD0];
	v8 =	vsel vm0, v8, v12  }
0x115: {  	v16 =	vld [tilespmem:s8+$0xFFFFFF90];
	vm1 =	vgt.f32 v11, v8  }
0x116: {  	s11 =	simm.s32 $0x0;
	v10 =	vimm.s32 $0x0;
	v13 =	vld [tilespmem:s8+$0xFFFFFFE0];
	vm2 =	vgt.f32 v20, v12;
	v8 =	vsel vm1, v11, v8  }
0x117: {  	s12 =	simm.s32 $0x40;
	v17 =	vld [tilespmem:s8+$0xFFFFFFF0];
	v20 =	vsel vm2, v20, v12;
	v11 =	vsel vm0, s11, v10;
	vm0 =	vgt.f32 v14, v8  }
0x118: {  	s13 =	simm.s32 $0x80;
	v15 =	vld [tilespmem:s8+$0x20];
	v11 =	vsel vm1, s12, v11;
	vm1 =	vgt.f32 v21, v12;
	v14 =	vsel vm0, v14, v8  }
0x119: {  	s14 =	simm.s32 $0xC0;
	v18 =	vld [tilespmem:s8+$0x30];
	v8 =	vsel vm0, s13, v11;
	v21 =	vsel vm1, v21, v12;
	vm0 =	vgt.f32 v9, v14  }
0x11a: {  	s9 =	simm.s32 $0xF0;
	v8 =	vsel vm0, s14, v8;
	v11 =	vsel vm0, v9, v14;
	vm0 =	vgt.f32 v16, v12;
	v14 =	vld [tilespmem:s8+$0x60]  }
0x11b: {  	s10 =	simm.s32 $0x0;
	s11 =	simm.s32 $0x180;
	v9 =	vimm.s32 $0x0;
	v19 =	vsel vm0, v16, v12;
	v16 =	vld [tilespmem:s8+$0x70];
	v12 =	vimm.s32 $0x0;
	s8 =	simm.s32 $0xF0  }
.LBB2_10:
0x11c: {  	v22 =	vld [tilespmem:s11+$0x40];
	vm3 =	vgt.f32 v5, v19;
	vm6 =	vgt.f32 v13, v20;
	vm7 =	vgt.f32 v17, v21  }
0x11d: {  	v23 =	vld [tilespmem:s11+$0xFFFFFF80];
	v5 =	vsel vm3, v5, v19;
	v13 =	vsel vm6, v13, v20;
	v17 =	vsel vm7, v17, v21  }
0x11e: {  	v19 =	vld [tilespmem:s11+$0x50];
	vm4 =	vgt.f32 v7, v5;
	vm8 =	vgt.f32 v15, v13;
	vm9 =	vgt.f32 v18, v17  }
0x11f: {  	v20 =	vld [tilespmem:s11+$0xFFFFFFC0];
	v5 =	vsel vm4, v7, v5;
	v13 =	vsel vm8, v15, v13;
	v15 =	vsel vm9, v18, v17  }
0x120: {  	v18 =	vld [tilespmem:s11+$0x0];
	vm5 =	vgt.f32 v6, v5;
	vm10 =	vgt.f32 v14, v13;
	vm11 =	vgt.f32 v16, v15  }
0x121: {  	s12 =	sadd.s32 $0xFFFFFF30, s9;
	s13 =	sadd.s32 $0xFFFFFF40, s9;
	v7 =	vld [tilespmem:s11+$0x10];
	v21 =	vsel vm5, v6, v5;
	v24 =	vsel vm10, v14, v13;
	v16 =	vsel vm11, v16, v15  }
0x122: {  	v13 =	vsel vm2, s12, v10;
	v10 =	vsel vm1, s13, v12;
	s12 =	sadd.s32 $0xFFFFFF70, s9;
	s13 =	sadd.s32 $0xFFFFFF80, s9;
	vm12 =	vgt.f32 v23, v11;
	v5 =	vld [tilespmem:s11+$0xFFFFFFD0]  }
0x123: {  	v12 =	vsel vm6, s12, v13;
	v10 =	vsel vm7, s13, v10;
	s12 =	sadd.s32 $0xFFFFFFB0, s9;
	s13 =	sadd.s32 $0xFFFFFFC0, s9;
	v11 =	vsel vm12, v23, v11;
	v23 =	vld [tilespmem:s11+$0xFFFFFF90];
	v6 =	vmovc v19  }
0x124: {  	s9 =	sadd.s32 $0x100, s9;
	v12 =	vsel vm8, s12, v12;
	v13 =	vsel vm9, s13, v10;
	s12 =	sadd.s32 $0xFFFFFFF0, s8;
	v25 =	vld [tilespmem:s11+$0xFFFFFFA0];
	vm1 =	vgt.f32 v20, v11  }
0x125: {  	s10 =	sadd.s32 $0x4, s10;
	s14 =	sadd.s32 $0xFFFFFF20, s8;
	s13 =	sadd.s32 $0xFFFFFF10, s9;
	v10 =	vsel vm10, s12, v12;
	v12 =	vsel vm11, s8, v13;
	v26 =	vld [tilespmem:s11+$0xFFFFFFB0];
	v11 =	vsel vm1, v20, v11  }
0x126: {  	p0 =	slt.u32 s10, $0x1FC;
	v9 =	vsel vm0, s14, v9;
	v8 =	vsel vm12, s13, v8;
	s12 =	sadd.s32 $0xFFFFFF50, s9;
	s13 =	sadd.s32 $0xFFFFFF60, s8;
	v13 =	vld [tilespmem:s11+$0xFFFFFFE0];
	vm2 =	vgt.f32 v18, v11  }
.Ltmp4:
0x127: {  	v8 =	vsel vm1, s12, v8;
	s12 =	sadd.s32 $0xFFFFFF90, s9;
	v9 =	vsel vm3, s13, v9;
	s13 =	sadd.s32 $0xFFFFFFA0, s8;
	v17 =	vld [tilespmem:s11+$0xFFFFFFF0];
	v11 =	vsel vm2, v18, v11;
	(pc) =	sbr.rel @p0 .LBB2_10-.Ltmp4, $4  }
0x128: {  	v9 =	vsel vm4, s13, v9;
	s13 =	sadd.s32 $0xFFFFFFE0, s8;
	s8 =	smov.u32 s9;
	v8 =	vsel vm2, s12, v8;
	s12 =	sadd.s32 $0xFFFFFFD0, s9;
	v15 =	vld [tilespmem:s11+$0x20];
	vm0 =	vgt.f32 v22, v11  }
0x129: {  	v9 =	vsel vm5, s13, v9;
	v18 =	vld [tilespmem:s11+$0x30];
	v8 =	vsel vm0, s12, v8;
	v11 =	vsel vm0, v22, v11  }
0x12a: {  	vm0 =	vgt.f32 v23, v21;
	vm2 =	vgt.f32 v25, v24;
	vm1 =	vgt.f32 v26, v16;
	v14 =	vld [tilespmem:s11+$0x60]  }
0x12b: {  	v19 =	vsel vm0, v23, v21;
	v20 =	vsel vm2, v25, v24;
	v21 =	vsel vm1, v26, v16;
	v16 =	vld [tilespmem:s11+$0x70];
	s11 =	sadd.s32 $0x100, s11  }
0x12c: {  	s10 =	rddreg [dreg:$0x8]  }
0x12d: {  	[tilespmem:s1], [sflag:$0x1] =	stream.strided.gather [hbm4b:s10+s22], $0x8000, s29, s22, $0x38;
	[tilespmem:$0x10200] =	vst v63  }
0x12e: {  	_ =	swait.ge [sflag:s0], $0x8000  }
0x12f: {  	[sflag:s0] =	ssyncset.done $0x0  }
0x130: {  	s11 =	simm.s32 $0x8080;
	[sflag:s0] =	ssyncadd.s32 $0xFFFF8000  }
0x131: {  	vm3 =	vgt.f32 v5, v19;
	vm6 =	vgt.f32 v13, v20;
	vm7 =	vgt.f32 v17, v21;
	v22 =	vld [tilespmem:s11+$0x40]  }
0x132: {  	s12 =	sadd.s32 $0xFFFFFF30, s9;
	v19 =	vsel vm3, v5, v19;
	v13 =	vsel vm6, v13, v20;
	v17 =	vsel vm7, v17, v21;
	v20 =	vld [tilespmem:s11+$0xFFFFFF80]  }
0x133: {  	s13 =	sadd.s32 $0xFFFFFF40, s9;
	v10 =	vsel vm2, s12, v10;
	vm8 =	vgt.f32 v15, v13;
	vm9 =	vgt.f32 v18, v17;
	v5 =	vld [tilespmem:s11+$0x50]  }
0x134: {  	s14 =	sadd.s32 $0xFFFFFF70, s9;
	v12 =	vsel vm1, s13, v12;
	s12 =	sadd.s32 $0xFFFFFF80, s9;
	v13 =	vsel vm8, v15, v13;
	v15 =	vsel vm9, v18, v17;
	v17 =	vld [tilespmem:s11+$0xFFFFFFC0]  }
0x135: {  	s13 =	sadd.s32 $0xFFFFFFB0, s9;
	vm4 =	vgt.f32 v7, v19;
	v10 =	vsel vm6, s14, v10;
	v12 =	vsel vm7, s12, v12;
	s14 =	sadd.s32 $0xFFFFFFC0, s9;
	v18 =	vld [tilespmem:s11+$0x0]  }
0x136: {  	v7 =	vsel vm4, v7, v19;
	v10 =	vsel vm8, s13, v10;
	v12 =	vsel vm9, s14, v12;
	v24 =	vld [tilespmem:s11+$0xFFFFFFA0]  }
0x137: {  	s13 =	sadd.s32 $0xFFFFFF20, s8;
	vm5 =	vgt.f32 v6, v7;
	vm10 =	vgt.f32 v14, v13;
	vm2 =	vgt.f32 v16, v15;
	v25 =	vld [tilespmem:s11+$0xFFFFFFB0]  }
0x138: {  	v9 =	vsel vm0, s13, v9;
	v19 =	vsel vm5, v6, v7;
	v7 =	vld [tilespmem:s11+$0x10];
	vm1 =	vgt.f32 v20, v11  }
0x139: {  	s12 =	sadd.s32 $0xFFFFFFF0, s8;
	v21 =	vsel vm10, v14, v13;
	v6 =	vld [tilespmem:s11+$0xFFFFFFD0];
	v23 =	vsel vm2, v16, v15;
	v13 =	vsel vm1, v20, v11  }
0x13a: {  	s14 =	simm.s32 $0x8000;
	v20 =	vld [tilespmem:s11+$0xFFFFFF90];
	v11 =	vsel vm10, s12, v10;
	v10 =	vsel vm2, s8, v12;
	vm15 =	vgt.f32 v17, v13  }
0x13b: {  	v16 =	vld [tilespmem:s11+$0xFFFFFFF0];
	s12 =	sadd.s32 $0xFFFFFF60, s8;
	v8 =	vsel vm1, s14, v8;
	vm2 =	vgt.f32 v24, v21;
	v12 =	vsel vm15, v17, v13  }
0x13c: {  	s13 =	simm.s32 $0x8040;
	s14 =	sadd.s32 $0xFFFFFFA0, s8;
	vm1 =	vgt.f32 v25, v23;
	v9 =	vsel vm3, s12, v9;
	v13 =	vld [tilespmem:s11+$0xFFFFFFE0];
	vm0 =	vgt.f32 v18, v12  }
0x13d: {  	v14 =	vld [tilespmem:s11+$0x20];
	s12 =	simm.s32 $0x8080;
	v8 =	vsel vm15, s13, v8;
	v9 =	vsel vm4, s14, v9;
	s13 =	sadd.s32 $0xFFFFFFE0, s8;
	v12 =	vsel vm0, v18, v12  }
0x13e: {  	s14 =	simm.s32 $0x80C0;
	v15 =	vsel vm0, s12, v8;
	v8 =	vsel vm5, s13, v9;
	v18 =	vld [tilespmem:s11+$0x30];
	vm0 =	vgt.f32 v22, v12  }
0x13f: {  	s10 =	simm.s32 $0x0;
	v17 =	vld [tilespmem:s11+$0x70];
	v9 =	vsel vm0, s14, v15;
	v12 =	vsel vm0, v22, v12;
	vm0 =	vgt.f32 v20, v19  }
0x140: {  	s9 =	simm.s32 $0x80F0;
	s8 =	simm.s32 $0x80F0;
	v15 =	vld [tilespmem:s11+$0x60];
	s11 =	simm.s32 $0x8180;
	v19 =	vsel vm0, v20, v19;
	v20 =	vsel vm2, v24, v21;
	v21 =	vsel vm1, v25, v23  }
.LBB2_12:
0x141: {  	v22 =	vld [tilespmem:s11+$0x40];
	vm3 =	vgt.f32 v6, v19;
	vm6 =	vgt.f32 v13, v20;
	vm7 =	vgt.f32 v16, v21  }
0x142: {  	v23 =	vld [tilespmem:s11+$0xFFFFFF80];
	v6 =	vsel vm3, v6, v19;
	v13 =	vsel vm6, v13, v20;
	v16 =	vsel vm7, v16, v21  }
0x143: {  	v19 =	vld [tilespmem:s11+$0x50];
	vm4 =	vgt.f32 v7, v6;
	vm8 =	vgt.f32 v14, v13;
	vm9 =	vgt.f32 v18, v16  }
0x144: {  	v20 =	vld [tilespmem:s11+$0xFFFFFFC0];
	v6 =	vsel vm4, v7, v6;
	v13 =	vsel vm8, v14, v13;
	v14 =	vsel vm9, v18, v16  }
0x145: {  	v18 =	vld [tilespmem:s11+$0x0];
	vm5 =	vgt.f32 v5, v6;
	vm10 =	vgt.f32 v15, v13;
	vm11 =	vgt.f32 v17, v14  }
0x146: {  	s12 =	sadd.s32 $0xFFFFFF30, s9;
	s13 =	sadd.s32 $0xFFFFFF40, s9;
	v7 =	vld [tilespmem:s11+$0x10];
	v21 =	vsel vm5, v5, v6;
	v24 =	vsel vm10, v15, v13;
	v17 =	vsel vm11, v17, v14  }
0x147: {  	v10 =	vsel vm1, s13, v10;
	s13 =	sadd.s32 $0xFFFFFF80, s9;
	v13 =	vsel vm2, s12, v11;
	s12 =	sadd.s32 $0xFFFFFF70, s9;
	vm12 =	vgt.f32 v23, v12;
	v6 =	vld [tilespmem:s11+$0xFFFFFFD0]  }
0x148: {  	v10 =	vsel vm7, s13, v10;
	s13 =	sadd.s32 $0xFFFFFFC0, s9;
	v11 =	vsel vm12, v23, v12;
	v23 =	vld [tilespmem:s11+$0xFFFFFF90];
	v12 =	vsel vm6, s12, v13;
	s12 =	sadd.s32 $0xFFFFFFB0, s9;
	v5 =	vmovc v19  }
0x149: {  	v10 =	vsel vm9, s13, v10;
	s9 =	sadd.s32 $0x100, s9;
	v25 =	vld [tilespmem:s11+$0xFFFFFFA0];
	vm1 =	vgt.f32 v20, v11;
	v12 =	vsel vm8, s12, v12;
	s12 =	sadd.s32 $0xFFFFFFF0, s8  }
0x14a: {  	s10 =	sadd.s32 $0x4, s10;
	s14 =	sadd.s32 $0xFFFFFF20, s8;
	v10 =	vsel vm11, s8, v10;
	s13 =	sadd.s32 $0xFFFFFF10, s9;
	v26 =	vld [tilespmem:s11+$0xFFFFFFB0];
	v14 =	vsel vm1, v20, v11;
	v11 =	vsel vm10, s12, v12  }
0x14b: {  	p0 =	slt.u32 s10, $0x1FC;
	v8 =	vsel vm0, s14, v8;
	v9 =	vsel vm12, s13, v9;
	s12 =	sadd.s32 $0xFFFFFF50, s9;
	s13 =	sadd.s32 $0xFFFFFF60, s8;
	v13 =	vld [tilespmem:s11+$0xFFFFFFE0];
	vm2 =	vgt.f32 v18, v14  }
.Ltmp5:
0x14c: {  	v9 =	vsel vm1, s12, v9;
	s12 =	sadd.s32 $0xFFFFFF90, s9;
	v8 =	vsel vm3, s13, v8;
	s13 =	sadd.s32 $0xFFFFFFA0, s8;
	v16 =	vld [tilespmem:s11+$0xFFFFFFF0];
	v12 =	vsel vm2, v18, v14;
	(pc) =	sbr.rel @p0 .LBB2_12-.Ltmp5, $4  }
0x14d: {  	v9 =	vsel vm2, s12, v9;
	s12 =	sadd.s32 $0xFFFFFFD0, s9;
	v8 =	vsel vm4, s13, v8;
	s13 =	sadd.s32 $0xFFFFFFE0, s8;
	s8 =	smov.u32 s9;
	v14 =	vld [tilespmem:s11+$0x20];
	vm0 =	vgt.f32 v22, v12  }
0x14e: {  	v8 =	vsel vm5, s13, v8;
	v18 =	vld [tilespmem:s11+$0x30];
	v9 =	vsel vm0, s12, v9;
	v12 =	vsel vm0, v22, v12  }
0x14f: {  	vm0 =	vgt.f32 v23, v21;
	vm2 =	vgt.f32 v25, v24;
	vm1 =	vgt.f32 v26, v17;
	v15 =	vld [tilespmem:s11+$0x60]  }
0x150: {  	v19 =	vsel vm0, v23, v21;
	v20 =	vsel vm2, v25, v24;
	v21 =	vsel vm1, v26, v17;
	v17 =	vld [tilespmem:s11+$0x70];
	s11 =	sadd.s32 $0x100, s11  }
0x151: {  	s11 =	simm.s32 $0x80;
	s10 =	rddreg [dreg:$0x9]  }
0x152: {  	[tilespmem:s30], [sflag:$0x2] =	stream.strided.gather [hbm4b:s10+s11], $0x600, s29, s11, $0x38;
	[tilespmem:$0x10200] =	vst v63  }
0x153: {  	_ =	swait.ge [sflag:s31], $0x8000  }
0x154: {  	[sflag:s31] =	ssyncset.done $0x0  }
0x155: {  	[sflag:s31] =	ssyncadd.s32 $0xFFFF8000  }
0x156: {  	vm3 =	vgt.f32 v6, v19;
	vm6 =	vgt.f32 v13, v20;
	vm7 =	vgt.f32 v16, v21;
	v22 =	vld [tilespmem:s11+$0x40]  }
0x157: {  	s12 =	sadd.s32 $0xFFFFFF30, s9;
	v19 =	vsel vm3, v6, v19;
	v13 =	vsel vm6, v13, v20;
	v16 =	vsel vm7, v16, v21;
	v20 =	vld [tilespmem:s11+$0xFFFFFF80]  }
0x158: {  	s13 =	sadd.s32 $0xFFFFFF40, s9;
	v11 =	vsel vm2, s12, v11;
	vm8 =	vgt.f32 v14, v13;
	vm9 =	vgt.f32 v18, v16;
	v6 =	vld [tilespmem:s11+$0x50]  }
0x159: {  	s14 =	sadd.s32 $0xFFFFFF70, s9;
	v10 =	vsel vm1, s13, v10;
	s12 =	sadd.s32 $0xFFFFFF80, s9;
	v13 =	vsel vm8, v14, v13;
	v14 =	vsel vm9, v18, v16;
	v16 =	vld [tilespmem:s11+$0xFFFFFFC0]  }
0x15a: {  	s13 =	sadd.s32 $0xFFFFFFB0, s9;
	vm4 =	vgt.f32 v7, v19;
	v11 =	vsel vm6, s14, v11;
	v10 =	vsel vm7, s12, v10;
	s14 =	sadd.s32 $0xFFFFFFC0, s9;
	v18 =	vld [tilespmem:s11+$0x0]  }
0x15b: {  	v7 =	vsel vm4, v7, v19;
	v11 =	vsel vm8, s13, v11;
	v10 =	vsel vm9, s14, v10;
	v23 =	vld [tilespmem:s11+$0xFFFFFFA0]  }
0x15c: {  	s13 =	sadd.s32 $0xFFFFFF20, s8;
	vm5 =	vgt.f32 v5, v7;
	vm10 =	vgt.f32 v15, v13;
	vm2 =	vgt.f32 v17, v14;
	v24 =	vld [tilespmem:s11+$0xFFFFFFB0]  }
0x15d: {  	v8 =	vsel vm0, s13, v8;
	v19 =	vsel vm5, v5, v7;
	v7 =	vld [tilespmem:s11+$0x10];
	vm1 =	vgt.f32 v20, v12  }
0x15e: {  	s12 =	sadd.s32 $0xFFFFFFF0, s8;
	v21 =	vsel vm10, v15, v13;
	v5 =	vld [tilespmem:s11+$0xFFFFFFD0];
	v17 =	vsel vm2, v17, v14;
	v12 =	vsel vm1, v20, v12  }
0x15f: {  	v11 =	vsel vm10, s12, v11;
	v10 =	vsel vm2, s8, v10;
	s12 =	sadd.s32 $0xFFFFFF60, s8;
	v20 =	vld [tilespmem:s11+$0xFFFFFF90];
	vm15 =	vgt.f32 v16, v12  }
0x160: {  	s14 =	simm.s32 $0x10000;
	v13 =	vld [tilespmem:s11+$0xFFFFFFE0];
	v8 =	vsel vm3, s12, v8;
	vm2 =	vgt.f32 v23, v21;
	v12 =	vsel vm15, v16, v12  }
0x161: {  	s13 =	simm.s32 $0x10040;
	v9 =	vsel vm1, s14, v9;
	s14 =	sadd.s32 $0xFFFFFFA0, s8;
	vm1 =	vgt.f32 v24, v17;
	v16 =	vld [tilespmem:s11+$0xFFFFFFF0];
	vm0 =	vgt.f32 v18, v12  }
0x162: {  	v14 =	vld [tilespmem:s11+$0x20];
	s12 =	simm.s32 $0x10080;
	v8 =	vsel vm4, s14, v8;
	v9 =	vsel vm15, s13, v9;
	s13 =	sadd.s32 $0xFFFFFFE0, s8;
	v12 =	vsel vm0, v18, v12  }
0x163: {  	s14 =	simm.s32 $0x100C0;
	v8 =	vsel vm5, s13, v8;
	v9 =	vsel vm0, s12, v9;
	v18 =	vld [tilespmem:s11+$0x30];
	vm0 =	vgt.f32 v22, v12  }
0x164: {  	s10 =	simm.s32 $0x0;
	v15 =	vld [tilespmem:s11+$0x60];
	v9 =	vsel vm0, s14, v9;
	v12 =	vsel vm0, v22, v12;
	vm0 =	vgt.f32 v20, v19  }
0x165: {  	s9 =	simm.s32 $0x100F0;
	s8 =	simm.s32 $0x100F0;
	v19 =	vsel vm0, v20, v19;
	v20 =	vsel vm2, v23, v21;
	v21 =	vsel vm1, v24, v17;
	v17 =	vld [tilespmem:s11+$0x70];
	s11 =	simm.s32 $0x180  }
.LBB2_14:
0x166: {  	v22 =	vld [tilespmem:s11+$0x40];
	vm3 =	vgt.f32 v5, v19;
	vm6 =	vgt.f32 v13, v20;
	vm7 =	vgt.f32 v16, v21  }
0x167: {  	v23 =	vld [tilespmem:s11+$0xFFFFFF80];
	v5 =	vsel vm3, v5, v19;
	v13 =	vsel vm6, v13, v20;
	v16 =	vsel vm7, v16, v21  }
0x168: {  	v19 =	vld [tilespmem:s11+$0x50];
	vm4 =	vgt.f32 v7, v5;
	vm8 =	vgt.f32 v14, v13;
	vm9 =	vgt.f32 v18, v16  }
0x169: {  	v20 =	vld [tilespmem:s11+$0xFFFFFFC0];
	v5 =	vsel vm4, v7, v5;
	v13 =	vsel vm8, v14, v13;
	v14 =	vsel vm9, v18, v16  }
0x16a: {  	v18 =	vld [tilespmem:s11+$0x0];
	vm5 =	vgt.f32 v6, v5;
	vm10 =	vgt.f32 v15, v13;
	vm11 =	vgt.f32 v17, v14  }
0x16b: {  	s12 =	sadd.s32 $0xFFFFFF30, s9;
	s13 =	sadd.s32 $0xFFFFFF40, s9;
	v7 =	vld [tilespmem:s11+$0x10];
	v21 =	vsel vm5, v6, v5;
	v24 =	vsel vm10, v15, v13;
	v17 =	vsel vm11, v17, v14  }
0x16c: {  	v10 =	vsel vm1, s13, v10;
	s13 =	sadd.s32 $0xFFFFFF80, s9;
	v13 =	vsel vm2, s12, v11;
	s12 =	sadd.s32 $0xFFFFFF70, s9;
	vm12 =	vgt.f32 v23, v12;
	v5 =	vld [tilespmem:s11+$0xFFFFFFD0]  }
0x16d: {  	v10 =	vsel vm7, s13, v10;
	s13 =	sadd.s32 $0xFFFFFFC0, s9;
	v11 =	vsel vm12, v23, v12;
	v23 =	vld [tilespmem:s11+$0xFFFFFF90];
	v12 =	vsel vm6, s12, v13;
	s12 =	sadd.s32 $0xFFFFFFB0, s9;
	v6 =	vmovc v19  }
0x16e: {  	v10 =	vsel vm9, s13, v10;
	s9 =	sadd.s32 $0x100, s9;
	v25 =	vld [tilespmem:s11+$0xFFFFFFA0];
	vm1 =	vgt.f32 v20, v11;
	v12 =	vsel vm8, s12, v12;
	s12 =	sadd.s32 $0xFFFFFFF0, s8  }
0x16f: {  	s10 =	sadd.s32 $0x4, s10;
	s14 =	sadd.s32 $0xFFFFFF20, s8;
	v10 =	vsel vm11, s8, v10;
	s13 =	sadd.s32 $0xFFFFFF10, s9;
	v26 =	vld [tilespmem:s11+$0xFFFFFFB0];
	v14 =	vsel vm1, v20, v11;
	v11 =	vsel vm10, s12, v12  }
0x170: {  	p0 =	slt.u32 s10, $0x1FC;
	v8 =	vsel vm0, s14, v8;
	v9 =	vsel vm12, s13, v9;
	s12 =	sadd.s32 $0xFFFFFF50, s9;
	s13 =	sadd.s32 $0xFFFFFF60, s8;
	v13 =	vld [tilespmem:s11+$0xFFFFFFE0];
	vm2 =	vgt.f32 v18, v14  }
.Ltmp6:
0x171: {  	v9 =	vsel vm1, s12, v9;
	s12 =	sadd.s32 $0xFFFFFF90, s9;
	v8 =	vsel vm3, s13, v8;
	s13 =	sadd.s32 $0xFFFFFFA0, s8;
	v16 =	vld [tilespmem:s11+$0xFFFFFFF0];
	v12 =	vsel vm2, v18, v14;
	(pc) =	sbr.rel @p0 .LBB2_14-.Ltmp6, $4  }
0x172: {  	v9 =	vsel vm2, s12, v9;
	s12 =	sadd.s32 $0xFFFFFFD0, s9;
	v8 =	vsel vm4, s13, v8;
	s13 =	sadd.s32 $0xFFFFFFE0, s8;
	s8 =	smov.u32 s9;
	v14 =	vld [tilespmem:s11+$0x20];
	vm0 =	vgt.f32 v22, v12  }
0x173: {  	v8 =	vsel vm5, s13, v8;
	v18 =	vld [tilespmem:s11+$0x30];
	v9 =	vsel vm0, s12, v9;
	v12 =	vsel vm0, v22, v12  }
0x174: {  	vm0 =	vgt.f32 v23, v21;
	vm2 =	vgt.f32 v25, v24;
	vm1 =	vgt.f32 v26, v17;
	v15 =	vld [tilespmem:s11+$0x60]  }
0x175: {  	v19 =	vsel vm0, v23, v21;
	v20 =	vsel vm2, v25, v24;
	v21 =	vsel vm1, v26, v17;
	v17 =	vld [tilespmem:s11+$0x70];
	s11 =	sadd.s32 $0x100, s11  }
0x176: {  	s10 =	rddreg [dreg:$0xa]  }
0x177: {  	[tilespmem:s1], [sflag:$0x1] =	stream.strided.gather [hbm4b:s10+s22], $0x8000, s29, s22, $0x38;
	[tilespmem:$0x10200] =	vst v63  }
0x178: {  	_ =	swait.ge [sflag:s0], $0x600  }
0x179: {  	[sflag:s0] =	ssyncset.done $0x0  }
0x17a: {  	s11 =	simm.s32 $0x8080;
	[sflag:s0] =	ssyncadd.s32 $0xFFFFFA00  }
0x17b: {  	vm3 =	vgt.f32 v5, v19;
	vm6 =	vgt.f32 v13, v20;
	vm7 =	vgt.f32 v16, v21;
	v22 =	vld [tilespmem:s11+$0x40]  }
0x17c: {  	v19 =	vsel vm3, v5, v19;
	v13 =	vsel vm6, v13, v20;
	v16 =	vsel vm7, v16, v21;
	v20 =	vld [tilespmem:s11+$0xFFFFFF80]  }
0x17d: {  	vm4 =	vgt.f32 v7, v19;
	vm8 =	vgt.f32 v14, v13;
	vm9 =	vgt.f32 v18, v16;
	v5 =	vld [tilespmem:s11+$0x50]  }
0x17e: {  	s12 =	sadd.s32 $0xFFFFFF30, s9;
	v7 =	vsel vm4, v7, v19;
	v13 =	vsel vm8, v14, v13;
	v14 =	vsel vm9, v18, v16;
	v16 =	vld [tilespmem:s11+$0xFFFFFFC0]  }
0x17f: {  	s13 =	sadd.s32 $0xFFFFFF40, s9;
	v11 =	vsel vm2, s12, v11;
	vm5 =	vgt.f32 v6, v7;
	vm10 =	vgt.f32 v15, v13;
	v18 =	vld [tilespmem:s11+$0x0]  }
0x180: {  	s14 =	sadd.s32 $0xFFFFFF70, s9;
	vm2 =	vgt.f32 v17, v14;
	v19 =	vsel vm5, v6, v7;
	v7 =	vsel vm1, s13, v10;
	v23 =	vld [tilespmem:s11+$0xFFFFFFA0]  }
0x181: {  	s12 =	sadd.s32 $0xFFFFFF80, s9;
	v13 =	vsel vm10, v15, v13;
	v10 =	vsel vm6, s14, v11;
	v21 =	vsel vm2, v17, v14;
	s13 =	sadd.s32 $0xFFFFFFB0, s9;
	v24 =	vld [tilespmem:s11+$0xFFFFFFB0]  }
0x182: {  	v6 =	vld [tilespmem:s11+$0x10];
	s14 =	sadd.s32 $0xFFFFFFC0, s9;
	v7 =	vsel vm7, s12, v7;
	v10 =	vsel vm8, s13, v10;
	s12 =	sadd.s32 $0xFFFFFFF0, s8;
	vm1 =	vgt.f32 v20, v12  }
0x183: {  	v11 =	vld [tilespmem:s11+$0xFFFFFFD0];
	s13 =	sadd.s32 $0xFFFFFF20, s8;
	v7 =	vsel vm9, s14, v7;
	v10 =	vsel vm10, s12, v10;
	v12 =	vsel vm1, v20, v12  }
0x184: {  	v8 =	vsel vm0, s13, v8;
	s12 =	sadd.s32 $0xFFFFFF60, s8;
	v7 =	vsel vm2, s8, v7;
	v20 =	vld [tilespmem:s11+$0xFFFFFF90];
	vm15 =	vgt.f32 v16, v12  }
0x185: {  	v14 =	vld [tilespmem:s11+$0xFFFFFFE0];
	s14 =	simm.s32 $0x18000;
	v8 =	vsel vm3, s12, v8;
	vm2 =	vgt.f32 v23, v13;
	v12 =	vsel vm15, v16, v12  }
0x186: {  	v17 =	vld [tilespmem:s11+$0xFFFFFFF0];
	s13 =	simm.s32 $0x18040;
	v9 =	vsel vm1, s14, v9;
	s14 =	sadd.s32 $0xFFFFFFA0, s8;
	vm1 =	vgt.f32 v24, v21;
	vm0 =	vgt.f32 v18, v12  }
0x187: {  	v15 =	vld [tilespmem:s11+$0x20];
	s12 =	simm.s32 $0x18080;
	v8 =	vsel vm4, s14, v8;
	v9 =	vsel vm15, s13, v9;
	s13 =	sadd.s32 $0xFFFFFFE0, s8;
	v16 =	vsel vm0, v18, v12  }
0x188: {  	s14 =	simm.s32 $0x180C0;
	v9 =	vsel vm0, s12, v9;
	v12 =	vsel vm5, s13, v8;
	v18 =	vld [tilespmem:s11+$0x30];
	vm0 =	vgt.f32 v22, v16  }
0x189: {  	s10 =	simm.s32 $0x0;
	v8 =	vsel vm0, s14, v9;
	v9 =	vsel vm0, v22, v16;
	vm0 =	vgt.f32 v20, v19;
	v16 =	vld [tilespmem:s11+$0x60]  }
0x18a: {  	s9 =	simm.s32 $0x180F0;
	v21 =	vsel vm1, v24, v21;
	s8 =	simm.s32 $0x180F0;
	v19 =	vsel vm0, v20, v19;
	v20 =	vsel vm2, v23, v13;
	v13 =	vld [tilespmem:s11+$0x70];
	s11 =	simm.s32 $0x8180  }
.LBB2_16:
0x18b: {  	v22 =	vld [tilespmem:s11+$0x40];
	vm3 =	vgt.f32 v11, v19;
	vm6 =	vgt.f32 v14, v20;
	vm7 =	vgt.f32 v17, v21  }
0x18c: {  	v23 =	vld [tilespmem:s11+$0xFFFFFF80];
	v11 =	vsel vm3, v11, v19;
	v14 =	vsel vm6, v14, v20;
	v17 =	vsel vm7, v17, v21  }
0x18d: {  	v19 =	vld [tilespmem:s11+$0x50];
	vm4 =	vgt.f32 v6, v11;
	vm8 =	vgt.f32 v15, v14;
	vm9 =	vgt.f32 v18, v17  }
0x18e: {  	v20 =	vld [tilespmem:s11+$0xFFFFFFC0];
	v11 =	vsel vm4, v6, v11;
	v14 =	vsel vm8, v15, v14;
	v15 =	vsel vm9, v18, v17  }
0x18f: {  	v18 =	vld [tilespmem:s11+$0x0];
	vm5 =	vgt.f32 v5, v11;
	vm10 =	vgt.f32 v16, v14;
	vm11 =	vgt.f32 v13, v15  }
0x190: {  	s12 =	sadd.s32 $0xFFFFFF30, s8;
	s13 =	sadd.s32 $0xFFFFFF40, s8;
	v6 =	vld [tilespmem:s11+$0x10];
	v21 =	vsel vm5, v5, v11;
	v24 =	vsel vm10, v16, v14;
	v13 =	vsel vm11, v13, v15  }
0x191: {  	v7 =	vsel vm1, s13, v7;
	s13 =	sadd.s32 $0xFFFFFF80, s8;
	v14 =	vsel vm2, s12, v10;
	s12 =	sadd.s32 $0xFFFFFF70, s8;
	vm12 =	vgt.f32 v23, v9;
	v11 =	vld [tilespmem:s11+$0xFFFFFFD0]  }
0x192: {  	v7 =	vsel vm7, s13, v7;
	s13 =	sadd.s32 $0xFFFFFFC0, s8;
	v10 =	vsel vm6, s12, v14;
	s12 =	sadd.s32 $0xFFFFFFB0, s8;
	v9 =	vsel vm12, v23, v9;
	v23 =	vld [tilespmem:s11+$0xFFFFFF90];
	v5 =	vmovc v19  }
0x193: {  	v7 =	vsel vm9, s13, v7;
	s8 =	sadd.s32 $0x100, s8;
	v10 =	vsel vm8, s12, v10;
	s12 =	sadd.s32 $0xFFFFFFF0, s9;
	v25 =	vld [tilespmem:s11+$0xFFFFFFA0];
	vm1 =	vgt.f32 v20, v9  }
0x194: {  	s10 =	sadd.s32 $0x4, s10;
	s14 =	sadd.s32 $0xFFFFFF20, s9;
	v7 =	vsel vm11, s9, v7;
	s13 =	sadd.s32 $0xFFFFFF10, s8;
	v10 =	vsel vm10, s12, v10;
	v26 =	vld [tilespmem:s11+$0xFFFFFFB0];
	v9 =	vsel vm1, v20, v9  }
0x195: {  	p0 =	slt.u32 s10, $0x14;
	v12 =	vsel vm0, s14, v12;
	v8 =	vsel vm12, s13, v8;
	s12 =	sadd.s32 $0xFFFFFF50, s8;
	s13 =	sadd.s32 $0xFFFFFF60, s9;
	v14 =	vld [tilespmem:s11+$0xFFFFFFE0];
	vm2 =	vgt.f32 v18, v9  }
.Ltmp7:
0x196: {  	v8 =	vsel vm1, s12, v8;
	s12 =	sadd.s32 $0xFFFFFF90, s8;
	v12 =	vsel vm3, s13, v12;
	s13 =	sadd.s32 $0xFFFFFFA0, s9;
	v17 =	vld [tilespmem:s11+$0xFFFFFFF0];
	v9 =	vsel vm2, v18, v9;
	(pc) =	sbr.rel @p0 .LBB2_16-.Ltmp7, $4  }
0x197: {  	v12 =	vsel vm4, s13, v12;
	s13 =	sadd.s32 $0xFFFFFFE0, s9;
	s9 =	smov.u32 s8;
	v8 =	vsel vm2, s12, v8;
	s12 =	sadd.s32 $0xFFFFFFD0, s8;
	v15 =	vld [tilespmem:s11+$0x20];
	vm0 =	vgt.f32 v22, v9  }
0x198: {  	v12 =	vsel vm5, s13, v12;
	v18 =	vld [tilespmem:s11+$0x30];
	v8 =	vsel vm0, s12, v8;
	v9 =	vsel vm0, v22, v9  }
0x199: {  	vm0 =	vgt.f32 v23, v21;
	vm2 =	vgt.f32 v25, v24;
	vm1 =	vgt.f32 v26, v13;
	v16 =	vld [tilespmem:s11+$0x60]  }
0x19a: {  	v19 =	vsel vm0, v23, v21;
	v20 =	vsel vm2, v25, v24;
	v21 =	vsel vm1, v26, v13;
	v13 =	vld [tilespmem:s11+$0x70];
	s11 =	sadd.s32 $0x100, s11  }
0x19b: {  	vm5 =	vgt.f32 v11, v19;
	vm6 =	vgt.f32 v14, v20;
	vm3 =	vgt.f32 v17, v21  }
0x19c: {  	s10 =	sadd.s32 $0xFFFFFF20, s9;
	s11 =	sadd.s32 $0xFFFFFF30, s8;
	v8 =	vadd.s32 v0, v8;
	v11 =	vsel vm5, v11, v19;
	v14 =	vsel vm6, v14, v20  }
0x19d: {  	v17 =	vsel vm3, v17, v21;
	v12 =	vsel vm0, s10, v12;
	v10 =	vsel vm2, s11, v10  }
0x19e: {  	s12 =	sadd.s32 $0xFFFFFF60, s9;
	vm7 =	vgt.f32 v6, v11;
	vm8 =	vgt.f32 v15, v14;
	vm4 =	vgt.f32 v18, v17  }
0x19f: {  	s13 =	sadd.s32 $0xFFFFFFA0, s9;
	v12 =	vsel vm5, s12, v12;
	v6 =	vsel vm7, v6, v11;
	v11 =	vsel vm8, v15, v14  }
0x1a0: {  	s14 =	sadd.s32 $0xFFFFFFE0, s9;
	v12 =	vsel vm7, s13, v12;
	vm9 =	vgt.f32 v5, v6;
	vm13 =	vgt.f32 v16, v11  }
0x1a1: {  	s12 =	sadd.s32 $0xFFFFFF70, s8;
	v5 =	vsel vm9, v5, v6;
	v6 =	vsel vm13, v16, v11;
	v11 =	vsel vm9, s14, v12  }
0x1a2: {  	v14 =	vsel vm4, v18, v17;
	v10 =	vsel vm6, s12, v10;
	v11 =	vadd.s32 v0, v11  }
0x1a3: {  	s13 =	sadd.s32 $0xFFFFFFB0, s8;
	vm0 =	vgt.f32 v13, v14;
	vm2 =	veq.f32 v5, v9;
	vm14 =	vlt.s32 v11, v8  }
0x1a4: {  	s12 =	sadd.s32 $0xFFFFFFF0, s9;
	v10 =	vsel vm8, s13, v10;
	s14 =	sadd.s32 $0xFFFFFF40, s8;
	vm15 =	vgt.f32 v5, v9;
	vm2 =	vmand vm2, vm14  }
0x1a5: {  	v10 =	vsel vm13, s12, v10;
	v7 =	vsel vm1, s14, v7;
	vm1 =	vmor vm15, vm2  }
0x1a6: {  	s13 =	sadd.s32 $0xFFFFFF80, s8;
	v8 =	vsel vm1, v11, v8;
	v5 =	vsel vm1, v5, v9;
	v9 =	vadd.s32 v0, v10  }
0x1a7: {  	s14 =	sadd.s32 $0xFFFFFFC0, s8;
	v7 =	vsel vm3, s13, v7;
	vm1 =	veq.f32 v6, v5;
	vm2 =	vlt.s32 v9, v8  }
0x1a8: {  	v7 =	vsel vm4, s14, v7;
	vm3 =	vgt.f32 v6, v5;
	vm1 =	vmand vm1, vm2  }
0x1a9: {  	v7 =	vsel vm0, s9, v7;
	v10 =	vsel vm0, v13, v14;
	vm0 =	vmor vm3, vm1  }
0x1aa: {  	v8 =	vsel vm0, v9, v8;
	v5 =	vsel vm0, v6, v5;
	v6 =	vadd.s32 v0, v7  }
0x1ab: {  	vm0 =	veq.f32 v10, v5;
	vm1 =	vlt.s32 v6, v8  }
0x1ac: {  	vm2 =	vgt.f32 v10, v5;
	vm0 =	vmand vm0, vm1  }
0x1ad: {  	vm0 =	vmor vm2, vm0  }
0x1ae: {  	v5 =	vsel vm0, v10, v5  }
0x1af: {  	v6 =	vsel vm0, v6, v8;
	[tilespmem:$0x10100] =	vst v5  }
0x1b0: {  	[tilespmem:$0x10180] =	vst v6  }
0x1b1: {  	v7 =	vld.idx.msk [tilespmem:v1+s2+$0x0], $0xffff  }
0x1b2: {  	v8 =	vld.idx.msk [tilespmem:v1+s3+$0x0], $0xffff;
	_ =	sdelay $0x4  }
0x1b3: {  	vm0 =	veq.f32 v7, v5;
	vm1 =	vlt.s32 v8, v6  }
0x1b4: {  	vm2 =	vgt.f32 v7, v5;
	vm0 =	vmand vm0, vm1  }
0x1b5: {  	vm0 =	vmor vm2, vm0  }
0x1b6: {  	v5 =	vsel vm0, v7, v5  }
0x1b7: {  	v6 =	vsel vm0, v8, v6;
	[tilespmem:$0x10100] =	vst v5  }
0x1b8: {  	[tilespmem:$0x10180] =	vst v6  }
0x1b9: {  	v7 =	vld.idx.msk [tilespmem:v2+s2+$0x0], $0xffff  }
0x1ba: {  	v8 =	vld.idx.msk [tilespmem:v2+s3+$0x0], $0xffff;
	_ =	sdelay $0x4  }
0x1bb: {  	vm0 =	veq.f32 v7, v5;
	vm1 =	vlt.s32 v8, v6  }
0x1bc: {  	vm2 =	vgt.f32 v7, v5;
	vm0 =	vmand vm0, vm1  }
0x1bd: {  	vm0 =	vmor vm2, vm0  }
0x1be: {  	v5 =	vsel vm0, v7, v5  }
0x1bf: {  	v6 =	vsel vm0, v8, v6;
	[tilespmem:$0x10100] =	vst v5  }
0x1c0: {  	[tilespmem:$0x10180] =	vst v6  }
0x1c1: {  	v7 =	vld.idx.msk [tilespmem:v3+s2+$0x0], $0xffff  }
0x1c2: {  	v8 =	vld.idx.msk [tilespmem:v3+s3+$0x0], $0xffff;
	_ =	sdelay $0x4  }
0x1c3: {  	vm0 =	veq.f32 v7, v5;
	vm1 =	vlt.s32 v8, v6  }
0x1c4: {  	vm2 =	vgt.f32 v7, v5;
	vm0 =	vmand vm0, vm1  }
0x1c5: {  	vm0 =	vmor vm2, vm0  }
0x1c6: {  	v5 =	vsel vm0, v7, v5  }
0x1c7: {  	v6 =	vsel vm0, v8, v6;
	[tilespmem:$0x10100] =	vst v5  }
0x1c8: {  	[tilespmem:$0x10180] =	vst v6  }
0x1c9: {  	v7 =	vld.idx.msk [tilespmem:v4+s2+$0x0], $0xffff  }
0x1ca: {  	v8 =	vld.idx.msk [tilespmem:v4+s3+$0x0], $0xffff;
	_ =	sdelay $0x4  }
0x1cb: {  	vm0 =	veq.f32 v7, v5;
	vm1 =	vlt.s32 v8, v6  }
0x1cc: {  	vm2 =	vgt.f32 v7, v5;
	vm0 =	vmand vm0, vm1  }
0x1cd: {  	vm0 =	vmor vm2, vm0  }
0x1ce: {  	v5 =	vsel vm0, v7, v5  }
0x1cf: {  	v6 =	vsel vm0, v8, v6;
	[tilespmem:$0x10000] =	vst v5  }
0x1d0: {  	[tilespmem:$0x10080] =	vst v6  }
0x1d1: {  	[tilespmem:$0x10010] =	vst v5  }
0x1d2: {  	[tilespmem:$0x10090] =	vst v6  }
0x1d3: {  	[tilespmem:$0x10020] =	vst v5  }
0x1d4: {  	[tilespmem:$0x100A0] =	vst v6  }
0x1d5: {  	[tilespmem:$0x10030] =	vst v5  }
0x1d6: {  	[tilespmem:$0x100B0] =	vst v6  }
0x1d7: {  	[tilespmem:$0x10040] =	vst v5  }
0x1d8: {  	[tilespmem:$0x100C0] =	vst v6  }
0x1d9: {  	[tilespmem:$0x10050] =	vst v5  }
0x1da: {  	[tilespmem:$0x100D0] =	vst v6  }
0x1db: {  	[tilespmem:$0x10060] =	vst v5  }
0x1dc: {  	[tilespmem:$0x100E0] =	vst v6  }
0x1dd: {  	[tilespmem:$0x10070] =	vst v5  }
0x1de: {  	[tilespmem:$0x100F0] =	vst v6  }
0x1df: {  	[hbm4b:s20+s1] =	stream.linear.scatter [tilespmem:s4], [sflag:$0x3], $0x80, $0x38;
	[tilespmem:$0x10200] =	vst v63  }
0x1e0: {  	_ =	swait.ge [sflag:s5], $0x80  }
0x1e1: {  	[sflag:s5] =	ssyncset.done $0x0  }
0x1e2: {  	[sflag:s5] =	ssyncadd.s32 $0xFFFFFF80  }
0x1e3: {  	[hbm4b:s21+s1] =	stream.linear.scatter [tilespmem:s6], [sflag:$0x3], $0x80, $0x38;
	[tilespmem:$0x10200] =	vst v63  }
0x1e4: {  	_ =	swait.ge [sflag:s5], $0x80  }
0x1e5: {  	[sflag:s5] =	ssyncset.done $0x0  }
0x1e6: {  	s8 =	simm.s32 $0x80;
	s10 =	rddreg [dreg:$0xb];
	[sflag:s5] =	ssyncadd.s32 $0xFFFFFF80  }
0x1e7: {  	[tilespmem:s30], [sflag:$0x2] =	stream.strided.gather [hbm4b:s10+s8], $0x8000, s29, s8, $0x38;
	[tilespmem:$0x10200] =	vst v63  }
0x1e8: {  	_ =	swait.ge [sflag:s31], $0x8000  }
0x1e9: {  	[sflag:s31] =	ssyncset.done $0x0  }
0x1ea: {  	[sflag:s31] =	ssyncadd.s32 $0xFFFF8000  }
0x1eb: {  	v8 =	vld [tilespmem:s8+$0xFFFFFF80]  }
0x1ec: {  	v9 =	vld [tilespmem:s8+$0x40]  }
0x1ed: {  	v11 =	vld [tilespmem:s8+$0xFFFFFFC0]  }
0x1ee: {  	v6 =	vld [tilespmem:s8+$0x50]  }
0x1ef: {  	v14 =	vld [tilespmem:s8+$0x0]  }
0x1f0: {  	v20 =	vld [tilespmem:s8+$0xFFFFFFA0]  }
0x1f1: {  	v12 =	vimm.f32 $-Inf;
	v7 =	vld [tilespmem:s8+$0x10]  }
0x1f2: {  	v21 =	vld [tilespmem:s8+$0xFFFFFFB0];
	vm0 =	vgt.f32 v8, v12  }
0x1f3: {  	v5 =	vld [tilespmem:s8+$0xFFFFFFD0];
	v8 =	vsel vm0, v8, v12  }
0x1f4: {  	v16 =	vld [tilespmem:s8+$0xFFFFFF90];
	vm1 =	vgt.f32 v11, v8  }
0x1f5: {  	s11 =	simm.s32 $0x0;
	v10 =	vimm.s32 $0x0;
	v13 =	vld [tilespmem:s8+$0xFFFFFFE0];
	vm2 =	vgt.f32 v20, v12;
	v8 =	vsel vm1, v11, v8  }
0x1f6: {  	s12 =	simm.s32 $0x40;
	v17 =	vld [tilespmem:s8+$0xFFFFFFF0];
	v20 =	vsel vm2, v20, v12;
	v11 =	vsel vm0, s11, v10;
	vm0 =	vgt.f32 v14, v8  }
0x1f7: {  	s13 =	simm.s32 $0x80;
	v15 =	vld [tilespmem:s8+$0x20];
	v11 =	vsel vm1, s12, v11;
	vm1 =	vgt.f32 v21, v12;
	v14 =	vsel vm0, v14, v8  }
0x1f8: {  	s14 =	simm.s32 $0xC0;
	v18 =	vld [tilespmem:s8+$0x30];
	v8 =	vsel vm0, s13, v11;
	v21 =	vsel vm1, v21, v12;
	vm0 =	vgt.f32 v9, v14  }
0x1f9: {  	s9 =	simm.s32 $0xF0;
	v8 =	vsel vm0, s14, v8;
	v11 =	vsel vm0, v9, v14;
	vm0 =	vgt.f32 v16, v12;
	v14 =	vld [tilespmem:s8+$0x60]  }
0x1fa: {  	s10 =	simm.s32 $0x0;
	s11 =	simm.s32 $0x180;
	v9 =	vimm.s32 $0x0;
	v19 =	vsel vm0, v16, v12;
	v16 =	vld [tilespmem:s8+$0x70];
	v12 =	vimm.s32 $0x0;
	s8 =	simm.s32 $0xF0  }
.LBB2_18:
0x1fb: {  	v22 =	vld [tilespmem:s11+$0x40];
	vm3 =	vgt.f32 v5, v19;
	vm6 =	vgt.f32 v13, v20;
	vm7 =	vgt.f32 v17, v21  }
0x1fc: {  	v23 =	vld [tilespmem:s11+$0xFFFFFF80];
	v5 =	vsel vm3, v5, v19;
	v13 =	vsel vm6, v13, v20;
	v17 =	vsel vm7, v17, v21  }
0x1fd: {  	v19 =	vld [tilespmem:s11+$0x50];
	vm4 =	vgt.f32 v7, v5;
	vm8 =	vgt.f32 v15, v13;
	vm9 =	vgt.f32 v18, v17  }
0x1fe: {  	v20 =	vld [tilespmem:s11+$0xFFFFFFC0];
	v5 =	vsel vm4, v7, v5;
	v13 =	vsel vm8, v15, v13;
	v15 =	vsel vm9, v18, v17  }
0x1ff: {  	v18 =	vld [tilespmem:s11+$0x0];
	vm5 =	vgt.f32 v6, v5;
	vm10 =	vgt.f32 v14, v13;
	vm11 =	vgt.f32 v16, v15  }
0x200: {  	s12 =	sadd.s32 $0xFFFFFF30, s9;
	s13 =	sadd.s32 $0xFFFFFF40, s9;
	v7 =	vld [tilespmem:s11+$0x10];
	v21 =	vsel vm5, v6, v5;
	v24 =	vsel vm10, v14, v13;
	v16 =	vsel vm11, v16, v15  }
0x201: {  	v13 =	vsel vm2, s12, v10;
	v10 =	vsel vm1, s13, v12;
	s12 =	sadd.s32 $0xFFFFFF70, s9;
	s13 =	sadd.s32 $0xFFFFFF80, s9;
	vm12 =	vgt.f32 v23, v11;
	v5 =	vld [tilespmem:s11+$0xFFFFFFD0]  }
0x202: {  	v12 =	vsel vm6, s12, v13;
	v10 =	vsel vm7, s13, v10;
	s12 =	sadd.s32 $0xFFFFFFB0, s9;
	s13 =	sadd.s32 $0xFFFFFFC0, s9;
	v11 =	vsel vm12, v23, v11;
	v23 =	vld [tilespmem:s11+$0xFFFFFF90];
	v6 =	vmovc v19  }
0x203: {  	s9 =	sadd.s32 $0x100, s9;
	v12 =	vsel vm8, s12, v12;
	v13 =	vsel vm9, s13, v10;
	s12 =	sadd.s32 $0xFFFFFFF0, s8;
	v25 =	vld [tilespmem:s11+$0xFFFFFFA0];
	vm1 =	vgt.f32 v20, v11  }
0x204: {  	s10 =	sadd.s32 $0x4, s10;
	s14 =	sadd.s32 $0xFFFFFF20, s8;
	s13 =	sadd.s32 $0xFFFFFF10, s9;
	v10 =	vsel vm10, s12, v12;
	v12 =	vsel vm11, s8, v13;
	v26 =	vld [tilespmem:s11+$0xFFFFFFB0];
	v11 =	vsel vm1, v20, v11  }
0x205: {  	p0 =	slt.u32 s10, $0x1FC;
	v9 =	vsel vm0, s14, v9;
	v8 =	vsel vm12, s13, v8;
	s12 =	sadd.s32 $0xFFFFFF50, s9;
	s13 =	sadd.s32 $0xFFFFFF60, s8;
	v13 =	vld [tilespmem:s11+$0xFFFFFFE0];
	vm2 =	vgt.f32 v18, v11  }
.Ltmp8:
0x206: {  	v8 =	vsel vm1, s12, v8;
	s12 =	sadd.s32 $0xFFFFFF90, s9;
	v9 =	vsel vm3, s13, v9;
	s13 =	sadd.s32 $0xFFFFFFA0, s8;
	v17 =	vld [tilespmem:s11+$0xFFFFFFF0];
	v11 =	vsel vm2, v18, v11;
	(pc) =	sbr.rel @p0 .LBB2_18-.Ltmp8, $4  }
0x207: {  	v9 =	vsel vm4, s13, v9;
	s13 =	sadd.s32 $0xFFFFFFE0, s8;
	s8 =	smov.u32 s9;
	v8 =	vsel vm2, s12, v8;
	s12 =	sadd.s32 $0xFFFFFFD0, s9;
	v15 =	vld [tilespmem:s11+$0x20];
	vm0 =	vgt.f32 v22, v11  }
0x208: {  	v9 =	vsel vm5, s13, v9;
	v18 =	vld [tilespmem:s11+$0x30];
	v8 =	vsel vm0, s12, v8;
	v11 =	vsel vm0, v22, v11  }
0x209: {  	vm0 =	vgt.f32 v23, v21;
	vm2 =	vgt.f32 v25, v24;
	vm1 =	vgt.f32 v26, v16;
	v14 =	vld [tilespmem:s11+$0x60]  }
0x20a: {  	v19 =	vsel vm0, v23, v21;
	v20 =	vsel vm2, v25, v24;
	v21 =	vsel vm1, v26, v16;
	v16 =	vld [tilespmem:s11+$0x70];
	s11 =	sadd.s32 $0x100, s11  }
0x20b: {  	s10 =	rddreg [dreg:$0xc]  }
0x20c: {  	[tilespmem:s1], [sflag:$0x1] =	stream.strided.gather [hbm4b:s10+s22], $0x8000, s29, s22, $0x38;
	[tilespmem:$0x10200] =	vst v63  }
0x20d: {  	_ =	swait.ge [sflag:s0], $0x8000  }
0x20e: {  	[sflag:s0] =	ssyncset.done $0x0  }
0x20f: {  	s11 =	simm.s32 $0x8080;
	[sflag:s0] =	ssyncadd.s32 $0xFFFF8000  }
0x210: {  	vm3 =	vgt.f32 v5, v19;
	vm6 =	vgt.f32 v13, v20;
	vm7 =	vgt.f32 v17, v21;
	v22 =	vld [tilespmem:s11+$0x40]  }
0x211: {  	s12 =	sadd.s32 $0xFFFFFF30, s9;
	v19 =	vsel vm3, v5, v19;
	v13 =	vsel vm6, v13, v20;
	v17 =	vsel vm7, v17, v21;
	v20 =	vld [tilespmem:s11+$0xFFFFFF80]  }
0x212: {  	s13 =	sadd.s32 $0xFFFFFF40, s9;
	v10 =	vsel vm2, s12, v10;
	vm8 =	vgt.f32 v15, v13;
	vm9 =	vgt.f32 v18, v17;
	v5 =	vld [tilespmem:s11+$0x50]  }
0x213: {  	s14 =	sadd.s32 $0xFFFFFF70, s9;
	v12 =	vsel vm1, s13, v12;
	s12 =	sadd.s32 $0xFFFFFF80, s9;
	v13 =	vsel vm8, v15, v13;
	v15 =	vsel vm9, v18, v17;
	v17 =	vld [tilespmem:s11+$0xFFFFFFC0]  }
0x214: {  	s13 =	sadd.s32 $0xFFFFFFB0, s9;
	vm4 =	vgt.f32 v7, v19;
	v10 =	vsel vm6, s14, v10;
	v12 =	vsel vm7, s12, v12;
	s14 =	sadd.s32 $0xFFFFFFC0, s9;
	v18 =	vld [tilespmem:s11+$0x0]  }
0x215: {  	v7 =	vsel vm4, v7, v19;
	v10 =	vsel vm8, s13, v10;
	v12 =	vsel vm9, s14, v12;
	v24 =	vld [tilespmem:s11+$0xFFFFFFA0]  }
0x216: {  	s13 =	sadd.s32 $0xFFFFFF20, s8;
	vm5 =	vgt.f32 v6, v7;
	vm10 =	vgt.f32 v14, v13;
	vm2 =	vgt.f32 v16, v15;
	v25 =	vld [tilespmem:s11+$0xFFFFFFB0]  }
0x217: {  	v9 =	vsel vm0, s13, v9;
	v19 =	vsel vm5, v6, v7;
	v7 =	vld [tilespmem:s11+$0x10];
	vm1 =	vgt.f32 v20, v11  }
0x218: {  	s12 =	sadd.s32 $0xFFFFFFF0, s8;
	v21 =	vsel vm10, v14, v13;
	v6 =	vld [tilespmem:s11+$0xFFFFFFD0];
	v23 =	vsel vm2, v16, v15;
	v13 =	vsel vm1, v20, v11  }
0x219: {  	s14 =	simm.s32 $0x8000;
	v20 =	vld [tilespmem:s11+$0xFFFFFF90];
	v11 =	vsel vm10, s12, v10;
	v10 =	vsel vm2, s8, v12;
	vm15 =	vgt.f32 v17, v13  }
0x21a: {  	v16 =	vld [tilespmem:s11+$0xFFFFFFF0];
	s12 =	sadd.s32 $0xFFFFFF60, s8;
	v8 =	vsel vm1, s14, v8;
	vm2 =	vgt.f32 v24, v21;
	v12 =	vsel vm15, v17, v13  }
0x21b: {  	s13 =	simm.s32 $0x8040;
	s14 =	sadd.s32 $0xFFFFFFA0, s8;
	vm1 =	vgt.f32 v25, v23;
	v9 =	vsel vm3, s12, v9;
	v13 =	vld [tilespmem:s11+$0xFFFFFFE0];
	vm0 =	vgt.f32 v18, v12  }
0x21c: {  	v14 =	vld [tilespmem:s11+$0x20];
	s12 =	simm.s32 $0x8080;
	v8 =	vsel vm15, s13, v8;
	v9 =	vsel vm4, s14, v9;
	s13 =	sadd.s32 $0xFFFFFFE0, s8;
	v12 =	vsel vm0, v18, v12  }
0x21d: {  	s14 =	simm.s32 $0x80C0;
	v15 =	vsel vm0, s12, v8;
	v8 =	vsel vm5, s13, v9;
	v18 =	vld [tilespmem:s11+$0x30];
	vm0 =	vgt.f32 v22, v12  }
0x21e: {  	s10 =	simm.s32 $0x0;
	v17 =	vld [tilespmem:s11+$0x70];
	v9 =	vsel vm0, s14, v15;
	v12 =	vsel vm0, v22, v12;
	vm0 =	vgt.f32 v20, v19  }
0x21f: {  	s9 =	simm.s32 $0x80F0;
	s8 =	simm.s32 $0x80F0;
	v15 =	vld [tilespmem:s11+$0x60];
	s11 =	simm.s32 $0x8180;
	v19 =	vsel vm0, v20, v19;
	v20 =	vsel vm2, v24, v21;
	v21 =	vsel vm1, v25, v23  }
.LBB2_20:
0x220: {  	v22 =	vld [tilespmem:s11+$0x40];
	vm3 =	vgt.f32 v6, v19;
	vm6 =	vgt.f32 v13, v20;
	vm7 =	vgt.f32 v16, v21  }
0x221: {  	v23 =	vld [tilespmem:s11+$0xFFFFFF80];
	v6 =	vsel vm3, v6, v19;
	v13 =	vsel vm6, v13, v20;
	v16 =	vsel vm7, v16, v21  }
0x222: {  	v19 =	vld [tilespmem:s11+$0x50];
	vm4 =	vgt.f32 v7, v6;
	vm8 =	vgt.f32 v14, v13;
	vm9 =	vgt.f32 v18, v16  }
0x223: {  	v20 =	vld [tilespmem:s11+$0xFFFFFFC0];
	v6 =	vsel vm4, v7, v6;
	v13 =	vsel vm8, v14, v13;
	v14 =	vsel vm9, v18, v16  }
0x224: {  	v18 =	vld [tilespmem:s11+$0x0];
	vm5 =	vgt.f32 v5, v6;
	vm10 =	vgt.f32 v15, v13;
	vm11 =	vgt.f32 v17, v14  }
0x225: {  	s12 =	sadd.s32 $0xFFFFFF30, s9;
	s13 =	sadd.s32 $0xFFFFFF40, s9;
	v7 =	vld [tilespmem:s11+$0x10];
	v21 =	vsel vm5, v5, v6;
	v24 =	vsel vm10, v15, v13;
	v17 =	vsel vm11, v17, v14  }
0x226: {  	v10 =	vsel vm1, s13, v10;
	s13 =	sadd.s32 $0xFFFFFF80, s9;
	v13 =	vsel vm2, s12, v11;
	s12 =	sadd.s32 $0xFFFFFF70, s9;
	vm12 =	vgt.f32 v23, v12;
	v6 =	vld [tilespmem:s11+$0xFFFFFFD0]  }
0x227: {  	v10 =	vsel vm7, s13, v10;
	s13 =	sadd.s32 $0xFFFFFFC0, s9;
	v11 =	vsel vm12, v23, v12;
	v23 =	vld [tilespmem:s11+$0xFFFFFF90];
	v12 =	vsel vm6, s12, v13;
	s12 =	sadd.s32 $0xFFFFFFB0, s9;
	v5 =	vmovc v19  }
0x228: {  	v10 =	vsel vm9, s13, v10;
	s9 =	sadd.s32 $0x100, s9;
	v25 =	vld [tilespmem:s11+$0xFFFFFFA0];
	vm1 =	vgt.f32 v20, v11;
	v12 =	vsel vm8, s12, v12;
	s12 =	sadd.s32 $0xFFFFFFF0, s8  }
0x229: {  	s10 =	sadd.s32 $0x4, s10;
	s14 =	sadd.s32 $0xFFFFFF20, s8;
	v10 =	vsel vm11, s8, v10;
	s13 =	sadd.s32 $0xFFFFFF10, s9;
	v26 =	vld [tilespmem:s11+$0xFFFFFFB0];
	v14 =	vsel vm1, v20, v11;
	v11 =	vsel vm10, s12, v12  }
0x22a: {  	p0 =	slt.u32 s10, $0x1FC;
	v8 =	vsel vm0, s14, v8;
	v9 =	vsel vm12, s13, v9;
	s12 =	sadd.s32 $0xFFFFFF50, s9;
	s13 =	sadd.s32 $0xFFFFFF60, s8;
	v13 =	vld [tilespmem:s11+$0xFFFFFFE0];
	vm2 =	vgt.f32 v18, v14  }
.Ltmp9:
0x22b: {  	v9 =	vsel vm1, s12, v9;
	s12 =	sadd.s32 $0xFFFFFF90, s9;
	v8 =	vsel vm3, s13, v8;
	s13 =	sadd.s32 $0xFFFFFFA0, s8;
	v16 =	vld [tilespmem:s11+$0xFFFFFFF0];
	v12 =	vsel vm2, v18, v14;
	(pc) =	sbr.rel @p0 .LBB2_20-.Ltmp9, $4  }
0x22c: {  	v9 =	vsel vm2, s12, v9;
	s12 =	sadd.s32 $0xFFFFFFD0, s9;
	v8 =	vsel vm4, s13, v8;
	s13 =	sadd.s32 $0xFFFFFFE0, s8;
	s8 =	smov.u32 s9;
	v14 =	vld [tilespmem:s11+$0x20];
	vm0 =	vgt.f32 v22, v12  }
0x22d: {  	v8 =	vsel vm5, s13, v8;
	v18 =	vld [tilespmem:s11+$0x30];
	v9 =	vsel vm0, s12, v9;
	v12 =	vsel vm0, v22, v12  }
0x22e: {  	vm0 =	vgt.f32 v23, v21;
	vm2 =	vgt.f32 v25, v24;
	vm1 =	vgt.f32 v26, v17;
	v15 =	vld [tilespmem:s11+$0x60]  }
0x22f: {  	v19 =	vsel vm0, v23, v21;
	v20 =	vsel vm2, v25, v24;
	v21 =	vsel vm1, v26, v17;
	v17 =	vld [tilespmem:s11+$0x70];
	s11 =	sadd.s32 $0x100, s11  }
0x230: {  	s11 =	simm.s32 $0x80;
	s10 =	rddreg [dreg:$0xd]  }
0x231: {  	[tilespmem:s30], [sflag:$0x2] =	stream.strided.gather [hbm4b:s10+s11], $0x600, s29, s11, $0x38;
	[tilespmem:$0x10200] =	vst v63  }
0x232: {  	_ =	swait.ge [sflag:s31], $0x8000  }
0x233: {  	[sflag:s31] =	ssyncset.done $0x0  }
0x234: {  	[sflag:s31] =	ssyncadd.s32 $0xFFFF8000  }
0x235: {  	vm3 =	vgt.f32 v6, v19;
	vm6 =	vgt.f32 v13, v20;
	vm7 =	vgt.f32 v16, v21;
	v22 =	vld [tilespmem:s11+$0x40]  }
0x236: {  	s12 =	sadd.s32 $0xFFFFFF30, s9;
	v19 =	vsel vm3, v6, v19;
	v13 =	vsel vm6, v13, v20;
	v16 =	vsel vm7, v16, v21;
	v20 =	vld [tilespmem:s11+$0xFFFFFF80]  }
0x237: {  	s13 =	sadd.s32 $0xFFFFFF40, s9;
	v11 =	vsel vm2, s12, v11;
	vm8 =	vgt.f32 v14, v13;
	vm9 =	vgt.f32 v18, v16;
	v6 =	vld [tilespmem:s11+$0x50]  }
0x238: {  	s14 =	sadd.s32 $0xFFFFFF70, s9;
	v10 =	vsel vm1, s13, v10;
	s12 =	sadd.s32 $0xFFFFFF80, s9;
	v13 =	vsel vm8, v14, v13;
	v14 =	vsel vm9, v18, v16;
	v16 =	vld [tilespmem:s11+$0xFFFFFFC0]  }
0x239: {  	s13 =	sadd.s32 $0xFFFFFFB0, s9;
	vm4 =	vgt.f32 v7, v19;
	v11 =	vsel vm6, s14, v11;
	v10 =	vsel vm7, s12, v10;
	s14 =	sadd.s32 $0xFFFFFFC0, s9;
	v18 =	vld [tilespmem:s11+$0x0]  }
0x23a: {  	v7 =	vsel vm4, v7, v19;
	v11 =	vsel vm8, s13, v11;
	v10 =	vsel vm9, s14, v10;
	v23 =	vld [tilespmem:s11+$0xFFFFFFA0]  }
0x23b: {  	s13 =	sadd.s32 $0xFFFFFF20, s8;
	vm5 =	vgt.f32 v5, v7;
	vm10 =	vgt.f32 v15, v13;
	vm2 =	vgt.f32 v17, v14;
	v24 =	vld [tilespmem:s11+$0xFFFFFFB0]  }
0x23c: {  	v8 =	vsel vm0, s13, v8;
	v19 =	vsel vm5, v5, v7;
	v7 =	vld [tilespmem:s11+$0x10];
	vm1 =	vgt.f32 v20, v12  }
0x23d: {  	s12 =	sadd.s32 $0xFFFFFFF0, s8;
	v21 =	vsel vm10, v15, v13;
	v5 =	vld [tilespmem:s11+$0xFFFFFFD0];
	v17 =	vsel vm2, v17, v14;
	v12 =	vsel vm1, v20, v12  }
0x23e: {  	v11 =	vsel vm10, s12, v11;
	v10 =	vsel vm2, s8, v10;
	s12 =	sadd.s32 $0xFFFFFF60, s8;
	v20 =	vld [tilespmem:s11+$0xFFFFFF90];
	vm15 =	vgt.f32 v16, v12  }
0x23f: {  	s14 =	simm.s32 $0x10000;
	v13 =	vld [tilespmem:s11+$0xFFFFFFE0];
	v8 =	vsel vm3, s12, v8;
	vm2 =	vgt.f32 v23, v21;
	v12 =	vsel vm15, v16, v12  }
0x240: {  	s13 =	simm.s32 $0x10040;
	v9 =	vsel vm1, s14, v9;
	s14 =	sadd.s32 $0xFFFFFFA0, s8;
	vm1 =	vgt.f32 v24, v17;
	v16 =	vld [tilespmem:s11+$0xFFFFFFF0];
	vm0 =	vgt.f32 v18, v12  }
0x241: {  	v14 =	vld [tilespmem:s11+$0x20];
	s12 =	simm.s32 $0x10080;
	v8 =	vsel vm4, s14, v8;
	v9 =	vsel vm15, s13, v9;
	s13 =	sadd.s32 $0xFFFFFFE0, s8;
	v12 =	vsel vm0, v18, v12  }
0x242: {  	s14 =	simm.s32 $0x100C0;
	v8 =	vsel vm5, s13, v8;
	v9 =	vsel vm0, s12, v9;
	v18 =	vld [tilespmem:s11+$0x30];
	vm0 =	vgt.f32 v22, v12  }
0x243: {  	s10 =	simm.s32 $0x0;
	v15 =	vld [tilespmem:s11+$0x60];
	v9 =	vsel vm0, s14, v9;
	v12 =	vsel vm0, v22, v12;
	vm0 =	vgt.f32 v20, v19  }
0x244: {  	s9 =	simm.s32 $0x100F0;
	s8 =	simm.s32 $0x100F0;
	v19 =	vsel vm0, v20, v19;
	v20 =	vsel vm2, v23, v21;
	v21 =	vsel vm1, v24, v17;
	v17 =	vld [tilespmem:s11+$0x70];
	s11 =	simm.s32 $0x180  }
.LBB2_22:
0x245: {  	v22 =	vld [tilespmem:s11+$0x40];
	vm3 =	vgt.f32 v5, v19;
	vm6 =	vgt.f32 v13, v20;
	vm7 =	vgt.f32 v16, v21  }
0x246: {  	v23 =	vld [tilespmem:s11+$0xFFFFFF80];
	v5 =	vsel vm3, v5, v19;
	v13 =	vsel vm6, v13, v20;
	v16 =	vsel vm7, v16, v21  }
0x247: {  	v19 =	vld [tilespmem:s11+$0x50];
	vm4 =	vgt.f32 v7, v5;
	vm8 =	vgt.f32 v14, v13;
	vm9 =	vgt.f32 v18, v16  }
0x248: {  	v20 =	vld [tilespmem:s11+$0xFFFFFFC0];
	v5 =	vsel vm4, v7, v5;
	v13 =	vsel vm8, v14, v13;
	v14 =	vsel vm9, v18, v16  }
0x249: {  	v18 =	vld [tilespmem:s11+$0x0];
	vm5 =	vgt.f32 v6, v5;
	vm10 =	vgt.f32 v15, v13;
	vm11 =	vgt.f32 v17, v14  }
0x24a: {  	s12 =	sadd.s32 $0xFFFFFF30, s9;
	s13 =	sadd.s32 $0xFFFFFF40, s9;
	v7 =	vld [tilespmem:s11+$0x10];
	v21 =	vsel vm5, v6, v5;
	v24 =	vsel vm10, v15, v13;
	v17 =	vsel vm11, v17, v14  }
0x24b: {  	v10 =	vsel vm1, s13, v10;
	s13 =	sadd.s32 $0xFFFFFF80, s9;
	v13 =	vsel vm2, s12, v11;
	s12 =	sadd.s32 $0xFFFFFF70, s9;
	vm12 =	vgt.f32 v23, v12;
	v5 =	vld [tilespmem:s11+$0xFFFFFFD0]  }
0x24c: {  	v10 =	vsel vm7, s13, v10;
	s13 =	sadd.s32 $0xFFFFFFC0, s9;
	v11 =	vsel vm12, v23, v12;
	v23 =	vld [tilespmem:s11+$0xFFFFFF90];
	v12 =	vsel vm6, s12, v13;
	s12 =	sadd.s32 $0xFFFFFFB0, s9;
	v6 =	vmovc v19  }
0x24d: {  	v10 =	vsel vm9, s13, v10;
	s9 =	sadd.s32 $0x100, s9;
	v25 =	vld [tilespmem:s11+$0xFFFFFFA0];
	vm1 =	vgt.f32 v20, v11;
	v12 =	vsel vm8, s12, v12;
	s12 =	sadd.s32 $0xFFFFFFF0, s8  }
0x24e: {  	s10 =	sadd.s32 $0x4, s10;
	s14 =	sadd.s32 $0xFFFFFF20, s8;
	v10 =	vsel vm11, s8, v10;
	s13 =	sadd.s32 $0xFFFFFF10, s9;
	v26 =	vld [tilespmem:s11+$0xFFFFFFB0];
	v14 =	vsel vm1, v20, v11;
	v11 =	vsel vm10, s12, v12  }
0x24f: {  	p0 =	slt.u32 s10, $0x1FC;
	v8 =	vsel vm0, s14, v8;
	v9 =	vsel vm12, s13, v9;
	s12 =	sadd.s32 $0xFFFFFF50, s9;
	s13 =	sadd.s32 $0xFFFFFF60, s8;
	v13 =	vld [tilespmem:s11+$0xFFFFFFE0];
	vm2 =	vgt.f32 v18, v14  }
.Ltmp10:
0x250: {  	v9 =	vsel vm1, s12, v9;
	s12 =	sadd.s32 $0xFFFFFF90, s9;
	v8 =	vsel vm3, s13, v8;
	s13 =	sadd.s32 $0xFFFFFFA0, s8;
	v16 =	vld [tilespmem:s11+$0xFFFFFFF0];
	v12 =	vsel vm2, v18, v14;
	(pc) =	sbr.rel @p0 .LBB2_22-.Ltmp10, $4  }
0x251: {  	v9 =	vsel vm2, s12, v9;
	s12 =	sadd.s32 $0xFFFFFFD0, s9;
	v8 =	vsel vm4, s13, v8;
	s13 =	sadd.s32 $0xFFFFFFE0, s8;
	s8 =	smov.u32 s9;
	v14 =	vld [tilespmem:s11+$0x20];
	vm0 =	vgt.f32 v22, v12  }
0x252: {  	v8 =	vsel vm5, s13, v8;
	v18 =	vld [tilespmem:s11+$0x30];
	v9 =	vsel vm0, s12, v9;
	v12 =	vsel vm0, v22, v12  }
0x253: {  	vm0 =	vgt.f32 v23, v21;
	vm2 =	vgt.f32 v25, v24;
	vm1 =	vgt.f32 v26, v17;
	v15 =	vld [tilespmem:s11+$0x60]  }
0x254: {  	v19 =	vsel vm0, v23, v21;
	v20 =	vsel vm2, v25, v24;
	v21 =	vsel vm1, v26, v17;
	v17 =	vld [tilespmem:s11+$0x70];
	s11 =	sadd.s32 $0x100, s11  }
0x255: {  	s10 =	rddreg [dreg:$0xe]  }
0x256: {  	[tilespmem:s1], [sflag:$0x1] =	stream.strided.gather [hbm4b:s10+s22], $0x8000, s29, s22, $0x38;
	[tilespmem:$0x10200] =	vst v63  }
0x257: {  	_ =	swait.ge [sflag:s0], $0x600  }
0x258: {  	[sflag:s0] =	ssyncset.done $0x0  }
0x259: {  	s11 =	simm.s32 $0x8080;
	[sflag:s0] =	ssyncadd.s32 $0xFFFFFA00  }
0x25a: {  	vm3 =	vgt.f32 v5, v19;
	vm6 =	vgt.f32 v13, v20;
	vm7 =	vgt.f32 v16, v21;
	v22 =	vld [tilespmem:s11+$0x40]  }
0x25b: {  	v19 =	vsel vm3, v5, v19;
	v13 =	vsel vm6, v13, v20;
	v16 =	vsel vm7, v16, v21;
	v20 =	vld [tilespmem:s11+$0xFFFFFF80]  }
0x25c: {  	vm4 =	vgt.f32 v7, v19;
	vm8 =	vgt.f32 v14, v13;
	vm9 =	vgt.f32 v18, v16;
	v5 =	vld [tilespmem:s11+$0x50]  }
0x25d: {  	s12 =	sadd.s32 $0xFFFFFF30, s9;
	v7 =	vsel vm4, v7, v19;
	v13 =	vsel vm8, v14, v13;
	v14 =	vsel vm9, v18, v16;
	v16 =	vld [tilespmem:s11+$0xFFFFFFC0]  }
0x25e: {  	s13 =	sadd.s32 $0xFFFFFF40, s9;
	v11 =	vsel vm2, s12, v11;
	vm5 =	vgt.f32 v6, v7;
	vm10 =	vgt.f32 v15, v13;
	v18 =	vld [tilespmem:s11+$0x0]  }
0x25f: {  	s14 =	sadd.s32 $0xFFFFFF70, s9;
	vm2 =	vgt.f32 v17, v14;
	v19 =	vsel vm5, v6, v7;
	v7 =	vsel vm1, s13, v10;
	v23 =	vld [tilespmem:s11+$0xFFFFFFA0]  }
0x260: {  	s12 =	sadd.s32 $0xFFFFFF80, s9;
	v13 =	vsel vm10, v15, v13;
	v10 =	vsel vm6, s14, v11;
	v21 =	vsel vm2, v17, v14;
	s13 =	sadd.s32 $0xFFFFFFB0, s9;
	v24 =	vld [tilespmem:s11+$0xFFFFFFB0]  }
0x261: {  	v6 =	vld [tilespmem:s11+$0x10];
	s14 =	sadd.s32 $0xFFFFFFC0, s9;
	v7 =	vsel vm7, s12, v7;
	v10 =	vsel vm8, s13, v10;
	s12 =	sadd.s32 $0xFFFFFFF0, s8;
	vm1 =	vgt.f32 v20, v12  }
0x262: {  	v11 =	vld [tilespmem:s11+$0xFFFFFFD0];
	s13 =	sadd.s32 $0xFFFFFF20, s8;
	v7 =	vsel vm9, s14, v7;
	v10 =	vsel vm10, s12, v10;
	v12 =	vsel vm1, v20, v12  }
0x263: {  	v8 =	vsel vm0, s13, v8;
	s12 =	sadd.s32 $0xFFFFFF60, s8;
	v7 =	vsel vm2, s8, v7;
	v20 =	vld [tilespmem:s11+$0xFFFFFF90];
	vm15 =	vgt.f32 v16, v12  }
0x264: {  	v14 =	vld [tilespmem:s11+$0xFFFFFFE0];
	s14 =	simm.s32 $0x18000;
	v8 =	vsel vm3, s12, v8;
	vm2 =	vgt.f32 v23, v13;
	v12 =	vsel vm15, v16, v12  }
0x265: {  	v17 =	vld [tilespmem:s11+$0xFFFFFFF0];
	s13 =	simm.s32 $0x18040;
	v9 =	vsel vm1, s14, v9;
	s14 =	sadd.s32 $0xFFFFFFA0, s8;
	vm1 =	vgt.f32 v24, v21;
	vm0 =	vgt.f32 v18, v12  }
0x266: {  	v15 =	vld [tilespmem:s11+$0x20];
	s12 =	simm.s32 $0x18080;
	v8 =	vsel vm4, s14, v8;
	v9 =	vsel vm15, s13, v9;
	s13 =	sadd.s32 $0xFFFFFFE0, s8;
	v16 =	vsel vm0, v18, v12  }
0x267: {  	s14 =	simm.s32 $0x180C0;
	v9 =	vsel vm0, s12, v9;
	v12 =	vsel vm5, s13, v8;
	v18 =	vld [tilespmem:s11+$0x30];
	vm0 =	vgt.f32 v22, v16  }
0x268: {  	s10 =	simm.s32 $0x0;
	v8 =	vsel vm0, s14, v9;
	v9 =	vsel vm0, v22, v16;
	vm0 =	vgt.f32 v20, v19;
	v16 =	vld [tilespmem:s11+$0x60]  }
0x269: {  	s9 =	simm.s32 $0x180F0;
	v21 =	vsel vm1, v24, v21;
	s8 =	simm.s32 $0x180F0;
	v19 =	vsel vm0, v20, v19;
	v20 =	vsel vm2, v23, v13;
	v13 =	vld [tilespmem:s11+$0x70];
	s11 =	simm.s32 $0x8180  }
.LBB2_24:
0x26a: {  	v22 =	vld [tilespmem:s11+$0x40];
	vm3 =	vgt.f32 v11, v19;
	vm6 =	vgt.f32 v14, v20;
	vm7 =	vgt.f32 v17, v21  }
0x26b: {  	v23 =	vld [tilespmem:s11+$0xFFFFFF80];
	v11 =	vsel vm3, v11, v19;
	v14 =	vsel vm6, v14, v20;
	v17 =	vsel vm7, v17, v21  }
0x26c: {  	v19 =	vld [tilespmem:s11+$0x50];
	vm4 =	vgt.f32 v6, v11;
	vm8 =	vgt.f32 v15, v14;
	vm9 =	vgt.f32 v18, v17  }
0x26d: {  	v20 =	vld [tilespmem:s11+$0xFFFFFFC0];
	v11 =	vsel vm4, v6, v11;
	v14 =	vsel vm8, v15, v14;
	v15 =	vsel vm9, v18, v17  }
0x26e: {  	v18 =	vld [tilespmem:s11+$0x0];
	vm5 =	vgt.f32 v5, v11;
	vm10 =	vgt.f32 v16, v14;
	vm11 =	vgt.f32 v13, v15  }
0x26f: {  	s12 =	sadd.s32 $0xFFFFFF30, s8;
	s13 =	sadd.s32 $0xFFFFFF40, s8;
	v6 =	vld [tilespmem:s11+$0x10];
	v21 =	vsel vm5, v5, v11;
	v24 =	vsel vm10, v16, v14;
	v13 =	vsel vm11, v13, v15  }
0x270: {  	v7 =	vsel vm1, s13, v7;
	s13 =	sadd.s32 $0xFFFFFF80, s8;
	v14 =	vsel vm2, s12, v10;
	s12 =	sadd.s32 $0xFFFFFF70, s8;
	vm12 =	vgt.f32 v23, v9;
	v11 =	vld [tilespmem:s11+$0xFFFFFFD0]  }
0x271: {  	v7 =	vsel vm7, s13, v7;
	s13 =	sadd.s32 $0xFFFFFFC0, s8;
	v10 =	vsel vm6, s12, v14;
	s12 =	sadd.s32 $0xFFFFFFB0, s8;
	v9 =	vsel vm12, v23, v9;
	v23 =	vld [tilespmem:s11+$0xFFFFFF90];
	v5 =	vmovc v19  }
0x272: {  	v7 =	vsel vm9, s13, v7;
	s8 =	sadd.s32 $0x100, s8;
	v10 =	vsel vm8, s12, v10;
	s12 =	sadd.s32 $0xFFFFFFF0, s9;
	v25 =	vld [tilespmem:s11+$0xFFFFFFA0];
	vm1 =	vgt.f32 v20, v9  }
0x273: {  	s10 =	sadd.s32 $0x4, s10;
	s14 =	sadd.s32 $0xFFFFFF20, s9;
	v7 =	vsel vm11, s9, v7;
	s13 =	sadd.s32 $0xFFFFFF10, s8;
	v10 =	vsel vm10, s12, v10;
	v26 =	vld [tilespmem:s11+$0xFFFFFFB0];
	v9 =	vsel vm1, v20, v9  }
0x274: {  	p0 =	slt.u32 s10, $0x14;
	v12 =	vsel vm0, s14, v12;
	v8 =	vsel vm12, s13, v8;
	s12 =	sadd.s32 $0xFFFFFF50, s8;
	s13 =	sadd.s32 $0xFFFFFF60, s9;
	v14 =	vld [tilespmem:s11+$0xFFFFFFE0];
	vm2 =	vgt.f32 v18, v9  }
.Ltmp11:
0x275: {  	v8 =	vsel vm1, s12, v8;
	s12 =	sadd.s32 $0xFFFFFF90, s8;
	v12 =	vsel vm3, s13, v12;
	s13 =	sadd.s32 $0xFFFFFFA0, s9;
	v17 =	vld [tilespmem:s11+$0xFFFFFFF0];
	v9 =	vsel vm2, v18, v9;
	(pc) =	sbr.rel @p0 .LBB2_24-.Ltmp11, $4  }
0x276: {  	v12 =	vsel vm4, s13, v12;
	s13 =	sadd.s32 $0xFFFFFFE0, s9;
	s9 =	smov.u32 s8;
	v8 =	vsel vm2, s12, v8;
	s12 =	sadd.s32 $0xFFFFFFD0, s8;
	v15 =	vld [tilespmem:s11+$0x20];
	vm0 =	vgt.f32 v22, v9  }
0x277: {  	v12 =	vsel vm5, s13, v12;
	v18 =	vld [tilespmem:s11+$0x30];
	v8 =	vsel vm0, s12, v8;
	v9 =	vsel vm0, v22, v9  }
0x278: {  	vm0 =	vgt.f32 v23, v21;
	vm2 =	vgt.f32 v25, v24;
	vm1 =	vgt.f32 v26, v13;
	v16 =	vld [tilespmem:s11+$0x60]  }
0x279: {  	v19 =	vsel vm0, v23, v21;
	v20 =	vsel vm2, v25, v24;
	v21 =	vsel vm1, v26, v13;
	v13 =	vld [tilespmem:s11+$0x70];
	s11 =	sadd.s32 $0x100, s11  }
0x27a: {  	vm5 =	vgt.f32 v11, v19;
	vm6 =	vgt.f32 v14, v20;
	vm3 =	vgt.f32 v17, v21  }
0x27b: {  	s10 =	sadd.s32 $0xFFFFFF20, s9;
	v8 =	vadd.s32 v0, v8;
	v11 =	vsel vm5, v11, v19;
	v14 =	vsel vm6, v14, v20  }
0x27c: {  	s11 =	sadd.s32 $0xFFFFFF60, s9;
	v17 =	vsel vm3, v17, v21;
	v12 =	vsel vm0, s10, v12;
	vm7 =	vgt.f32 v6, v11  }
0x27d: {  	vm8 =	vgt.f32 v15, v14;
	vm4 =	vgt.f32 v18, v17;
	v12 =	vsel vm5, s11, v12  }
0x27e: {  	s12 =	sadd.s32 $0xFFFFFFA0, s9;
	v6 =	vsel vm7, v6, v11;
	v11 =	vsel vm8, v15, v14;
	v14 =	vsel vm4, v18, v17  }
0x27f: {  	s13 =	sadd.s32 $0xFFFFFFE0, s9;
	v12 =	vsel vm7, s12, v12;
	vm9 =	vgt.f32 v5, v6;
	vm13 =	vgt.f32 v16, v11  }
0x280: {  	s11 =	sadd.s32 $0xFFFFFF30, s8;
	v5 =	vsel vm9, v5, v6;
	v6 =	vsel vm13, v16, v11;
	v11 =	vsel vm9, s13, v12  }
0x281: {  	s14 =	sadd.s32 $0xFFFFFF70, s8;
	v10 =	vsel vm2, s11, v10;
	vm0 =	vgt.f32 v13, v14;
	v11 =	vadd.s32 v0, v11  }
0x282: {  	s11 =	sadd.s32 $0xFFFFFFB0, s8;
	v10 =	vsel vm6, s14, v10;
	vm2 =	veq.f32 v5, v9;
	vm14 =	vlt.s32 v11, v8  }
0x283: {  	s12 =	sadd.s32 $0xFFFFFF40, s8;
	v10 =	vsel vm8, s11, v10;
	s13 =	sadd.s32 $0xFFFFFFF0, s9;
	vm15 =	vgt.f32 v5, v9;
	vm2 =	vmand vm2, vm14  }
0x284: {  	v7 =	vsel vm1, s12, v7;
	v10 =	vsel vm13, s13, v10;
	vm1 =	vmor vm15, vm2  }
0x285: {  	s14 =	sadd.s32 $0xFFFFFF80, s8;
	v8 =	vsel vm1, v11, v8;
	v5 =	vsel vm1, v5, v9;
	v9 =	vadd.s32 v0, v10  }
0x286: {  	s10 =	sadd.s32 $0xFFFFFFC0, s8;
	v7 =	vsel vm3, s14, v7;
	vm1 =	veq.f32 v6, v5;
	vm2 =	vlt.s32 v9, v8  }
0x287: {  	v7 =	vsel vm4, s10, v7;
	vm3 =	vgt.f32 v6, v5;
	vm1 =	vmand vm1, vm2  }
0x288: {  	v7 =	vsel vm0, s9, v7;
	v10 =	vsel vm0, v13, v14;
	vm0 =	vmor vm3, vm1  }
0x289: {  	v8 =	vsel vm0, v9, v8;
	v5 =	vsel vm0, v6, v5;
	v6 =	vadd.s32 v0, v7  }
0x28a: {  	vm0 =	veq.f32 v10, v5;
	vm1 =	vlt.s32 v6, v8  }
0x28b: {  	vm2 =	vgt.f32 v10, v5;
	vm0 =	vmand vm0, vm1  }
0x28c: {  	vm0 =	vmor vm2, vm0  }
0x28d: {  	v5 =	vsel vm0, v10, v5  }
0x28e: {  	v6 =	vsel vm0, v6, v8;
	[tilespmem:$0x10100] =	vst v5  }
0x28f: {  	[tilespmem:$0x10180] =	vst v6  }
0x290: {  	v7 =	vld.idx.msk [tilespmem:v1+s2+$0x0], $0xffff  }
0x291: {  	v8 =	vld.idx.msk [tilespmem:v1+s3+$0x0], $0xffff;
	_ =	sdelay $0x4  }
0x292: {  	vm0 =	veq.f32 v7, v5;
	vm1 =	vlt.s32 v8, v6  }
0x293: {  	vm2 =	vgt.f32 v7, v5;
	vm0 =	vmand vm0, vm1  }
0x294: {  	vm0 =	vmor vm2, vm0  }
0x295: {  	v5 =	vsel vm0, v7, v5  }
0x296: {  	v6 =	vsel vm0, v8, v6;
	[tilespmem:$0x10100] =	vst v5  }
0x297: {  	[tilespmem:$0x10180] =	vst v6  }
0x298: {  	v7 =	vld.idx.msk [tilespmem:v2+s2+$0x0], $0xffff  }
0x299: {  	v8 =	vld.idx.msk [tilespmem:v2+s3+$0x0], $0xffff;
	_ =	sdelay $0x4  }
0x29a: {  	vm0 =	veq.f32 v7, v5;
	vm1 =	vlt.s32 v8, v6  }
0x29b: {  	vm2 =	vgt.f32 v7, v5;
	vm0 =	vmand vm0, vm1  }
0x29c: {  	vm0 =	vmor vm2, vm0  }
0x29d: {  	v5 =	vsel vm0, v7, v5  }
0x29e: {  	v6 =	vsel vm0, v8, v6;
	[tilespmem:$0x10100] =	vst v5  }
0x29f: {  	[tilespmem:$0x10180] =	vst v6  }
0x2a0: {  	v7 =	vld.idx.msk [tilespmem:v3+s2+$0x0], $0xffff  }
0x2a1: {  	v8 =	vld.idx.msk [tilespmem:v3+s3+$0x0], $0xffff;
	_ =	sdelay $0x4  }
0x2a2: {  	vm0 =	veq.f32 v7, v5;
	vm1 =	vlt.s32 v8, v6  }
0x2a3: {  	vm2 =	vgt.f32 v7, v5;
	vm0 =	vmand vm0, vm1  }
0x2a4: {  	vm0 =	vmor vm2, vm0  }
0x2a5: {  	v5 =	vsel vm0, v7, v5  }
0x2a6: {  	v6 =	vsel vm0, v8, v6;
	[tilespmem:$0x10100] =	vst v5  }
0x2a7: {  	[tilespmem:$0x10180] =	vst v6  }
0x2a8: {  	v7 =	vld.idx.msk [tilespmem:v4+s2+$0x0], $0xffff  }
0x2a9: {  	v8 =	vld.idx.msk [tilespmem:v4+s3+$0x0], $0xffff;
	_ =	sdelay $0x4  }
0x2aa: {  	vm0 =	veq.f32 v7, v5;
	vm1 =	vlt.s32 v8, v6  }
0x2ab: {  	vm2 =	vgt.f32 v7, v5;
	vm0 =	vmand vm0, vm1  }
0x2ac: {  	vm0 =	vmor vm2, vm0  }
0x2ad: {  	v5 =	vsel vm0, v7, v5  }
0x2ae: {  	v6 =	vsel vm0, v8, v6;
	[tilespmem:$0x10000] =	vst v5  }
0x2af: {  	[tilespmem:$0x10080] =	vst v6  }
0x2b0: {  	[tilespmem:$0x10010] =	vst v5  }
0x2b1: {  	[tilespmem:$0x10090] =	vst v6  }
0x2b2: {  	[tilespmem:$0x10020] =	vst v5  }
0x2b3: {  	[tilespmem:$0x100A0] =	vst v6  }
0x2b4: {  	[tilespmem:$0x10030] =	vst v5  }
0x2b5: {  	[tilespmem:$0x100B0] =	vst v6  }
0x2b6: {  	[tilespmem:$0x10040] =	vst v5  }
0x2b7: {  	[tilespmem:$0x100C0] =	vst v6  }
0x2b8: {  	[tilespmem:$0x10050] =	vst v5  }
0x2b9: {  	[tilespmem:$0x100D0] =	vst v6  }
0x2ba: {  	[tilespmem:$0x10060] =	vst v5  }
0x2bb: {  	[tilespmem:$0x100E0] =	vst v6  }
0x2bc: {  	[tilespmem:$0x10070] =	vst v5  }
0x2bd: {  	[tilespmem:$0x100F0] =	vst v6  }
0x2be: {  	[hbm4b:s23+s1] =	stream.linear.scatter [tilespmem:s4], [sflag:$0x3], $0x80, $0x38;
	[tilespmem:$0x10200] =	vst v63  }
0x2bf: {  	_ =	swait.ge [sflag:s5], $0x80  }
0x2c0: {  	[sflag:s5] =	ssyncset.done $0x0  }
0x2c1: {  	[sflag:s5] =	ssyncadd.s32 $0xFFFFFF80  }
0x2c2: {  	[hbm4b:s24+s1] =	stream.linear.scatter [tilespmem:s6], [sflag:$0x3], $0x80, $0x38;
	[tilespmem:$0x10200] =	vst v63  }
0x2c3: {  	_ =	swait.ge [sflag:s5], $0x80  }
0x2c4: {  	[sflag:s5] =	ssyncset.done $0x0  }
0x2c5: {  	s8 =	simm.s32 $0x80;
	[sflag:s5] =	ssyncadd.s32 $0xFFFFFF80  }
0x2c6: {  	[tilespmem:s30], [sflag:$0x2] =	stream.strided.gather [hbm4b:s15+s8], $0x8000, s29, s8, $0x38;
	[tilespmem:$0x10200] =	vst v63  }
0x2c7: {  	_ =	swait.ge [sflag:s31], $0x8000  }
0x2c8: {  	[sflag:s31] =	ssyncset.done $0x0  }
0x2c9: {  	[sflag:s31] =	ssyncadd.s32 $0xFFFF8000  }
0x2ca: {  	v8 =	vld [tilespmem:s8+$0xFFFFFF80]  }
0x2cb: {  	v9 =	vld [tilespmem:s8+$0x40]  }
0x2cc: {  	v11 =	vld [tilespmem:s8+$0xFFFFFFC0]  }
0x2cd: {  	v6 =	vld [tilespmem:s8+$0x50]  }
0x2ce: {  	v14 =	vld [tilespmem:s8+$0x0]  }
0x2cf: {  	v20 =	vld [tilespmem:s8+$0xFFFFFFA0]  }
0x2d0: {  	v12 =	vimm.f32 $-Inf;
	v7 =	vld [tilespmem:s8+$0x10]  }
0x2d1: {  	v21 =	vld [tilespmem:s8+$0xFFFFFFB0];
	vm0 =	vgt.f32 v8, v12  }
0x2d2: {  	v5 =	vld [tilespmem:s8+$0xFFFFFFD0];
	v8 =	vsel vm0, v8, v12  }
0x2d3: {  	v16 =	vld [tilespmem:s8+$0xFFFFFF90];
	vm1 =	vgt.f32 v11, v8  }
0x2d4: {  	s11 =	simm.s32 $0x0;
	v10 =	vimm.s32 $0x0;
	v13 =	vld [tilespmem:s8+$0xFFFFFFE0];
	vm2 =	vgt.f32 v20, v12;
	v8 =	vsel vm1, v11, v8  }
0x2d5: {  	s12 =	simm.s32 $0x40;
	v17 =	vld [tilespmem:s8+$0xFFFFFFF0];
	v20 =	vsel vm2, v20, v12;
	v11 =	vsel vm0, s11, v10;
	vm0 =	vgt.f32 v14, v8  }
0x2d6: {  	s13 =	simm.s32 $0x80;
	v15 =	vld [tilespmem:s8+$0x20];
	v11 =	vsel vm1, s12, v11;
	vm1 =	vgt.f32 v21, v12;
	v14 =	vsel vm0, v14, v8  }
0x2d7: {  	s14 =	simm.s32 $0xC0;
	v18 =	vld [tilespmem:s8+$0x30];
	v8 =	vsel vm0, s13, v11;
	v21 =	vsel vm1, v21, v12;
	vm0 =	vgt.f32 v9, v14  }
0x2d8: {  	s10 =	simm.s32 $0x0;
	v8 =	vsel vm0, s14, v8;
	v11 =	vsel vm0, v9, v14;
	vm0 =	vgt.f32 v16, v12;
	v14 =	vld [tilespmem:s8+$0x60]  }
0x2d9: {  	s9 =	simm.s32 $0xF0;
	s11 =	simm.s32 $0x180;
	v9 =	vimm.s32 $0x0;
	v19 =	vsel vm0, v16, v12;
	v16 =	vld [tilespmem:s8+$0x70];
	v12 =	vimm.s32 $0x0;
	s8 =	simm.s32 $0xF0  }
.LBB2_26:
0x2da: {  	v22 =	vld [tilespmem:s11+$0x40];
	vm3 =	vgt.f32 v5, v19;
	vm6 =	vgt.f32 v13, v20;
	vm7 =	vgt.f32 v17, v21  }
0x2db: {  	v23 =	vld [tilespmem:s11+$0xFFFFFF80];
	v5 =	vsel vm3, v5, v19;
	v13 =	vsel vm6, v13, v20;
	v17 =	vsel vm7, v17, v21  }
0x2dc: {  	v19 =	vld [tilespmem:s11+$0x50];
	vm4 =	vgt.f32 v7, v5;
	vm8 =	vgt.f32 v15, v13;
	vm9 =	vgt.f32 v18, v17  }
0x2dd: {  	v20 =	vld [tilespmem:s11+$0xFFFFFFC0];
	v5 =	vsel vm4, v7, v5;
	v13 =	vsel vm8, v15, v13;
	v15 =	vsel vm9, v18, v17  }
0x2de: {  	v18 =	vld [tilespmem:s11+$0x0];
	vm5 =	vgt.f32 v6, v5;
	vm10 =	vgt.f32 v14, v13;
	vm11 =	vgt.f32 v16, v15  }
0x2df: {  	s12 =	sadd.s32 $0xFFFFFF30, s9;
	s13 =	sadd.s32 $0xFFFFFF40, s9;
	v7 =	vld [tilespmem:s11+$0x10];
	v21 =	vsel vm5, v6, v5;
	v24 =	vsel vm10, v14, v13;
	v16 =	vsel vm11, v16, v15  }
0x2e0: {  	v13 =	vsel vm2, s12, v10;
	v10 =	vsel vm1, s13, v12;
	s12 =	sadd.s32 $0xFFFFFF70, s9;
	s13 =	sadd.s32 $0xFFFFFF80, s9;
	vm12 =	vgt.f32 v23, v11;
	v5 =	vld [tilespmem:s11+$0xFFFFFFD0]  }
0x2e1: {  	v12 =	vsel vm6, s12, v13;
	v10 =	vsel vm7, s13, v10;
	s12 =	sadd.s32 $0xFFFFFFB0, s9;
	s13 =	sadd.s32 $0xFFFFFFC0, s9;
	v11 =	vsel vm12, v23, v11;
	v23 =	vld [tilespmem:s11+$0xFFFFFF90];
	v6 =	vmovc v19  }
0x2e2: {  	s9 =	sadd.s32 $0x100, s9;
	v12 =	vsel vm8, s12, v12;
	v13 =	vsel vm9, s13, v10;
	s12 =	sadd.s32 $0xFFFFFFF0, s8;
	v25 =	vld [tilespmem:s11+$0xFFFFFFA0];
	vm1 =	vgt.f32 v20, v11  }
0x2e3: {  	s10 =	sadd.s32 $0x4, s10;
	s14 =	sadd.s32 $0xFFFFFF20, s8;
	s13 =	sadd.s32 $0xFFFFFF10, s9;
	v10 =	vsel vm10, s12, v12;
	v12 =	vsel vm11, s8, v13;
	v26 =	vld [tilespmem:s11+$0xFFFFFFB0];
	v11 =	vsel vm1, v20, v11  }
0x2e4: {  	p0 =	slt.u32 s10, $0x1FC;
	v9 =	vsel vm0, s14, v9;
	v8 =	vsel vm12, s13, v8;
	s12 =	sadd.s32 $0xFFFFFF50, s9;
	s13 =	sadd.s32 $0xFFFFFF60, s8;
	v13 =	vld [tilespmem:s11+$0xFFFFFFE0];
	vm2 =	vgt.f32 v18, v11  }
.Ltmp12:
0x2e5: {  	v8 =	vsel vm1, s12, v8;
	s12 =	sadd.s32 $0xFFFFFF90, s9;
	v9 =	vsel vm3, s13, v9;
	s13 =	sadd.s32 $0xFFFFFFA0, s8;
	v17 =	vld [tilespmem:s11+$0xFFFFFFF0];
	v11 =	vsel vm2, v18, v11;
	(pc) =	sbr.rel @p0 .LBB2_26-.Ltmp12, $4  }
0x2e6: {  	v9 =	vsel vm4, s13, v9;
	s13 =	sadd.s32 $0xFFFFFFE0, s8;
	s8 =	smov.u32 s9;
	v8 =	vsel vm2, s12, v8;
	s12 =	sadd.s32 $0xFFFFFFD0, s9;
	v15 =	vld [tilespmem:s11+$0x20];
	vm0 =	vgt.f32 v22, v11  }
0x2e7: {  	v9 =	vsel vm5, s13, v9;
	v18 =	vld [tilespmem:s11+$0x30];
	v8 =	vsel vm0, s12, v8;
	v11 =	vsel vm0, v22, v11  }
0x2e8: {  	vm0 =	vgt.f32 v23, v21;
	vm2 =	vgt.f32 v25, v24;
	vm1 =	vgt.f32 v26, v16;
	v14 =	vld [tilespmem:s11+$0x60]  }
0x2e9: {  	v19 =	vsel vm0, v23, v21;
	v20 =	vsel vm2, v25, v24;
	v21 =	vsel vm1, v26, v16;
	v16 =	vld [tilespmem:s11+$0x70];
	s11 =	sadd.s32 $0x100, s11  }
0x2ea: {  	[tilespmem:s1], [sflag:$0x1] =	stream.strided.gather [hbm4b:s16+s22], $0x8000, s29, s22, $0x38;
	[tilespmem:$0x10200] =	vst v63  }
0x2eb: {  	_ =	swait.ge [sflag:s0], $0x8000  }
0x2ec: {  	[sflag:s0] =	ssyncset.done $0x0  }
0x2ed: {  	s11 =	simm.s32 $0x8080;
	[sflag:s0] =	ssyncadd.s32 $0xFFFF8000  }
0x2ee: {  	vm3 =	vgt.f32 v5, v19;
	vm6 =	vgt.f32 v13, v20;
	vm7 =	vgt.f32 v17, v21;
	v22 =	vld [tilespmem:s11+$0x40]  }
0x2ef: {  	s10 =	sadd.s32 $0xFFFFFF30, s9;
	v19 =	vsel vm3, v5, v19;
	v13 =	vsel vm6, v13, v20;
	v17 =	vsel vm7, v17, v21;
	v20 =	vld [tilespmem:s11+$0xFFFFFF80]  }
0x2f0: {  	s13 =	sadd.s32 $0xFFFFFF40, s9;
	v10 =	vsel vm2, s10, v10;
	vm8 =	vgt.f32 v15, v13;
	vm9 =	vgt.f32 v18, v17;
	v5 =	vld [tilespmem:s11+$0x50]  }
0x2f1: {  	s14 =	sadd.s32 $0xFFFFFF70, s9;
	s12 =	sadd.s32 $0xFFFFFF80, s9;
	v12 =	vsel vm1, s13, v12;
	v13 =	vsel vm8, v15, v13;
	v15 =	vsel vm9, v18, v17;
	v17 =	vld [tilespmem:s11+$0xFFFFFFC0]  }
0x2f2: {  	s13 =	sadd.s32 $0xFFFFFFB0, s9;
	vm4 =	vgt.f32 v7, v19;
	v10 =	vsel vm6, s14, v10;
	v12 =	vsel vm7, s12, v12;
	s14 =	sadd.s32 $0xFFFFFFC0, s9;
	v18 =	vld [tilespmem:s11+$0x0]  }
0x2f3: {  	v7 =	vsel vm4, v7, v19;
	v10 =	vsel vm8, s13, v10;
	v12 =	vsel vm9, s14, v12;
	v24 =	vld [tilespmem:s11+$0xFFFFFFA0]  }
0x2f4: {  	s13 =	sadd.s32 $0xFFFFFF20, s8;
	vm5 =	vgt.f32 v6, v7;
	vm10 =	vgt.f32 v14, v13;
	vm2 =	vgt.f32 v16, v15;
	v25 =	vld [tilespmem:s11+$0xFFFFFFB0]  }
0x2f5: {  	v9 =	vsel vm0, s13, v9;
	v19 =	vsel vm5, v6, v7;
	v7 =	vld [tilespmem:s11+$0x10];
	vm1 =	vgt.f32 v20, v11  }
0x2f6: {  	s12 =	sadd.s32 $0xFFFFFFF0, s8;
	v21 =	vsel vm10, v14, v13;
	v6 =	vld [tilespmem:s11+$0xFFFFFFD0];
	v23 =	vsel vm2, v16, v15;
	v13 =	vsel vm1, v20, v11  }
0x2f7: {  	s14 =	simm.s32 $0x8000;
	v20 =	vld [tilespmem:s11+$0xFFFFFF90];
	v11 =	vsel vm10, s12, v10;
	v10 =	vsel vm2, s8, v12;
	vm15 =	vgt.f32 v17, v13  }
0x2f8: {  	v16 =	vld [tilespmem:s11+$0xFFFFFFF0];
	s12 =	sadd.s32 $0xFFFFFF60, s8;
	v8 =	vsel vm1, s14, v8;
	vm2 =	vgt.f32 v24, v21;
	v12 =	vsel vm15, v17, v13  }
0x2f9: {  	s13 =	simm.s32 $0x8040;
	s14 =	sadd.s32 $0xFFFFFFA0, s8;
	vm1 =	vgt.f32 v25, v23;
	v9 =	vsel vm3, s12, v9;
	v13 =	vld [tilespmem:s11+$0xFFFFFFE0];
	vm0 =	vgt.f32 v18, v12  }
0x2fa: {  	v14 =	vld [tilespmem:s11+$0x20];
	s12 =	simm.s32 $0x8080;
	v8 =	vsel vm15, s13, v8;
	v9 =	vsel vm4, s14, v9;
	s13 =	sadd.s32 $0xFFFFFFE0, s8;
	v12 =	vsel vm0, v18, v12  }
0x2fb: {  	s14 =	simm.s32 $0x80C0;
	v15 =	vsel vm0, s12, v8;
	v8 =	vsel vm5, s13, v9;
	v18 =	vld [tilespmem:s11+$0x30];
	vm0 =	vgt.f32 v22, v12  }
0x2fc: {  	s10 =	simm.s32 $0x0;
	v17 =	vld [tilespmem:s11+$0x70];
	v9 =	vsel vm0, s14, v15;
	v12 =	vsel vm0, v22, v12;
	vm0 =	vgt.f32 v20, v19  }
0x2fd: {  	s9 =	simm.s32 $0x80F0;
	s8 =	simm.s32 $0x80F0;
	v15 =	vld [tilespmem:s11+$0x60];
	s11 =	simm.s32 $0x8180;
	v19 =	vsel vm0, v20, v19;
	v20 =	vsel vm2, v24, v21;
	v21 =	vsel vm1, v25, v23  }
.LBB2_28:
0x2fe: {  	v22 =	vld [tilespmem:s11+$0x40];
	vm3 =	vgt.f32 v6, v19;
	vm6 =	vgt.f32 v13, v20;
	vm7 =	vgt.f32 v16, v21  }
0x2ff: {  	v23 =	vld [tilespmem:s11+$0xFFFFFF80];
	v6 =	vsel vm3, v6, v19;
	v13 =	vsel vm6, v13, v20;
	v16 =	vsel vm7, v16, v21  }
0x300: {  	v19 =	vld [tilespmem:s11+$0x50];
	vm4 =	vgt.f32 v7, v6;
	vm8 =	vgt.f32 v14, v13;
	vm9 =	vgt.f32 v18, v16  }
0x301: {  	v20 =	vld [tilespmem:s11+$0xFFFFFFC0];
	v6 =	vsel vm4, v7, v6;
	v13 =	vsel vm8, v14, v13;
	v14 =	vsel vm9, v18, v16  }
0x302: {  	v18 =	vld [tilespmem:s11+$0x0];
	vm5 =	vgt.f32 v5, v6;
	vm10 =	vgt.f32 v15, v13;
	vm11 =	vgt.f32 v17, v14  }
0x303: {  	s12 =	sadd.s32 $0xFFFFFF30, s9;
	s13 =	sadd.s32 $0xFFFFFF40, s9;
	v7 =	vld [tilespmem:s11+$0x10];
	v21 =	vsel vm5, v5, v6;
	v24 =	vsel vm10, v15, v13;
	v17 =	vsel vm11, v17, v14  }
0x304: {  	v10 =	vsel vm1, s13, v10;
	s13 =	sadd.s32 $0xFFFFFF80, s9;
	v13 =	vsel vm2, s12, v11;
	s12 =	sadd.s32 $0xFFFFFF70, s9;
	vm12 =	vgt.f32 v23, v12;
	v6 =	vld [tilespmem:s11+$0xFFFFFFD0]  }
0x305: {  	v10 =	vsel vm7, s13, v10;
	s13 =	sadd.s32 $0xFFFFFFC0, s9;
	v11 =	vsel vm12, v23, v12;
	v23 =	vld [tilespmem:s11+$0xFFFFFF90];
	v12 =	vsel vm6, s12, v13;
	s12 =	sadd.s32 $0xFFFFFFB0, s9;
	v5 =	vmovc v19  }
0x306: {  	v10 =	vsel vm9, s13, v10;
	s9 =	sadd.s32 $0x100, s9;
	v25 =	vld [tilespmem:s11+$0xFFFFFFA0];
	vm1 =	vgt.f32 v20, v11;
	v12 =	vsel vm8, s12, v12;
	s12 =	sadd.s32 $0xFFFFFFF0, s8  }
0x307: {  	s10 =	sadd.s32 $0x4, s10;
	s14 =	sadd.s32 $0xFFFFFF20, s8;
	v10 =	vsel vm11, s8, v10;
	s13 =	sadd.s32 $0xFFFFFF10, s9;
	v26 =	vld [tilespmem:s11+$0xFFFFFFB0];
	v14 =	vsel vm1, v20, v11;
	v11 =	vsel vm10, s12, v12  }
0x308: {  	p0 =	slt.u32 s10, $0x1FC;
	v8 =	vsel vm0, s14, v8;
	v9 =	vsel vm12, s13, v9;
	s12 =	sadd.s32 $0xFFFFFF50, s9;
	s13 =	sadd.s32 $0xFFFFFF60, s8;
	v13 =	vld [tilespmem:s11+$0xFFFFFFE0];
	vm2 =	vgt.f32 v18, v14  }
.Ltmp13:
0x309: {  	v9 =	vsel vm1, s12, v9;
	s12 =	sadd.s32 $0xFFFFFF90, s9;
	v8 =	vsel vm3, s13, v8;
	s13 =	sadd.s32 $0xFFFFFFA0, s8;
	v16 =	vld [tilespmem:s11+$0xFFFFFFF0];
	v12 =	vsel vm2, v18, v14;
	(pc) =	sbr.rel @p0 .LBB2_28-.Ltmp13, $4  }
0x30a: {  	v9 =	vsel vm2, s12, v9;
	s12 =	sadd.s32 $0xFFFFFFD0, s9;
	v8 =	vsel vm4, s13, v8;
	s13 =	sadd.s32 $0xFFFFFFE0, s8;
	s8 =	smov.u32 s9;
	v14 =	vld [tilespmem:s11+$0x20];
	vm0 =	vgt.f32 v22, v12  }
0x30b: {  	v8 =	vsel vm5, s13, v8;
	v18 =	vld [tilespmem:s11+$0x30];
	v9 =	vsel vm0, s12, v9;
	v12 =	vsel vm0, v22, v12  }
0x30c: {  	vm0 =	vgt.f32 v23, v21;
	vm2 =	vgt.f32 v25, v24;
	vm1 =	vgt.f32 v26, v17;
	v15 =	vld [tilespmem:s11+$0x60]  }
0x30d: {  	v19 =	vsel vm0, v23, v21;
	v20 =	vsel vm2, v25, v24;
	v21 =	vsel vm1, v26, v17;
	v17 =	vld [tilespmem:s11+$0x70];
	s11 =	sadd.s32 $0x100, s11  }
0x30e: {  	s11 =	simm.s32 $0x80  }
0x30f: {  	[tilespmem:s30], [sflag:$0x2] =	stream.strided.gather [hbm4b:s17+s11], $0x600, s29, s11, $0x38;
	[tilespmem:$0x10200] =	vst v63  }
0x310: {  	_ =	swait.ge [sflag:s31], $0x8000  }
0x311: {  	[sflag:s31] =	ssyncset.done $0x0  }
0x312: {  	[sflag:s31] =	ssyncadd.s32 $0xFFFF8000  }
0x313: {  	vm3 =	vgt.f32 v6, v19;
	vm6 =	vgt.f32 v13, v20;
	vm7 =	vgt.f32 v16, v21;
	v22 =	vld [tilespmem:s11+$0x40]  }
0x314: {  	s10 =	sadd.s32 $0xFFFFFF30, s9;
	v19 =	vsel vm3, v6, v19;
	v13 =	vsel vm6, v13, v20;
	v16 =	vsel vm7, v16, v21;
	v20 =	vld [tilespmem:s11+$0xFFFFFF80]  }
0x315: {  	s13 =	sadd.s32 $0xFFFFFF40, s9;
	v11 =	vsel vm2, s10, v11;
	vm8 =	vgt.f32 v14, v13;
	vm9 =	vgt.f32 v18, v16;
	v6 =	vld [tilespmem:s11+$0x50]  }
0x316: {  	s14 =	sadd.s32 $0xFFFFFF70, s9;
	s12 =	sadd.s32 $0xFFFFFF80, s9;
	v10 =	vsel vm1, s13, v10;
	v13 =	vsel vm8, v14, v13;
	v14 =	vsel vm9, v18, v16;
	v16 =	vld [tilespmem:s11+$0xFFFFFFC0]  }
0x317: {  	s13 =	sadd.s32 $0xFFFFFFB0, s9;
	vm4 =	vgt.f32 v7, v19;
	v11 =	vsel vm6, s14, v11;
	v10 =	vsel vm7, s12, v10;
	s14 =	sadd.s32 $0xFFFFFFC0, s9;
	v18 =	vld [tilespmem:s11+$0x0]  }
0x318: {  	v7 =	vsel vm4, v7, v19;
	v11 =	vsel vm8, s13, v11;
	v10 =	vsel vm9, s14, v10;
	v23 =	vld [tilespmem:s11+$0xFFFFFFA0]  }
0x319: {  	s13 =	sadd.s32 $0xFFFFFF20, s8;
	vm5 =	vgt.f32 v5, v7;
	vm10 =	vgt.f32 v15, v13;
	vm2 =	vgt.f32 v17, v14;
	v24 =	vld [tilespmem:s11+$0xFFFFFFB0]  }
0x31a: {  	v8 =	vsel vm0, s13, v8;
	v19 =	vsel vm5, v5, v7;
	v7 =	vld [tilespmem:s11+$0x10];
	vm1 =	vgt.f32 v20, v12  }
0x31b: {  	s12 =	sadd.s32 $0xFFFFFFF0, s8;
	v21 =	vsel vm10, v15, v13;
	v5 =	vld [tilespmem:s11+$0xFFFFFFD0];
	v17 =	vsel vm2, v17, v14;
	v12 =	vsel vm1, v20, v12  }
0x31c: {  	v11 =	vsel vm10, s12, v11;
	v10 =	vsel vm2, s8, v10;
	s12 =	sadd.s32 $0xFFFFFF60, s8;
	v20 =	vld [tilespmem:s11+$0xFFFFFF90];
	vm15 =	vgt.f32 v16, v12  }
0x31d: {  	s14 =	simm.s32 $0x10000;
	v13 =	vld [tilespmem:s11+$0xFFFFFFE0];
	v8 =	vsel vm3, s12, v8;
	vm2 =	vgt.f32 v23, v21;
	v12 =	vsel vm15, v16, v12  }
0x31e: {  	s13 =	simm.s32 $0x10040;
	v9 =	vsel vm1, s14, v9;
	s14 =	sadd.s32 $0xFFFFFFA0, s8;
	vm1 =	vgt.f32 v24, v17;
	v16 =	vld [tilespmem:s11+$0xFFFFFFF0];
	vm0 =	vgt.f32 v18, v12  }
0x31f: {  	v14 =	vld [tilespmem:s11+$0x20];
	s12 =	simm.s32 $0x10080;
	v8 =	vsel vm4, s14, v8;
	v9 =	vsel vm15, s13, v9;
	s13 =	sadd.s32 $0xFFFFFFE0, s8;
	v12 =	vsel vm0, v18, v12  }
0x320: {  	s14 =	simm.s32 $0x100C0;
	v8 =	vsel vm5, s13, v8;
	v9 =	vsel vm0, s12, v9;
	v18 =	vld [tilespmem:s11+$0x30];
	vm0 =	vgt.f32 v22, v12  }
0x321: {  	s10 =	simm.s32 $0x0;
	v15 =	vld [tilespmem:s11+$0x60];
	v9 =	vsel vm0, s14, v9;
	v12 =	vsel vm0, v22, v12;
	vm0 =	vgt.f32 v20, v19  }
0x322: {  	s9 =	simm.s32 $0x100F0;
	s8 =	simm.s32 $0x100F0;
	v19 =	vsel vm0, v20, v19;
	v20 =	vsel vm2, v23, v21;
	v21 =	vsel vm1, v24, v17;
	v17 =	vld [tilespmem:s11+$0x70];
	s11 =	simm.s32 $0x180  }
.LBB2_30:
0x323: {  	v22 =	vld [tilespmem:s11+$0x40];
	vm3 =	vgt.f32 v5, v19;
	vm6 =	vgt.f32 v13, v20;
	vm7 =	vgt.f32 v16, v21  }
0x324: {  	v23 =	vld [tilespmem:s11+$0xFFFFFF80];
	v5 =	vsel vm3, v5, v19;
	v13 =	vsel vm6, v13, v20;
	v16 =	vsel vm7, v16, v21  }
0x325: {  	v19 =	vld [tilespmem:s11+$0x50];
	vm4 =	vgt.f32 v7, v5;
	vm8 =	vgt.f32 v14, v13;
	vm9 =	vgt.f32 v18, v16  }
0x326: {  	v20 =	vld [tilespmem:s11+$0xFFFFFFC0];
	v5 =	vsel vm4, v7, v5;
	v13 =	vsel vm8, v14, v13;
	v14 =	vsel vm9, v18, v16  }
0x327: {  	v18 =	vld [tilespmem:s11+$0x0];
	vm5 =	vgt.f32 v6, v5;
	vm10 =	vgt.f32 v15, v13;
	vm11 =	vgt.f32 v17, v14  }
0x328: {  	s12 =	sadd.s32 $0xFFFFFF30, s9;
	s13 =	sadd.s32 $0xFFFFFF40, s9;
	v7 =	vld [tilespmem:s11+$0x10];
	v21 =	vsel vm5, v6, v5;
	v24 =	vsel vm10, v15, v13;
	v17 =	vsel vm11, v17, v14  }
0x329: {  	v10 =	vsel vm1, s13, v10;
	s13 =	sadd.s32 $0xFFFFFF80, s9;
	v13 =	vsel vm2, s12, v11;
	s12 =	sadd.s32 $0xFFFFFF70, s9;
	vm12 =	vgt.f32 v23, v12;
	v5 =	vld [tilespmem:s11+$0xFFFFFFD0]  }
0x32a: {  	v10 =	vsel vm7, s13, v10;
	s13 =	sadd.s32 $0xFFFFFFC0, s9;
	v11 =	vsel vm12, v23, v12;
	v23 =	vld [tilespmem:s11+$0xFFFFFF90];
	v12 =	vsel vm6, s12, v13;
	s12 =	sadd.s32 $0xFFFFFFB0, s9;
	v6 =	vmovc v19  }
0x32b: {  	v10 =	vsel vm9, s13, v10;
	s9 =	sadd.s32 $0x100, s9;
	v25 =	vld [tilespmem:s11+$0xFFFFFFA0];
	vm1 =	vgt.f32 v20, v11;
	v12 =	vsel vm8, s12, v12;
	s12 =	sadd.s32 $0xFFFFFFF0, s8  }
0x32c: {  	s10 =	sadd.s32 $0x4, s10;
	s14 =	sadd.s32 $0xFFFFFF20, s8;
	v10 =	vsel vm11, s8, v10;
	s13 =	sadd.s32 $0xFFFFFF10, s9;
	v26 =	vld [tilespmem:s11+$0xFFFFFFB0];
	v14 =	vsel vm1, v20, v11;
	v11 =	vsel vm10, s12, v12  }
0x32d: {  	p0 =	slt.u32 s10, $0x1FC;
	v8 =	vsel vm0, s14, v8;
	v9 =	vsel vm12, s13, v9;
	s12 =	sadd.s32 $0xFFFFFF50, s9;
	s13 =	sadd.s32 $0xFFFFFF60, s8;
	v13 =	vld [tilespmem:s11+$0xFFFFFFE0];
	vm2 =	vgt.f32 v18, v14  }
.Ltmp14:
0x32e: {  	v9 =	vsel vm1, s12, v9;
	s12 =	sadd.s32 $0xFFFFFF90, s9;
	v8 =	vsel vm3, s13, v8;
	s13 =	sadd.s32 $0xFFFFFFA0, s8;
	v16 =	vld [tilespmem:s11+$0xFFFFFFF0];
	v12 =	vsel vm2, v18, v14;
	(pc) =	sbr.rel @p0 .LBB2_30-.Ltmp14, $4  }
0x32f: {  	v9 =	vsel vm2, s12, v9;
	s12 =	sadd.s32 $0xFFFFFFD0, s9;
	v8 =	vsel vm4, s13, v8;
	s13 =	sadd.s32 $0xFFFFFFE0, s8;
	s8 =	smov.u32 s9;
	v14 =	vld [tilespmem:s11+$0x20];
	vm0 =	vgt.f32 v22, v12  }
0x330: {  	v8 =	vsel vm5, s13, v8;
	v18 =	vld [tilespmem:s11+$0x30];
	v9 =	vsel vm0, s12, v9;
	v12 =	vsel vm0, v22, v12  }
0x331: {  	vm0 =	vgt.f32 v23, v21;
	vm2 =	vgt.f32 v25, v24;
	vm1 =	vgt.f32 v26, v17;
	v15 =	vld [tilespmem:s11+$0x60]  }
0x332: {  	v19 =	vsel vm0, v23, v21;
	v20 =	vsel vm2, v25, v24;
	v21 =	vsel vm1, v26, v17;
	v17 =	vld [tilespmem:s11+$0x70];
	s11 =	sadd.s32 $0x100, s11  }
0x333: {  	_ =	swait.ge [sflag:s0], $0x600  }
0x334: {  	[sflag:s0] =	ssyncset.done $0x0  }
0x335: {  	s11 =	simm.s32 $0x8080;
	[sflag:s0] =	ssyncadd.s32 $0xFFFFFA00  }
0x336: {  	vm3 =	vgt.f32 v5, v19;
	vm6 =	vgt.f32 v13, v20;
	vm7 =	vgt.f32 v16, v21;
	v22 =	vld [tilespmem:s11+$0x40]  }
0x337: {  	v19 =	vsel vm3, v5, v19;
	v13 =	vsel vm6, v13, v20;
	v16 =	vsel vm7, v16, v21;
	v20 =	vld [tilespmem:s11+$0xFFFFFF80]  }
0x338: {  	vm4 =	vgt.f32 v7, v19;
	vm8 =	vgt.f32 v14, v13;
	vm9 =	vgt.f32 v18, v16;
	v5 =	vld [tilespmem:s11+$0x50]  }
0x339: {  	s10 =	sadd.s32 $0xFFFFFF30, s9;
	v7 =	vsel vm4, v7, v19;
	v13 =	vsel vm8, v14, v13;
	v14 =	vsel vm9, v18, v16;
	v16 =	vld [tilespmem:s11+$0xFFFFFFC0]  }
0x33a: {  	s13 =	sadd.s32 $0xFFFFFF40, s9;
	v11 =	vsel vm2, s10, v11;
	v18 =	vld [tilespmem:s11+$0x0];
	vm5 =	vgt.f32 v6, v7;
	vm10 =	vgt.f32 v15, v13  }
0x33b: {  	s14 =	sadd.s32 $0xFFFFFF70, s9;
	v23 =	vld [tilespmem:s11+$0xFFFFFFA0];
	vm2 =	vgt.f32 v17, v14;
	v19 =	vsel vm5, v6, v7;
	v7 =	vsel vm1, s13, v10  }
0x33c: {  	s12 =	sadd.s32 $0xFFFFFF80, s9;
	v24 =	vld [tilespmem:s11+$0xFFFFFFB0];
	v13 =	vsel vm10, v15, v13;
	v10 =	vsel vm6, s14, v11;
	v21 =	vsel vm2, v17, v14;
	s13 =	sadd.s32 $0xFFFFFFB0, s9  }
0x33d: {  	v6 =	vld [tilespmem:s11+$0x10];
	s14 =	sadd.s32 $0xFFFFFFC0, s9;
	v7 =	vsel vm7, s12, v7;
	v10 =	vsel vm8, s13, v10;
	s12 =	sadd.s32 $0xFFFFFFF0, s8;
	vm1 =	vgt.f32 v20, v12  }
0x33e: {  	v11 =	vld [tilespmem:s11+$0xFFFFFFD0];
	s13 =	sadd.s32 $0xFFFFFF20, s8;
	v7 =	vsel vm9, s14, v7;
	v10 =	vsel vm10, s12, v10;
	v12 =	vsel vm1, v20, v12  }
0x33f: {  	v8 =	vsel vm0, s13, v8;
	s12 =	sadd.s32 $0xFFFFFF60, s8;
	v7 =	vsel vm2, s8, v7;
	v20 =	vld [tilespmem:s11+$0xFFFFFF90];
	vm15 =	vgt.f32 v16, v12  }
0x340: {  	v14 =	vld [tilespmem:s11+$0xFFFFFFE0];
	s14 =	simm.s32 $0x18000;
	v8 =	vsel vm3, s12, v8;
	vm2 =	vgt.f32 v23, v13;
	v12 =	vsel vm15, v16, v12  }
0x341: {  	v17 =	vld [tilespmem:s11+$0xFFFFFFF0];
	s13 =	simm.s32 $0x18040;
	v9 =	vsel vm1, s14, v9;
	s14 =	sadd.s32 $0xFFFFFFA0, s8;
	vm1 =	vgt.f32 v24, v21;
	vm0 =	vgt.f32 v18, v12  }
0x342: {  	v15 =	vld [tilespmem:s11+$0x20];
	s12 =	simm.s32 $0x18080;
	v8 =	vsel vm4, s14, v8;
	v9 =	vsel vm15, s13, v9;
	s13 =	sadd.s32 $0xFFFFFFE0, s8;
	v16 =	vsel vm0, v18, v12  }
0x343: {  	s14 =	simm.s32 $0x180C0;
	v9 =	vsel vm0, s12, v9;
	v12 =	vsel vm5, s13, v8;
	v18 =	vld [tilespmem:s11+$0x30];
	vm0 =	vgt.f32 v22, v16  }
0x344: {  	s10 =	simm.s32 $0x0;
	v8 =	vsel vm0, s14, v9;
	v9 =	vsel vm0, v22, v16;
	vm0 =	vgt.f32 v20, v19;
	v16 =	vld [tilespmem:s11+$0x60]  }
0x345: {  	s9 =	simm.s32 $0x180F0;
	v21 =	vsel vm1, v24, v21;
	s8 =	simm.s32 $0x180F0;
	v19 =	vsel vm0, v20, v19;
	v20 =	vsel vm2, v23, v13;
	v13 =	vld [tilespmem:s11+$0x70];
	s11 =	simm.s32 $0x8180  }
.LBB2_32:
0x346: {  	v22 =	vld [tilespmem:s11+$0x40];
	vm3 =	vgt.f32 v11, v19;
	vm6 =	vgt.f32 v14, v20;
	vm7 =	vgt.f32 v17, v21  }
0x347: {  	v23 =	vld [tilespmem:s11+$0xFFFFFF80];
	v11 =	vsel vm3, v11, v19;
	v14 =	vsel vm6, v14, v20;
	v17 =	vsel vm7, v17, v21  }
0x348: {  	v19 =	vld [tilespmem:s11+$0x50];
	vm4 =	vgt.f32 v6, v11;
	vm8 =	vgt.f32 v15, v14;
	vm9 =	vgt.f32 v18, v17  }
0x349: {  	v20 =	vld [tilespmem:s11+$0xFFFFFFC0];
	v11 =	vsel vm4, v6, v11;
	v14 =	vsel vm8, v15, v14;
	v15 =	vsel vm9, v18, v17  }
0x34a: {  	v18 =	vld [tilespmem:s11+$0x0];
	vm5 =	vgt.f32 v5, v11;
	vm10 =	vgt.f32 v16, v14;
	vm11 =	vgt.f32 v13, v15  }
0x34b: {  	s12 =	sadd.s32 $0xFFFFFF30, s8;
	s13 =	sadd.s32 $0xFFFFFF40, s8;
	v6 =	vld [tilespmem:s11+$0x10];
	v21 =	vsel vm5, v5, v11;
	v24 =	vsel vm10, v16, v14;
	v13 =	vsel vm11, v13, v15  }
0x34c: {  	v7 =	vsel vm1, s13, v7;
	s13 =	sadd.s32 $0xFFFFFF80, s8;
	v14 =	vsel vm2, s12, v10;
	s12 =	sadd.s32 $0xFFFFFF70, s8;
	vm12 =	vgt.f32 v23, v9;
	v11 =	vld [tilespmem:s11+$0xFFFFFFD0]  }
0x34d: {  	v7 =	vsel vm7, s13, v7;
	s13 =	sadd.s32 $0xFFFFFFC0, s8;
	v10 =	vsel vm6, s12, v14;
	s12 =	sadd.s32 $0xFFFFFFB0, s8;
	v9 =	vsel vm12, v23, v9;
	v23 =	vld [tilespmem:s11+$0xFFFFFF90];
	v5 =	vmovc v19  }
0x34e: {  	v7 =	vsel vm9, s13, v7;
	s8 =	sadd.s32 $0x100, s8;
	v10 =	vsel vm8, s12, v10;
	s12 =	sadd.s32 $0xFFFFFFF0, s9;
	v25 =	vld [tilespmem:s11+$0xFFFFFFA0];
	vm1 =	vgt.f32 v20, v9  }
0x34f: {  	s10 =	sadd.s32 $0x4, s10;
	s14 =	sadd.s32 $0xFFFFFF20, s9;
	v7 =	vsel vm11, s9, v7;
	s13 =	sadd.s32 $0xFFFFFF10, s8;
	v10 =	vsel vm10, s12, v10;
	v26 =	vld [tilespmem:s11+$0xFFFFFFB0];
	v9 =	vsel vm1, v20, v9  }
0x350: {  	p0 =	slt.u32 s10, $0x14;
	v12 =	vsel vm0, s14, v12;
	v8 =	vsel vm12, s13, v8;
	s12 =	sadd.s32 $0xFFFFFF50, s8;
	s13 =	sadd.s32 $0xFFFFFF60, s9;
	v14 =	vld [tilespmem:s11+$0xFFFFFFE0];
	vm2 =	vgt.f32 v18, v9  }
.Ltmp15:
0x351: {  	v8 =	vsel vm1, s12, v8;
	s12 =	sadd.s32 $0xFFFFFF90, s8;
	v12 =	vsel vm3, s13, v12;
	s13 =	sadd.s32 $0xFFFFFFA0, s9;
	v17 =	vld [tilespmem:s11+$0xFFFFFFF0];
	v9 =	vsel vm2, v18, v9;
	(pc) =	sbr.rel @p0 .LBB2_32-.Ltmp15, $4  }
0x352: {  	v12 =	vsel vm4, s13, v12;
	s13 =	sadd.s32 $0xFFFFFFE0, s9;
	s9 =	smov.u32 s8;
	v8 =	vsel vm2, s12, v8;
	s12 =	sadd.s32 $0xFFFFFFD0, s8;
	v15 =	vld [tilespmem:s11+$0x20];
	vm0 =	vgt.f32 v22, v9  }
0x353: {  	v12 =	vsel vm5, s13, v12;
	v18 =	vld [tilespmem:s11+$0x30];
	v8 =	vsel vm0, s12, v8;
	v9 =	vsel vm0, v22, v9  }
0x354: {  	vm0 =	vgt.f32 v23, v21;
	vm2 =	vgt.f32 v25, v24;
	vm1 =	vgt.f32 v26, v13;
	v16 =	vld [tilespmem:s11+$0x60]  }
0x355: {  	v19 =	vsel vm0, v23, v21;
	v20 =	vsel vm2, v25, v24;
	v21 =	vsel vm1, v26, v13;
	v13 =	vld [tilespmem:s11+$0x70];
	s11 =	sadd.s32 $0x100, s11  }
0x356: {  	vm5 =	vgt.f32 v11, v19;
	vm6 =	vgt.f32 v14, v20;
	vm3 =	vgt.f32 v17, v21  }
0x357: {  	s10 =	sadd.s32 $0xFFFFFF20, s9;
	s11 =	sadd.s32 $0xFFFFFF30, s8;
	v8 =	vadd.s32 v0, v8;
	v11 =	vsel vm5, v11, v19;
	v14 =	vsel vm6, v14, v20  }
0x358: {  	v17 =	vsel vm3, v17, v21;
	v12 =	vsel vm0, s10, v12;
	v10 =	vsel vm2, s11, v10  }
0x359: {  	s12 =	sadd.s32 $0xFFFFFF60, s9;
	vm7 =	vgt.f32 v6, v11;
	vm8 =	vgt.f32 v15, v14;
	vm4 =	vgt.f32 v18, v17  }
0x35a: {  	s13 =	sadd.s32 $0xFFFFFFA0, s9;
	v12 =	vsel vm5, s12, v12;
	v6 =	vsel vm7, v6, v11;
	v55 =	vsel vm8, v15, v14  }
0x35b: {  	s14 =	sadd.s32 $0xFFFFFFE0, s9;
	s12 =	sadd.s32 $0xFFFFFF70, s8;
	v56 =	vsel vm4, v18, v17;
	v12 =	vsel vm7, s13, v12;
	vm9 =	vgt.f32 v5, v6  }
0x35c: {  	v10 =	vsel vm6, s12, v10;
	vm12 =	vgt.f32 v16, v55;
	v57 =	vsel vm9, s14, v12  }
0x35d: {  	s13 =	sadd.s32 $0xFFFFFFB0, s8;
	vm13 =	vgt.f32 v13, v56;
	v5 =	vsel vm9, v5, v6;
	v11 =	vadd.s32 v0, v57  }
0x35e: {  	v10 =	vsel vm8, s13, v10;
	vm14 =	veq.f32 v5, v9;
	vm15 =	vlt.s32 v11, v8  }
0x35f: {  	s12 =	sadd.s32 $0xFFFFFFF0, s9;
	v6 =	vsel vm12, v16, v55;
	s14 =	sadd.s32 $0xFFFFFF40, s8;
	vm9 =	vgt.f32 v5, v9;
	vm2 =	vmand vm14, vm15  }
0x360: {  	v10 =	vsel vm12, s12, v10;
	v7 =	vsel vm1, s14, v7;
	vm10 =	vmor vm9, vm2  }
0x361: {  	s13 =	sadd.s32 $0xFFFFFF80, s8;
	v58 =	vadd.s32 v0, v10;
	v8 =	vsel vm10, v11, v8;
	v5 =	vsel vm10, v5, v9  }
0x362: {  	s14 =	sadd.s32 $0xFFFFFFC0, s8;
	v7 =	vsel vm3, s13, v7;
	vm1 =	veq.f32 v6, v5;
	vm11 =	vlt.s32 v58, v8  }
0x363: {  	v7 =	vsel vm4, s14, v7;
	vm12 =	vgt.f32 v6, v5;
	vm1 =	vmand vm1, vm11  }
0x364: {  	v59 =	vsel vm13, v13, v56;
	v7 =	vsel vm13, s9, v7;
	vm13 =	vmor vm12, vm1  }
0x365: {  	v8 =	vsel vm13, v58, v8;
	v5 =	vsel vm13, v6, v5;
	v6 =	vadd.s32 v0, v7  }
0x366: {  	vm0 =	veq.f32 v59, v5;
	vm14 =	vlt.s32 v6, v8  }
0x367: {  	vm15 =	vgt.f32 v59, v5;
	vm0 =	vmand vm0, vm14  }
0x368: {  	vm0 =	vmor vm15, vm0  }
0x369: {  	v5 =	vsel vm0, v59, v5  }
0x36a: {  	v6 =	vsel vm0, v6, v8;
	[tilespmem:$0x10100] =	vst v5  }
0x36b: {  	[tilespmem:$0x10180] =	vst v6  }
0x36c: {  	v7 =	vld.idx.msk [tilespmem:v1+s2+$0x0], $0xffff  }
0x36d: {  	v60 =	vld.idx.msk [tilespmem:v1+s3+$0x0], $0xffff;
	_ =	sdelay $0x4  }
0x36e: {  	vm4 =	veq.f32 v7, v5;
	vm5 =	vlt.s32 v60, v6  }
0x36f: {  	vm6 =	vgt.f32 v7, v5;
	vm0 =	vmand vm4, vm5  }
0x370: {  	vm0 =	vmor vm6, vm0  }
0x371: {  	v5 =	vsel vm0, v7, v5  }
0x372: {  	v6 =	vsel vm0, v60, v6;
	[tilespmem:$0x10100] =	vst v5  }
0x373: {  	[tilespmem:$0x10180] =	vst v6  }
0x374: {  	v7 =	vld.idx.msk [tilespmem:v2+s2+$0x0], $0xffff  }
0x375: {  	v61 =	vld.idx.msk [tilespmem:v2+s3+$0x0], $0xffff;
	_ =	sdelay $0x4  }
0x376: {  	vm7 =	veq.f32 v7, v5;
	vm8 =	vlt.s32 v61, v6  }
0x377: {  	vm9 =	vgt.f32 v7, v5;
	vm0 =	vmand vm7, vm8  }
0x378: {  	vm0 =	vmor vm9, vm0  }
0x379: {  	v5 =	vsel vm0, v7, v5  }
0x37a: {  	v6 =	vsel vm0, v61, v6;
	[tilespmem:$0x10100] =	vst v5  }
0x37b: {  	[tilespmem:$0x10180] =	vst v6  }
0x37c: {  	v7 =	vld.idx.msk [tilespmem:v3+s2+$0x0], $0xffff  }
0x37d: {  	v62 =	vld.idx.msk [tilespmem:v3+s3+$0x0], $0xffff;
	_ =	sdelay $0x4  }
0x37e: {  	vm10 =	veq.f32 v7, v5;
	vm11 =	vlt.s32 v62, v6  }
0x37f: {  	vm12 =	vgt.f32 v7, v5;
	vm0 =	vmand vm10, vm11  }
0x380: {  	vm0 =	vmor vm12, vm0  }
0x381: {  	v5 =	vsel vm0, v7, v5  }
0x382: {  	v6 =	vsel vm0, v62, v6;
	[tilespmem:$0x10100] =	vst v5  }
0x383: {  	[tilespmem:$0x10180] =	vst v6  }
0x384: {  	v7 =	vld.idx.msk [tilespmem:v4+s2+$0x0], $0xffff  }
0x385: {  	v63 =	vld.idx.msk [tilespmem:v4+s3+$0x0], $0xffff;
	_ =	sdelay $0x4  }
0x386: {  	vm13 =	veq.f32 v7, v5;
	vm14 =	vlt.s32 v63, v6  }
0x387: {  	vm15 =	vgt.f32 v7, v5;
	vm0 =	vmand vm13, vm14  }
0x388: {  	vm0 =	vmor vm15, vm0  }
0x389: {  	v5 =	vsel vm0, v7, v5  }
0x38a: {  	v6 =	vsel vm0, v63, v6;
	[tilespmem:$0x10000] =	vst v5  }
0x38b: {  	[tilespmem:$0x10080] =	vst v6  }
0x38c: {  	[tilespmem:$0x10010] =	vst v5  }
0x38d: {  	[tilespmem:$0x10090] =	vst v6  }
0x38e: {  	[tilespmem:$0x10020] =	vst v5  }
0x38f: {  	[tilespmem:$0x100A0] =	vst v6  }
0x390: {  	[tilespmem:$0x10030] =	vst v5  }
0x391: {  	[tilespmem:$0x100B0] =	vst v6  }
0x392: {  	[tilespmem:$0x10040] =	vst v5  }
0x393: {  	[tilespmem:$0x100C0] =	vst v6  }
0x394: {  	[tilespmem:$0x10050] =	vst v5  }
0x395: {  	[tilespmem:$0x100D0] =	vst v6  }
0x396: {  	[tilespmem:$0x10060] =	vst v5  }
0x397: {  	[tilespmem:$0x100E0] =	vst v6  }
0x398: {  	[tilespmem:$0x10070] =	vst v5  }
0x399: {  	[tilespmem:$0x100F0] =	vst v6  }
0x39a: {  	[hbm4b:s25+s1] =	stream.linear.scatter [tilespmem:s4], [sflag:$0x3], $0x80, $0x38;
	[tilespmem:$0x10200] =	vst v63  }
0x39b: {  	s7 =	sadd.s32 $0x1, s7;
	_ =	swait.ge [sflag:s5], $0x80  }
0x39c: {  	p0 =	sne.s32 s7, s28;
	[sflag:s5] =	ssyncset.done $0x0  }
.Ltmp16:
0x39d: {  	[sflag:s5] =	ssyncadd.s32 $0xFFFFFF80;
	(pc) =	sbr.rel @p0 .LBB2_1-.Ltmp16, $4  }
0x39e: {  	[hbm4b:s26+s1] =	stream.linear.scatter [tilespmem:s6], [sflag:$0x3], $0x80, $0x38;
	[tilespmem:$0x10200] =	vst v63  }
0x39f: {  	_ =	swait.ge [sflag:s5], $0x80  }
0x3a0: {  	[sflag:s5] =	ssyncset.done $0x0  }
0x3a1: {  	[sflag:s5] =	ssyncadd.s32 $0xFFFFFF80  }
0x3a2: {  	_ =	sfence.sel $0x180000  }
0x3a3: {  	[bflag:$0x0] =	sbarrier.arrive $0xFFFF  }
0x3a4: {  	_ =	strace $0x90000047  }
0x3a5: {  	s0 =	stileid.u32;
	[bflag:$0x2] =	sbarrier.arrive $0xFFFF  }
0x3a6: {  	p0 =	sne.s32 s0, $0x0;
	s0 =	rddreg [dreg:$0x1]  }
0x3a7: {  	s0 =	sadd.s32 @!p0 $0x100000, s0  }
0x3a8: {  	[sflag:s0] =	ssyncadd.tile.s32 @!p0 $0x1;
	_ =	shalt  }
.Lfunc_end2:
_tile_overlayer_lowered:
.L_overlay_start_2:
0x3a9: {  	(tag) =	ssettag $0x2  }
0x3aa: {  	s0 =	rddreg [dreg:$0x0];
	s2 =	stileid.u32  }
0x3ab: {  	s1 =	rddreg [dreg:$0x1];
	p0 =	sne.s32 s2, $0x0  }
0x3ac: {  	s3 =	rddreg [dreg:$0x2];
	[bflag:$0x3] =	sbarrier.arrive $0xFFFF;
	s2 =	simm.s32 @!p0 $0x1C03  }
0x3ad: {  	[timem:s3], [sflag:s2] =	dma.local @!p0 [hbm:s0], s1  }
0x3ae: {  	s0 =	simm.s32 @!p0 $0x3  }
0x3af: {  	_ =	swait.ge @!p0 [sflag:s0], s1  }
0x3b0: {  	s1 =	ssub.s32 @!p0 $0x0, s1;
	[sflag:s0] =	ssyncset.done @!p0 $0x0  }
0x3b1: {  	[sflag:s0] =	ssyncadd.s32 @!p0 s1  }
0x3b2: {  	[bflag:$0x3] =	sbarrier.arrive $0xFFFF  }
0x3b3: {  	_ =	shalt  }

</sc_bundles>
